<compile_context>
chip_gen: v7x
topology: tpu7x:2x2x1
jax: 0.10.2.dev20260603
libtpu: 0.0.44.dev20260713+nightly
codegen_flags: <defaults>
</compile_context>

<pallas_src>
import functools

import jax
import jax.numpy as jnp
from jax import lax
from jax.experimental import pallas as pl
from jax.experimental.pallas import tpu as pltpu
from jax.experimental.pallas import tpu_sc as plsc

NV = 5
DV = 16
TD = NV * DV
ROWW = 96
_NC = 2
_NS = 16
_L = 16
_C = 80
_BN = 2000


def _tables_body(x_ref, w0_ref, b0_ref, w1_ref, b1_ref, wt_ref, bt_ref,
                 wsh_ref, bsh_ref, t_ref, sh_ref):
    dn = (((1,), (1,)), ((), ()))
    h = jnp.maximum(
        lax.dot_general(x_ref[...], w0_ref[...], dn,
                        preferred_element_type=jnp.float32) + b0_ref[...], 0.0)
    h = jnp.maximum(
        lax.dot_general(h, w1_ref[...], dn,
                        preferred_element_type=jnp.float32) + b1_ref[...], 0.0)
    t_ref[...] = jnp.maximum(
        lax.dot_general(h, wt_ref[...], dn,
                        preferred_element_type=jnp.float32) + bt_ref[...], 0.0)
    sh_ref[...] = jnp.maximum(
        lax.dot_general(h, wsh_ref[...], dn,
                        preferred_element_type=jnp.float32) + bsh_ref[...], 0.0)


def _sc_edge_body(src_hbm, dst_hbm, t_hbm, sh_hbm, out0, out1,
                  srcall, dstall, trow, shrow, mrow, spacc, sem_t, sem_s):
    cid = lax.axis_index("c")
    sid = lax.axis_index("s")
    wid = cid * _NS + sid
    n_pad = out0.shape[0]
    nrows = src_hbm.shape[0]
    kchunks = nrows // (_NC * _NS)
    rows_per_tile = n_pad // _NS
    lane = lax.iota(jnp.int32, _L)
    zero16 = jnp.zeros((_L,), jnp.float32)
    wbase = wid * kchunks

    def _zrow(i, carry):
        for j in range(ROWW // _L):
            mrow[i, pl.ds(_L * j, _L)] = zero16
        return carry
    lax.fori_loop(0, _C, _zrow, 0)
    base_r = sid * rows_per_tile
    nfull = rows_per_tile // _C
    rem = rows_per_tile - nfull * _C
    for k in range(nfull):
        pltpu.sync_copy(mrow, spacc.at[pl.ds(base_r + k * _C, _C)])
    if rem:
        pltpu.sync_copy(mrow.at[pl.ds(0, rem)],
                        spacc.at[pl.ds(base_r + nfull * _C, rem)])
    plsc.subcore_barrier()

    pltpu.sync_copy(src_hbm.at[pl.ds(wbase, kchunks)], srcall)
    pltpu.sync_copy(dst_hbm.at[pl.ds(wbase, kchunks)], dstall)

    dn = lax.GatherDimensionNumbers(
        offset_dims=(), collapsed_slice_dims=(0,), start_index_map=(0,))

    def _start(k, b):
        pltpu.async_copy(t_hbm.at[dstall.at[k]], trow.at[b], sem_t)
        pltpu.async_copy(sh_hbm.at[srcall.at[k]], shrow.at[b], sem_s)

    def _wait(k, b):
        pltpu.make_async_copy(t_hbm.at[dstall.at[k]], trow.at[b],
                              sem_t).wait()
        pltpu.make_async_copy(sh_hbm.at[srcall.at[k]], shrow.at[b],
                              sem_s).wait()

    def _compute_scatter(k, b):
        @plsc.parallel_loop(0, _C, 1, unroll=4)
        def _edge(i):
            pacc = zero16
            for v in range(NV):
                tv = trow[b, i, pl.ds(DV * v, DV)]
                sv = shrow[b, i, pl.ds(DV * v, DV)]
                r = tv * sv
                for step in (8, 4, 2, 1):
                    idx = (lane ^ step).reshape(_L, 1)
                    r = r + lax.gather(
                        r, idx, dn, (1,),
                        mode=lax.GatherScatterMode.PROMISE_IN_BOUNDS)
                pv = jnp.exp(r)
                hv = shrow[b, i, pl.ds(TD + DV * v, DV)]
                mrow[i, pl.ds(DV * v, DV)] = pv * hv
                pacc = jnp.where(lane == v, pv, pacc)
            mrow[i, pl.ds(TD, _L)] = pacc

        pltpu.sync_copy(mrow, spacc.at[dstall.at[k]], add=True)

    _start(0, 0)

    @pl.loop(0, kchunks - 1, step=2)
    def _pair(k):
        _start(k + 1, 1)
        _wait(k, 0)
        _compute_scatter(k, 0)
        _start(k + 2, 0)
        _wait(k + 1, 1)
        _compute_scatter(k + 1, 1)

    _wait(kchunks - 1, 0)
    _compute_scatter(kchunks - 1, 0)
    plsc.subcore_barrier()

    @pl.when(cid == 0)
    def _():
        pltpu.sync_copy(spacc.at[pl.ds(base_r, rows_per_tile)],
                        out0.at[pl.ds(base_r, rows_per_tile)])

    @pl.when(cid == 1)
    def _():
        pltpu.sync_copy(spacc.at[pl.ds(base_r, rows_per_tile)],
                        out1.at[pl.ds(base_r, rows_per_tile)])


def _finish_body(u0_ref, u1_ref, t_ref, sh_ref, wo_ref, bo_ref,
                 wout_ref, bout_ref, o_ref):
    acc = u0_ref[...] + u1_ref[...]
    tb = t_ref[...]
    shb = sh_ref[...]
    aggacc = jnp.zeros((o_ref.shape[0], DV), jnp.float32)
    for v in range(NV):
        prodv = tb[:, DV * v:DV * (v + 1)] * shb[:, DV * v:DV * (v + 1)]
        pv = jnp.exp(jnp.sum(prodv, axis=1, keepdims=True))
        hnv = shb[:, TD + DV * v:TD + DV * (v + 1)]
        uv = acc[:, DV * v:DV * (v + 1)] + pv * hnv
        normv = acc[:, TD + v:TD + v + 1] + pv + 1e-12
        aggacc = aggacc + uv / normv
    agg = aggacc * (1.0 / NV)
    dn = (((1,), (1,)), ((), ()))
    out = jnp.maximum(
        lax.dot_general(agg, wo_ref[...], dn,
                        preferred_element_type=jnp.float32) + bo_ref[...], 0.0)
    o_ref[...] = lax.dot_general(
        out, wout_ref[...], dn,
        preferred_element_type=jnp.float32) + bout_ref[...]


def kernel(x, edge_index, W_emb0, b_emb0, W_emb1, b_emb1, W_t, b_t,
           W_s, b_s, W_h, b_h, W_o, b_o, W_out, b_out):
    n, d = x.shape
    e = edge_index.shape[1]
    nblk = n // _BN

    W_sh = jnp.concatenate([W_s, W_h], axis=0)
    b_sh = jnp.concatenate([b_s, b_h], axis=0)

    full = lambda shape: pl.BlockSpec(shape, lambda i: (0, 0))
    t_tab, sh_tab = pl.pallas_call(
        _tables_body,
        grid=(nblk,),
        in_specs=[
            pl.BlockSpec((_BN, d), lambda i: (i, 0)),
            full(W_emb0.shape), full((1, 128)),
            full(W_emb1.shape), full((1, 128)),
            full(W_t.shape), full((1, TD)),
            full(W_sh.shape), full((1, 2 * TD)),
        ],
        out_specs=[
            pl.BlockSpec((_BN, TD), lambda i: (i, 0)),
            pl.BlockSpec((_BN, 2 * TD), lambda i: (i, 0)),
        ],
        out_shape=[
            jax.ShapeDtypeStruct((n, TD), jnp.float32),
            jax.ShapeDtypeStruct((n, 2 * TD), jnp.float32),
        ],
    )(x, W_emb0, b_emb0.reshape(1, -1), W_emb1, b_emb1.reshape(1, -1),
      W_t, b_t.reshape(1, -1), W_sh, b_sh.reshape(1, -1))

    n_pad = ((n + _NS * 8 - 1) // (_NS * 8)) * (_NS * 8)
    mesh = plsc.VectorSubcoreMesh(core_axis_name="c", subcore_axis_name="s")
    sc_edge = functools.partial(
        pl.kernel,
        out_type=[
            jax.ShapeDtypeStruct((n_pad, ROWW), jnp.float32),
            jax.ShapeDtypeStruct((n_pad, ROWW), jnp.float32),
        ],
        mesh=mesh,
        compiler_params=pltpu.CompilerParams(use_tc_tiling_on_sc=False),
        scratch_types=[
            pltpu.VMEM((e // _C // (_NC * _NS), _C), jnp.int32),
            pltpu.VMEM((e // _C // (_NC * _NS), _C), jnp.int32),
            pltpu.VMEM((2, _C, TD), jnp.float32),
            pltpu.VMEM((2, _C, 2 * TD), jnp.float32),
            pltpu.VMEM((_C, ROWW), jnp.float32),
            pltpu.VMEM_SHARED((n_pad, ROWW), jnp.float32),
            pltpu.SemaphoreType.DMA,
            pltpu.SemaphoreType.DMA,
        ],
    )(_sc_edge_body)
    u0, u1 = sc_edge(edge_index[0].reshape(-1, _C),
                     edge_index[1].reshape(-1, _C), t_tab, sh_tab)

    logits = pl.pallas_call(
        _finish_body,
        grid=(nblk,),
        in_specs=[
            pl.BlockSpec((_BN, ROWW), lambda i: (i, 0)),
            pl.BlockSpec((_BN, ROWW), lambda i: (i, 0)),
            pl.BlockSpec((_BN, TD), lambda i: (i, 0)),
            pl.BlockSpec((_BN, 2 * TD), lambda i: (i, 0)),
            full(W_o.shape), full((1, W_o.shape[0])),
            full(W_out.shape), full((1, W_out.shape[0])),
        ],
        out_specs=pl.BlockSpec((_BN, W_out.shape[0]), lambda i: (i, 0)),
        out_shape=jax.ShapeDtypeStruct((n, W_out.shape[0]), jnp.float32),
    )(u0, u1, t_tab, sh_tab, W_o, b_o.reshape(1, -1),
      W_out, b_out.reshape(1, -1))
    return logits

# --- scband reference (transcript-rebuilt; emitter-appended) ---
"""Pipeline reference for scband-colight-net-22617297781066 (READ-ONLY COPY).

The authoritative reference and input builder live on the scoring server;
editing this copy changes nothing except your own understanding.
"""

import jax, jax.numpy as jnp
import numpy as np

N = 10000
E = 320000
D = 128
NV = 5
DV = 16
DOUT = 128
A = 8


def setup_inputs(seed: int = 0) -> dict:
    key = jax.random.key(seed)
    ks = jax.random.split(key, 16)
    s = 0.05
    inp = {}
    inp['x'] = jax.random.normal(ks[0], (N, D), dtype=jnp.float32)
    inp['edge_index'] = jax.random.randint(ks[1], (2, E), 0, N, dtype=jnp.int32)
    inp['W_emb0'] = jax.random.normal(ks[2], (128, D), dtype=jnp.float32) * s
    inp['b_emb0'] = jnp.zeros((128,), dtype=jnp.float32)
    inp['W_emb1'] = jax.random.normal(ks[3], (128, 128), dtype=jnp.float32) * s
    inp['b_emb1'] = jnp.zeros((128,), dtype=jnp.float32)
    inp['W_t'] = jax.random.normal(ks[4], (NV * DV, 128), dtype=jnp.float32) * s
    inp['b_t'] = jnp.zeros((NV * DV,), dtype=jnp.float32)
    inp['W_s'] = jax.random.normal(ks[5], (NV * DV, 128), dtype=jnp.float32) * s
    inp['b_s'] = jnp.zeros((NV * DV,), dtype=jnp.float32)
    inp['W_h'] = jax.random.normal(ks[6], (NV * DV, 128), dtype=jnp.float32) * s
    inp['b_h'] = jnp.zeros((NV * DV,), dtype=jnp.float32)
    inp['W_o'] = jax.random.normal(ks[7], (DOUT, DV), dtype=jnp.float32) * s
    inp['b_o'] = jnp.zeros((DOUT,), dtype=jnp.float32)
    inp['W_out'] = jax.random.normal(ks[8], (A, DOUT), dtype=jnp.float32) * s
    inp['b_out'] = jnp.zeros((A,), dtype=jnp.float32)
    return inp


def reference(x, edge_index, W_emb0, b_emb0, W_emb1, b_emb1, W_t, b_t, W_s, b_s, W_h, b_h, W_o, b_o, W_out, b_out):
    n = x.shape[0]
    # Embedding_MLP: Linear(D,128)+ReLU, Linear(128,128)+ReLU
    h = jax.nn.relu(x @ W_emb0.T + b_emb0)
    h = jax.nn.relu(h @ W_emb1.T + b_emb1)
    # add_self_loops
    loops = jnp.arange(n, dtype=edge_index.dtype)
    ei = jnp.concatenate([edge_index, jnp.stack([loops, loops])], axis=1)
    src = ei[0]
    dst = ei[1]
    e_cnt = ei.shape[1]
    # PyG: x_i = x[dst] (target), x_j = x[src] (source)
    x_i = h[dst]
    x_j = h[src]
    h_t = jax.nn.relu(x_i @ W_t.T + b_t).reshape(e_cnt, NV, DV)
    h_s = jax.nn.relu(x_j @ W_s.T + b_s).reshape(e_cnt, NV, DV)
    # per-edge, per-head attention logits
    e = jnp.sum(h_t * h_s, axis=-1)  # [E', NV]
    max_node = jax.ops.segment_max(e, dst, num_segments=n)  # [N, NV]
    ec = e - max_node[dst]
    ecexp = jnp.exp(ec)
    norm = jax.ops.segment_sum(ecexp, dst, num_segments=n) + 1e-12
    alpha = ecexp / norm[dst]  # [E', NV]
    h_n = jax.nn.relu(x_j @ W_h.T + b_h).reshape(e_cnt, NV, DV)
    msg = jnp.mean(h_n * alpha[:, :, None], axis=1)  # [E', DV]
    # aggr='add' -> scatter-add messages by dst
    agg = jax.ops.segment_sum(msg, dst, num_segments=n)  # [N, DV]
    out = jax.nn.relu(agg @ W_o.T + b_o)  # [N, DOUT]
    logits = out @ W_out.T + b_out  # [N, A]
    # name == 'Critic' -> no softmax
    return logits

if __name__ == "__main__":
    import jax
    _d = setup_inputs()
    print(jax.jit(kernel)(*tuple(_d.values())))

</pallas_src>

<mosaic_0001>
#map = affine_map<(d0, d1) -> (0, 0)>
module attributes {stable_mosaic.version = 14 : i64} {
  func.func @_sc_edge_body(%arg0: i32, %arg1: i32, %arg2: memref<4000x80xi32, #tpu.memory_space<hbm>>, %arg3: memref<4000x80xi32, #tpu.memory_space<hbm>>, %arg4: memref<10000x80xf32, #tpu.memory_space<hbm>>, %arg5: memref<10000x160xf32, #tpu.memory_space<hbm>>, %arg6: memref<10112x96xf32, #tpu.memory_space<hbm>>, %arg7: memref<10112x96xf32, #tpu.memory_space<hbm>>, %arg8: memref<125x80xi32, #tpu.memory_space<vmem>>, %arg9: memref<125x80xi32, #tpu.memory_space<vmem>>, %arg10: memref<2x80x80xf32, #tpu.memory_space<vmem>>, %arg11: memref<2x80x160xf32, #tpu.memory_space<vmem>>, %arg12: memref<80x96xf32, #tpu.memory_space<vmem>>, %arg13: memref<10112x96xf32, #tpu.memory_space<vmem_shared>>, %arg14: memref<!tpu.dma_semaphore, #tpu.memory_space<semaphore_mem>>, %arg15: memref<!tpu.dma_semaphore, #tpu.memory_space<semaphore_mem>>) attributes {dimension_semantics = [#tpu.dimension_semantics<core_parallel>, #tpu.dimension_semantics<subcore_parallel>], iteration_bounds = array<i64: 2, 16>, scalar_prefetch = 0 : i64, scratch_operands = 8 : i64, tpu.core_type = #tpu.core_type<sc_vector_subcore>, window_params = [{transform_indices = #map}, {transform_indices = #map}, {transform_indices = #map}, {transform_indices = #map}, {transform_indices = #map}, {transform_indices = #map}]} {
    %mul3A = arith.constant 16 : i32
    %mul3A_0 = arith.muli %arg0, %mul3A : i32
    %add3A = arith.addi %mul3A_0, %arg1 : i32
    %iota3A = tpu.iota {dimensions = array<i32: 0>} : vector<16xi32>
    %broadcast_in_dim3A = arith.constant 0.000000e+00 : f32
    %broadcast_in_dim3A_1 = vector.broadcast %broadcast_in_dim3A : f32 to vector<16xf32>
    %mul3A_2 = arith.constant 125 : i32
    %mul3A_3 = arith.muli %add3A, %mul3A_2 : i32
    %scan3A = arith.constant 0 : i32
    %scan3A_4 = arith.constant 0 : i32
    %scan3A_5 = arith.constant 80 : i32
    %scan3A_6 = arith.addi %scan3A_4, %scan3A_5 : i32
    %scan3A_7 = arith.constant 1 : i32
    scf.for %scan3A_88 = %scan3A_4 to %scan3A_6 step %scan3A_7  : i32 {
      %swap3A = arith.index_cast %scan3A_88 : i32 to index
      %swap3A_89 = arith.constant 0 : index
      %swap3A_90 = tpu.vector_load %arg12[%swap3A, %swap3A_89] {strides = array<i32>} : memref<80x96xf32, #tpu.memory_space<vmem>>, vector<1x16xf32>,
      %swap3A_91 = vector.shape_cast %swap3A_90 : vector<1x16xf32> to vector<16xf32>
      %swap3A_92 = vector.shape_cast %broadcast_in_dim3A_1 : vector<16xf32> to vector<1x16xf32>
      tpu.vector_store %arg12[%swap3A, %swap3A_89], %swap3A_92 {strides = array<i32>} : memref<80x96xf32, #tpu.memory_space<vmem>>, vector<1x16xf32>,
      %swap3A_93 = arith.index_cast %scan3A_88 : i32 to index
      %swap3A_94 = arith.constant 16 : index
      %swap3A_95 = tpu.vector_load %arg12[%swap3A_93, %swap3A_94] {strides = array<i32>} : memref<80x96xf32, #tpu.memory_space<vmem>>, vector<1x16xf32>,
      %swap3A_96 = vector.shape_cast %swap3A_95 : vector<1x16xf32> to vector<16xf32>
      %swap3A_97 = vector.shape_cast %broadcast_in_dim3A_1 : vector<16xf32> to vector<1x16xf32>
      tpu.vector_store %arg12[%swap3A_93, %swap3A_94], %swap3A_97 {strides = array<i32>} : memref<80x96xf32, #tpu.memory_space<vmem>>, vector<1x16xf32>,
      %swap3A_98 = arith.index_cast %scan3A_88 : i32 to index
      %swap3A_99 = arith.constant 32 : index
      %swap3A_100 = tpu.vector_load %arg12[%swap3A_98, %swap3A_99] {strides = array<i32>} : memref<80x96xf32, #tpu.memory_space<vmem>>, vector<1x16xf32>,
      %swap3A_101 = vector.shape_cast %swap3A_100 : vector<1x16xf32> to vector<16xf32>
      %swap3A_102 = vector.shape_cast %broadcast_in_dim3A_1 : vector<16xf32> to vector<1x16xf32>
      tpu.vector_store %arg12[%swap3A_98, %swap3A_99], %swap3A_102 {strides = array<i32>} : memref<80x96xf32, #tpu.memory_space<vmem>>, vector<1x16xf32>,
      %swap3A_103 = arith.index_cast %scan3A_88 : i32 to index
      %swap3A_104 = arith.constant 48 : index
      %swap3A_105 = tpu.vector_load %arg12[%swap3A_103, %swap3A_104] {strides = array<i32>} : memref<80x96xf32, #tpu.memory_space<vmem>>, vector<1x16xf32>,
      %swap3A_106 = vector.shape_cast %swap3A_105 : vector<1x16xf32> to vector<16xf32>
      %swap3A_107 = vector.shape_cast %broadcast_in_dim3A_1 : vector<16xf32> to vector<1x16xf32>
      tpu.vector_store %arg12[%swap3A_103, %swap3A_104], %swap3A_107 {strides = array<i32>} : memref<80x96xf32, #tpu.memory_space<vmem>>, vector<1x16xf32>,
      %swap3A_108 = arith.index_cast %scan3A_88 : i32 to index
      %swap3A_109 = arith.constant 64 : index
      %swap3A_110 = tpu.vector_load %arg12[%swap3A_108, %swap3A_109] {strides = array<i32>} : memref<80x96xf32, #tpu.memory_space<vmem>>, vector<1x16xf32>,
      %swap3A_111 = vector.shape_cast %swap3A_110 : vector<1x16xf32> to vector<16xf32>
      %swap3A_112 = vector.shape_cast %broadcast_in_dim3A_1 : vector<16xf32> to vector<1x16xf32>
      tpu.vector_store %arg12[%swap3A_108, %swap3A_109], %swap3A_112 {strides = array<i32>} : memref<80x96xf32, #tpu.memory_space<vmem>>, vector<1x16xf32>,
      %swap3A_113 = arith.index_cast %scan3A_88 : i32 to index
      %swap3A_114 = arith.constant 80 : index
      %swap3A_115 = tpu.vector_load %arg12[%swap3A_113, %swap3A_114] {strides = array<i32>} : memref<80x96xf32, #tpu.memory_space<vmem>>, vector<1x16xf32>,
      %swap3A_116 = vector.shape_cast %swap3A_115 : vector<1x16xf32> to vector<16xf32>
      %swap3A_117 = vector.shape_cast %broadcast_in_dim3A_1 : vector<16xf32> to vector<1x16xf32>
      tpu.vector_store %arg12[%swap3A_113, %swap3A_114], %swap3A_117 {strides = array<i32>} : memref<80x96xf32, #tpu.memory_space<vmem>>, vector<1x16xf32>,
    }
    %scan3A_8 = arith.constant 80 : i32
    %mul3A_9 = arith.constant 632 : i32
    %mul3A_10 = arith.muli %arg1, %mul3A_9 : i32
    %add3A_11 = arith.constant 0 : i32
    %add3A_12 = arith.addi %mul3A_10, %add3A_11 : i32
    "tpu.region"() ({
      %run_scoped3A_88 = tpu.sem_alloc : memref<!tpu.dma_semaphore, #tpu.memory_space<semaphore_mem>>
      %dma_start3A_89 = arith.constant 0 : i32
      %dma_start3A_90 = tpu.memref_slice %arg13[%add3A_12, %dma_start3A_89] : memref<10112x96xf32, #tpu.memory_space<vmem_shared>> -> memref<80x96xf32, #tpu.memory_space<vmem_shared>>
      %dma_start3A_91 = arith.constant 0 : i32
      %dma_start3A_92 = tpu.memref_slice %arg13[%add3A_12, %dma_start3A_91] : memref<10112x96xf32, #tpu.memory_space<vmem_shared>> -> memref<80x96xf32, #tpu.memory_space<vmem_shared>>
      tpu.enqueue_dma source(%arg12 : memref<80x96xf32, #tpu.memory_space<vmem>>) target(%dma_start3A_92 : memref<80x96xf32, #tpu.memory_space<vmem_shared>>) target_semaphore(%run_scoped3A_88 : memref<!tpu.dma_semaphore, #tpu.memory_space<semaphore_mem>>)
      %dma_wait3A_93 = arith.constant 0 : i32
      %dma_wait3A_94 = tpu.memref_slice %arg13[%add3A_12, %dma_wait3A_93] : memref<10112x96xf32, #tpu.memory_space<vmem_shared>> -> memref<80x96xf32, #tpu.memory_space<vmem_shared>>
      %dma_wait3A_95 = arith.constant 0 : i32
      %dma_wait3A_96 = tpu.memref_slice %arg13[%add3A_12, %dma_wait3A_95] : memref<10112x96xf32, #tpu.memory_space<vmem_shared>> -> memref<80x96xf32, #tpu.memory_space<vmem_shared>>
      tpu.wait_dma2 semaphore(%run_scoped3A_88 : memref<!tpu.dma_semaphore, #tpu.memory_space<semaphore_mem>>) src(%arg12 : memref<80x96xf32, #tpu.memory_space<vmem>>) dst(%dma_wait3A_96 : memref<80x96xf32, #tpu.memory_space<vmem_shared>>)
      tpu.yield
    }) : () -> ()
    %add3A_13 = arith.constant 80 : i32
    %add3A_14 = arith.addi %mul3A_10, %add3A_13 : i32
    "tpu.region"() ({
      %run_scoped3A_88 = tpu.sem_alloc : memref<!tpu.dma_semaphore, #tpu.memory_space<semaphore_mem>>
      %dma_start3A_89 = arith.constant 0 : i32
      %dma_start3A_90 = tpu.memref_slice %arg13[%add3A_14, %dma_start3A_89] : memref<10112x96xf32, #tpu.memory_space<vmem_shared>> -> memref<80x96xf32, #tpu.memory_space<vmem_shared>>
      %dma_start3A_91 = arith.constant 0 : i32
      %dma_start3A_92 = tpu.memref_slice %arg13[%add3A_14, %dma_start3A_91] : memref<10112x96xf32, #tpu.memory_space<vmem_shared>> -> memref<80x96xf32, #tpu.memory_space<vmem_shared>>
      tpu.enqueue_dma source(%arg12 : memref<80x96xf32, #tpu.memory_space<vmem>>) target(%dma_start3A_92 : memref<80x96xf32, #tpu.memory_space<vmem_shared>>) target_semaphore(%run_scoped3A_88 : memref<!tpu.dma_semaphore, #tpu.memory_space<semaphore_mem>>)
      %dma_wait3A_93 = arith.constant 0 : i32
      %dma_wait3A_94 = tpu.memref_slice %arg13[%add3A_14, %dma_wait3A_93] : memref<10112x96xf32, #tpu.memory_space<vmem_shared>> -> memref<80x96xf32, #tpu.memory_space<vmem_shared>>
      %dma_wait3A_95 = arith.constant 0 : i32
      %dma_wait3A_96 = tpu.memref_slice %arg13[%add3A_14, %dma_wait3A_95] : memref<10112x96xf32, #tpu.memory_space<vmem_shared>> -> memref<80x96xf32, #tpu.memory_space<vmem_shared>>
      tpu.wait_dma2 semaphore(%run_scoped3A_88 : memref<!tpu.dma_semaphore, #tpu.memory_space<semaphore_mem>>) src(%arg12 : memref<80x96xf32, #tpu.memory_space<vmem>>) dst(%dma_wait3A_96 : memref<80x96xf32, #tpu.memory_space<vmem_shared>>)
      tpu.yield
    }) : () -> ()
    %add3A_15 = arith.constant 160 : i32
    %add3A_16 = arith.addi %mul3A_10, %add3A_15 : i32
    "tpu.region"() ({
      %run_scoped3A_88 = tpu.sem_alloc : memref<!tpu.dma_semaphore, #tpu.memory_space<semaphore_mem>>
      %dma_start3A_89 = arith.constant 0 : i32
      %dma_start3A_90 = tpu.memref_slice %arg13[%add3A_16, %dma_start3A_89] : memref<10112x96xf32, #tpu.memory_space<vmem_shared>> -> memref<80x96xf32, #tpu.memory_space<vmem_shared>>
      %dma_start3A_91 = arith.constant 0 : i32
      %dma_start3A_92 = tpu.memref_slice %arg13[%add3A_16, %dma_start3A_91] : memref<10112x96xf32, #tpu.memory_space<vmem_shared>> -> memref<80x96xf32, #tpu.memory_space<vmem_shared>>
      tpu.enqueue_dma source(%arg12 : memref<80x96xf32, #tpu.memory_space<vmem>>) target(%dma_start3A_92 : memref<80x96xf32, #tpu.memory_space<vmem_shared>>) target_semaphore(%run_scoped3A_88 : memref<!tpu.dma_semaphore, #tpu.memory_space<semaphore_mem>>)
      %dma_wait3A_93 = arith.constant 0 : i32
      %dma_wait3A_94 = tpu.memref_slice %arg13[%add3A_16, %dma_wait3A_93] : memref<10112x96xf32, #tpu.memory_space<vmem_shared>> -> memref<80x96xf32, #tpu.memory_space<vmem_shared>>
      %dma_wait3A_95 = arith.constant 0 : i32
      %dma_wait3A_96 = tpu.memref_slice %arg13[%add3A_16, %dma_wait3A_95] : memref<10112x96xf32, #tpu.memory_space<vmem_shared>> -> memref<80x96xf32, #tpu.memory_space<vmem_shared>>
      tpu.wait_dma2 semaphore(%run_scoped3A_88 : memref<!tpu.dma_semaphore, #tpu.memory_space<semaphore_mem>>) src(%arg12 : memref<80x96xf32, #tpu.memory_space<vmem>>) dst(%dma_wait3A_96 : memref<80x96xf32, #tpu.memory_space<vmem_shared>>)
      tpu.yield
    }) : () -> ()
    %add3A_17 = arith.constant 240 : i32
    %add3A_18 = arith.addi %mul3A_10, %add3A_17 : i32
    "tpu.region"() ({
      %run_scoped3A_88 = tpu.sem_alloc : memref<!tpu.dma_semaphore, #tpu.memory_space<semaphore_mem>>
      %dma_start3A_89 = arith.constant 0 : i32
      %dma_start3A_90 = tpu.memref_slice %arg13[%add3A_18, %dma_start3A_89] : memref<10112x96xf32, #tpu.memory_space<vmem_shared>> -> memref<80x96xf32, #tpu.memory_space<vmem_shared>>
      %dma_start3A_91 = arith.constant 0 : i32
      %dma_start3A_92 = tpu.memref_slice %arg13[%add3A_18, %dma_start3A_91] : memref<10112x96xf32, #tpu.memory_space<vmem_shared>> -> memref<80x96xf32, #tpu.memory_space<vmem_shared>>
      tpu.enqueue_dma source(%arg12 : memref<80x96xf32, #tpu.memory_space<vmem>>) target(%dma_start3A_92 : memref<80x96xf32, #tpu.memory_space<vmem_shared>>) target_semaphore(%run_scoped3A_88 : memref<!tpu.dma_semaphore, #tpu.memory_space<semaphore_mem>>)
      %dma_wait3A_93 = arith.constant 0 : i32
      %dma_wait3A_94 = tpu.memref_slice %arg13[%add3A_18, %dma_wait3A_93] : memref<10112x96xf32, #tpu.memory_space<vmem_shared>> -> memref<80x96xf32, #tpu.memory_space<vmem_shared>>
      %dma_wait3A_95 = arith.constant 0 : i32
      %dma_wait3A_96 = tpu.memref_slice %arg13[%add3A_18, %dma_wait3A_95] : memref<10112x96xf32, #tpu.memory_space<vmem_shared>> -> memref<80x96xf32, #tpu.memory_space<vmem_shared>>
      tpu.wait_dma2 semaphore(%run_scoped3A_88 : memref<!tpu.dma_semaphore, #tpu.memory_space<semaphore_mem>>) src(%arg12 : memref<80x96xf32, #tpu.memory_space<vmem>>) dst(%dma_wait3A_96 : memref<80x96xf32, #tpu.memory_space<vmem_shared>>)
      tpu.yield
    }) : () -> ()
    %add3A_19 = arith.constant 320 : i32
    %add3A_20 = arith.addi %mul3A_10, %add3A_19 : i32
    "tpu.region"() ({
      %run_scoped3A_88 = tpu.sem_alloc : memref<!tpu.dma_semaphore, #tpu.memory_space<semaphore_mem>>
      %dma_start3A_89 = arith.constant 0 : i32
      %dma_start3A_90 = tpu.memref_slice %arg13[%add3A_20, %dma_start3A_89] : memref<10112x96xf32, #tpu.memory_space<vmem_shared>> -> memref<80x96xf32, #tpu.memory_space<vmem_shared>>
      %dma_start3A_91 = arith.constant 0 : i32
      %dma_start3A_92 = tpu.memref_slice %arg13[%add3A_20, %dma_start3A_91] : memref<10112x96xf32, #tpu.memory_space<vmem_shared>> -> memref<80x96xf32, #tpu.memory_space<vmem_shared>>
      tpu.enqueue_dma source(%arg12 : memref<80x96xf32, #tpu.memory_space<vmem>>) target(%dma_start3A_92 : memref<80x96xf32, #tpu.memory_space<vmem_shared>>) target_semaphore(%run_scoped3A_88 : memref<!tpu.dma_semaphore, #tpu.memory_space<semaphore_mem>>)
      %dma_wait3A_93 = arith.constant 0 : i32
      %dma_wait3A_94 = tpu.memref_slice %arg13[%add3A_20, %dma_wait3A_93] : memref<10112x96xf32, #tpu.memory_space<vmem_shared>> -> memref<80x96xf32, #tpu.memory_space<vmem_shared>>
      %dma_wait3A_95 = arith.constant 0 : i32
      %dma_wait3A_96 = tpu.memref_slice %arg13[%add3A_20, %dma_wait3A_95] : memref<10112x96xf32, #tpu.memory_space<vmem_shared>> -> memref<80x96xf32, #tpu.memory_space<vmem_shared>>
      tpu.wait_dma2 semaphore(%run_scoped3A_88 : memref<!tpu.dma_semaphore, #tpu.memory_space<semaphore_mem>>) src(%arg12 : memref<80x96xf32, #tpu.memory_space<vmem>>) dst(%dma_wait3A_96 : memref<80x96xf32, #tpu.memory_space<vmem_shared>>)
      tpu.yield
    }) : () -> ()
    %add3A_21 = arith.constant 400 : i32
    %add3A_22 = arith.addi %mul3A_10, %add3A_21 : i32
    "tpu.region"() ({
      %run_scoped3A_88 = tpu.sem_alloc : memref<!tpu.dma_semaphore, #tpu.memory_space<semaphore_mem>>
      %dma_start3A_89 = arith.constant 0 : i32
      %dma_start3A_90 = tpu.memref_slice %arg13[%add3A_22, %dma_start3A_89] : memref<10112x96xf32, #tpu.memory_space<vmem_shared>> -> memref<80x96xf32, #tpu.memory_space<vmem_shared>>
      %dma_start3A_91 = arith.constant 0 : i32
      %dma_start3A_92 = tpu.memref_slice %arg13[%add3A_22, %dma_start3A_91] : memref<10112x96xf32, #tpu.memory_space<vmem_shared>> -> memref<80x96xf32, #tpu.memory_space<vmem_shared>>
      tpu.enqueue_dma source(%arg12 : memref<80x96xf32, #tpu.memory_space<vmem>>) target(%dma_start3A_92 : memref<80x96xf32, #tpu.memory_space<vmem_shared>>) target_semaphore(%run_scoped3A_88 : memref<!tpu.dma_semaphore, #tpu.memory_space<semaphore_mem>>)
      %dma_wait3A_93 = arith.constant 0 : i32
      %dma_wait3A_94 = tpu.memref_slice %arg13[%add3A_22, %dma_wait3A_93] : memref<10112x96xf32, #tpu.memory_space<vmem_shared>> -> memref<80x96xf32, #tpu.memory_space<vmem_shared>>
      %dma_wait3A_95 = arith.constant 0 : i32
      %dma_wait3A_96 = tpu.memref_slice %arg13[%add3A_22, %dma_wait3A_95] : memref<10112x96xf32, #tpu.memory_space<vmem_shared>> -> memref<80x96xf32, #tpu.memory_space<vmem_shared>>
      tpu.wait_dma2 semaphore(%run_scoped3A_88 : memref<!tpu.dma_semaphore, #tpu.memory_space<semaphore_mem>>) src(%arg12 : memref<80x96xf32, #tpu.memory_space<vmem>>) dst(%dma_wait3A_96 : memref<80x96xf32, #tpu.memory_space<vmem_shared>>)
      tpu.yield
    }) : () -> ()
    %add3A_23 = arith.constant 480 : i32
    %add3A_24 = arith.addi %mul3A_10, %add3A_23 : i32
    "tpu.region"() ({
      %run_scoped3A_88 = tpu.sem_alloc : memref<!tpu.dma_semaphore, #tpu.memory_space<semaphore_mem>>
      %dma_start3A_89 = arith.constant 0 : i32
      %dma_start3A_90 = tpu.memref_slice %arg13[%add3A_24, %dma_start3A_89] : memref<10112x96xf32, #tpu.memory_space<vmem_shared>> -> memref<80x96xf32, #tpu.memory_space<vmem_shared>>
      %dma_start3A_91 = arith.constant 0 : i32
      %dma_start3A_92 = tpu.memref_slice %arg13[%add3A_24, %dma_start3A_91] : memref<10112x96xf32, #tpu.memory_space<vmem_shared>> -> memref<80x96xf32, #tpu.memory_space<vmem_shared>>
      tpu.enqueue_dma source(%arg12 : memref<80x96xf32, #tpu.memory_space<vmem>>) target(%dma_start3A_92 : memref<80x96xf32, #tpu.memory_space<vmem_shared>>) target_semaphore(%run_scoped3A_88 : memref<!tpu.dma_semaphore, #tpu.memory_space<semaphore_mem>>)
      %dma_wait3A_93 = arith.constant 0 : i32
      %dma_wait3A_94 = tpu.memref_slice %arg13[%add3A_24, %dma_wait3A_93] : memref<10112x96xf32, #tpu.memory_space<vmem_shared>> -> memref<80x96xf32, #tpu.memory_space<vmem_shared>>
      %dma_wait3A_95 = arith.constant 0 : i32
      %dma_wait3A_96 = tpu.memref_slice %arg13[%add3A_24, %dma_wait3A_95] : memref<10112x96xf32, #tpu.memory_space<vmem_shared>> -> memref<80x96xf32, #tpu.memory_space<vmem_shared>>
      tpu.wait_dma2 semaphore(%run_scoped3A_88 : memref<!tpu.dma_semaphore, #tpu.memory_space<semaphore_mem>>) src(%arg12 : memref<80x96xf32, #tpu.memory_space<vmem>>) dst(%dma_wait3A_96 : memref<80x96xf32, #tpu.memory_space<vmem_shared>>)
      tpu.yield
    }) : () -> ()
    %add3A_25 = arith.constant 560 : i32
    %add3A_26 = arith.addi %mul3A_10, %add3A_25 : i32
    "tpu.region"() ({
      %run_scoped3A_88 = tpu.sem_alloc : memref<!tpu.dma_semaphore, #tpu.memory_space<semaphore_mem>>
      %dma_start3A_89 = arith.constant 0 : i32
      %dma_start3A_90 = arith.constant 0 : i32
      %dma_start3A_91 = tpu.memref_slice %arg12[%dma_start3A_89, %dma_start3A_90] : memref<80x96xf32, #tpu.memory_space<vmem>> -> memref<72x96xf32, #tpu.memory_space<vmem>>
      %dma_start3A_92 = arith.constant 0 : i32
      %dma_start3A_93 = tpu.memref_slice %arg13[%add3A_26, %dma_start3A_92] : memref<10112x96xf32, #tpu.memory_space<vmem_shared>> -> memref<72x96xf32, #tpu.memory_space<vmem_shared>>
      %dma_start3A_94 = arith.constant 0 : i32
      %dma_start3A_95 = tpu.memref_slice %arg13[%add3A_26, %dma_start3A_94] : memref<10112x96xf32, #tpu.memory_space<vmem_shared>> -> memref<72x96xf32, #tpu.memory_space<vmem_shared>>
      %dma_start3A_96 = arith.constant 0 : i32
      %dma_start3A_97 = arith.constant 0 : i32
      %dma_start3A_98 = tpu.memref_slice %arg12[%dma_start3A_96, %dma_start3A_97] : memref<80x96xf32, #tpu.memory_space<vmem>> -> memref<72x96xf32, #tpu.memory_space<vmem>>
      tpu.enqueue_dma source(%dma_start3A_98 : memref<72x96xf32, #tpu.memory_space<vmem>>) target(%dma_start3A_95 : memref<72x96xf32, #tpu.memory_space<vmem_shared>>) target_semaphore(%run_scoped3A_88 : memref<!tpu.dma_semaphore, #tpu.memory_space<semaphore_mem>>)
      %dma_wait3A_99 = arith.constant 0 : i32
      %dma_wait3A_100 = arith.constant 0 : i32
      %dma_wait3A_101 = tpu.memref_slice %arg12[%dma_wait3A_99, %dma_wait3A_100] : memref<80x96xf32, #tpu.memory_space<vmem>> -> memref<72x96xf32, #tpu.memory_space<vmem>>
      %dma_wait3A_102 = arith.constant 0 : i32
      %dma_wait3A_103 = tpu.memref_slice %arg13[%add3A_26, %dma_wait3A_102] : memref<10112x96xf32, #tpu.memory_space<vmem_shared>> -> memref<72x96xf32, #tpu.memory_space<vmem_shared>>
      %dma_wait3A_104 = arith.constant 0 : i32
      %dma_wait3A_105 = tpu.memref_slice %arg13[%add3A_26, %dma_wait3A_104] : memref<10112x96xf32, #tpu.memory_space<vmem_shared>> -> memref<72x96xf32, #tpu.memory_space<vmem_shared>>
      %dma_wait3A_106 = arith.constant 0 : i32
      %dma_wait3A_107 = arith.constant 0 : i32
      %dma_wait3A_108 = tpu.memref_slice %arg12[%dma_wait3A_106, %dma_wait3A_107] : memref<80x96xf32, #tpu.memory_space<vmem>> -> memref<72x96xf32, #tpu.memory_space<vmem>>
      tpu.wait_dma2 semaphore(%run_scoped3A_88 : memref<!tpu.dma_semaphore, #tpu.memory_space<semaphore_mem>>) src(%dma_wait3A_108 : memref<72x96xf32, #tpu.memory_space<vmem>>) dst(%dma_wait3A_105 : memref<72x96xf32, #tpu.memory_space<vmem_shared>>)
      tpu.yield
    }) : () -> ()
    %barrier3A = arith.constant 0 : index
    tpu.barrier barrier_id(%barrier3A)
    "tpu.region"() ({
      %run_scoped3A_88 = tpu.sem_alloc : memref<!tpu.dma_semaphore, #tpu.memory_space<semaphore_mem>>
      %dma_start3A_89 = arith.constant 0 : i32
      %dma_start3A_90 = tpu.memref_slice %arg2[%mul3A_3, %dma_start3A_89] : memref<4000x80xi32, #tpu.memory_space<hbm>> -> memref<125x80xi32, #tpu.memory_space<hbm>>
      %dma_start3A_91 = arith.constant 0 : i32
      %dma_start3A_92 = tpu.memref_slice %arg2[%mul3A_3, %dma_start3A_91] : memref<4000x80xi32, #tpu.memory_space<hbm>> -> memref<125x80xi32, #tpu.memory_space<hbm>>
      tpu.enqueue_dma source(%dma_start3A_92 : memref<125x80xi32, #tpu.memory_space<hbm>>) target(%arg8 : memref<125x80xi32, #tpu.memory_space<vmem>>) target_semaphore(%run_scoped3A_88 : memref<!tpu.dma_semaphore, #tpu.memory_space<semaphore_mem>>)
      %dma_wait3A_93 = arith.constant 0 : i32
      %dma_wait3A_94 = tpu.memref_slice %arg2[%mul3A_3, %dma_wait3A_93] : memref<4000x80xi32, #tpu.memory_space<hbm>> -> memref<125x80xi32, #tpu.memory_space<hbm>>
      %dma_wait3A_95 = arith.constant 0 : i32
      %dma_wait3A_96 = tpu.memref_slice %arg2[%mul3A_3, %dma_wait3A_95] : memref<4000x80xi32, #tpu.memory_space<hbm>> -> memref<125x80xi32, #tpu.memory_space<hbm>>
      tpu.wait_dma2 semaphore(%run_scoped3A_88 : memref<!tpu.dma_semaphore, #tpu.memory_space<semaphore_mem>>) src(%dma_wait3A_96 : memref<125x80xi32, #tpu.memory_space<hbm>>) dst(%arg8 : memref<125x80xi32, #tpu.memory_space<vmem>>)
      tpu.yield
    }) : () -> ()
    "tpu.region"() ({
      %run_scoped3A_88 = tpu.sem_alloc : memref<!tpu.dma_semaphore, #tpu.memory_space<semaphore_mem>>
      %dma_start3A_89 = arith.constant 0 : i32
      %dma_start3A_90 = tpu.memref_slice %arg3[%mul3A_3, %dma_start3A_89] : memref<4000x80xi32, #tpu.memory_space<hbm>> -> memref<125x80xi32, #tpu.memory_space<hbm>>
      %dma_start3A_91 = arith.constant 0 : i32
      %dma_start3A_92 = tpu.memref_slice %arg3[%mul3A_3, %dma_start3A_91] : memref<4000x80xi32, #tpu.memory_space<hbm>> -> memref<125x80xi32, #tpu.memory_space<hbm>>
      tpu.enqueue_dma source(%dma_start3A_92 : memref<125x80xi32, #tpu.memory_space<hbm>>) target(%arg9 : memref<125x80xi32, #tpu.memory_space<vmem>>) target_semaphore(%run_scoped3A_88 : memref<!tpu.dma_semaphore, #tpu.memory_space<semaphore_mem>>)
      %dma_wait3A_93 = arith.constant 0 : i32
      %dma_wait3A_94 = tpu.memref_slice %arg3[%mul3A_3, %dma_wait3A_93] : memref<4000x80xi32, #tpu.memory_space<hbm>> -> memref<125x80xi32, #tpu.memory_space<hbm>>
      %dma_wait3A_95 = arith.constant 0 : i32
      %dma_wait3A_96 = tpu.memref_slice %arg3[%mul3A_3, %dma_wait3A_95] : memref<4000x80xi32, #tpu.memory_space<hbm>> -> memref<125x80xi32, #tpu.memory_space<hbm>>
      tpu.wait_dma2 semaphore(%run_scoped3A_88 : memref<!tpu.dma_semaphore, #tpu.memory_space<semaphore_mem>>) src(%dma_wait3A_96 : memref<125x80xi32, #tpu.memory_space<hbm>>) dst(%arg9 : memref<125x80xi32, #tpu.memory_space<vmem>>)
      tpu.yield
    }) : () -> ()
    %dma_start3A = arith.constant 0 : i32
    %dma_start3A_27 = arith.constant 0 : i32
    %dma_start3A_28 = arith.constant 0 : i32
    %dma_start3A_29 = arith.constant 0 : i32
    %dma_start3A_30 = tpu.memref_slice %arg10[%dma_start3A_27, %dma_start3A_28, %dma_start3A_29] : memref<2x80x80xf32, #tpu.memory_space<vmem>> -> memref<1x80x80xf32, #tpu.memory_space<vmem>>
    %dma_start3A_31 = tpu.memref_squeeze %dma_start3A_30 : memref<1x80x80xf32, #tpu.memory_space<vmem>> -> memref<80x80xf32, #tpu.memory_space<vmem>>
    %dma_start3A_32 = arith.constant 0 : i32
    %dma_start3A_33 = tpu.memref_slice %arg9[%dma_start3A, %dma_start3A_32] : memref<125x80xi32, #tpu.memory_space<vmem>> -> memref<1x80xi32, #tpu.memory_space<vmem>>
    %dma_start3A_34 = tpu.memref_squeeze %dma_start3A_33 : memref<1x80xi32, #tpu.memory_space<vmem>> -> memref<80xi32, #tpu.memory_space<vmem>>
    %dma_start3A_35 = arith.constant 0 : i32
    %dma_start3A_36 = arith.constant 0 : i32
    %dma_start3A_37 = tpu.memref_slice %arg4[%dma_start3A_35, %dma_start3A_36] : memref<10000x80xf32, #tpu.memory_space<hbm>> -> memref<10000x80xf32, #tpu.memory_space<hbm>>
    tpu.enqueue_indirect_dma source(%dma_start3A_37 : memref<10000x80xf32, #tpu.memory_space<hbm>>) target(%dma_start3A_31 : memref<80x80xf32, #tpu.memory_space<vmem>>) offsets(%dma_start3A_34 : memref<80xi32, #tpu.memory_space<vmem>>) semaphore(%arg14 : memref<!tpu.dma_semaphore, #tpu.memory_space<semaphore_mem>>)
    %dma_start3A_38 = arith.constant 0 : i32
    %dma_start3A_39 = arith.constant 0 : i32
    %dma_start3A_40 = arith.constant 0 : i32
    %dma_start3A_41 = arith.constant 0 : i32
    %dma_start3A_42 = tpu.memref_slice %arg11[%dma_start3A_39, %dma_start3A_40, %dma_start3A_41] : memref<2x80x160xf32, #tpu.memory_space<vmem>> -> memref<1x80x160xf32, #tpu.memory_space<vmem>>
    %dma_start3A_43 = tpu.memref_squeeze %dma_start3A_42 : memref<1x80x160xf32, #tpu.memory_space<vmem>> -> memref<80x160xf32, #tpu.memory_space<vmem>>
    %dma_start3A_44 = arith.constant 0 : i32
    %dma_start3A_45 = tpu.memref_slice %arg8[%dma_start3A_38, %dma_start3A_44] : memref<125x80xi32, #tpu.memory_space<vmem>> -> memref<1x80xi32, #tpu.memory_space<vmem>>
    %dma_start3A_46 = tpu.memref_squeeze %dma_start3A_45 : memref<1x80xi32, #tpu.memory_space<vmem>> -> memref<80xi32, #tpu.memory_space<vmem>>
    %dma_start3A_47 = arith.constant 0 : i32
    %dma_start3A_48 = arith.constant 0 : i32
    %dma_start3A_49 = tpu.memref_slice %arg5[%dma_start3A_47, %dma_start3A_48] : memref<10000x160xf32, #tpu.memory_space<hbm>> -> memref<10000x160xf32, #tpu.memory_space<hbm>>
    tpu.enqueue_indirect_dma source(%dma_start3A_49 : memref<10000x160xf32, #tpu.memory_space<hbm>>) target(%dma_start3A_43 : memref<80x160xf32, #tpu.memory_space<vmem>>) offsets(%dma_start3A_46 : memref<80xi32, #tpu.memory_space<vmem>>) semaphore(%arg15 : memref<!tpu.dma_semaphore, #tpu.memory_space<semaphore_mem>>)
    %scan3A_50 = arith.constant 0 : i32
    %scan3A_51 = arith.constant 62 : i32
    %scan3A_52 = arith.addi %scan3A_50, %scan3A_51 : i32
    %scan3A_53 = arith.constant 1 : i32
    scf.for %scan3A_88 = %scan3A_50 to %scan3A_52 step %scan3A_53  : i32 {
      %mul3A_89 = arith.constant 2 : i32
      %mul3A_90 = arith.muli %scan3A_88, %mul3A_89 : i32
      %add3A_91 = arith.constant 0 : i32
      %add3A_92 = arith.addi %add3A_91, %mul3A_90 : i32
      %add3A_93 = arith.constant 1 : i32
      %add3A_94 = arith.addi %add3A_92, %add3A_93 : i32
      %dma_start3A_95 = arith.constant 1 : i32
      %dma_start3A_96 = arith.constant 0 : i32
      %dma_start3A_97 = arith.constant 0 : i32
      %dma_start3A_98 = tpu.memref_slice %arg10[%dma_start3A_95, %dma_start3A_96, %dma_start3A_97] : memref<2x80x80xf32, #tpu.memory_space<vmem>> -> memref<1x80x80xf32, #tpu.memory_space<vmem>>
      %dma_start3A_99 = tpu.memref_squeeze %dma_start3A_98 : memref<1x80x80xf32, #tpu.memory_space<vmem>> -> memref<80x80xf32, #tpu.memory_space<vmem>>
      %dma_start3A_100 = arith.constant 0 : i32
      %dma_start3A_101 = tpu.memref_slice %arg9[%add3A_94, %dma_start3A_100] : memref<125x80xi32, #tpu.memory_space<vmem>> -> memref<1x80xi32, #tpu.memory_space<vmem>>
      %dma_start3A_102 = tpu.memref_squeeze %dma_start3A_101 : memref<1x80xi32, #tpu.memory_space<vmem>> -> memref<80xi32, #tpu.memory_space<vmem>>
      %dma_start3A_103 = arith.constant 0 : i32
      %dma_start3A_104 = arith.constant 0 : i32
      %dma_start3A_105 = tpu.memref_slice %arg4[%dma_start3A_103, %dma_start3A_104] : memref<10000x80xf32, #tpu.memory_space<hbm>> -> memref<10000x80xf32, #tpu.memory_space<hbm>>
      tpu.enqueue_indirect_dma source(%dma_start3A_105 : memref<10000x80xf32, #tpu.memory_space<hbm>>) target(%dma_start3A_99 : memref<80x80xf32, #tpu.memory_space<vmem>>) offsets(%dma_start3A_102 : memref<80xi32, #tpu.memory_space<vmem>>) semaphore(%arg14 : memref<!tpu.dma_semaphore, #tpu.memory_space<semaphore_mem>>)
      %dma_start3A_106 = arith.constant 1 : i32
      %dma_start3A_107 = arith.constant 0 : i32
      %dma_start3A_108 = arith.constant 0 : i32
      %dma_start3A_109 = tpu.memref_slice %arg11[%dma_start3A_106, %dma_start3A_107, %dma_start3A_108] : memref<2x80x160xf32, #tpu.memory_space<vmem>> -> memref<1x80x160xf32, #tpu.memory_space<vmem>>
      %dma_start3A_110 = tpu.memref_squeeze %dma_start3A_109 : memref<1x80x160xf32, #tpu.memory_space<vmem>> -> memref<80x160xf32, #tpu.memory_space<vmem>>
      %dma_start3A_111 = arith.constant 0 : i32
      %dma_start3A_112 = tpu.memref_slice %arg8[%add3A_94, %dma_start3A_111] : memref<125x80xi32, #tpu.memory_space<vmem>> -> memref<1x80xi32, #tpu.memory_space<vmem>>
      %dma_start3A_113 = tpu.memref_squeeze %dma_start3A_112 : memref<1x80xi32, #tpu.memory_space<vmem>> -> memref<80xi32, #tpu.memory_space<vmem>>
      %dma_start3A_114 = arith.constant 0 : i32
      %dma_start3A_115 = arith.constant 0 : i32
      %dma_start3A_116 = tpu.memref_slice %arg5[%dma_start3A_114, %dma_start3A_115] : memref<10000x160xf32, #tpu.memory_space<hbm>> -> memref<10000x160xf32, #tpu.memory_space<hbm>>
      tpu.enqueue_indirect_dma source(%dma_start3A_116 : memref<10000x160xf32, #tpu.memory_space<hbm>>) target(%dma_start3A_110 : memref<80x160xf32, #tpu.memory_space<vmem>>) offsets(%dma_start3A_113 : memref<80xi32, #tpu.memory_space<vmem>>) semaphore(%arg15 : memref<!tpu.dma_semaphore, #tpu.memory_space<semaphore_mem>>)
      %dma_wait3A_117 = arith.constant 0 : i32
      %dma_wait3A_118 = arith.constant 0 : i32
      %dma_wait3A_119 = arith.constant 0 : i32
      %dma_wait3A_120 = tpu.memref_slice %arg10[%dma_wait3A_117, %dma_wait3A_118, %dma_wait3A_119] : memref<2x80x80xf32, #tpu.memory_space<vmem>> -> memref<1x80x80xf32, #tpu.memory_space<vmem>>
      %dma_wait3A_121 = tpu.memref_squeeze %dma_wait3A_120 : memref<1x80x80xf32, #tpu.memory_space<vmem>> -> memref<80x80xf32, #tpu.memory_space<vmem>>
      %dma_wait3A_122 = arith.constant 0 : i32
      %dma_wait3A_123 = tpu.memref_slice %arg9[%add3A_92, %dma_wait3A_122] : memref<125x80xi32, #tpu.memory_space<vmem>> -> memref<1x80xi32, #tpu.memory_space<vmem>>
      %dma_wait3A_124 = tpu.memref_squeeze %dma_wait3A_123 : memref<1x80xi32, #tpu.memory_space<vmem>> -> memref<80xi32, #tpu.memory_space<vmem>>
      %dma_wait3A_125 = arith.constant 0 : i32
      %dma_wait3A_126 = arith.constant 0 : i32
      %dma_wait3A_127 = tpu.memref_slice %arg4[%dma_wait3A_125, %dma_wait3A_126] : memref<10000x80xf32, #tpu.memory_space<hbm>> -> memref<10000x80xf32, #tpu.memory_space<hbm>>
      tpu.wait_indirect_dma semaphore(%arg14 : memref<!tpu.dma_semaphore, #tpu.memory_space<semaphore_mem>>) src(%dma_wait3A_127 : memref<10000x80xf32, #tpu.memory_space<hbm>>) dst(%dma_wait3A_121 : memref<80x80xf32, #tpu.memory_space<vmem>>)
      %dma_wait3A_128 = arith.constant 0 : i32
      %dma_wait3A_129 = arith.constant 0 : i32
      %dma_wait3A_130 = arith.constant 0 : i32
      %dma_wait3A_131 = tpu.memref_slice %arg11[%dma_wait3A_128, %dma_wait3A_129, %dma_wait3A_130] : memref<2x80x160xf32, #tpu.memory_space<vmem>> -> memref<1x80x160xf32, #tpu.memory_space<vmem>>
      %dma_wait3A_132 = tpu.memref_squeeze %dma_wait3A_131 : memref<1x80x160xf32, #tpu.memory_space<vmem>> -> memref<80x160xf32, #tpu.memory_space<vmem>>
      %dma_wait3A_133 = arith.constant 0 : i32
      %dma_wait3A_134 = tpu.memref_slice %arg8[%add3A_92, %dma_wait3A_133] : memref<125x80xi32, #tpu.memory_space<vmem>> -> memref<1x80xi32, #tpu.memory_space<vmem>>
      %dma_wait3A_135 = tpu.memref_squeeze %dma_wait3A_134 : memref<1x80xi32, #tpu.memory_space<vmem>> -> memref<80xi32, #tpu.memory_space<vmem>>
      %dma_wait3A_136 = arith.constant 0 : i32
      %dma_wait3A_137 = arith.constant 0 : i32
      %dma_wait3A_138 = tpu.memref_slice %arg5[%dma_wait3A_136, %dma_wait3A_137] : memref<10000x160xf32, #tpu.memory_space<hbm>> -> memref<10000x160xf32, #tpu.memory_space<hbm>>
      tpu.wait_indirect_dma semaphore(%arg15 : memref<!tpu.dma_semaphore, #tpu.memory_space<semaphore_mem>>) src(%dma_wait3A_138 : memref<10000x160xf32, #tpu.memory_space<hbm>>) dst(%dma_wait3A_132 : memref<80x160xf32, #tpu.memory_space<vmem>>)
      %parallel_loop3A_139 = arith.constant 0 : i32
      %parallel_loop3A_140 = arith.constant 80 : i32
      %parallel_loop3A_141 = arith.constant 1 : i32
      scf.for %parallel_loop3A_195 = %parallel_loop3A_139 to %parallel_loop3A_140 step %parallel_loop3A_141  : i32 {
        %parallel_loop3A_196 = arith.constant 0 : i32
        %parallel_loop3A_197 = arith.index_cast %parallel_loop3A_196 : i32 to index
        %parallel_loop3A_198 = arith.index_cast %parallel_loop3A_195 : i32 to index
        %parallel_loop3A_199 = arith.constant 0 : index
        %parallel_loop3A_200 = tpu.vector_load %arg10[%parallel_loop3A_197, %parallel_loop3A_198, %parallel_loop3A_199] {strides = array<i32>} : memref<2x80x80xf32, #tpu.memory_space<vmem>>, vector<1x1x16xf32>,
        %parallel_loop3A_201 = vector.shape_cast %parallel_loop3A_200 : vector<1x1x16xf32> to vector<16xf32>
        %parallel_loop3A_202 = arith.constant 0 : i32
        %parallel_loop3A_203 = arith.index_cast %parallel_loop3A_202 : i32 to index
        %parallel_loop3A_204 = arith.index_cast %parallel_loop3A_195 : i32 to index
        %parallel_loop3A_205 = arith.constant 0 : index
        %parallel_loop3A_206 = tpu.vector_load %arg11[%parallel_loop3A_203, %parallel_loop3A_204, %parallel_loop3A_205] {strides = array<i32>} : memref<2x80x160xf32, #tpu.memory_space<vmem>>, vector<1x1x16xf32>,
        %parallel_loop3A_207 = vector.shape_cast %parallel_loop3A_206 : vector<1x1x16xf32> to vector<16xf32>
        %parallel_loop3A_208 = arith.mulf %parallel_loop3A_201, %parallel_loop3A_207 : vector<16xf32>
        %parallel_loop3A_209 = arith.constant 8 : i32
        %parallel_loop3A_210 = vector.broadcast %parallel_loop3A_209 : i32 to vector<16xi32>
        %parallel_loop3A_211 = arith.xori %iota3A, %parallel_loop3A_210 : vector<16xi32>
        %parallel_loop3A_212 = vector.shape_cast %parallel_loop3A_211 : vector<16xi32> to vector<16x1xi32>
        %parallel_loop3A_213 = vector.shape_cast %parallel_loop3A_212 : vector<16x1xi32> to vector<16xi32>
        %parallel_loop3A_214 = tpu.dynamic_gather %parallel_loop3A_208[%parallel_loop3A_213] in [0] : vector<16xf32>, vector<16xi32> -> vector<16xf32>
        %parallel_loop3A_215 = arith.addf %parallel_loop3A_208, %parallel_loop3A_214 : vector<16xf32>
        %parallel_loop3A_216 = arith.constant 4 : i32
        %parallel_loop3A_217 = vector.broadcast %parallel_loop3A_216 : i32 to vector<16xi32>
        %parallel_loop3A_218 = arith.xori %iota3A, %parallel_loop3A_217 : vector<16xi32>
        %parallel_loop3A_219 = vector.shape_cast %parallel_loop3A_218 : vector<16xi32> to vector<16x1xi32>
        %parallel_loop3A_220 = vector.shape_cast %parallel_loop3A_219 : vector<16x1xi32> to vector<16xi32>
        %parallel_loop3A_221 = tpu.dynamic_gather %parallel_loop3A_215[%parallel_loop3A_220] in [0] : vector<16xf32>, vector<16xi32> -> vector<16xf32>
        %parallel_loop3A_222 = arith.addf %parallel_loop3A_215, %parallel_loop3A_221 : vector<16xf32>
        %parallel_loop3A_223 = arith.constant 2 : i32
        %parallel_loop3A_224 = vector.broadcast %parallel_loop3A_223 : i32 to vector<16xi32>
        %parallel_loop3A_225 = arith.xori %iota3A, %parallel_loop3A_224 : vector<16xi32>
        %parallel_loop3A_226 = vector.shape_cast %parallel_loop3A_225 : vector<16xi32> to vector<16x1xi32>
        %parallel_loop3A_227 = vector.shape_cast %parallel_loop3A_226 : vector<16x1xi32> to vector<16xi32>
        %parallel_loop3A_228 = tpu.dynamic_gather %parallel_loop3A_222[%parallel_loop3A_227] in [0] : vector<16xf32>, vector<16xi32> -> vector<16xf32>
        %parallel_loop3A_229 = arith.addf %parallel_loop3A_222, %parallel_loop3A_228 : vector<16xf32>
        %parallel_loop3A_230 = arith.constant 1 : i32
        %parallel_loop3A_231 = vector.broadcast %parallel_loop3A_230 : i32 to vector<16xi32>
        %parallel_loop3A_232 = arith.xori %iota3A, %parallel_loop3A_231 : vector<16xi32>
        %parallel_loop3A_233 = vector.shape_cast %parallel_loop3A_232 : vector<16xi32> to vector<16x1xi32>
        %parallel_loop3A_234 = vector.shape_cast %parallel_loop3A_233 : vector<16x1xi32> to vector<16xi32>
        %parallel_loop3A_235 = tpu.dynamic_gather %parallel_loop3A_229[%parallel_loop3A_234] in [0] : vector<16xf32>, vector<16xi32> -> vector<16xf32>
        %parallel_loop3A_236 = arith.addf %parallel_loop3A_229, %parallel_loop3A_235 : vector<16xf32>
        %parallel_loop3A_237 = math.exp %parallel_loop3A_236 : vector<16xf32>
        %parallel_loop3A_238 = arith.constant 0 : i32
        %parallel_loop3A_239 = arith.index_cast %parallel_loop3A_238 : i32 to index
        %parallel_loop3A_240 = arith.index_cast %parallel_loop3A_195 : i32 to index
        %parallel_loop3A_241 = arith.constant 80 : index
        %parallel_loop3A_242 = tpu.vector_load %arg11[%parallel_loop3A_239, %parallel_loop3A_240, %parallel_loop3A_241] {strides = array<i32>} : memref<2x80x160xf32, #tpu.memory_space<vmem>>, vector<1x1x16xf32>,
        %parallel_loop3A_243 = vector.shape_cast %parallel_loop3A_242 : vector<1x1x16xf32> to vector<16xf32>
        %parallel_loop3A_244 = arith.mulf %parallel_loop3A_237, %parallel_loop3A_243 : vector<16xf32>
        %parallel_loop3A_245 = arith.index_cast %parallel_loop3A_195 : i32 to index
        %parallel_loop3A_246 = arith.constant 0 : index
        %parallel_loop3A_247 = tpu.vector_load %arg12[%parallel_loop3A_245, %parallel_loop3A_246] {strides = array<i32>} : memref<80x96xf32, #tpu.memory_space<vmem>>, vector<1x16xf32>,
        %parallel_loop3A_248 = vector.shape_cast %parallel_loop3A_247 : vector<1x16xf32> to vector<16xf32>
        %parallel_loop3A_249 = vector.shape_cast %parallel_loop3A_244 : vector<16xf32> to vector<1x16xf32>
        tpu.vector_store %arg12[%parallel_loop3A_245, %parallel_loop3A_246], %parallel_loop3A_249 {strides = array<i32>} : memref<80x96xf32, #tpu.memory_space<vmem>>, vector<1x16xf32>,
        %parallel_loop3A_250 = arith.constant 0 : i32
        %parallel_loop3A_251 = vector.broadcast %parallel_loop3A_250 : i32 to vector<16xi32>
        %parallel_loop3A_252 = arith.cmpi eq, %iota3A, %parallel_loop3A_251 : vector<16xi32>
        %parallel_loop3A_253 = arith.select %parallel_loop3A_252, %parallel_loop3A_237, %broadcast_in_dim3A_1 : vector<16xi1>, vector<16xf32>
        %parallel_loop3A_254 = arith.constant 0 : i32
        %parallel_loop3A_255 = arith.index_cast %parallel_loop3A_254 : i32 to index
        %parallel_loop3A_256 = arith.index_cast %parallel_loop3A_195 : i32 to index
        %parallel_loop3A_257 = arith.constant 16 : index
        %parallel_loop3A_258 = tpu.vector_load %arg10[%parallel_loop3A_255, %parallel_loop3A_256, %parallel_loop3A_257] {strides = array<i32>} : memref<2x80x80xf32, #tpu.memory_space<vmem>>, vector<1x1x16xf32>,
        %parallel_loop3A_259 = vector.shape_cast %parallel_loop3A_258 : vector<1x1x16xf32> to vector<16xf32>
        %parallel_loop3A_260 = arith.constant 0 : i32
        %parallel_loop3A_261 = arith.index_cast %parallel_loop3A_260 : i32 to index
        %parallel_loop3A_262 = arith.index_cast %parallel_loop3A_195 : i32 to index
        %parallel_loop3A_263 = arith.constant 16 : index
        %parallel_loop3A_264 = tpu.vector_load %arg11[%parallel_loop3A_261, %parallel_loop3A_262, %parallel_loop3A_263] {strides = array<i32>} : memref<2x80x160xf32, #tpu.memory_space<vmem>>, vector<1x1x16xf32>,
        %parallel_loop3A_265 = vector.shape_cast %parallel_loop3A_264 : vector<1x1x16xf32> to vector<16xf32>
        %parallel_loop3A_266 = arith.mulf %parallel_loop3A_259, %parallel_loop3A_265 : vector<16xf32>
        %parallel_loop3A_267 = arith.constant 8 : i32
        %parallel_loop3A_268 = vector.broadcast %parallel_loop3A_267 : i32 to vector<16xi32>
        %parallel_loop3A_269 = arith.xori %iota3A, %parallel_loop3A_268 : vector<16xi32>
        %parallel_loop3A_270 = vector.shape_cast %parallel_loop3A_269 : vector<16xi32> to vector<16x1xi32>
        %parallel_loop3A_271 = vector.shape_cast %parallel_loop3A_270 : vector<16x1xi32> to vector<16xi32>
        %parallel_loop3A_272 = tpu.dynamic_gather %parallel_loop3A_266[%parallel_loop3A_271] in [0] : vector<16xf32>, vector<16xi32> -> vector<16xf32>
        %parallel_loop3A_273 = arith.addf %parallel_loop3A_266, %parallel_loop3A_272 : vector<16xf32>
        %parallel_loop3A_274 = arith.constant 4 : i32
        %parallel_loop3A_275 = vector.broadcast %parallel_loop3A_274 : i32 to vector<16xi32>
        %parallel_loop3A_276 = arith.xori %iota3A, %parallel_loop3A_275 : vector<16xi32>
        %parallel_loop3A_277 = vector.shape_cast %parallel_loop3A_276 : vector<16xi32> to vector<16x1xi32>
        %parallel_loop3A_278 = vector.shape_cast %parallel_loop3A_277 : vector<16x1xi32> to vector<16xi32>
        %parallel_loop3A_279 = tpu.dynamic_gather %parallel_loop3A_273[%parallel_loop3A_278] in [0] : vector<16xf32>, vector<16xi32> -> vector<16xf32>
        %parallel_loop3A_280 = arith.addf %parallel_loop3A_273, %parallel_loop3A_279 : vector<16xf32>
        %parallel_loop3A_281 = arith.constant 2 : i32
        %parallel_loop3A_282 = vector.broadcast %parallel_loop3A_281 : i32 to vector<16xi32>
        %parallel_loop3A_283 = arith.xori %iota3A, %parallel_loop3A_282 : vector<16xi32>
        %parallel_loop3A_284 = vector.shape_cast %parallel_loop3A_283 : vector<16xi32> to vector<16x1xi32>
        %parallel_loop3A_285 = vector.shape_cast %parallel_loop3A_284 : vector<16x1xi32> to vector<16xi32>
        %parallel_loop3A_286 = tpu.dynamic_gather %parallel_loop3A_280[%parallel_loop3A_285] in [0] : vector<16xf32>, vector<16xi32> -> vector<16xf32>
        %parallel_loop3A_287 = arith.addf %parallel_loop3A_280, %parallel_loop3A_286 : vector<16xf32>
        %parallel_loop3A_288 = arith.constant 1 : i32
        %parallel_loop3A_289 = vector.broadcast %parallel_loop3A_288 : i32 to vector<16xi32>
        %parallel_loop3A_290 = arith.xori %iota3A, %parallel_loop3A_289 : vector<16xi32>
        %parallel_loop3A_291 = vector.shape_cast %parallel_loop3A_290 : vector<16xi32> to vector<16x1xi32>
        %parallel_loop3A_292 = vector.shape_cast %parallel_loop3A_291 : vector<16x1xi32> to vector<16xi32>
        %parallel_loop3A_293 = tpu.dynamic_gather %parallel_loop3A_287[%parallel_loop3A_292] in [0] : vector<16xf32>, vector<16xi32> -> vector<16xf32>
        %parallel_loop3A_294 = arith.addf %parallel_loop3A_287, %parallel_loop3A_293 : vector<16xf32>
        %parallel_loop3A_295 = math.exp %parallel_loop3A_294 : vector<16xf32>
        %parallel_loop3A_296 = arith.constant 0 : i32
        %parallel_loop3A_297 = arith.index_cast %parallel_loop3A_296 : i32 to index
        %parallel_loop3A_298 = arith.index_cast %parallel_loop3A_195 : i32 to index
        %parallel_loop3A_299 = arith.constant 96 : index
        %parallel_loop3A_300 = tpu.vector_load %arg11[%parallel_loop3A_297, %parallel_loop3A_298, %parallel_loop3A_299] {strides = array<i32>} : memref<2x80x160xf32, #tpu.memory_space<vmem>>, vector<1x1x16xf32>,
        %parallel_loop3A_301 = vector.shape_cast %parallel_loop3A_300 : vector<1x1x16xf32> to vector<16xf32>
        %parallel_loop3A_302 = arith.mulf %parallel_loop3A_295, %parallel_loop3A_301 : vector<16xf32>
        %parallel_loop3A_303 = arith.index_cast %parallel_loop3A_195 : i32 to index
        %parallel_loop3A_304 = arith.constant 16 : index
        %parallel_loop3A_305 = tpu.vector_load %arg12[%parallel_loop3A_303, %parallel_loop3A_304] {strides = array<i32>} : memref<80x96xf32, #tpu.memory_space<vmem>>, vector<1x16xf32>,
        %parallel_loop3A_306 = vector.shape_cast %parallel_loop3A_305 : vector<1x16xf32> to vector<16xf32>
        %parallel_loop3A_307 = vector.shape_cast %parallel_loop3A_302 : vector<16xf32> to vector<1x16xf32>
        tpu.vector_store %arg12[%parallel_loop3A_303, %parallel_loop3A_304], %parallel_loop3A_307 {strides = array<i32>} : memref<80x96xf32, #tpu.memory_space<vmem>>, vector<1x16xf32>,
        %parallel_loop3A_308 = arith.constant 1 : i32
        %parallel_loop3A_309 = vector.broadcast %parallel_loop3A_308 : i32 to vector<16xi32>
        %parallel_loop3A_310 = arith.cmpi eq, %iota3A, %parallel_loop3A_309 : vector<16xi32>
        %parallel_loop3A_311 = arith.select %parallel_loop3A_310, %parallel_loop3A_295, %parallel_loop3A_253 : vector<16xi1>, vector<16xf32>
        %parallel_loop3A_312 = arith.constant 0 : i32
        %parallel_loop3A_313 = arith.index_cast %parallel_loop3A_312 : i32 to index
        %parallel_loop3A_314 = arith.index_cast %parallel_loop3A_195 : i32 to index
        %parallel_loop3A_315 = arith.constant 32 : index
        %parallel_loop3A_316 = tpu.vector_load %arg10[%parallel_loop3A_313, %parallel_loop3A_314, %parallel_loop3A_315] {strides = array<i32>} : memref<2x80x80xf32, #tpu.memory_space<vmem>>, vector<1x1x16xf32>,
        %parallel_loop3A_317 = vector.shape_cast %parallel_loop3A_316 : vector<1x1x16xf32> to vector<16xf32>
        %parallel_loop3A_318 = arith.constant 0 : i32
        %parallel_loop3A_319 = arith.index_cast %parallel_loop3A_318 : i32 to index
        %parallel_loop3A_320 = arith.index_cast %parallel_loop3A_195 : i32 to index
        %parallel_loop3A_321 = arith.constant 32 : index
        %parallel_loop3A_322 = tpu.vector_load %arg11[%parallel_loop3A_319, %parallel_loop3A_320, %parallel_loop3A_321] {strides = array<i32>} : memref<2x80x160xf32, #tpu.memory_space<vmem>>, vector<1x1x16xf32>,
        %parallel_loop3A_323 = vector.shape_cast %parallel_loop3A_322 : vector<1x1x16xf32> to vector<16xf32>
        %parallel_loop3A_324 = arith.mulf %parallel_loop3A_317, %parallel_loop3A_323 : vector<16xf32>
        %parallel_loop3A_325 = arith.constant 8 : i32
        %parallel_loop3A_326 = vector.broadcast %parallel_loop3A_325 : i32 to vector<16xi32>
        %parallel_loop3A_327 = arith.xori %iota3A, %parallel_loop3A_326 : vector<16xi32>
        %parallel_loop3A_328 = vector.shape_cast %parallel_loop3A_327 : vector<16xi32> to vector<16x1xi32>
        %parallel_loop3A_329 = vector.shape_cast %parallel_loop3A_328 : vector<16x1xi32> to vector<16xi32>
        %parallel_loop3A_330 = tpu.dynamic_gather %parallel_loop3A_324[%parallel_loop3A_329] in [0] : vector<16xf32>, vector<16xi32> -> vector<16xf32>
        %parallel_loop3A_331 = arith.addf %parallel_loop3A_324, %parallel_loop3A_330 : vector<16xf32>
        %parallel_loop3A_332 = arith.constant 4 : i32
        %parallel_loop3A_333 = vector.broadcast %parallel_loop3A_332 : i32 to vector<16xi32>
        %parallel_loop3A_334 = arith.xori %iota3A, %parallel_loop3A_333 : vector<16xi32>
        %parallel_loop3A_335 = vector.shape_cast %parallel_loop3A_334 : vector<16xi32> to vector<16x1xi32>
        %parallel_loop3A_336 = vector.shape_cast %parallel_loop3A_335 : vector<16x1xi32> to vector<16xi32>
        %parallel_loop3A_337 = tpu.dynamic_gather %parallel_loop3A_331[%parallel_loop3A_336] in [0] : vector<16xf32>, vector<16xi32> -> vector<16xf32>
        %parallel_loop3A_338 = arith.addf %parallel_loop3A_331, %parallel_loop3A_337 : vector<16xf32>
        %parallel_loop3A_339 = arith.constant 2 : i32
        %parallel_loop3A_340 = vector.broadcast %parallel_loop3A_339 : i32 to vector<16xi32>
        %parallel_loop3A_341 = arith.xori %iota3A, %parallel_loop3A_340 : vector<16xi32>
        %parallel_loop3A_342 = vector.shape_cast %parallel_loop3A_341 : vector<16xi32> to vector<16x1xi32>
        %parallel_loop3A_343 = vector.shape_cast %parallel_loop3A_342 : vector<16x1xi32> to vector<16xi32>
        %parallel_loop3A_344 = tpu.dynamic_gather %parallel_loop3A_338[%parallel_loop3A_343] in [0] : vector<16xf32>, vector<16xi32> -> vector<16xf32>
        %parallel_loop3A_345 = arith.addf %parallel_loop3A_338, %parallel_loop3A_344 : vector<16xf32>
        %parallel_loop3A_346 = arith.constant 1 : i32
        %parallel_loop3A_347 = vector.broadcast %parallel_loop3A_346 : i32 to vector<16xi32>
        %parallel_loop3A_348 = arith.xori %iota3A, %parallel_loop3A_347 : vector<16xi32>
        %parallel_loop3A_349 = vector.shape_cast %parallel_loop3A_348 : vector<16xi32> to vector<16x1xi32>
        %parallel_loop3A_350 = vector.shape_cast %parallel_loop3A_349 : vector<16x1xi32> to vector<16xi32>
        %parallel_loop3A_351 = tpu.dynamic_gather %parallel_loop3A_345[%parallel_loop3A_350] in [0] : vector<16xf32>, vector<16xi32> -> vector<16xf32>
        %parallel_loop3A_352 = arith.addf %parallel_loop3A_345, %parallel_loop3A_351 : vector<16xf32>
        %parallel_loop3A_353 = math.exp %parallel_loop3A_352 : vector<16xf32>
        %parallel_loop3A_354 = arith.constant 0 : i32
        %parallel_loop3A_355 = arith.index_cast %parallel_loop3A_354 : i32 to index
        %parallel_loop3A_356 = arith.index_cast %parallel_loop3A_195 : i32 to index
        %parallel_loop3A_357 = arith.constant 112 : index
        %parallel_loop3A_358 = tpu.vector_load %arg11[%parallel_loop3A_355, %parallel_loop3A_356, %parallel_loop3A_357] {strides = array<i32>} : memref<2x80x160xf32, #tpu.memory_space<vmem>>, vector<1x1x16xf32>,
        %parallel_loop3A_359 = vector.shape_cast %parallel_loop3A_358 : vector<1x1x16xf32> to vector<16xf32>
        %parallel_loop3A_360 = arith.mulf %parallel_loop3A_353, %parallel_loop3A_359 : vector<16xf32>
        %parallel_loop3A_361 = arith.index_cast %parallel_loop3A_195 : i32 to index
        %parallel_loop3A_362 = arith.constant 32 : index
        %parallel_loop3A_363 = tpu.vector_load %arg12[%parallel_loop3A_361, %parallel_loop3A_362] {strides = array<i32>} : memref<80x96xf32, #tpu.memory_space<vmem>>, vector<1x16xf32>,
        %parallel_loop3A_364 = vector.shape_cast %parallel_loop3A_363 : vector<1x16xf32> to vector<16xf32>
        %parallel_loop3A_365 = vector.shape_cast %parallel_loop3A_360 : vector<16xf32> to vector<1x16xf32>
        tpu.vector_store %arg12[%parallel_loop3A_361, %parallel_loop3A_362], %parallel_loop3A_365 {strides = array<i32>} : memref<80x96xf32, #tpu.memory_space<vmem>>, vector<1x16xf32>,
        %parallel_loop3A_366 = arith.constant 2 : i32
        %parallel_loop3A_367 = vector.broadcast %parallel_loop3A_366 : i32 to vector<16xi32>
        %parallel_loop3A_368 = arith.cmpi eq, %iota3A, %parallel_loop3A_367 : vector<16xi32>
        %parallel_loop3A_369 = arith.select %parallel_loop3A_368, %parallel_loop3A_353, %parallel_loop3A_311 : vector<16xi1>, vector<16xf32>
        %parallel_loop3A_370 = arith.constant 0 : i32
        %parallel_loop3A_371 = arith.index_cast %parallel_loop3A_370 : i32 to index
        %parallel_loop3A_372 = arith.index_cast %parallel_loop3A_195 : i32 to index
        %parallel_loop3A_373 = arith.constant 48 : index
        %parallel_loop3A_374 = tpu.vector_load %arg10[%parallel_loop3A_371, %parallel_loop3A_372, %parallel_loop3A_373] {strides = array<i32>} : memref<2x80x80xf32, #tpu.memory_space<vmem>>, vector<1x1x16xf32>,
        %parallel_loop3A_375 = vector.shape_cast %parallel_loop3A_374 : vector<1x1x16xf32> to vector<16xf32>
        %parallel_loop3A_376 = arith.constant 0 : i32
        %parallel_loop3A_377 = arith.index_cast %parallel_loop3A_376 : i32 to index
        %parallel_loop3A_378 = arith.index_cast %parallel_loop3A_195 : i32 to index
        %parallel_loop3A_379 = arith.constant 48 : index
        %parallel_loop3A_380 = tpu.vector_load %arg11[%parallel_loop3A_377, %parallel_loop3A_378, %parallel_loop3A_379] {strides = array<i32>} : memref<2x80x160xf32, #tpu.memory_space<vmem>>, vector<1x1x16xf32>,
        %parallel_loop3A_381 = vector.shape_cast %parallel_loop3A_380 : vector<1x1x16xf32> to vector<16xf32>
        %parallel_loop3A_382 = arith.mulf %parallel_loop3A_375, %parallel_loop3A_381 : vector<16xf32>
        %parallel_loop3A_383 = arith.constant 8 : i32
        %parallel_loop3A_384 = vector.broadcast %parallel_loop3A_383 : i32 to vector<16xi32>
        %parallel_loop3A_385 = arith.xori %iota3A, %parallel_loop3A_384 : vector<16xi32>
        %parallel_loop3A_386 = vector.shape_cast %parallel_loop3A_385 : vector<16xi32> to vector<16x1xi32>
        %parallel_loop3A_387 = vector.shape_cast %parallel_loop3A_386 : vector<16x1xi32> to vector<16xi32>
        %parallel_loop3A_388 = tpu.dynamic_gather %parallel_loop3A_382[%parallel_loop3A_387] in [0] : vector<16xf32>, vector<16xi32> -> vector<16xf32>
        %parallel_loop3A_389 = arith.addf %parallel_loop3A_382, %parallel_loop3A_388 : vector<16xf32>
        %parallel_loop3A_390 = arith.constant 4 : i32
        %parallel_loop3A_391 = vector.broadcast %parallel_loop3A_390 : i32 to vector<16xi32>
        %parallel_loop3A_392 = arith.xori %iota3A, %parallel_loop3A_391 : vector<16xi32>
        %parallel_loop3A_393 = vector.shape_cast %parallel_loop3A_392 : vector<16xi32> to vector<16x1xi32>
        %parallel_loop3A_394 = vector.shape_cast %parallel_loop3A_393 : vector<16x1xi32> to vector<16xi32>
        %parallel_loop3A_395 = tpu.dynamic_gather %parallel_loop3A_389[%parallel_loop3A_394] in [0] : vector<16xf32>, vector<16xi32> -> vector<16xf32>
        %parallel_loop3A_396 = arith.addf %parallel_loop3A_389, %parallel_loop3A_395 : vector<16xf32>
        %parallel_loop3A_397 = arith.constant 2 : i32
        %parallel_loop3A_398 = vector.broadcast %parallel_loop3A_397 : i32 to vector<16xi32>
        %parallel_loop3A_399 = arith.xori %iota3A, %parallel_loop3A_398 : vector<16xi32>
        %parallel_loop3A_400 = vector.shape_cast %parallel_loop3A_399 : vector<16xi32> to vector<16x1xi32>
        %parallel_loop3A_401 = vector.shape_cast %parallel_loop3A_400 : vector<16x1xi32> to vector<16xi32>
        %parallel_loop3A_402 = tpu.dynamic_gather %parallel_loop3A_396[%parallel_loop3A_401] in [0] : vector<16xf32>, vector<16xi32> -> vector<16xf32>
        %parallel_loop3A_403 = arith.addf %parallel_loop3A_396, %parallel_loop3A_402 : vector<16xf32>
        %parallel_loop3A_404 = arith.constant 1 : i32
        %parallel_loop3A_405 = vector.broadcast %parallel_loop3A_404 : i32 to vector<16xi32>
        %parallel_loop3A_406 = arith.xori %iota3A, %parallel_loop3A_405 : vector<16xi32>
        %parallel_loop3A_407 = vector.shape_cast %parallel_loop3A_406 : vector<16xi32> to vector<16x1xi32>
        %parallel_loop3A_408 = vector.shape_cast %parallel_loop3A_407 : vector<16x1xi32> to vector<16xi32>
        %parallel_loop3A_409 = tpu.dynamic_gather %parallel_loop3A_403[%parallel_loop3A_408] in [0] : vector<16xf32>, vector<16xi32> -> vector<16xf32>
        %parallel_loop3A_410 = arith.addf %parallel_loop3A_403, %parallel_loop3A_409 : vector<16xf32>
        %parallel_loop3A_411 = math.exp %parallel_loop3A_410 : vector<16xf32>
        %parallel_loop3A_412 = arith.constant 0 : i32
        %parallel_loop3A_413 = arith.index_cast %parallel_loop3A_412 : i32 to index
        %parallel_loop3A_414 = arith.index_cast %parallel_loop3A_195 : i32 to index
        %parallel_loop3A_415 = arith.constant 128 : index
        %parallel_loop3A_416 = tpu.vector_load %arg11[%parallel_loop3A_413, %parallel_loop3A_414, %parallel_loop3A_415] {strides = array<i32>} : memref<2x80x160xf32, #tpu.memory_space<vmem>>, vector<1x1x16xf32>,
        %parallel_loop3A_417 = vector.shape_cast %parallel_loop3A_416 : vector<1x1x16xf32> to vector<16xf32>
        %parallel_loop3A_418 = arith.mulf %parallel_loop3A_411, %parallel_loop3A_417 : vector<16xf32>
        %parallel_loop3A_419 = arith.index_cast %parallel_loop3A_195 : i32 to index
        %parallel_loop3A_420 = arith.constant 48 : index
        %parallel_loop3A_421 = tpu.vector_load %arg12[%parallel_loop3A_419, %parallel_loop3A_420] {strides = array<i32>} : memref<80x96xf32, #tpu.memory_space<vmem>>, vector<1x16xf32>,
        %parallel_loop3A_422 = vector.shape_cast %parallel_loop3A_421 : vector<1x16xf32> to vector<16xf32>
        %parallel_loop3A_423 = vector.shape_cast %parallel_loop3A_418 : vector<16xf32> to vector<1x16xf32>
        tpu.vector_store %arg12[%parallel_loop3A_419, %parallel_loop3A_420], %parallel_loop3A_423 {strides = array<i32>} : memref<80x96xf32, #tpu.memory_space<vmem>>, vector<1x16xf32>,
        %parallel_loop3A_424 = arith.constant 3 : i32
        %parallel_loop3A_425 = vector.broadcast %parallel_loop3A_424 : i32 to vector<16xi32>
        %parallel_loop3A_426 = arith.cmpi eq, %iota3A, %parallel_loop3A_425 : vector<16xi32>
        %parallel_loop3A_427 = arith.select %parallel_loop3A_426, %parallel_loop3A_411, %parallel_loop3A_369 : vector<16xi1>, vector<16xf32>
        %parallel_loop3A_428 = arith.constant 0 : i32
        %parallel_loop3A_429 = arith.index_cast %parallel_loop3A_428 : i32 to index
        %parallel_loop3A_430 = arith.index_cast %parallel_loop3A_195 : i32 to index
        %parallel_loop3A_431 = arith.constant 64 : index
        %parallel_loop3A_432 = tpu.vector_load %arg10[%parallel_loop3A_429, %parallel_loop3A_430, %parallel_loop3A_431] {strides = array<i32>} : memref<2x80x80xf32, #tpu.memory_space<vmem>>, vector<1x1x16xf32>,
        %parallel_loop3A_433 = vector.shape_cast %parallel_loop3A_432 : vector<1x1x16xf32> to vector<16xf32>
        %parallel_loop3A_434 = arith.constant 0 : i32
        %parallel_loop3A_435 = arith.index_cast %parallel_loop3A_434 : i32 to index
        %parallel_loop3A_436 = arith.index_cast %parallel_loop3A_195 : i32 to index
        %parallel_loop3A_437 = arith.constant 64 : index
        %parallel_loop3A_438 = tpu.vector_load %arg11[%parallel_loop3A_435, %parallel_loop3A_436, %parallel_loop3A_437] {strides = array<i32>} : memref<2x80x160xf32, #tpu.memory_space<vmem>>, vector<1x1x16xf32>,
        %parallel_loop3A_439 = vector.shape_cast %parallel_loop3A_438 : vector<1x1x16xf32> to vector<16xf32>
        %parallel_loop3A_440 = arith.mulf %parallel_loop3A_433, %parallel_loop3A_439 : vector<16xf32>
        %parallel_loop3A_441 = arith.constant 8 : i32
        %parallel_loop3A_442 = vector.broadcast %parallel_loop3A_441 : i32 to vector<16xi32>
        %parallel_loop3A_443 = arith.xori %iota3A, %parallel_loop3A_442 : vector<16xi32>
        %parallel_loop3A_444 = vector.shape_cast %parallel_loop3A_443 : vector<16xi32> to vector<16x1xi32>
        %parallel_loop3A_445 = vector.shape_cast %parallel_loop3A_444 : vector<16x1xi32> to vector<16xi32>
        %parallel_loop3A_446 = tpu.dynamic_gather %parallel_loop3A_440[%parallel_loop3A_445] in [0] : vector<16xf32>, vector<16xi32> -> vector<16xf32>
        %parallel_loop3A_447 = arith.addf %parallel_loop3A_440, %parallel_loop3A_446 : vector<16xf32>
        %parallel_loop3A_448 = arith.constant 4 : i32
        %parallel_loop3A_449 = vector.broadcast %parallel_loop3A_448 : i32 to vector<16xi32>
        %parallel_loop3A_450 = arith.xori %iota3A, %parallel_loop3A_449 : vector<16xi32>
        %parallel_loop3A_451 = vector.shape_cast %parallel_loop3A_450 : vector<16xi32> to vector<16x1xi32>
        %parallel_loop3A_452 = vector.shape_cast %parallel_loop3A_451 : vector<16x1xi32> to vector<16xi32>
        %parallel_loop3A_453 = tpu.dynamic_gather %parallel_loop3A_447[%parallel_loop3A_452] in [0] : vector<16xf32>, vector<16xi32> -> vector<16xf32>
        %parallel_loop3A_454 = arith.addf %parallel_loop3A_447, %parallel_loop3A_453 : vector<16xf32>
        %parallel_loop3A_455 = arith.constant 2 : i32
        %parallel_loop3A_456 = vector.broadcast %parallel_loop3A_455 : i32 to vector<16xi32>
        %parallel_loop3A_457 = arith.xori %iota3A, %parallel_loop3A_456 : vector<16xi32>
        %parallel_loop3A_458 = vector.shape_cast %parallel_loop3A_457 : vector<16xi32> to vector<16x1xi32>
        %parallel_loop3A_459 = vector.shape_cast %parallel_loop3A_458 : vector<16x1xi32> to vector<16xi32>
        %parallel_loop3A_460 = tpu.dynamic_gather %parallel_loop3A_454[%parallel_loop3A_459] in [0] : vector<16xf32>, vector<16xi32> -> vector<16xf32>
        %parallel_loop3A_461 = arith.addf %parallel_loop3A_454, %parallel_loop3A_460 : vector<16xf32>
        %parallel_loop3A_462 = arith.constant 1 : i32
        %parallel_loop3A_463 = vector.broadcast %parallel_loop3A_462 : i32 to vector<16xi32>
        %parallel_loop3A_464 = arith.xori %iota3A, %parallel_loop3A_463 : vector<16xi32>
        %parallel_loop3A_465 = vector.shape_cast %parallel_loop3A_464 : vector<16xi32> to vector<16x1xi32>
        %parallel_loop3A_466 = vector.shape_cast %parallel_loop3A_465 : vector<16x1xi32> to vector<16xi32>
        %parallel_loop3A_467 = tpu.dynamic_gather %parallel_loop3A_461[%parallel_loop3A_466] in [0] : vector<16xf32>, vector<16xi32> -> vector<16xf32>
        %parallel_loop3A_468 = arith.addf %parallel_loop3A_461, %parallel_loop3A_467 : vector<16xf32>
        %parallel_loop3A_469 = math.exp %parallel_loop3A_468 : vector<16xf32>
        %parallel_loop3A_470 = arith.constant 0 : i32
        %parallel_loop3A_471 = arith.index_cast %parallel_loop3A_470 : i32 to index
        %parallel_loop3A_472 = arith.index_cast %parallel_loop3A_195 : i32 to index
        %parallel_loop3A_473 = arith.constant 144 : index
        %parallel_loop3A_474 = tpu.vector_load %arg11[%parallel_loop3A_471, %parallel_loop3A_472, %parallel_loop3A_473] {strides = array<i32>} : memref<2x80x160xf32, #tpu.memory_space<vmem>>, vector<1x1x16xf32>,
        %parallel_loop3A_475 = vector.shape_cast %parallel_loop3A_474 : vector<1x1x16xf32> to vector<16xf32>
        %parallel_loop3A_476 = arith.mulf %parallel_loop3A_469, %parallel_loop3A_475 : vector<16xf32>
        %parallel_loop3A_477 = arith.index_cast %parallel_loop3A_195 : i32 to index
        %parallel_loop3A_478 = arith.constant 64 : index
        %parallel_loop3A_479 = tpu.vector_load %arg12[%parallel_loop3A_477, %parallel_loop3A_478] {strides = array<i32>} : memref<80x96xf32, #tpu.memory_space<vmem>>, vector<1x16xf32>,
        %parallel_loop3A_480 = vector.shape_cast %parallel_loop3A_479 : vector<1x16xf32> to vector<16xf32>
        %parallel_loop3A_481 = vector.shape_cast %parallel_loop3A_476 : vector<16xf32> to vector<1x16xf32>
        tpu.vector_store %arg12[%parallel_loop3A_477, %parallel_loop3A_478], %parallel_loop3A_481 {strides = array<i32>} : memref<80x96xf32, #tpu.memory_space<vmem>>, vector<1x16xf32>,
        %parallel_loop3A_482 = arith.constant 4 : i32
        %parallel_loop3A_483 = vector.broadcast %parallel_loop3A_482 : i32 to vector<16xi32>
        %parallel_loop3A_484 = arith.cmpi eq, %iota3A, %parallel_loop3A_483 : vector<16xi32>
        %parallel_loop3A_485 = arith.select %parallel_loop3A_484, %parallel_loop3A_469, %parallel_loop3A_427 : vector<16xi1>, vector<16xf32>
        %parallel_loop3A_486 = arith.index_cast %parallel_loop3A_195 : i32 to index
        %parallel_loop3A_487 = arith.constant 80 : index
        %parallel_loop3A_488 = tpu.vector_load %arg12[%parallel_loop3A_486, %parallel_loop3A_487] {strides = array<i32>} : memref<80x96xf32, #tpu.memory_space<vmem>>, vector<1x16xf32>,
        %parallel_loop3A_489 = vector.shape_cast %parallel_loop3A_488 : vector<1x16xf32> to vector<16xf32>
        %parallel_loop3A_490 = vector.shape_cast %parallel_loop3A_485 : vector<16xf32> to vector<1x16xf32>
        tpu.vector_store %arg12[%parallel_loop3A_486, %parallel_loop3A_487], %parallel_loop3A_490 {strides = array<i32>} : memref<80x96xf32, #tpu.memory_space<vmem>>, vector<1x16xf32>,
      } {sc.loop_unroll_factor = 4 : i64, sc.parallel_access}
      "tpu.region"() ({
        %run_scoped3A_195 = tpu.sem_alloc : memref<!tpu.dma_semaphore, #tpu.memory_space<semaphore_mem>>
        %dma_start3A_196 = arith.constant 0 : i32
        %dma_start3A_197 = tpu.memref_slice %arg9[%add3A_92, %dma_start3A_196] : memref<125x80xi32, #tpu.memory_space<vmem>> -> memref<1x80xi32, #tpu.memory_space<vmem>>
        %dma_start3A_198 = tpu.memref_squeeze %dma_start3A_197 : memref<1x80xi32, #tpu.memory_space<vmem>> -> memref<80xi32, #tpu.memory_space<vmem>>
        %dma_start3A_199 = arith.constant 0 : i32
        %dma_start3A_200 = arith.constant 0 : i32
        %dma_start3A_201 = tpu.memref_slice %arg13[%dma_start3A_199, %dma_start3A_200] : memref<10112x96xf32, #tpu.memory_space<vmem_shared>> -> memref<10112x96xf32, #tpu.memory_space<vmem_shared>>
        tpu.enqueue_indirect_dma source(%arg12 : memref<80x96xf32, #tpu.memory_space<vmem>>) target(%dma_start3A_201 : memref<10112x96xf32, #tpu.memory_space<vmem_shared>>) offsets(%dma_start3A_198 : memref<80xi32, #tpu.memory_space<vmem>>) semaphore(%run_scoped3A_195 : memref<!tpu.dma_semaphore, #tpu.memory_space<semaphore_mem>>) {add = true}
        %dma_wait3A_202 = arith.constant 0 : i32
        %dma_wait3A_203 = tpu.memref_slice %arg9[%add3A_92, %dma_wait3A_202] : memref<125x80xi32, #tpu.memory_space<vmem>> -> memref<1x80xi32, #tpu.memory_space<vmem>>
        %dma_wait3A_204 = tpu.memref_squeeze %dma_wait3A_203 : memref<1x80xi32, #tpu.memory_space<vmem>> -> memref<80xi32, #tpu.memory_space<vmem>>
        %dma_wait3A_205 = arith.constant 0 : i32
        %dma_wait3A_206 = arith.constant 0 : i32
        %dma_wait3A_207 = tpu.memref_slice %arg13[%dma_wait3A_205, %dma_wait3A_206] : memref<10112x96xf32, #tpu.memory_space<vmem_shared>> -> memref<10112x96xf32, #tpu.memory_space<vmem_shared>>
        tpu.wait_indirect_dma semaphore(%run_scoped3A_195 : memref<!tpu.dma_semaphore, #tpu.memory_space<semaphore_mem>>) src(%arg12 : memref<80x96xf32, #tpu.memory_space<vmem>>) dst(%dma_wait3A_207 : memref<10112x96xf32, #tpu.memory_space<vmem_shared>>)
        tpu.yield
      }) : () -> ()
      %add3A_142 = arith.constant 2 : i32
      %add3A_143 = arith.addi %add3A_92, %add3A_142 : i32
      %dma_start3A_144 = arith.constant 0 : i32
      %dma_start3A_145 = arith.constant 0 : i32
      %dma_start3A_146 = arith.constant 0 : i32
      %dma_start3A_147 = tpu.memref_slice %arg10[%dma_start3A_144, %dma_start3A_145, %dma_start3A_146] : memref<2x80x80xf32, #tpu.memory_space<vmem>> -> memref<1x80x80xf32, #tpu.memory_space<vmem>>
      %dma_start3A_148 = tpu.memref_squeeze %dma_start3A_147 : memref<1x80x80xf32, #tpu.memory_space<vmem>> -> memref<80x80xf32, #tpu.memory_space<vmem>>
      %dma_start3A_149 = arith.constant 0 : i32
      %dma_start3A_150 = tpu.memref_slice %arg9[%add3A_143, %dma_start3A_149] : memref<125x80xi32, #tpu.memory_space<vmem>> -> memref<1x80xi32, #tpu.memory_space<vmem>>
      %dma_start3A_151 = tpu.memref_squeeze %dma_start3A_150 : memref<1x80xi32, #tpu.memory_space<vmem>> -> memref<80xi32, #tpu.memory_space<vmem>>
      %dma_start3A_152 = arith.constant 0 : i32
      %dma_start3A_153 = arith.constant 0 : i32
      %dma_start3A_154 = tpu.memref_slice %arg4[%dma_start3A_152, %dma_start3A_153] : memref<10000x80xf32, #tpu.memory_space<hbm>> -> memref<10000x80xf32, #tpu.memory_space<hbm>>
      tpu.enqueue_indirect_dma source(%dma_start3A_154 : memref<10000x80xf32, #tpu.memory_space<hbm>>) target(%dma_start3A_148 : memref<80x80xf32, #tpu.memory_space<vmem>>) offsets(%dma_start3A_151 : memref<80xi32, #tpu.memory_space<vmem>>) semaphore(%arg14 : memref<!tpu.dma_semaphore, #tpu.memory_space<semaphore_mem>>)
      %dma_start3A_155 = arith.constant 0 : i32
      %dma_start3A_156 = arith.constant 0 : i32
      %dma_start3A_157 = arith.constant 0 : i32
      %dma_start3A_158 = tpu.memref_slice %arg11[%dma_start3A_155, %dma_start3A_156, %dma_start3A_157] : memref<2x80x160xf32, #tpu.memory_space<vmem>> -> memref<1x80x160xf32, #tpu.memory_space<vmem>>
      %dma_start3A_159 = tpu.memref_squeeze %dma_start3A_158 : memref<1x80x160xf32, #tpu.memory_space<vmem>> -> memref<80x160xf32, #tpu.memory_space<vmem>>
      %dma_start3A_160 = arith.constant 0 : i32
      %dma_start3A_161 = tpu.memref_slice %arg8[%add3A_143, %dma_start3A_160] : memref<125x80xi32, #tpu.memory_space<vmem>> -> memref<1x80xi32, #tpu.memory_space<vmem>>
      %dma_start3A_162 = tpu.memref_squeeze %dma_start3A_161 : memref<1x80xi32, #tpu.memory_space<vmem>> -> memref<80xi32, #tpu.memory_space<vmem>>
      %dma_start3A_163 = arith.constant 0 : i32
      %dma_start3A_164 = arith.constant 0 : i32
      %dma_start3A_165 = tpu.memref_slice %arg5[%dma_start3A_163, %dma_start3A_164] : memref<10000x160xf32, #tpu.memory_space<hbm>> -> memref<10000x160xf32, #tpu.memory_space<hbm>>
      tpu.enqueue_indirect_dma source(%dma_start3A_165 : memref<10000x160xf32, #tpu.memory_space<hbm>>) target(%dma_start3A_159 : memref<80x160xf32, #tpu.memory_space<vmem>>) offsets(%dma_start3A_162 : memref<80xi32, #tpu.memory_space<vmem>>) semaphore(%arg15 : memref<!tpu.dma_semaphore, #tpu.memory_space<semaphore_mem>>)
      %add3A_166 = arith.constant 1 : i32
      %add3A_167 = arith.addi %add3A_92, %add3A_166 : i32
      %dma_wait3A_168 = arith.constant 1 : i32
      %dma_wait3A_169 = arith.constant 0 : i32
      %dma_wait3A_170 = arith.constant 0 : i32
      %dma_wait3A_171 = tpu.memref_slice %arg10[%dma_wait3A_168, %dma_wait3A_169, %dma_wait3A_170] : memref<2x80x80xf32, #tpu.memory_space<vmem>> -> memref<1x80x80xf32, #tpu.memory_space<vmem>>
      %dma_wait3A_172 = tpu.memref_squeeze %dma_wait3A_171 : memref<1x80x80xf32, #tpu.memory_space<vmem>> -> memref<80x80xf32, #tpu.memory_space<vmem>>
      %dma_wait3A_173 = arith.constant 0 : i32
      %dma_wait3A_174 = tpu.memref_slice %arg9[%add3A_167, %dma_wait3A_173] : memref<125x80xi32, #tpu.memory_space<vmem>> -> memref<1x80xi32, #tpu.memory_space<vmem>>
      %dma_wait3A_175 = tpu.memref_squeeze %dma_wait3A_174 : memref<1x80xi32, #tpu.memory_space<vmem>> -> memref<80xi32, #tpu.memory_space<vmem>>
      %dma_wait3A_176 = arith.constant 0 : i32
      %dma_wait3A_177 = arith.constant 0 : i32
      %dma_wait3A_178 = tpu.memref_slice %arg4[%dma_wait3A_176, %dma_wait3A_177] : memref<10000x80xf32, #tpu.memory_space<hbm>> -> memref<10000x80xf32, #tpu.memory_space<hbm>>
      tpu.wait_indirect_dma semaphore(%arg14 : memref<!tpu.dma_semaphore, #tpu.memory_space<semaphore_mem>>) src(%dma_wait3A_178 : memref<10000x80xf32, #tpu.memory_space<hbm>>) dst(%dma_wait3A_172 : memref<80x80xf32, #tpu.memory_space<vmem>>)
      %dma_wait3A_179 = arith.constant 1 : i32
      %dma_wait3A_180 = arith.constant 0 : i32
      %dma_wait3A_181 = arith.constant 0 : i32
      %dma_wait3A_182 = tpu.memref_slice %arg11[%dma_wait3A_179, %dma_wait3A_180, %dma_wait3A_181] : memref<2x80x160xf32, #tpu.memory_space<vmem>> -> memref<1x80x160xf32, #tpu.memory_space<vmem>>
      %dma_wait3A_183 = tpu.memref_squeeze %dma_wait3A_182 : memref<1x80x160xf32, #tpu.memory_space<vmem>> -> memref<80x160xf32, #tpu.memory_space<vmem>>
      %dma_wait3A_184 = arith.constant 0 : i32
      %dma_wait3A_185 = tpu.memref_slice %arg8[%add3A_167, %dma_wait3A_184] : memref<125x80xi32, #tpu.memory_space<vmem>> -> memref<1x80xi32, #tpu.memory_space<vmem>>
      %dma_wait3A_186 = tpu.memref_squeeze %dma_wait3A_185 : memref<1x80xi32, #tpu.memory_space<vmem>> -> memref<80xi32, #tpu.memory_space<vmem>>
      %dma_wait3A_187 = arith.constant 0 : i32
      %dma_wait3A_188 = arith.constant 0 : i32
      %dma_wait3A_189 = tpu.memref_slice %arg5[%dma_wait3A_187, %dma_wait3A_188] : memref<10000x160xf32, #tpu.memory_space<hbm>> -> memref<10000x160xf32, #tpu.memory_space<hbm>>
      tpu.wait_indirect_dma semaphore(%arg15 : memref<!tpu.dma_semaphore, #tpu.memory_space<semaphore_mem>>) src(%dma_wait3A_189 : memref<10000x160xf32, #tpu.memory_space<hbm>>) dst(%dma_wait3A_183 : memref<80x160xf32, #tpu.memory_space<vmem>>)
      %add3A_190 = arith.constant 1 : i32
      %add3A_191 = arith.addi %add3A_92, %add3A_190 : i32
      %parallel_loop3A_192 = arith.constant 0 : i32
      %parallel_loop3A_193 = arith.constant 80 : i32
      %parallel_loop3A_194 = arith.constant 1 : i32
      scf.for %parallel_loop3A_195 = %parallel_loop3A_192 to %parallel_loop3A_193 step %parallel_loop3A_194  : i32 {
        %parallel_loop3A_196 = arith.constant 1 : i32
        %parallel_loop3A_197 = arith.index_cast %parallel_loop3A_196 : i32 to index
        %parallel_loop3A_198 = arith.index_cast %parallel_loop3A_195 : i32 to index
        %parallel_loop3A_199 = arith.constant 0 : index
        %parallel_loop3A_200 = tpu.vector_load %arg10[%parallel_loop3A_197, %parallel_loop3A_198, %parallel_loop3A_199] {strides = array<i32>} : memref<2x80x80xf32, #tpu.memory_space<vmem>>, vector<1x1x16xf32>,
        %parallel_loop3A_201 = vector.shape_cast %parallel_loop3A_200 : vector<1x1x16xf32> to vector<16xf32>
        %parallel_loop3A_202 = arith.constant 1 : i32
        %parallel_loop3A_203 = arith.index_cast %parallel_loop3A_202 : i32 to index
        %parallel_loop3A_204 = arith.index_cast %parallel_loop3A_195 : i32 to index
        %parallel_loop3A_205 = arith.constant 0 : index
        %parallel_loop3A_206 = tpu.vector_load %arg11[%parallel_loop3A_203, %parallel_loop3A_204, %parallel_loop3A_205] {strides = array<i32>} : memref<2x80x160xf32, #tpu.memory_space<vmem>>, vector<1x1x16xf32>,
        %parallel_loop3A_207 = vector.shape_cast %parallel_loop3A_206 : vector<1x1x16xf32> to vector<16xf32>
        %parallel_loop3A_208 = arith.mulf %parallel_loop3A_201, %parallel_loop3A_207 : vector<16xf32>
        %parallel_loop3A_209 = arith.constant 8 : i32
        %parallel_loop3A_210 = vector.broadcast %parallel_loop3A_209 : i32 to vector<16xi32>
        %parallel_loop3A_211 = arith.xori %iota3A, %parallel_loop3A_210 : vector<16xi32>
        %parallel_loop3A_212 = vector.shape_cast %parallel_loop3A_211 : vector<16xi32> to vector<16x1xi32>
        %parallel_loop3A_213 = vector.shape_cast %parallel_loop3A_212 : vector<16x1xi32> to vector<16xi32>
        %parallel_loop3A_214 = tpu.dynamic_gather %parallel_loop3A_208[%parallel_loop3A_213] in [0] : vector<16xf32>, vector<16xi32> -> vector<16xf32>
        %parallel_loop3A_215 = arith.addf %parallel_loop3A_208, %parallel_loop3A_214 : vector<16xf32>
        %parallel_loop3A_216 = arith.constant 4 : i32
        %parallel_loop3A_217 = vector.broadcast %parallel_loop3A_216 : i32 to vector<16xi32>
        %parallel_loop3A_218 = arith.xori %iota3A, %parallel_loop3A_217 : vector<16xi32>
        %parallel_loop3A_219 = vector.shape_cast %parallel_loop3A_218 : vector<16xi32> to vector<16x1xi32>
        %parallel_loop3A_220 = vector.shape_cast %parallel_loop3A_219 : vector<16x1xi32> to vector<16xi32>
        %parallel_loop3A_221 = tpu.dynamic_gather %parallel_loop3A_215[%parallel_loop3A_220] in [0] : vector<16xf32>, vector<16xi32> -> vector<16xf32>
        %parallel_loop3A_222 = arith.addf %parallel_loop3A_215, %parallel_loop3A_221 : vector<16xf32>
        %parallel_loop3A_223 = arith.constant 2 : i32
        %parallel_loop3A_224 = vector.broadcast %parallel_loop3A_223 : i32 to vector<16xi32>
        %parallel_loop3A_225 = arith.xori %iota3A, %parallel_loop3A_224 : vector<16xi32>
        %parallel_loop3A_226 = vector.shape_cast %parallel_loop3A_225 : vector<16xi32> to vector<16x1xi32>
        %parallel_loop3A_227 = vector.shape_cast %parallel_loop3A_226 : vector<16x1xi32> to vector<16xi32>
        %parallel_loop3A_228 = tpu.dynamic_gather %parallel_loop3A_222[%parallel_loop3A_227] in [0] : vector<16xf32>, vector<16xi32> -> vector<16xf32>
        %parallel_loop3A_229 = arith.addf %parallel_loop3A_222, %parallel_loop3A_228 : vector<16xf32>
        %parallel_loop3A_230 = arith.constant 1 : i32
        %parallel_loop3A_231 = vector.broadcast %parallel_loop3A_230 : i32 to vector<16xi32>
        %parallel_loop3A_232 = arith.xori %iota3A, %parallel_loop3A_231 : vector<16xi32>
        %parallel_loop3A_233 = vector.shape_cast %parallel_loop3A_232 : vector<16xi32> to vector<16x1xi32>
        %parallel_loop3A_234 = vector.shape_cast %parallel_loop3A_233 : vector<16x1xi32> to vector<16xi32>
        %parallel_loop3A_235 = tpu.dynamic_gather %parallel_loop3A_229[%parallel_loop3A_234] in [0] : vector<16xf32>, vector<16xi32> -> vector<16xf32>
        %parallel_loop3A_236 = arith.addf %parallel_loop3A_229, %parallel_loop3A_235 : vector<16xf32>
        %parallel_loop3A_237 = math.exp %parallel_loop3A_236 : vector<16xf32>
        %parallel_loop3A_238 = arith.constant 1 : i32
        %parallel_loop3A_239 = arith.index_cast %parallel_loop3A_238 : i32 to index
        %parallel_loop3A_240 = arith.index_cast %parallel_loop3A_195 : i32 to index
        %parallel_loop3A_241 = arith.constant 80 : index
        %parallel_loop3A_242 = tpu.vector_load %arg11[%parallel_loop3A_239, %parallel_loop3A_240, %parallel_loop3A_241] {strides = array<i32>} : memref<2x80x160xf32, #tpu.memory_space<vmem>>, vector<1x1x16xf32>,
        %parallel_loop3A_243 = vector.shape_cast %parallel_loop3A_242 : vector<1x1x16xf32> to vector<16xf32>
        %parallel_loop3A_244 = arith.mulf %parallel_loop3A_237, %parallel_loop3A_243 : vector<16xf32>
        %parallel_loop3A_245 = arith.index_cast %parallel_loop3A_195 : i32 to index
        %parallel_loop3A_246 = arith.constant 0 : index
        %parallel_loop3A_247 = tpu.vector_load %arg12[%parallel_loop3A_245, %parallel_loop3A_246] {strides = array<i32>} : memref<80x96xf32, #tpu.memory_space<vmem>>, vector<1x16xf32>,
        %parallel_loop3A_248 = vector.shape_cast %parallel_loop3A_247 : vector<1x16xf32> to vector<16xf32>
        %parallel_loop3A_249 = vector.shape_cast %parallel_loop3A_244 : vector<16xf32> to vector<1x16xf32>
        tpu.vector_store %arg12[%parallel_loop3A_245, %parallel_loop3A_246], %parallel_loop3A_249 {strides = array<i32>} : memref<80x96xf32, #tpu.memory_space<vmem>>, vector<1x16xf32>,
        %parallel_loop3A_250 = arith.constant 0 : i32
        %parallel_loop3A_251 = vector.broadcast %parallel_loop3A_250 : i32 to vector<16xi32>
        %parallel_loop3A_252 = arith.cmpi eq, %iota3A, %parallel_loop3A_251 : vector<16xi32>
        %parallel_loop3A_253 = arith.select %parallel_loop3A_252, %parallel_loop3A_237, %broadcast_in_dim3A_1 : vector<16xi1>, vector<16xf32>
        %parallel_loop3A_254 = arith.constant 1 : i32
        %parallel_loop3A_255 = arith.index_cast %parallel_loop3A_254 : i32 to index
        %parallel_loop3A_256 = arith.index_cast %parallel_loop3A_195 : i32 to index
        %parallel_loop3A_257 = arith.constant 16 : index
        %parallel_loop3A_258 = tpu.vector_load %arg10[%parallel_loop3A_255, %parallel_loop3A_256, %parallel_loop3A_257] {strides = array<i32>} : memref<2x80x80xf32, #tpu.memory_space<vmem>>, vector<1x1x16xf32>,
        %parallel_loop3A_259 = vector.shape_cast %parallel_loop3A_258 : vector<1x1x16xf32> to vector<16xf32>
        %parallel_loop3A_260 = arith.constant 1 : i32
        %parallel_loop3A_261 = arith.index_cast %parallel_loop3A_260 : i32 to index
        %parallel_loop3A_262 = arith.index_cast %parallel_loop3A_195 : i32 to index
        %parallel_loop3A_263 = arith.constant 16 : index
        %parallel_loop3A_264 = tpu.vector_load %arg11[%parallel_loop3A_261, %parallel_loop3A_262, %parallel_loop3A_263] {strides = array<i32>} : memref<2x80x160xf32, #tpu.memory_space<vmem>>, vector<1x1x16xf32>,
        %parallel_loop3A_265 = vector.shape_cast %parallel_loop3A_264 : vector<1x1x16xf32> to vector<16xf32>
        %parallel_loop3A_266 = arith.mulf %parallel_loop3A_259, %parallel_loop3A_265 : vector<16xf32>
        %parallel_loop3A_267 = arith.constant 8 : i32
        %parallel_loop3A_268 = vector.broadcast %parallel_loop3A_267 : i32 to vector<16xi32>
        %parallel_loop3A_269 = arith.xori %iota3A, %parallel_loop3A_268 : vector<16xi32>
        %parallel_loop3A_270 = vector.shape_cast %parallel_loop3A_269 : vector<16xi32> to vector<16x1xi32>
        %parallel_loop3A_271 = vector.shape_cast %parallel_loop3A_270 : vector<16x1xi32> to vector<16xi32>
        %parallel_loop3A_272 = tpu.dynamic_gather %parallel_loop3A_266[%parallel_loop3A_271] in [0] : vector<16xf32>, vector<16xi32> -> vector<16xf32>
        %parallel_loop3A_273 = arith.addf %parallel_loop3A_266, %parallel_loop3A_272 : vector<16xf32>
        %parallel_loop3A_274 = arith.constant 4 : i32
        %parallel_loop3A_275 = vector.broadcast %parallel_loop3A_274 : i32 to vector<16xi32>
        %parallel_loop3A_276 = arith.xori %iota3A, %parallel_loop3A_275 : vector<16xi32>
        %parallel_loop3A_277 = vector.shape_cast %parallel_loop3A_276 : vector<16xi32> to vector<16x1xi32>
        %parallel_loop3A_278 = vector.shape_cast %parallel_loop3A_277 : vector<16x1xi32> to vector<16xi32>
        %parallel_loop3A_279 = tpu.dynamic_gather %parallel_loop3A_273[%parallel_loop3A_278] in [0] : vector<16xf32>, vector<16xi32> -> vector<16xf32>
        %parallel_loop3A_280 = arith.addf %parallel_loop3A_273, %parallel_loop3A_279 : vector<16xf32>
        %parallel_loop3A_281 = arith.constant 2 : i32
        %parallel_loop3A_282 = vector.broadcast %parallel_loop3A_281 : i32 to vector<16xi32>
        %parallel_loop3A_283 = arith.xori %iota3A, %parallel_loop3A_282 : vector<16xi32>
        %parallel_loop3A_284 = vector.shape_cast %parallel_loop3A_283 : vector<16xi32> to vector<16x1xi32>
        %parallel_loop3A_285 = vector.shape_cast %parallel_loop3A_284 : vector<16x1xi32> to vector<16xi32>
        %parallel_loop3A_286 = tpu.dynamic_gather %parallel_loop3A_280[%parallel_loop3A_285] in [0] : vector<16xf32>, vector<16xi32> -> vector<16xf32>
        %parallel_loop3A_287 = arith.addf %parallel_loop3A_280, %parallel_loop3A_286 : vector<16xf32>
        %parallel_loop3A_288 = arith.constant 1 : i32
        %parallel_loop3A_289 = vector.broadcast %parallel_loop3A_288 : i32 to vector<16xi32>
        %parallel_loop3A_290 = arith.xori %iota3A, %parallel_loop3A_289 : vector<16xi32>
        %parallel_loop3A_291 = vector.shape_cast %parallel_loop3A_290 : vector<16xi32> to vector<16x1xi32>
        %parallel_loop3A_292 = vector.shape_cast %parallel_loop3A_291 : vector<16x1xi32> to vector<16xi32>
        %parallel_loop3A_293 = tpu.dynamic_gather %parallel_loop3A_287[%parallel_loop3A_292] in [0] : vector<16xf32>, vector<16xi32> -> vector<16xf32>
        %parallel_loop3A_294 = arith.addf %parallel_loop3A_287, %parallel_loop3A_293 : vector<16xf32>
        %parallel_loop3A_295 = math.exp %parallel_loop3A_294 : vector<16xf32>
        %parallel_loop3A_296 = arith.constant 1 : i32
        %parallel_loop3A_297 = arith.index_cast %parallel_loop3A_296 : i32 to index
        %parallel_loop3A_298 = arith.index_cast %parallel_loop3A_195 : i32 to index
        %parallel_loop3A_299 = arith.constant 96 : index
        %parallel_loop3A_300 = tpu.vector_load %arg11[%parallel_loop3A_297, %parallel_loop3A_298, %parallel_loop3A_299] {strides = array<i32>} : memref<2x80x160xf32, #tpu.memory_space<vmem>>, vector<1x1x16xf32>,
        %parallel_loop3A_301 = vector.shape_cast %parallel_loop3A_300 : vector<1x1x16xf32> to vector<16xf32>
        %parallel_loop3A_302 = arith.mulf %parallel_loop3A_295, %parallel_loop3A_301 : vector<16xf32>
        %parallel_loop3A_303 = arith.index_cast %parallel_loop3A_195 : i32 to index
        %parallel_loop3A_304 = arith.constant 16 : index
        %parallel_loop3A_305 = tpu.vector_load %arg12[%parallel_loop3A_303, %parallel_loop3A_304] {strides = array<i32>} : memref<80x96xf32, #tpu.memory_space<vmem>>, vector<1x16xf32>,
        %parallel_loop3A_306 = vector.shape_cast %parallel_loop3A_305 : vector<1x16xf32> to vector<16xf32>
        %parallel_loop3A_307 = vector.shape_cast %parallel_loop3A_302 : vector<16xf32> to vector<1x16xf32>
        tpu.vector_store %arg12[%parallel_loop3A_303, %parallel_loop3A_304], %parallel_loop3A_307 {strides = array<i32>} : memref<80x96xf32, #tpu.memory_space<vmem>>, vector<1x16xf32>,
        %parallel_loop3A_308 = arith.constant 1 : i32
        %parallel_loop3A_309 = vector.broadcast %parallel_loop3A_308 : i32 to vector<16xi32>
        %parallel_loop3A_310 = arith.cmpi eq, %iota3A, %parallel_loop3A_309 : vector<16xi32>
        %parallel_loop3A_311 = arith.select %parallel_loop3A_310, %parallel_loop3A_295, %parallel_loop3A_253 : vector<16xi1>, vector<16xf32>
        %parallel_loop3A_312 = arith.constant 1 : i32
        %parallel_loop3A_313 = arith.index_cast %parallel_loop3A_312 : i32 to index
        %parallel_loop3A_314 = arith.index_cast %parallel_loop3A_195 : i32 to index
        %parallel_loop3A_315 = arith.constant 32 : index
        %parallel_loop3A_316 = tpu.vector_load %arg10[%parallel_loop3A_313, %parallel_loop3A_314, %parallel_loop3A_315] {strides = array<i32>} : memref<2x80x80xf32, #tpu.memory_space<vmem>>, vector<1x1x16xf32>,
        %parallel_loop3A_317 = vector.shape_cast %parallel_loop3A_316 : vector<1x1x16xf32> to vector<16xf32>
        %parallel_loop3A_318 = arith.constant 1 : i32
        %parallel_loop3A_319 = arith.index_cast %parallel_loop3A_318 : i32 to index
        %parallel_loop3A_320 = arith.index_cast %parallel_loop3A_195 : i32 to index
        %parallel_loop3A_321 = arith.constant 32 : index
        %parallel_loop3A_322 = tpu.vector_load %arg11[%parallel_loop3A_319, %parallel_loop3A_320, %parallel_loop3A_321] {strides = array<i32>} : memref<2x80x160xf32, #tpu.memory_space<vmem>>, vector<1x1x16xf32>,
        %parallel_loop3A_323 = vector.shape_cast %parallel_loop3A_322 : vector<1x1x16xf32> to vector<16xf32>
        %parallel_loop3A_324 = arith.mulf %parallel_loop3A_317, %parallel_loop3A_323 : vector<16xf32>
        %parallel_loop3A_325 = arith.constant 8 : i32
        %parallel_loop3A_326 = vector.broadcast %parallel_loop3A_325 : i32 to vector<16xi32>
        %parallel_loop3A_327 = arith.xori %iota3A, %parallel_loop3A_326 : vector<16xi32>
        %parallel_loop3A_328 = vector.shape_cast %parallel_loop3A_327 : vector<16xi32> to vector<16x1xi32>
        %parallel_loop3A_329 = vector.shape_cast %parallel_loop3A_328 : vector<16x1xi32> to vector<16xi32>
        %parallel_loop3A_330 = tpu.dynamic_gather %parallel_loop3A_324[%parallel_loop3A_329] in [0] : vector<16xf32>, vector<16xi32> -> vector<16xf32>
        %parallel_loop3A_331 = arith.addf %parallel_loop3A_324, %parallel_loop3A_330 : vector<16xf32>
        %parallel_loop3A_332 = arith.constant 4 : i32
        %parallel_loop3A_333 = vector.broadcast %parallel_loop3A_332 : i32 to vector<16xi32>
        %parallel_loop3A_334 = arith.xori %iota3A, %parallel_loop3A_333 : vector<16xi32>
        %parallel_loop3A_335 = vector.shape_cast %parallel_loop3A_334 : vector<16xi32> to vector<16x1xi32>
        %parallel_loop3A_336 = vector.shape_cast %parallel_loop3A_335 : vector<16x1xi32> to vector<16xi32>
        %parallel_loop3A_337 = tpu.dynamic_gather %parallel_loop3A_331[%parallel_loop3A_336] in [0] : vector<16xf32>, vector<16xi32> -> vector<16xf32>
        %parallel_loop3A_338 = arith.addf %parallel_loop3A_331, %parallel_loop3A_337 : vector<16xf32>
        %parallel_loop3A_339 = arith.constant 2 : i32
        %parallel_loop3A_340 = vector.broadcast %parallel_loop3A_339 : i32 to vector<16xi32>
        %parallel_loop3A_341 = arith.xori %iota3A, %parallel_loop3A_340 : vector<16xi32>
        %parallel_loop3A_342 = vector.shape_cast %parallel_loop3A_341 : vector<16xi32> to vector<16x1xi32>
        %parallel_loop3A_343 = vector.shape_cast %parallel_loop3A_342 : vector<16x1xi32> to vector<16xi32>
        %parallel_loop3A_344 = tpu.dynamic_gather %parallel_loop3A_338[%parallel_loop3A_343] in [0] : vector<16xf32>, vector<16xi32> -> vector<16xf32>
        %parallel_loop3A_345 = arith.addf %parallel_loop3A_338, %parallel_loop3A_344 : vector<16xf32>
        %parallel_loop3A_346 = arith.constant 1 : i32
        %parallel_loop3A_347 = vector.broadcast %parallel_loop3A_346 : i32 to vector<16xi32>
        %parallel_loop3A_348 = arith.xori %iota3A, %parallel_loop3A_347 : vector<16xi32>
        %parallel_loop3A_349 = vector.shape_cast %parallel_loop3A_348 : vector<16xi32> to vector<16x1xi32>
        %parallel_loop3A_350 = vector.shape_cast %parallel_loop3A_349 : vector<16x1xi32> to vector<16xi32>
        %parallel_loop3A_351 = tpu.dynamic_gather %parallel_loop3A_345[%parallel_loop3A_350] in [0] : vector<16xf32>, vector<16xi32> -> vector<16xf32>
        %parallel_loop3A_352 = arith.addf %parallel_loop3A_345, %parallel_loop3A_351 : vector<16xf32>
        %parallel_loop3A_353 = math.exp %parallel_loop3A_352 : vector<16xf32>
        %parallel_loop3A_354 = arith.constant 1 : i32
        %parallel_loop3A_355 = arith.index_cast %parallel_loop3A_354 : i32 to index
        %parallel_loop3A_356 = arith.index_cast %parallel_loop3A_195 : i32 to index
        %parallel_loop3A_357 = arith.constant 112 : index
        %parallel_loop3A_358 = tpu.vector_load %arg11[%parallel_loop3A_355, %parallel_loop3A_356, %parallel_loop3A_357] {strides = array<i32>} : memref<2x80x160xf32, #tpu.memory_space<vmem>>, vector<1x1x16xf32>,
        %parallel_loop3A_359 = vector.shape_cast %parallel_loop3A_358 : vector<1x1x16xf32> to vector<16xf32>
        %parallel_loop3A_360 = arith.mulf %parallel_loop3A_353, %parallel_loop3A_359 : vector<16xf32>
        %parallel_loop3A_361 = arith.index_cast %parallel_loop3A_195 : i32 to index
        %parallel_loop3A_362 = arith.constant 32 : index
        %parallel_loop3A_363 = tpu.vector_load %arg12[%parallel_loop3A_361, %parallel_loop3A_362] {strides = array<i32>} : memref<80x96xf32, #tpu.memory_space<vmem>>, vector<1x16xf32>,
        %parallel_loop3A_364 = vector.shape_cast %parallel_loop3A_363 : vector<1x16xf32> to vector<16xf32>
        %parallel_loop3A_365 = vector.shape_cast %parallel_loop3A_360 : vector<16xf32> to vector<1x16xf32>
        tpu.vector_store %arg12[%parallel_loop3A_361, %parallel_loop3A_362], %parallel_loop3A_365 {strides = array<i32>} : memref<80x96xf32, #tpu.memory_space<vmem>>, vector<1x16xf32>,
        %parallel_loop3A_366 = arith.constant 2 : i32
        %parallel_loop3A_367 = vector.broadcast %parallel_loop3A_366 : i32 to vector<16xi32>
        %parallel_loop3A_368 = arith.cmpi eq, %iota3A, %parallel_loop3A_367 : vector<16xi32>
        %parallel_loop3A_369 = arith.select %parallel_loop3A_368, %parallel_loop3A_353, %parallel_loop3A_311 : vector<16xi1>, vector<16xf32>
        %parallel_loop3A_370 = arith.constant 1 : i32
        %parallel_loop3A_371 = arith.index_cast %parallel_loop3A_370 : i32 to index
        %parallel_loop3A_372 = arith.index_cast %parallel_loop3A_195 : i32 to index
        %parallel_loop3A_373 = arith.constant 48 : index
        %parallel_loop3A_374 = tpu.vector_load %arg10[%parallel_loop3A_371, %parallel_loop3A_372, %parallel_loop3A_373] {strides = array<i32>} : memref<2x80x80xf32, #tpu.memory_space<vmem>>, vector<1x1x16xf32>,
        %parallel_loop3A_375 = vector.shape_cast %parallel_loop3A_374 : vector<1x1x16xf32> to vector<16xf32>
        %parallel_loop3A_376 = arith.constant 1 : i32
        %parallel_loop3A_377 = arith.index_cast %parallel_loop3A_376 : i32 to index
        %parallel_loop3A_378 = arith.index_cast %parallel_loop3A_195 : i32 to index
        %parallel_loop3A_379 = arith.constant 48 : index
        %parallel_loop3A_380 = tpu.vector_load %arg11[%parallel_loop3A_377, %parallel_loop3A_378, %parallel_loop3A_379] {strides = array<i32>} : memref<2x80x160xf32, #tpu.memory_space<vmem>>, vector<1x1x16xf32>,
        %parallel_loop3A_381 = vector.shape_cast %parallel_loop3A_380 : vector<1x1x16xf32> to vector<16xf32>
        %parallel_loop3A_382 = arith.mulf %parallel_loop3A_375, %parallel_loop3A_381 : vector<16xf32>
        %parallel_loop3A_383 = arith.constant 8 : i32
        %parallel_loop3A_384 = vector.broadcast %parallel_loop3A_383 : i32 to vector<16xi32>
        %parallel_loop3A_385 = arith.xori %iota3A, %parallel_loop3A_384 : vector<16xi32>
        %parallel_loop3A_386 = vector.shape_cast %parallel_loop3A_385 : vector<16xi32> to vector<16x1xi32>
        %parallel_loop3A_387 = vector.shape_cast %parallel_loop3A_386 : vector<16x1xi32> to vector<16xi32>
        %parallel_loop3A_388 = tpu.dynamic_gather %parallel_loop3A_382[%parallel_loop3A_387] in [0] : vector<16xf32>, vector<16xi32> -> vector<16xf32>
        %parallel_loop3A_389 = arith.addf %parallel_loop3A_382, %parallel_loop3A_388 : vector<16xf32>
        %parallel_loop3A_390 = arith.constant 4 : i32
        %parallel_loop3A_391 = vector.broadcast %parallel_loop3A_390 : i32 to vector<16xi32>
        %parallel_loop3A_392 = arith.xori %iota3A, %parallel_loop3A_391 : vector<16xi32>
        %parallel_loop3A_393 = vector.shape_cast %parallel_loop3A_392 : vector<16xi32> to vector<16x1xi32>
        %parallel_loop3A_394 = vector.shape_cast %parallel_loop3A_393 : vector<16x1xi32> to vector<16xi32>
        %parallel_loop3A_395 = tpu.dynamic_gather %parallel_loop3A_389[%parallel_loop3A_394] in [0] : vector<16xf32>, vector<16xi32> -> vector<16xf32>
        %parallel_loop3A_396 = arith.addf %parallel_loop3A_389, %parallel_loop3A_395 : vector<16xf32>
        %parallel_loop3A_397 = arith.constant 2 : i32
        %parallel_loop3A_398 = vector.broadcast %parallel_loop3A_397 : i32 to vector<16xi32>
        %parallel_loop3A_399 = arith.xori %iota3A, %parallel_loop3A_398 : vector<16xi32>
        %parallel_loop3A_400 = vector.shape_cast %parallel_loop3A_399 : vector<16xi32> to vector<16x1xi32>
        %parallel_loop3A_401 = vector.shape_cast %parallel_loop3A_400 : vector<16x1xi32> to vector<16xi32>
        %parallel_loop3A_402 = tpu.dynamic_gather %parallel_loop3A_396[%parallel_loop3A_401] in [0] : vector<16xf32>, vector<16xi32> -> vector<16xf32>
        %parallel_loop3A_403 = arith.addf %parallel_loop3A_396, %parallel_loop3A_402 : vector<16xf32>
        %parallel_loop3A_404 = arith.constant 1 : i32
        %parallel_loop3A_405 = vector.broadcast %parallel_loop3A_404 : i32 to vector<16xi32>
        %parallel_loop3A_406 = arith.xori %iota3A, %parallel_loop3A_405 : vector<16xi32>
        %parallel_loop3A_407 = vector.shape_cast %parallel_loop3A_406 : vector<16xi32> to vector<16x1xi32>
        %parallel_loop3A_408 = vector.shape_cast %parallel_loop3A_407 : vector<16x1xi32> to vector<16xi32>
        %parallel_loop3A_409 = tpu.dynamic_gather %parallel_loop3A_403[%parallel_loop3A_408] in [0] : vector<16xf32>, vector<16xi32> -> vector<16xf32>
        %parallel_loop3A_410 = arith.addf %parallel_loop3A_403, %parallel_loop3A_409 : vector<16xf32>
        %parallel_loop3A_411 = math.exp %parallel_loop3A_410 : vector<16xf32>
        %parallel_loop3A_412 = arith.constant 1 : i32
        %parallel_loop3A_413 = arith.index_cast %parallel_loop3A_412 : i32 to index
        %parallel_loop3A_414 = arith.index_cast %parallel_loop3A_195 : i32 to index
        %parallel_loop3A_415 = arith.constant 128 : index
        %parallel_loop3A_416 = tpu.vector_load %arg11[%parallel_loop3A_413, %parallel_loop3A_414, %parallel_loop3A_415] {strides = array<i32>} : memref<2x80x160xf32, #tpu.memory_space<vmem>>, vector<1x1x16xf32>,
        %parallel_loop3A_417 = vector.shape_cast %parallel_loop3A_416 : vector<1x1x16xf32> to vector<16xf32>
        %parallel_loop3A_418 = arith.mulf %parallel_loop3A_411, %parallel_loop3A_417 : vector<16xf32>
        %parallel_loop3A_419 = arith.index_cast %parallel_loop3A_195 : i32 to index
        %parallel_loop3A_420 = arith.constant 48 : index
        %parallel_loop3A_421 = tpu.vector_load %arg12[%parallel_loop3A_419, %parallel_loop3A_420] {strides = array<i32>} : memref<80x96xf32, #tpu.memory_space<vmem>>, vector<1x16xf32>,
        %parallel_loop3A_422 = vector.shape_cast %parallel_loop3A_421 : vector<1x16xf32> to vector<16xf32>
        %parallel_loop3A_423 = vector.shape_cast %parallel_loop3A_418 : vector<16xf32> to vector<1x16xf32>
        tpu.vector_store %arg12[%parallel_loop3A_419, %parallel_loop3A_420], %parallel_loop3A_423 {strides = array<i32>} : memref<80x96xf32, #tpu.memory_space<vmem>>, vector<1x16xf32>,
        %parallel_loop3A_424 = arith.constant 3 : i32
        %parallel_loop3A_425 = vector.broadcast %parallel_loop3A_424 : i32 to vector<16xi32>
        %parallel_loop3A_426 = arith.cmpi eq, %iota3A, %parallel_loop3A_425 : vector<16xi32>
        %parallel_loop3A_427 = arith.select %parallel_loop3A_426, %parallel_loop3A_411, %parallel_loop3A_369 : vector<16xi1>, vector<16xf32>
        %parallel_loop3A_428 = arith.constant 1 : i32
        %parallel_loop3A_429 = arith.index_cast %parallel_loop3A_428 : i32 to index
        %parallel_loop3A_430 = arith.index_cast %parallel_loop3A_195 : i32 to index
        %parallel_loop3A_431 = arith.constant 64 : index
        %parallel_loop3A_432 = tpu.vector_load %arg10[%parallel_loop3A_429, %parallel_loop3A_430, %parallel_loop3A_431] {strides = array<i32>} : memref<2x80x80xf32, #tpu.memory_space<vmem>>, vector<1x1x16xf32>,
        %parallel_loop3A_433 = vector.shape_cast %parallel_loop3A_432 : vector<1x1x16xf32> to vector<16xf32>
        %parallel_loop3A_434 = arith.constant 1 : i32
        %parallel_loop3A_435 = arith.index_cast %parallel_loop3A_434 : i32 to index
        %parallel_loop3A_436 = arith.index_cast %parallel_loop3A_195 : i32 to index
        %parallel_loop3A_437 = arith.constant 64 : index
        %parallel_loop3A_438 = tpu.vector_load %arg11[%parallel_loop3A_435, %parallel_loop3A_436, %parallel_loop3A_437] {strides = array<i32>} : memref<2x80x160xf32, #tpu.memory_space<vmem>>, vector<1x1x16xf32>,
        %parallel_loop3A_439 = vector.shape_cast %parallel_loop3A_438 : vector<1x1x16xf32> to vector<16xf32>
        %parallel_loop3A_440 = arith.mulf %parallel_loop3A_433, %parallel_loop3A_439 : vector<16xf32>
        %parallel_loop3A_441 = arith.constant 8 : i32
        %parallel_loop3A_442 = vector.broadcast %parallel_loop3A_441 : i32 to vector<16xi32>
        %parallel_loop3A_443 = arith.xori %iota3A, %parallel_loop3A_442 : vector<16xi32>
        %parallel_loop3A_444 = vector.shape_cast %parallel_loop3A_443 : vector<16xi32> to vector<16x1xi32>
        %parallel_loop3A_445 = vector.shape_cast %parallel_loop3A_444 : vector<16x1xi32> to vector<16xi32>
        %parallel_loop3A_446 = tpu.dynamic_gather %parallel_loop3A_440[%parallel_loop3A_445] in [0] : vector<16xf32>, vector<16xi32> -> vector<16xf32>
        %parallel_loop3A_447 = arith.addf %parallel_loop3A_440, %parallel_loop3A_446 : vector<16xf32>
        %parallel_loop3A_448 = arith.constant 4 : i32
        %parallel_loop3A_449 = vector.broadcast %parallel_loop3A_448 : i32 to vector<16xi32>
        %parallel_loop3A_450 = arith.xori %iota3A, %parallel_loop3A_449 : vector<16xi32>
        %parallel_loop3A_451 = vector.shape_cast %parallel_loop3A_450 : vector<16xi32> to vector<16x1xi32>
        %parallel_loop3A_452 = vector.shape_cast %parallel_loop3A_451 : vector<16x1xi32> to vector<16xi32>
        %parallel_loop3A_453 = tpu.dynamic_gather %parallel_loop3A_447[%parallel_loop3A_452] in [0] : vector<16xf32>, vector<16xi32> -> vector<16xf32>
        %parallel_loop3A_454 = arith.addf %parallel_loop3A_447, %parallel_loop3A_453 : vector<16xf32>
        %parallel_loop3A_455 = arith.constant 2 : i32
        %parallel_loop3A_456 = vector.broadcast %parallel_loop3A_455 : i32 to vector<16xi32>
        %parallel_loop3A_457 = arith.xori %iota3A, %parallel_loop3A_456 : vector<16xi32>
        %parallel_loop3A_458 = vector.shape_cast %parallel_loop3A_457 : vector<16xi32> to vector<16x1xi32>
        %parallel_loop3A_459 = vector.shape_cast %parallel_loop3A_458 : vector<16x1xi32> to vector<16xi32>
        %parallel_loop3A_460 = tpu.dynamic_gather %parallel_loop3A_454[%parallel_loop3A_459] in [0] : vector<16xf32>, vector<16xi32> -> vector<16xf32>
        %parallel_loop3A_461 = arith.addf %parallel_loop3A_454, %parallel_loop3A_460 : vector<16xf32>
        %parallel_loop3A_462 = arith.constant 1 : i32
        %parallel_loop3A_463 = vector.broadcast %parallel_loop3A_462 : i32 to vector<16xi32>
        %parallel_loop3A_464 = arith.xori %iota3A, %parallel_loop3A_463 : vector<16xi32>
        %parallel_loop3A_465 = vector.shape_cast %parallel_loop3A_464 : vector<16xi32> to vector<16x1xi32>
        %parallel_loop3A_466 = vector.shape_cast %parallel_loop3A_465 : vector<16x1xi32> to vector<16xi32>
        %parallel_loop3A_467 = tpu.dynamic_gather %parallel_loop3A_461[%parallel_loop3A_466] in [0] : vector<16xf32>, vector<16xi32> -> vector<16xf32>
        %parallel_loop3A_468 = arith.addf %parallel_loop3A_461, %parallel_loop3A_467 : vector<16xf32>
        %parallel_loop3A_469 = math.exp %parallel_loop3A_468 : vector<16xf32>
        %parallel_loop3A_470 = arith.constant 1 : i32
        %parallel_loop3A_471 = arith.index_cast %parallel_loop3A_470 : i32 to index
        %parallel_loop3A_472 = arith.index_cast %parallel_loop3A_195 : i32 to index
        %parallel_loop3A_473 = arith.constant 144 : index
        %parallel_loop3A_474 = tpu.vector_load %arg11[%parallel_loop3A_471, %parallel_loop3A_472, %parallel_loop3A_473] {strides = array<i32>} : memref<2x80x160xf32, #tpu.memory_space<vmem>>, vector<1x1x16xf32>,
        %parallel_loop3A_475 = vector.shape_cast %parallel_loop3A_474 : vector<1x1x16xf32> to vector<16xf32>
        %parallel_loop3A_476 = arith.mulf %parallel_loop3A_469, %parallel_loop3A_475 : vector<16xf32>
        %parallel_loop3A_477 = arith.index_cast %parallel_loop3A_195 : i32 to index
        %parallel_loop3A_478 = arith.constant 64 : index
        %parallel_loop3A_479 = tpu.vector_load %arg12[%parallel_loop3A_477, %parallel_loop3A_478] {strides = array<i32>} : memref<80x96xf32, #tpu.memory_space<vmem>>, vector<1x16xf32>,
        %parallel_loop3A_480 = vector.shape_cast %parallel_loop3A_479 : vector<1x16xf32> to vector<16xf32>
        %parallel_loop3A_481 = vector.shape_cast %parallel_loop3A_476 : vector<16xf32> to vector<1x16xf32>
        tpu.vector_store %arg12[%parallel_loop3A_477, %parallel_loop3A_478], %parallel_loop3A_481 {strides = array<i32>} : memref<80x96xf32, #tpu.memory_space<vmem>>, vector<1x16xf32>,
        %parallel_loop3A_482 = arith.constant 4 : i32
        %parallel_loop3A_483 = vector.broadcast %parallel_loop3A_482 : i32 to vector<16xi32>
        %parallel_loop3A_484 = arith.cmpi eq, %iota3A, %parallel_loop3A_483 : vector<16xi32>
        %parallel_loop3A_485 = arith.select %parallel_loop3A_484, %parallel_loop3A_469, %parallel_loop3A_427 : vector<16xi1>, vector<16xf32>
        %parallel_loop3A_486 = arith.index_cast %parallel_loop3A_195 : i32 to index
        %parallel_loop3A_487 = arith.constant 80 : index
        %parallel_loop3A_488 = tpu.vector_load %arg12[%parallel_loop3A_486, %parallel_loop3A_487] {strides = array<i32>} : memref<80x96xf32, #tpu.memory_space<vmem>>, vector<1x16xf32>,
        %parallel_loop3A_489 = vector.shape_cast %parallel_loop3A_488 : vector<1x16xf32> to vector<16xf32>
        %parallel_loop3A_490 = vector.shape_cast %parallel_loop3A_485 : vector<16xf32> to vector<1x16xf32>
        tpu.vector_store %arg12[%parallel_loop3A_486, %parallel_loop3A_487], %parallel_loop3A_490 {strides = array<i32>} : memref<80x96xf32, #tpu.memory_space<vmem>>, vector<1x16xf32>,
      } {sc.loop_unroll_factor = 4 : i64, sc.parallel_access}
      "tpu.region"() ({
        %run_scoped3A_195 = tpu.sem_alloc : memref<!tpu.dma_semaphore, #tpu.memory_space<semaphore_mem>>
        %dma_start3A_196 = arith.constant 0 : i32
        %dma_start3A_197 = tpu.memref_slice %arg9[%add3A_191, %dma_start3A_196] : memref<125x80xi32, #tpu.memory_space<vmem>> -> memref<1x80xi32, #tpu.memory_space<vmem>>
        %dma_start3A_198 = tpu.memref_squeeze %dma_start3A_197 : memref<1x80xi32, #tpu.memory_space<vmem>> -> memref<80xi32, #tpu.memory_space<vmem>>
        %dma_start3A_199 = arith.constant 0 : i32
        %dma_start3A_200 = arith.constant 0 : i32
        %dma_start3A_201 = tpu.memref_slice %arg13[%dma_start3A_199, %dma_start3A_200] : memref<10112x96xf32, #tpu.memory_space<vmem_shared>> -> memref<10112x96xf32, #tpu.memory_space<vmem_shared>>
        tpu.enqueue_indirect_dma source(%arg12 : memref<80x96xf32, #tpu.memory_space<vmem>>) target(%dma_start3A_201 : memref<10112x96xf32, #tpu.memory_space<vmem_shared>>) offsets(%dma_start3A_198 : memref<80xi32, #tpu.memory_space<vmem>>) semaphore(%run_scoped3A_195 : memref<!tpu.dma_semaphore, #tpu.memory_space<semaphore_mem>>) {add = true}
        %dma_wait3A_202 = arith.constant 0 : i32
        %dma_wait3A_203 = tpu.memref_slice %arg9[%add3A_191, %dma_wait3A_202] : memref<125x80xi32, #tpu.memory_space<vmem>> -> memref<1x80xi32, #tpu.memory_space<vmem>>
        %dma_wait3A_204 = tpu.memref_squeeze %dma_wait3A_203 : memref<1x80xi32, #tpu.memory_space<vmem>> -> memref<80xi32, #tpu.memory_space<vmem>>
        %dma_wait3A_205 = arith.constant 0 : i32
        %dma_wait3A_206 = arith.constant 0 : i32
        %dma_wait3A_207 = tpu.memref_slice %arg13[%dma_wait3A_205, %dma_wait3A_206] : memref<10112x96xf32, #tpu.memory_space<vmem_shared>> -> memref<10112x96xf32, #tpu.memory_space<vmem_shared>>
        tpu.wait_indirect_dma semaphore(%run_scoped3A_195 : memref<!tpu.dma_semaphore, #tpu.memory_space<semaphore_mem>>) src(%arg12 : memref<80x96xf32, #tpu.memory_space<vmem>>) dst(%dma_wait3A_207 : memref<10112x96xf32, #tpu.memory_space<vmem_shared>>)
        tpu.yield
      }) : () -> ()
    }
    %scan3A_54 = arith.constant 62 : i32
    %dma_wait3A = arith.constant 124 : i32
    %dma_wait3A_55 = arith.constant 0 : i32
    %dma_wait3A_56 = arith.constant 0 : i32
    %dma_wait3A_57 = arith.constant 0 : i32
    %dma_wait3A_58 = tpu.memref_slice %arg10[%dma_wait3A_55, %dma_wait3A_56, %dma_wait3A_57] : memref<2x80x80xf32, #tpu.memory_space<vmem>> -> memref<1x80x80xf32, #tpu.memory_space<vmem>>
    %dma_wait3A_59 = tpu.memref_squeeze %dma_wait3A_58 : memref<1x80x80xf32, #tpu.memory_space<vmem>> -> memref<80x80xf32, #tpu.memory_space<vmem>>
    %dma_wait3A_60 = arith.constant 0 : i32
    %dma_wait3A_61 = tpu.memref_slice %arg9[%dma_wait3A, %dma_wait3A_60] : memref<125x80xi32, #tpu.memory_space<vmem>> -> memref<1x80xi32, #tpu.memory_space<vmem>>
    %dma_wait3A_62 = tpu.memref_squeeze %dma_wait3A_61 : memref<1x80xi32, #tpu.memory_space<vmem>> -> memref<80xi32, #tpu.memory_space<vmem>>
    %dma_wait3A_63 = arith.constant 0 : i32
    %dma_wait3A_64 = arith.constant 0 : i32
    %dma_wait3A_65 = tpu.memref_slice %arg4[%dma_wait3A_63, %dma_wait3A_64] : memref<10000x80xf32, #tpu.memory_space<hbm>> -> memref<10000x80xf32, #tpu.memory_space<hbm>>
    tpu.wait_indirect_dma semaphore(%arg14 : memref<!tpu.dma_semaphore, #tpu.memory_space<semaphore_mem>>) src(%dma_wait3A_65 : memref<10000x80xf32, #tpu.memory_space<hbm>>) dst(%dma_wait3A_59 : memref<80x80xf32, #tpu.memory_space<vmem>>)
    %dma_wait3A_66 = arith.constant 124 : i32
    %dma_wait3A_67 = arith.constant 0 : i32
    %dma_wait3A_68 = arith.constant 0 : i32
    %dma_wait3A_69 = arith.constant 0 : i32
    %dma_wait3A_70 = tpu.memref_slice %arg11[%dma_wait3A_67, %dma_wait3A_68, %dma_wait3A_69] : memref<2x80x160xf32, #tpu.memory_space<vmem>> -> memref<1x80x160xf32, #tpu.memory_space<vmem>>
    %dma_wait3A_71 = tpu.memref_squeeze %dma_wait3A_70 : memref<1x80x160xf32, #tpu.memory_space<vmem>> -> memref<80x160xf32, #tpu.memory_space<vmem>>
    %dma_wait3A_72 = arith.constant 0 : i32
    %dma_wait3A_73 = tpu.memref_slice %arg8[%dma_wait3A_66, %dma_wait3A_72] : memref<125x80xi32, #tpu.memory_space<vmem>> -> memref<1x80xi32, #tpu.memory_space<vmem>>
    %dma_wait3A_74 = tpu.memref_squeeze %dma_wait3A_73 : memref<1x80xi32, #tpu.memory_space<vmem>> -> memref<80xi32, #tpu.memory_space<vmem>>
    %dma_wait3A_75 = arith.constant 0 : i32
    %dma_wait3A_76 = arith.constant 0 : i32
    %dma_wait3A_77 = tpu.memref_slice %arg5[%dma_wait3A_75, %dma_wait3A_76] : memref<10000x160xf32, #tpu.memory_space<hbm>> -> memref<10000x160xf32, #tpu.memory_space<hbm>>
    tpu.wait_indirect_dma semaphore(%arg15 : memref<!tpu.dma_semaphore, #tpu.memory_space<semaphore_mem>>) src(%dma_wait3A_77 : memref<10000x160xf32, #tpu.memory_space<hbm>>) dst(%dma_wait3A_71 : memref<80x160xf32, #tpu.memory_space<vmem>>)
    %parallel_loop3A = arith.constant 0 : i32
    %parallel_loop3A_78 = arith.constant 80 : i32
    %parallel_loop3A_79 = arith.constant 1 : i32
    scf.for %parallel_loop3A_88 = %parallel_loop3A to %parallel_loop3A_78 step %parallel_loop3A_79  : i32 {
      %parallel_loop3A_89 = arith.constant 0 : i32
      %parallel_loop3A_90 = arith.index_cast %parallel_loop3A_89 : i32 to index
      %parallel_loop3A_91 = arith.index_cast %parallel_loop3A_88 : i32 to index
      %parallel_loop3A_92 = arith.constant 0 : index
      %parallel_loop3A_93 = tpu.vector_load %arg10[%parallel_loop3A_90, %parallel_loop3A_91, %parallel_loop3A_92] {strides = array<i32>} : memref<2x80x80xf32, #tpu.memory_space<vmem>>, vector<1x1x16xf32>,
      %parallel_loop3A_94 = vector.shape_cast %parallel_loop3A_93 : vector<1x1x16xf32> to vector<16xf32>
      %parallel_loop3A_95 = arith.constant 0 : i32
      %parallel_loop3A_96 = arith.index_cast %parallel_loop3A_95 : i32 to index
      %parallel_loop3A_97 = arith.index_cast %parallel_loop3A_88 : i32 to index
      %parallel_loop3A_98 = arith.constant 0 : index
      %parallel_loop3A_99 = tpu.vector_load %arg11[%parallel_loop3A_96, %parallel_loop3A_97, %parallel_loop3A_98] {strides = array<i32>} : memref<2x80x160xf32, #tpu.memory_space<vmem>>, vector<1x1x16xf32>,
      %parallel_loop3A_100 = vector.shape_cast %parallel_loop3A_99 : vector<1x1x16xf32> to vector<16xf32>
      %parallel_loop3A_101 = arith.mulf %parallel_loop3A_94, %parallel_loop3A_100 : vector<16xf32>
      %parallel_loop3A_102 = arith.constant 8 : i32
      %parallel_loop3A_103 = vector.broadcast %parallel_loop3A_102 : i32 to vector<16xi32>
      %parallel_loop3A_104 = arith.xori %iota3A, %parallel_loop3A_103 : vector<16xi32>
      %parallel_loop3A_105 = vector.shape_cast %parallel_loop3A_104 : vector<16xi32> to vector<16x1xi32>
      %parallel_loop3A_106 = vector.shape_cast %parallel_loop3A_105 : vector<16x1xi32> to vector<16xi32>
      %parallel_loop3A_107 = tpu.dynamic_gather %parallel_loop3A_101[%parallel_loop3A_106] in [0] : vector<16xf32>, vector<16xi32> -> vector<16xf32>
      %parallel_loop3A_108 = arith.addf %parallel_loop3A_101, %parallel_loop3A_107 : vector<16xf32>
      %parallel_loop3A_109 = arith.constant 4 : i32
      %parallel_loop3A_110 = vector.broadcast %parallel_loop3A_109 : i32 to vector<16xi32>
      %parallel_loop3A_111 = arith.xori %iota3A, %parallel_loop3A_110 : vector<16xi32>
      %parallel_loop3A_112 = vector.shape_cast %parallel_loop3A_111 : vector<16xi32> to vector<16x1xi32>
      %parallel_loop3A_113 = vector.shape_cast %parallel_loop3A_112 : vector<16x1xi32> to vector<16xi32>
      %parallel_loop3A_114 = tpu.dynamic_gather %parallel_loop3A_108[%parallel_loop3A_113] in [0] : vector<16xf32>, vector<16xi32> -> vector<16xf32>
      %parallel_loop3A_115 = arith.addf %parallel_loop3A_108, %parallel_loop3A_114 : vector<16xf32>
      %parallel_loop3A_116 = arith.constant 2 : i32
      %parallel_loop3A_117 = vector.broadcast %parallel_loop3A_116 : i32 to vector<16xi32>
      %parallel_loop3A_118 = arith.xori %iota3A, %parallel_loop3A_117 : vector<16xi32>
      %parallel_loop3A_119 = vector.shape_cast %parallel_loop3A_118 : vector<16xi32> to vector<16x1xi32>
      %parallel_loop3A_120 = vector.shape_cast %parallel_loop3A_119 : vector<16x1xi32> to vector<16xi32>
      %parallel_loop3A_121 = tpu.dynamic_gather %parallel_loop3A_115[%parallel_loop3A_120] in [0] : vector<16xf32>, vector<16xi32> -> vector<16xf32>
      %parallel_loop3A_122 = arith.addf %parallel_loop3A_115, %parallel_loop3A_121 : vector<16xf32>
      %parallel_loop3A_123 = arith.constant 1 : i32
      %parallel_loop3A_124 = vector.broadcast %parallel_loop3A_123 : i32 to vector<16xi32>
      %parallel_loop3A_125 = arith.xori %iota3A, %parallel_loop3A_124 : vector<16xi32>
      %parallel_loop3A_126 = vector.shape_cast %parallel_loop3A_125 : vector<16xi32> to vector<16x1xi32>
      %parallel_loop3A_127 = vector.shape_cast %parallel_loop3A_126 : vector<16x1xi32> to vector<16xi32>
      %parallel_loop3A_128 = tpu.dynamic_gather %parallel_loop3A_122[%parallel_loop3A_127] in [0] : vector<16xf32>, vector<16xi32> -> vector<16xf32>
      %parallel_loop3A_129 = arith.addf %parallel_loop3A_122, %parallel_loop3A_128 : vector<16xf32>
      %parallel_loop3A_130 = math.exp %parallel_loop3A_129 : vector<16xf32>
      %parallel_loop3A_131 = arith.constant 0 : i32
      %parallel_loop3A_132 = arith.index_cast %parallel_loop3A_131 : i32 to index
      %parallel_loop3A_133 = arith.index_cast %parallel_loop3A_88 : i32 to index
      %parallel_loop3A_134 = arith.constant 80 : index
      %parallel_loop3A_135 = tpu.vector_load %arg11[%parallel_loop3A_132, %parallel_loop3A_133, %parallel_loop3A_134] {strides = array<i32>} : memref<2x80x160xf32, #tpu.memory_space<vmem>>, vector<1x1x16xf32>,
      %parallel_loop3A_136 = vector.shape_cast %parallel_loop3A_135 : vector<1x1x16xf32> to vector<16xf32>
      %parallel_loop3A_137 = arith.mulf %parallel_loop3A_130, %parallel_loop3A_136 : vector<16xf32>
      %parallel_loop3A_138 = arith.index_cast %parallel_loop3A_88 : i32 to index
      %parallel_loop3A_139 = arith.constant 0 : index
      %parallel_loop3A_140 = tpu.vector_load %arg12[%parallel_loop3A_138, %parallel_loop3A_139] {strides = array<i32>} : memref<80x96xf32, #tpu.memory_space<vmem>>, vector<1x16xf32>,
      %parallel_loop3A_141 = vector.shape_cast %parallel_loop3A_140 : vector<1x16xf32> to vector<16xf32>
      %parallel_loop3A_142 = vector.shape_cast %parallel_loop3A_137 : vector<16xf32> to vector<1x16xf32>
      tpu.vector_store %arg12[%parallel_loop3A_138, %parallel_loop3A_139], %parallel_loop3A_142 {strides = array<i32>} : memref<80x96xf32, #tpu.memory_space<vmem>>, vector<1x16xf32>,
      %parallel_loop3A_143 = arith.constant 0 : i32
      %parallel_loop3A_144 = vector.broadcast %parallel_loop3A_143 : i32 to vector<16xi32>
      %parallel_loop3A_145 = arith.cmpi eq, %iota3A, %parallel_loop3A_144 : vector<16xi32>
      %parallel_loop3A_146 = arith.select %parallel_loop3A_145, %parallel_loop3A_130, %broadcast_in_dim3A_1 : vector<16xi1>, vector<16xf32>
      %parallel_loop3A_147 = arith.constant 0 : i32
      %parallel_loop3A_148 = arith.index_cast %parallel_loop3A_147 : i32 to index
      %parallel_loop3A_149 = arith.index_cast %parallel_loop3A_88 : i32 to index
      %parallel_loop3A_150 = arith.constant 16 : index
      %parallel_loop3A_151 = tpu.vector_load %arg10[%parallel_loop3A_148, %parallel_loop3A_149, %parallel_loop3A_150] {strides = array<i32>} : memref<2x80x80xf32, #tpu.memory_space<vmem>>, vector<1x1x16xf32>,
      %parallel_loop3A_152 = vector.shape_cast %parallel_loop3A_151 : vector<1x1x16xf32> to vector<16xf32>
      %parallel_loop3A_153 = arith.constant 0 : i32
      %parallel_loop3A_154 = arith.index_cast %parallel_loop3A_153 : i32 to index
      %parallel_loop3A_155 = arith.index_cast %parallel_loop3A_88 : i32 to index
      %parallel_loop3A_156 = arith.constant 16 : index
      %parallel_loop3A_157 = tpu.vector_load %arg11[%parallel_loop3A_154, %parallel_loop3A_155, %parallel_loop3A_156] {strides = array<i32>} : memref<2x80x160xf32, #tpu.memory_space<vmem>>, vector<1x1x16xf32>,
      %parallel_loop3A_158 = vector.shape_cast %parallel_loop3A_157 : vector<1x1x16xf32> to vector<16xf32>
      %parallel_loop3A_159 = arith.mulf %parallel_loop3A_152, %parallel_loop3A_158 : vector<16xf32>
      %parallel_loop3A_160 = arith.constant 8 : i32
      %parallel_loop3A_161 = vector.broadcast %parallel_loop3A_160 : i32 to vector<16xi32>
      %parallel_loop3A_162 = arith.xori %iota3A, %parallel_loop3A_161 : vector<16xi32>
      %parallel_loop3A_163 = vector.shape_cast %parallel_loop3A_162 : vector<16xi32> to vector<16x1xi32>
      %parallel_loop3A_164 = vector.shape_cast %parallel_loop3A_163 : vector<16x1xi32> to vector<16xi32>
      %parallel_loop3A_165 = tpu.dynamic_gather %parallel_loop3A_159[%parallel_loop3A_164] in [0] : vector<16xf32>, vector<16xi32> -> vector<16xf32>
      %parallel_loop3A_166 = arith.addf %parallel_loop3A_159, %parallel_loop3A_165 : vector<16xf32>
      %parallel_loop3A_167 = arith.constant 4 : i32
      %parallel_loop3A_168 = vector.broadcast %parallel_loop3A_167 : i32 to vector<16xi32>
      %parallel_loop3A_169 = arith.xori %iota3A, %parallel_loop3A_168 : vector<16xi32>
      %parallel_loop3A_170 = vector.shape_cast %parallel_loop3A_169 : vector<16xi32> to vector<16x1xi32>
      %parallel_loop3A_171 = vector.shape_cast %parallel_loop3A_170 : vector<16x1xi32> to vector<16xi32>
      %parallel_loop3A_172 = tpu.dynamic_gather %parallel_loop3A_166[%parallel_loop3A_171] in [0] : vector<16xf32>, vector<16xi32> -> vector<16xf32>
      %parallel_loop3A_173 = arith.addf %parallel_loop3A_166, %parallel_loop3A_172 : vector<16xf32>
      %parallel_loop3A_174 = arith.constant 2 : i32
      %parallel_loop3A_175 = vector.broadcast %parallel_loop3A_174 : i32 to vector<16xi32>
      %parallel_loop3A_176 = arith.xori %iota3A, %parallel_loop3A_175 : vector<16xi32>
      %parallel_loop3A_177 = vector.shape_cast %parallel_loop3A_176 : vector<16xi32> to vector<16x1xi32>
      %parallel_loop3A_178 = vector.shape_cast %parallel_loop3A_177 : vector<16x1xi32> to vector<16xi32>
      %parallel_loop3A_179 = tpu.dynamic_gather %parallel_loop3A_173[%parallel_loop3A_178] in [0] : vector<16xf32>, vector<16xi32> -> vector<16xf32>
      %parallel_loop3A_180 = arith.addf %parallel_loop3A_173, %parallel_loop3A_179 : vector<16xf32>
      %parallel_loop3A_181 = arith.constant 1 : i32
      %parallel_loop3A_182 = vector.broadcast %parallel_loop3A_181 : i32 to vector<16xi32>
      %parallel_loop3A_183 = arith.xori %iota3A, %parallel_loop3A_182 : vector<16xi32>
      %parallel_loop3A_184 = vector.shape_cast %parallel_loop3A_183 : vector<16xi32> to vector<16x1xi32>
      %parallel_loop3A_185 = vector.shape_cast %parallel_loop3A_184 : vector<16x1xi32> to vector<16xi32>
      %parallel_loop3A_186 = tpu.dynamic_gather %parallel_loop3A_180[%parallel_loop3A_185] in [0] : vector<16xf32>, vector<16xi32> -> vector<16xf32>
      %parallel_loop3A_187 = arith.addf %parallel_loop3A_180, %parallel_loop3A_186 : vector<16xf32>
      %parallel_loop3A_188 = math.exp %parallel_loop3A_187 : vector<16xf32>
      %parallel_loop3A_189 = arith.constant 0 : i32
      %parallel_loop3A_190 = arith.index_cast %parallel_loop3A_189 : i32 to index
      %parallel_loop3A_191 = arith.index_cast %parallel_loop3A_88 : i32 to index
      %parallel_loop3A_192 = arith.constant 96 : index
      %parallel_loop3A_193 = tpu.vector_load %arg11[%parallel_loop3A_190, %parallel_loop3A_191, %parallel_loop3A_192] {strides = array<i32>} : memref<2x80x160xf32, #tpu.memory_space<vmem>>, vector<1x1x16xf32>,
      %parallel_loop3A_194 = vector.shape_cast %parallel_loop3A_193 : vector<1x1x16xf32> to vector<16xf32>
      %parallel_loop3A_195 = arith.mulf %parallel_loop3A_188, %parallel_loop3A_194 : vector<16xf32>
      %parallel_loop3A_196 = arith.index_cast %parallel_loop3A_88 : i32 to index
      %parallel_loop3A_197 = arith.constant 16 : index
      %parallel_loop3A_198 = tpu.vector_load %arg12[%parallel_loop3A_196, %parallel_loop3A_197] {strides = array<i32>} : memref<80x96xf32, #tpu.memory_space<vmem>>, vector<1x16xf32>,
      %parallel_loop3A_199 = vector.shape_cast %parallel_loop3A_198 : vector<1x16xf32> to vector<16xf32>
      %parallel_loop3A_200 = vector.shape_cast %parallel_loop3A_195 : vector<16xf32> to vector<1x16xf32>
      tpu.vector_store %arg12[%parallel_loop3A_196, %parallel_loop3A_197], %parallel_loop3A_200 {strides = array<i32>} : memref<80x96xf32, #tpu.memory_space<vmem>>, vector<1x16xf32>,
      %parallel_loop3A_201 = arith.constant 1 : i32
      %parallel_loop3A_202 = vector.broadcast %parallel_loop3A_201 : i32 to vector<16xi32>
      %parallel_loop3A_203 = arith.cmpi eq, %iota3A, %parallel_loop3A_202 : vector<16xi32>
      %parallel_loop3A_204 = arith.select %parallel_loop3A_203, %parallel_loop3A_188, %parallel_loop3A_146 : vector<16xi1>, vector<16xf32>
      %parallel_loop3A_205 = arith.constant 0 : i32
      %parallel_loop3A_206 = arith.index_cast %parallel_loop3A_205 : i32 to index
      %parallel_loop3A_207 = arith.index_cast %parallel_loop3A_88 : i32 to index
      %parallel_loop3A_208 = arith.constant 32 : index
      %parallel_loop3A_209 = tpu.vector_load %arg10[%parallel_loop3A_206, %parallel_loop3A_207, %parallel_loop3A_208] {strides = array<i32>} : memref<2x80x80xf32, #tpu.memory_space<vmem>>, vector<1x1x16xf32>,
      %parallel_loop3A_210 = vector.shape_cast %parallel_loop3A_209 : vector<1x1x16xf32> to vector<16xf32>
      %parallel_loop3A_211 = arith.constant 0 : i32
      %parallel_loop3A_212 = arith.index_cast %parallel_loop3A_211 : i32 to index
      %parallel_loop3A_213 = arith.index_cast %parallel_loop3A_88 : i32 to index
      %parallel_loop3A_214 = arith.constant 32 : index
      %parallel_loop3A_215 = tpu.vector_load %arg11[%parallel_loop3A_212, %parallel_loop3A_213, %parallel_loop3A_214] {strides = array<i32>} : memref<2x80x160xf32, #tpu.memory_space<vmem>>, vector<1x1x16xf32>,
      %parallel_loop3A_216 = vector.shape_cast %parallel_loop3A_215 : vector<1x1x16xf32> to vector<16xf32>
      %parallel_loop3A_217 = arith.mulf %parallel_loop3A_210, %parallel_loop3A_216 : vector<16xf32>
      %parallel_loop3A_218 = arith.constant 8 : i32
      %parallel_loop3A_219 = vector.broadcast %parallel_loop3A_218 : i32 to vector<16xi32>
      %parallel_loop3A_220 = arith.xori %iota3A, %parallel_loop3A_219 : vector<16xi32>
      %parallel_loop3A_221 = vector.shape_cast %parallel_loop3A_220 : vector<16xi32> to vector<16x1xi32>
      %parallel_loop3A_222 = vector.shape_cast %parallel_loop3A_221 : vector<16x1xi32> to vector<16xi32>
      %parallel_loop3A_223 = tpu.dynamic_gather %parallel_loop3A_217[%parallel_loop3A_222] in [0] : vector<16xf32>, vector<16xi32> -> vector<16xf32>
      %parallel_loop3A_224 = arith.addf %parallel_loop3A_217, %parallel_loop3A_223 : vector<16xf32>
      %parallel_loop3A_225 = arith.constant 4 : i32
      %parallel_loop3A_226 = vector.broadcast %parallel_loop3A_225 : i32 to vector<16xi32>
      %parallel_loop3A_227 = arith.xori %iota3A, %parallel_loop3A_226 : vector<16xi32>
      %parallel_loop3A_228 = vector.shape_cast %parallel_loop3A_227 : vector<16xi32> to vector<16x1xi32>
      %parallel_loop3A_229 = vector.shape_cast %parallel_loop3A_228 : vector<16x1xi32> to vector<16xi32>
      %parallel_loop3A_230 = tpu.dynamic_gather %parallel_loop3A_224[%parallel_loop3A_229] in [0] : vector<16xf32>, vector<16xi32> -> vector<16xf32>
      %parallel_loop3A_231 = arith.addf %parallel_loop3A_224, %parallel_loop3A_230 : vector<16xf32>
      %parallel_loop3A_232 = arith.constant 2 : i32
      %parallel_loop3A_233 = vector.broadcast %parallel_loop3A_232 : i32 to vector<16xi32>
      %parallel_loop3A_234 = arith.xori %iota3A, %parallel_loop3A_233 : vector<16xi32>
      %parallel_loop3A_235 = vector.shape_cast %parallel_loop3A_234 : vector<16xi32> to vector<16x1xi32>
      %parallel_loop3A_236 = vector.shape_cast %parallel_loop3A_235 : vector<16x1xi32> to vector<16xi32>
      %parallel_loop3A_237 = tpu.dynamic_gather %parallel_loop3A_231[%parallel_loop3A_236] in [0] : vector<16xf32>, vector<16xi32> -> vector<16xf32>
      %parallel_loop3A_238 = arith.addf %parallel_loop3A_231, %parallel_loop3A_237 : vector<16xf32>
      %parallel_loop3A_239 = arith.constant 1 : i32
      %parallel_loop3A_240 = vector.broadcast %parallel_loop3A_239 : i32 to vector<16xi32>
      %parallel_loop3A_241 = arith.xori %iota3A, %parallel_loop3A_240 : vector<16xi32>
      %parallel_loop3A_242 = vector.shape_cast %parallel_loop3A_241 : vector<16xi32> to vector<16x1xi32>
      %parallel_loop3A_243 = vector.shape_cast %parallel_loop3A_242 : vector<16x1xi32> to vector<16xi32>
      %parallel_loop3A_244 = tpu.dynamic_gather %parallel_loop3A_238[%parallel_loop3A_243] in [0] : vector<16xf32>, vector<16xi32> -> vector<16xf32>
      %parallel_loop3A_245 = arith.addf %parallel_loop3A_238, %parallel_loop3A_244 : vector<16xf32>
      %parallel_loop3A_246 = math.exp %parallel_loop3A_245 : vector<16xf32>
      %parallel_loop3A_247 = arith.constant 0 : i32
      %parallel_loop3A_248 = arith.index_cast %parallel_loop3A_247 : i32 to index
      %parallel_loop3A_249 = arith.index_cast %parallel_loop3A_88 : i32 to index
      %parallel_loop3A_250 = arith.constant 112 : index
      %parallel_loop3A_251 = tpu.vector_load %arg11[%parallel_loop3A_248, %parallel_loop3A_249, %parallel_loop3A_250] {strides = array<i32>} : memref<2x80x160xf32, #tpu.memory_space<vmem>>, vector<1x1x16xf32>,
      %parallel_loop3A_252 = vector.shape_cast %parallel_loop3A_251 : vector<1x1x16xf32> to vector<16xf32>
      %parallel_loop3A_253 = arith.mulf %parallel_loop3A_246, %parallel_loop3A_252 : vector<16xf32>
      %parallel_loop3A_254 = arith.index_cast %parallel_loop3A_88 : i32 to index
      %parallel_loop3A_255 = arith.constant 32 : index
      %parallel_loop3A_256 = tpu.vector_load %arg12[%parallel_loop3A_254, %parallel_loop3A_255] {strides = array<i32>} : memref<80x96xf32, #tpu.memory_space<vmem>>, vector<1x16xf32>,
      %parallel_loop3A_257 = vector.shape_cast %parallel_loop3A_256 : vector<1x16xf32> to vector<16xf32>
      %parallel_loop3A_258 = vector.shape_cast %parallel_loop3A_253 : vector<16xf32> to vector<1x16xf32>
      tpu.vector_store %arg12[%parallel_loop3A_254, %parallel_loop3A_255], %parallel_loop3A_258 {strides = array<i32>} : memref<80x96xf32, #tpu.memory_space<vmem>>, vector<1x16xf32>,
      %parallel_loop3A_259 = arith.constant 2 : i32
      %parallel_loop3A_260 = vector.broadcast %parallel_loop3A_259 : i32 to vector<16xi32>
      %parallel_loop3A_261 = arith.cmpi eq, %iota3A, %parallel_loop3A_260 : vector<16xi32>
      %parallel_loop3A_262 = arith.select %parallel_loop3A_261, %parallel_loop3A_246, %parallel_loop3A_204 : vector<16xi1>, vector<16xf32>
      %parallel_loop3A_263 = arith.constant 0 : i32
      %parallel_loop3A_264 = arith.index_cast %parallel_loop3A_263 : i32 to index
      %parallel_loop3A_265 = arith.index_cast %parallel_loop3A_88 : i32 to index
      %parallel_loop3A_266 = arith.constant 48 : index
      %parallel_loop3A_267 = tpu.vector_load %arg10[%parallel_loop3A_264, %parallel_loop3A_265, %parallel_loop3A_266] {strides = array<i32>} : memref<2x80x80xf32, #tpu.memory_space<vmem>>, vector<1x1x16xf32>,
      %parallel_loop3A_268 = vector.shape_cast %parallel_loop3A_267 : vector<1x1x16xf32> to vector<16xf32>
      %parallel_loop3A_269 = arith.constant 0 : i32
      %parallel_loop3A_270 = arith.index_cast %parallel_loop3A_269 : i32 to index
      %parallel_loop3A_271 = arith.index_cast %parallel_loop3A_88 : i32 to index
      %parallel_loop3A_272 = arith.constant 48 : index
      %parallel_loop3A_273 = tpu.vector_load %arg11[%parallel_loop3A_270, %parallel_loop3A_271, %parallel_loop3A_272] {strides = array<i32>} : memref<2x80x160xf32, #tpu.memory_space<vmem>>, vector<1x1x16xf32>,
      %parallel_loop3A_274 = vector.shape_cast %parallel_loop3A_273 : vector<1x1x16xf32> to vector<16xf32>
      %parallel_loop3A_275 = arith.mulf %parallel_loop3A_268, %parallel_loop3A_274 : vector<16xf32>
      %parallel_loop3A_276 = arith.constant 8 : i32
      %parallel_loop3A_277 = vector.broadcast %parallel_loop3A_276 : i32 to vector<16xi32>
      %parallel_loop3A_278 = arith.xori %iota3A, %parallel_loop3A_277 : vector<16xi32>
      %parallel_loop3A_279 = vector.shape_cast %parallel_loop3A_278 : vector<16xi32> to vector<16x1xi32>
      %parallel_loop3A_280 = vector.shape_cast %parallel_loop3A_279 : vector<16x1xi32> to vector<16xi32>
      %parallel_loop3A_281 = tpu.dynamic_gather %parallel_loop3A_275[%parallel_loop3A_280] in [0] : vector<16xf32>, vector<16xi32> -> vector<16xf32>
      %parallel_loop3A_282 = arith.addf %parallel_loop3A_275, %parallel_loop3A_281 : vector<16xf32>
      %parallel_loop3A_283 = arith.constant 4 : i32
      %parallel_loop3A_284 = vector.broadcast %parallel_loop3A_283 : i32 to vector<16xi32>
      %parallel_loop3A_285 = arith.xori %iota3A, %parallel_loop3A_284 : vector<16xi32>
      %parallel_loop3A_286 = vector.shape_cast %parallel_loop3A_285 : vector<16xi32> to vector<16x1xi32>
      %parallel_loop3A_287 = vector.shape_cast %parallel_loop3A_286 : vector<16x1xi32> to vector<16xi32>
      %parallel_loop3A_288 = tpu.dynamic_gather %parallel_loop3A_282[%parallel_loop3A_287] in [0] : vector<16xf32>, vector<16xi32> -> vector<16xf32>
      %parallel_loop3A_289 = arith.addf %parallel_loop3A_282, %parallel_loop3A_288 : vector<16xf32>
      %parallel_loop3A_290 = arith.constant 2 : i32
      %parallel_loop3A_291 = vector.broadcast %parallel_loop3A_290 : i32 to vector<16xi32>
      %parallel_loop3A_292 = arith.xori %iota3A, %parallel_loop3A_291 : vector<16xi32>
      %parallel_loop3A_293 = vector.shape_cast %parallel_loop3A_292 : vector<16xi32> to vector<16x1xi32>
      %parallel_loop3A_294 = vector.shape_cast %parallel_loop3A_293 : vector<16x1xi32> to vector<16xi32>
      %parallel_loop3A_295 = tpu.dynamic_gather %parallel_loop3A_289[%parallel_loop3A_294] in [0] : vector<16xf32>, vector<16xi32> -> vector<16xf32>
      %parallel_loop3A_296 = arith.addf %parallel_loop3A_289, %parallel_loop3A_295 : vector<16xf32>
      %parallel_loop3A_297 = arith.constant 1 : i32
      %parallel_loop3A_298 = vector.broadcast %parallel_loop3A_297 : i32 to vector<16xi32>
      %parallel_loop3A_299 = arith.xori %iota3A, %parallel_loop3A_298 : vector<16xi32>
      %parallel_loop3A_300 = vector.shape_cast %parallel_loop3A_299 : vector<16xi32> to vector<16x1xi32>
      %parallel_loop3A_301 = vector.shape_cast %parallel_loop3A_300 : vector<16x1xi32> to vector<16xi32>
      %parallel_loop3A_302 = tpu.dynamic_gather %parallel_loop3A_296[%parallel_loop3A_301] in [0] : vector<16xf32>, vector<16xi32> -> vector<16xf32>
      %parallel_loop3A_303 = arith.addf %parallel_loop3A_296, %parallel_loop3A_302 : vector<16xf32>
      %parallel_loop3A_304 = math.exp %parallel_loop3A_303 : vector<16xf32>
      %parallel_loop3A_305 = arith.constant 0 : i32
      %parallel_loop3A_306 = arith.index_cast %parallel_loop3A_305 : i32 to index
      %parallel_loop3A_307 = arith.index_cast %parallel_loop3A_88 : i32 to index
      %parallel_loop3A_308 = arith.constant 128 : index
      %parallel_loop3A_309 = tpu.vector_load %arg11[%parallel_loop3A_306, %parallel_loop3A_307, %parallel_loop3A_308] {strides = array<i32>} : memref<2x80x160xf32, #tpu.memory_space<vmem>>, vector<1x1x16xf32>,
      %parallel_loop3A_310 = vector.shape_cast %parallel_loop3A_309 : vector<1x1x16xf32> to vector<16xf32>
      %parallel_loop3A_311 = arith.mulf %parallel_loop3A_304, %parallel_loop3A_310 : vector<16xf32>
      %parallel_loop3A_312 = arith.index_cast %parallel_loop3A_88 : i32 to index
      %parallel_loop3A_313 = arith.constant 48 : index
      %parallel_loop3A_314 = tpu.vector_load %arg12[%parallel_loop3A_312, %parallel_loop3A_313] {strides = array<i32>} : memref<80x96xf32, #tpu.memory_space<vmem>>, vector<1x16xf32>,
      %parallel_loop3A_315 = vector.shape_cast %parallel_loop3A_314 : vector<1x16xf32> to vector<16xf32>
      %parallel_loop3A_316 = vector.shape_cast %parallel_loop3A_311 : vector<16xf32> to vector<1x16xf32>
      tpu.vector_store %arg12[%parallel_loop3A_312, %parallel_loop3A_313], %parallel_loop3A_316 {strides = array<i32>} : memref<80x96xf32, #tpu.memory_space<vmem>>, vector<1x16xf32>,
      %parallel_loop3A_317 = arith.constant 3 : i32
      %parallel_loop3A_318 = vector.broadcast %parallel_loop3A_317 : i32 to vector<16xi32>
      %parallel_loop3A_319 = arith.cmpi eq, %iota3A, %parallel_loop3A_318 : vector<16xi32>
      %parallel_loop3A_320 = arith.select %parallel_loop3A_319, %parallel_loop3A_304, %parallel_loop3A_262 : vector<16xi1>, vector<16xf32>
      %parallel_loop3A_321 = arith.constant 0 : i32
      %parallel_loop3A_322 = arith.index_cast %parallel_loop3A_321 : i32 to index
      %parallel_loop3A_323 = arith.index_cast %parallel_loop3A_88 : i32 to index
      %parallel_loop3A_324 = arith.constant 64 : index
      %parallel_loop3A_325 = tpu.vector_load %arg10[%parallel_loop3A_322, %parallel_loop3A_323, %parallel_loop3A_324] {strides = array<i32>} : memref<2x80x80xf32, #tpu.memory_space<vmem>>, vector<1x1x16xf32>,
      %parallel_loop3A_326 = vector.shape_cast %parallel_loop3A_325 : vector<1x1x16xf32> to vector<16xf32>
      %parallel_loop3A_327 = arith.constant 0 : i32
      %parallel_loop3A_328 = arith.index_cast %parallel_loop3A_327 : i32 to index
      %parallel_loop3A_329 = arith.index_cast %parallel_loop3A_88 : i32 to index
      %parallel_loop3A_330 = arith.constant 64 : index
      %parallel_loop3A_331 = tpu.vector_load %arg11[%parallel_loop3A_328, %parallel_loop3A_329, %parallel_loop3A_330] {strides = array<i32>} : memref<2x80x160xf32, #tpu.memory_space<vmem>>, vector<1x1x16xf32>,
      %parallel_loop3A_332 = vector.shape_cast %parallel_loop3A_331 : vector<1x1x16xf32> to vector<16xf32>
      %parallel_loop3A_333 = arith.mulf %parallel_loop3A_326, %parallel_loop3A_332 : vector<16xf32>
      %parallel_loop3A_334 = arith.constant 8 : i32
      %parallel_loop3A_335 = vector.broadcast %parallel_loop3A_334 : i32 to vector<16xi32>
      %parallel_loop3A_336 = arith.xori %iota3A, %parallel_loop3A_335 : vector<16xi32>
      %parallel_loop3A_337 = vector.shape_cast %parallel_loop3A_336 : vector<16xi32> to vector<16x1xi32>
      %parallel_loop3A_338 = vector.shape_cast %parallel_loop3A_337 : vector<16x1xi32> to vector<16xi32>
      %parallel_loop3A_339 = tpu.dynamic_gather %parallel_loop3A_333[%parallel_loop3A_338] in [0] : vector<16xf32>, vector<16xi32> -> vector<16xf32>
      %parallel_loop3A_340 = arith.addf %parallel_loop3A_333, %parallel_loop3A_339 : vector<16xf32>
      %parallel_loop3A_341 = arith.constant 4 : i32
      %parallel_loop3A_342 = vector.broadcast %parallel_loop3A_341 : i32 to vector<16xi32>
      %parallel_loop3A_343 = arith.xori %iota3A, %parallel_loop3A_342 : vector<16xi32>
      %parallel_loop3A_344 = vector.shape_cast %parallel_loop3A_343 : vector<16xi32> to vector<16x1xi32>
      %parallel_loop3A_345 = vector.shape_cast %parallel_loop3A_344 : vector<16x1xi32> to vector<16xi32>
      %parallel_loop3A_346 = tpu.dynamic_gather %parallel_loop3A_340[%parallel_loop3A_345] in [0] : vector<16xf32>, vector<16xi32> -> vector<16xf32>
      %parallel_loop3A_347 = arith.addf %parallel_loop3A_340, %parallel_loop3A_346 : vector<16xf32>
      %parallel_loop3A_348 = arith.constant 2 : i32
      %parallel_loop3A_349 = vector.broadcast %parallel_loop3A_348 : i32 to vector<16xi32>
      %parallel_loop3A_350 = arith.xori %iota3A, %parallel_loop3A_349 : vector<16xi32>
      %parallel_loop3A_351 = vector.shape_cast %parallel_loop3A_350 : vector<16xi32> to vector<16x1xi32>
      %parallel_loop3A_352 = vector.shape_cast %parallel_loop3A_351 : vector<16x1xi32> to vector<16xi32>
      %parallel_loop3A_353 = tpu.dynamic_gather %parallel_loop3A_347[%parallel_loop3A_352] in [0] : vector<16xf32>, vector<16xi32> -> vector<16xf32>
      %parallel_loop3A_354 = arith.addf %parallel_loop3A_347, %parallel_loop3A_353 : vector<16xf32>
      %parallel_loop3A_355 = arith.constant 1 : i32
      %parallel_loop3A_356 = vector.broadcast %parallel_loop3A_355 : i32 to vector<16xi32>
      %parallel_loop3A_357 = arith.xori %iota3A, %parallel_loop3A_356 : vector<16xi32>
      %parallel_loop3A_358 = vector.shape_cast %parallel_loop3A_357 : vector<16xi32> to vector<16x1xi32>
      %parallel_loop3A_359 = vector.shape_cast %parallel_loop3A_358 : vector<16x1xi32> to vector<16xi32>
      %parallel_loop3A_360 = tpu.dynamic_gather %parallel_loop3A_354[%parallel_loop3A_359] in [0] : vector<16xf32>, vector<16xi32> -> vector<16xf32>
      %parallel_loop3A_361 = arith.addf %parallel_loop3A_354, %parallel_loop3A_360 : vector<16xf32>
      %parallel_loop3A_362 = math.exp %parallel_loop3A_361 : vector<16xf32>
      %parallel_loop3A_363 = arith.constant 0 : i32
      %parallel_loop3A_364 = arith.index_cast %parallel_loop3A_363 : i32 to index
      %parallel_loop3A_365 = arith.index_cast %parallel_loop3A_88 : i32 to index
      %parallel_loop3A_366 = arith.constant 144 : index
      %parallel_loop3A_367 = tpu.vector_load %arg11[%parallel_loop3A_364, %parallel_loop3A_365, %parallel_loop3A_366] {strides = array<i32>} : memref<2x80x160xf32, #tpu.memory_space<vmem>>, vector<1x1x16xf32>,
      %parallel_loop3A_368 = vector.shape_cast %parallel_loop3A_367 : vector<1x1x16xf32> to vector<16xf32>
      %parallel_loop3A_369 = arith.mulf %parallel_loop3A_362, %parallel_loop3A_368 : vector<16xf32>
      %parallel_loop3A_370 = arith.index_cast %parallel_loop3A_88 : i32 to index
      %parallel_loop3A_371 = arith.constant 64 : index
      %parallel_loop3A_372 = tpu.vector_load %arg12[%parallel_loop3A_370, %parallel_loop3A_371] {strides = array<i32>} : memref<80x96xf32, #tpu.memory_space<vmem>>, vector<1x16xf32>,
      %parallel_loop3A_373 = vector.shape_cast %parallel_loop3A_372 : vector<1x16xf32> to vector<16xf32>
      %parallel_loop3A_374 = vector.shape_cast %parallel_loop3A_369 : vector<16xf32> to vector<1x16xf32>
      tpu.vector_store %arg12[%parallel_loop3A_370, %parallel_loop3A_371], %parallel_loop3A_374 {strides = array<i32>} : memref<80x96xf32, #tpu.memory_space<vmem>>, vector<1x16xf32>,
      %parallel_loop3A_375 = arith.constant 4 : i32
      %parallel_loop3A_376 = vector.broadcast %parallel_loop3A_375 : i32 to vector<16xi32>
      %parallel_loop3A_377 = arith.cmpi eq, %iota3A, %parallel_loop3A_376 : vector<16xi32>
      %parallel_loop3A_378 = arith.select %parallel_loop3A_377, %parallel_loop3A_362, %parallel_loop3A_320 : vector<16xi1>, vector<16xf32>
      %parallel_loop3A_379 = arith.index_cast %parallel_loop3A_88 : i32 to index
      %parallel_loop3A_380 = arith.constant 80 : index
      %parallel_loop3A_381 = tpu.vector_load %arg12[%parallel_loop3A_379, %parallel_loop3A_380] {strides = array<i32>} : memref<80x96xf32, #tpu.memory_space<vmem>>, vector<1x16xf32>,
      %parallel_loop3A_382 = vector.shape_cast %parallel_loop3A_381 : vector<1x16xf32> to vector<16xf32>
      %parallel_loop3A_383 = vector.shape_cast %parallel_loop3A_378 : vector<16xf32> to vector<1x16xf32>
      tpu.vector_store %arg12[%parallel_loop3A_379, %parallel_loop3A_380], %parallel_loop3A_383 {strides = array<i32>} : memref<80x96xf32, #tpu.memory_space<vmem>>, vector<1x16xf32>,
    } {sc.loop_unroll_factor = 4 : i64, sc.parallel_access}
    %run_scoped3A = arith.constant 124 : i32
    "tpu.region"() ({
      %run_scoped3A_88 = tpu.sem_alloc : memref<!tpu.dma_semaphore, #tpu.memory_space<semaphore_mem>>
      %dma_start3A_89 = arith.constant 0 : i32
      %dma_start3A_90 = tpu.memref_slice %arg9[%run_scoped3A, %dma_start3A_89] : memref<125x80xi32, #tpu.memory_space<vmem>> -> memref<1x80xi32, #tpu.memory_space<vmem>>
      %dma_start3A_91 = tpu.memref_squeeze %dma_start3A_90 : memref<1x80xi32, #tpu.memory_space<vmem>> -> memref<80xi32, #tpu.memory_space<vmem>>
      %dma_start3A_92 = arith.constant 0 : i32
      %dma_start3A_93 = arith.constant 0 : i32
      %dma_start3A_94 = tpu.memref_slice %arg13[%dma_start3A_92, %dma_start3A_93] : memref<10112x96xf32, #tpu.memory_space<vmem_shared>> -> memref<10112x96xf32, #tpu.memory_space<vmem_shared>>
      tpu.enqueue_indirect_dma source(%arg12 : memref<80x96xf32, #tpu.memory_space<vmem>>) target(%dma_start3A_94 : memref<10112x96xf32, #tpu.memory_space<vmem_shared>>) offsets(%dma_start3A_91 : memref<80xi32, #tpu.memory_space<vmem>>) semaphore(%run_scoped3A_88 : memref<!tpu.dma_semaphore, #tpu.memory_space<semaphore_mem>>) {add = true}
      %dma_wait3A_95 = arith.constant 0 : i32
      %dma_wait3A_96 = tpu.memref_slice %arg9[%run_scoped3A, %dma_wait3A_95] : memref<125x80xi32, #tpu.memory_space<vmem>> -> memref<1x80xi32, #tpu.memory_space<vmem>>
      %dma_wait3A_97 = tpu.memref_squeeze %dma_wait3A_96 : memref<1x80xi32, #tpu.memory_space<vmem>> -> memref<80xi32, #tpu.memory_space<vmem>>
      %dma_wait3A_98 = arith.constant 0 : i32
      %dma_wait3A_99 = arith.constant 0 : i32
      %dma_wait3A_100 = tpu.memref_slice %arg13[%dma_wait3A_98, %dma_wait3A_99] : memref<10112x96xf32, #tpu.memory_space<vmem_shared>> -> memref<10112x96xf32, #tpu.memory_space<vmem_shared>>
      tpu.wait_indirect_dma semaphore(%run_scoped3A_88 : memref<!tpu.dma_semaphore, #tpu.memory_space<semaphore_mem>>) src(%arg12 : memref<80x96xf32, #tpu.memory_space<vmem>>) dst(%dma_wait3A_100 : memref<10112x96xf32, #tpu.memory_space<vmem_shared>>)
      tpu.yield
    }) : () -> ()
    %barrier3A_80 = arith.constant 0 : index
    tpu.barrier barrier_id(%barrier3A_80)
    %eq3A = arith.constant 0 : i32
    %eq3A_81 = arith.cmpi eq, %arg0, %eq3A : i32
    %convert_element_type3A = arith.extui %eq3A_81 : i1 to i32
    %cond3A = arith.constant 0 : i32
    %cond3A_82 = arith.cmpi ne, %convert_element_type3A, %cond3A : i32
    scf.if %cond3A_82 {
      "tpu.region"() ({
        %run_scoped3A_88 = tpu.sem_alloc : memref<!tpu.dma_semaphore, #tpu.memory_space<semaphore_mem>>
        %dma_start3A_89 = arith.constant 0 : i32
        %dma_start3A_90 = tpu.memref_slice %arg6[%mul3A_10, %dma_start3A_89] : memref<10112x96xf32, #tpu.memory_space<hbm>> -> memref<632x96xf32, #tpu.memory_space<hbm>>
        %dma_start3A_91 = arith.constant 0 : i32
        %dma_start3A_92 = tpu.memref_slice %arg13[%mul3A_10, %dma_start3A_91] : memref<10112x96xf32, #tpu.memory_space<vmem_shared>> -> memref<632x96xf32, #tpu.memory_space<vmem_shared>>
        tpu.enqueue_dma source(%dma_start3A_92 : memref<632x96xf32, #tpu.memory_space<vmem_shared>>) target(%dma_start3A_90 : memref<632x96xf32, #tpu.memory_space<hbm>>) target_semaphore(%run_scoped3A_88 : memref<!tpu.dma_semaphore, #tpu.memory_space<semaphore_mem>>)
        %dma_wait3A_93 = arith.constant 0 : i32
        %dma_wait3A_94 = tpu.memref_slice %arg6[%mul3A_10, %dma_wait3A_93] : memref<10112x96xf32, #tpu.memory_space<hbm>> -> memref<632x96xf32, #tpu.memory_space<hbm>>
        %dma_wait3A_95 = arith.constant 0 : i32
        %dma_wait3A_96 = tpu.memref_slice %arg13[%mul3A_10, %dma_wait3A_95] : memref<10112x96xf32, #tpu.memory_space<vmem_shared>> -> memref<632x96xf32, #tpu.memory_space<vmem_shared>>
        tpu.wait_dma2 semaphore(%run_scoped3A_88 : memref<!tpu.dma_semaphore, #tpu.memory_space<semaphore_mem>>) src(%dma_wait3A_96 : memref<632x96xf32, #tpu.memory_space<vmem_shared>>) dst(%dma_wait3A_94 : memref<632x96xf32, #tpu.memory_space<hbm>>)
        tpu.yield
      }) : () -> ()
    } else {
    }
    %eq3A_83 = arith.constant 1 : i32
    %eq3A_84 = arith.cmpi eq, %arg0, %eq3A_83 : i32
    %convert_element_type3A_85 = arith.extui %eq3A_84 : i1 to i32
    %cond3A_86 = arith.constant 0 : i32
    %cond3A_87 = arith.cmpi ne, %convert_element_type3A_85, %cond3A_86 : i32
    scf.if %cond3A_87 {
      "tpu.region"() ({
        %run_scoped3A_88 = tpu.sem_alloc : memref<!tpu.dma_semaphore, #tpu.memory_space<semaphore_mem>>
        %dma_start3A_89 = arith.constant 0 : i32
        %dma_start3A_90 = tpu.memref_slice %arg7[%mul3A_10, %dma_start3A_89] : memref<10112x96xf32, #tpu.memory_space<hbm>> -> memref<632x96xf32, #tpu.memory_space<hbm>>
        %dma_start3A_91 = arith.constant 0 : i32
        %dma_start3A_92 = tpu.memref_slice %arg13[%mul3A_10, %dma_start3A_91] : memref<10112x96xf32, #tpu.memory_space<vmem_shared>> -> memref<632x96xf32, #tpu.memory_space<vmem_shared>>
        tpu.enqueue_dma source(%dma_start3A_92 : memref<632x96xf32, #tpu.memory_space<vmem_shared>>) target(%dma_start3A_90 : memref<632x96xf32, #tpu.memory_space<hbm>>) target_semaphore(%run_scoped3A_88 : memref<!tpu.dma_semaphore, #tpu.memory_space<semaphore_mem>>)
        %dma_wait3A_93 = arith.constant 0 : i32
        %dma_wait3A_94 = tpu.memref_slice %arg7[%mul3A_10, %dma_wait3A_93] : memref<10112x96xf32, #tpu.memory_space<hbm>> -> memref<632x96xf32, #tpu.memory_space<hbm>>
        %dma_wait3A_95 = arith.constant 0 : i32
        %dma_wait3A_96 = tpu.memref_slice %arg13[%mul3A_10, %dma_wait3A_95] : memref<10112x96xf32, #tpu.memory_space<vmem_shared>> -> memref<632x96xf32, #tpu.memory_space<vmem_shared>>
        tpu.wait_dma2 semaphore(%run_scoped3A_88 : memref<!tpu.dma_semaphore, #tpu.memory_space<semaphore_mem>>) src(%dma_wait3A_96 : memref<632x96xf32, #tpu.memory_space<vmem_shared>>) dst(%dma_wait3A_94 : memref<632x96xf32, #tpu.memory_space<hbm>>)
        tpu.yield
      }) : () -> ()
    } else {
    }
    return
  }
}

module attributes {stable_mosaic.version = 14 : i64} {
  func.func @_tables_body(%arg0: i32, %arg1: memref<2000x128xf32, #tpu.memory_space<vmem>>, %arg2: memref<128x128xf32, #tpu.memory_space<vmem>>, %arg3: memref<1x128xf32, #tpu.memory_space<vmem>>, %arg4: memref<128x128xf32, #tpu.memory_space<vmem>>, %arg5: memref<1x128xf32, #tpu.memory_space<vmem>>, %arg6: memref<80x128xf32, #tpu.memory_space<vmem>>, %arg7: memref<1x80xf32, #tpu.memory_space<vmem>>, %arg8: memref<160x128xf32, #tpu.memory_space<vmem>>, %arg9: memref<1x160xf32, #tpu.memory_space<vmem>>, %arg10: memref<2000x80xf32, #tpu.memory_space<vmem>>, %arg11: memref<2000x160xf32, #tpu.memory_space<vmem>>) attributes {dimension_semantics = [#tpu.dimension_semantics<arbitrary>], iteration_bounds = array<i64: 5>, scalar_prefetch = 0 : i64, scratch_operands = 0 : i64, tpu.core_type = #tpu.core_type<tc>, window_params = [{transform_indices = @transform_0, window_bounds = array<i64: 2000, 128>}, {pipeline_mode = #tpu.pipeline_mode<synchronous>, transform_indices = @transform_1, window_bounds = array<i64: 128, 128>}, {pipeline_mode = #tpu.pipeline_mode<synchronous>, transform_indices = @transform_2, window_bounds = array<i64: 1, 128>}, {pipeline_mode = #tpu.pipeline_mode<synchronous>, transform_indices = @transform_3, window_bounds = array<i64: 128, 128>}, {pipeline_mode = #tpu.pipeline_mode<synchronous>, transform_indices = @transform_4, window_bounds = array<i64: 1, 128>}, {pipeline_mode = #tpu.pipeline_mode<synchronous>, transform_indices = @transform_5, window_bounds = array<i64: 80, 128>}, {pipeline_mode = #tpu.pipeline_mode<synchronous>, transform_indices = @transform_6, window_bounds = array<i64: 1, 80>}, {pipeline_mode = #tpu.pipeline_mode<synchronous>, transform_indices = @transform_7, window_bounds = array<i64: 160, 128>}, {pipeline_mode = #tpu.pipeline_mode<synchronous>, transform_indices = @transform_8, window_bounds = array<i64: 1, 160>}, {transform_indices = @transform_9, window_bounds = array<i64: 2000, 80>}, {transform_indices = @transform_10, window_bounds = array<i64: 2000, 160>}]} {
    %get3A = arith.constant 0 : index
    %get3A_0 = arith.constant 0 : index
    %get3A_1 = vector.load %arg1[%get3A, %get3A_0] : memref<2000x128xf32, #tpu.memory_space<vmem>>, vector<2000x128xf32>
    %get3A_2 = arith.constant 0 : index
    %get3A_3 = arith.constant 0 : index
    %get3A_4 = vector.load %arg2[%get3A_2, %get3A_3] : memref<128x128xf32, #tpu.memory_space<vmem>>, vector<128x128xf32>
    %dot_general3A = arith.constant dense<0.000000e+00> : vector<2000x128xf32>
    %dot_general3A_5 = tpu.matmul %get3A_1, %get3A_4, %dot_general3A {dimension_numbers = #tpu.dot_dimension_numbers<[1], [1], [0], [0], [0, 0, 1, 0], [], []>, transpose_lhs_hint = false} : vector<2000x128xf32>, vector<128x128xf32>, vector<2000x128xf32> -> vector<2000x128xf32>
    %get3A_6 = arith.constant 0 : index
    %get3A_7 = arith.constant 0 : index
    %get3A_8 = vector.load %arg3[%get3A_6, %get3A_7] : memref<1x128xf32, #tpu.memory_space<vmem>>, vector<1x128xf32>
    %add3A = vector.broadcast %get3A_8 : vector<1x128xf32> to vector<2000x128xf32>
    %add3A_9 = arith.addf %dot_general3A_5, %add3A : vector<2000x128xf32>
    %max3A = arith.constant 0.000000e+00 : f32
    %max3A_10 = vector.broadcast %max3A : f32 to vector<2000x128xf32>
    %max3A_11 = arith.maximumf %add3A_9, %max3A_10 : vector<2000x128xf32>
    %get3A_12 = arith.constant 0 : index
    %get3A_13 = arith.constant 0 : index
    %get3A_14 = vector.load %arg4[%get3A_12, %get3A_13] : memref<128x128xf32, #tpu.memory_space<vmem>>, vector<128x128xf32>
    %dot_general3A_15 = arith.constant dense<0.000000e+00> : vector<2000x128xf32>
    %dot_general3A_16 = tpu.matmul %max3A_11, %get3A_14, %dot_general3A_15 {dimension_numbers = #tpu.dot_dimension_numbers<[1], [1], [0], [0], [0, 0, 1, 0], [], []>, transpose_lhs_hint = false} : vector<2000x128xf32>, vector<128x128xf32>, vector<2000x128xf32> -> vector<2000x128xf32>
    %get3A_17 = arith.constant 0 : index
    %get3A_18 = arith.constant 0 : index
    %get3A_19 = vector.load %arg5[%get3A_17, %get3A_18] : memref<1x128xf32, #tpu.memory_space<vmem>>, vector<1x128xf32>
    %add3A_20 = vector.broadcast %get3A_19 : vector<1x128xf32> to vector<2000x128xf32>
    %add3A_21 = arith.addf %dot_general3A_16, %add3A_20 : vector<2000x128xf32>
    %max3A_22 = arith.constant 0.000000e+00 : f32
    %max3A_23 = vector.broadcast %max3A_22 : f32 to vector<2000x128xf32>
    %max3A_24 = arith.maximumf %add3A_21, %max3A_23 : vector<2000x128xf32>
    %get3A_25 = arith.constant 0 : index
    %get3A_26 = arith.constant 0 : index
    %get3A_27 = vector.load %arg6[%get3A_25, %get3A_26] : memref<80x128xf32, #tpu.memory_space<vmem>>, vector<80x128xf32>
    %dot_general3A_28 = arith.constant dense<0.000000e+00> : vector<2000x80xf32>
    %dot_general3A_29 = tpu.matmul %max3A_24, %get3A_27, %dot_general3A_28 {dimension_numbers = #tpu.dot_dimension_numbers<[1], [1], [0], [0], [0, 0, 1, 0], [], []>, transpose_lhs_hint = false} : vector<2000x128xf32>, vector<80x128xf32>, vector<2000x80xf32> -> vector<2000x80xf32>
    %get3A_30 = arith.constant 0 : index
    %get3A_31 = arith.constant 0 : index
    %get3A_32 = vector.load %arg7[%get3A_30, %get3A_31] : memref<1x80xf32, #tpu.memory_space<vmem>>, vector<1x80xf32>
    %add3A_33 = vector.broadcast %get3A_32 : vector<1x80xf32> to vector<2000x80xf32>
    %add3A_34 = arith.addf %dot_general3A_29, %add3A_33 : vector<2000x80xf32>
    %max3A_35 = arith.constant 0.000000e+00 : f32
    %max3A_36 = vector.broadcast %max3A_35 : f32 to vector<2000x80xf32>
    %max3A_37 = arith.maximumf %add3A_34, %max3A_36 : vector<2000x80xf32>
    %swap3A = arith.constant 0 : index
    %swap3A_38 = arith.constant 0 : index
    %swap3A_39 = vector.load %arg10[%swap3A, %swap3A_38] : memref<2000x80xf32, #tpu.memory_space<vmem>>, vector<2000x80xf32>
    tpu.vector_store %arg10[%swap3A, %swap3A_38], %max3A_37 {strides = array<i32>} : memref<2000x80xf32, #tpu.memory_space<vmem>>, vector<2000x80xf32>,
    %get3A_40 = arith.constant 0 : index
    %get3A_41 = arith.constant 0 : index
    %get3A_42 = vector.load %arg8[%get3A_40, %get3A_41] : memref<160x128xf32, #tpu.memory_space<vmem>>, vector<160x128xf32>
    %dot_general3A_43 = arith.constant dense<0.000000e+00> : vector<2000x160xf32>
    %dot_general3A_44 = tpu.matmul %max3A_24, %get3A_42, %dot_general3A_43 {dimension_numbers = #tpu.dot_dimension_numbers<[1], [1], [0], [0], [0, 0, 1, 0], [], []>, transpose_lhs_hint = false} : vector<2000x128xf32>, vector<160x128xf32>, vector<2000x160xf32> -> vector<2000x160xf32>
    %get3A_45 = arith.constant 0 : index
    %get3A_46 = arith.constant 0 : index
    %get3A_47 = vector.load %arg9[%get3A_45, %get3A_46] : memref<1x160xf32, #tpu.memory_space<vmem>>, vector<1x160xf32>
    %add3A_48 = vector.broadcast %get3A_47 : vector<1x160xf32> to vector<2000x160xf32>
    %add3A_49 = arith.addf %dot_general3A_44, %add3A_48 : vector<2000x160xf32>
    %max3A_50 = arith.constant 0.000000e+00 : f32
    %max3A_51 = vector.broadcast %max3A_50 : f32 to vector<2000x160xf32>
    %max3A_52 = arith.maximumf %add3A_49, %max3A_51 : vector<2000x160xf32>
    %swap3A_53 = arith.constant 0 : index
    %swap3A_54 = arith.constant 0 : index
    %swap3A_55 = vector.load %arg11[%swap3A_53, %swap3A_54] : memref<2000x160xf32, #tpu.memory_space<vmem>>, vector<2000x160xf32>
    tpu.vector_store %arg11[%swap3A_53, %swap3A_54], %max3A_52 {strides = array<i32>} : memref<2000x160xf32, #tpu.memory_space<vmem>>, vector<2000x160xf32>,
    return
  }
  func.func @transform_0(%arg0: i32) -> (i32, i32) {
    %c0_i32 = arith.constant 0 : i32
    %c0_i32_0 = arith.constant 0 : i32
    return %arg0, %c0_i32 : i32, i32
  }
  func.func @transform_1(%arg0: i32) -> (i32, i32) {
    %c0_i32 = arith.constant 0 : i32
    %c0_i32_0 = arith.constant 0 : i32
    %c0_i32_1 = arith.constant 0 : i32
    return %c0_i32, %c0_i32_0 : i32, i32
  }
  func.func @transform_2(%arg0: i32) -> (i32, i32) {
    %c0_i32 = arith.constant 0 : i32
    %c0_i32_0 = arith.constant 0 : i32
    %c0_i32_1 = arith.constant 0 : i32
    return %c0_i32, %c0_i32_0 : i32, i32
  }
  func.func @transform_3(%arg0: i32) -> (i32, i32) {
    %c0_i32 = arith.constant 0 : i32
    %c0_i32_0 = arith.constant 0 : i32
    %c0_i32_1 = arith.constant 0 : i32
    return %c0_i32, %c0_i32_0 : i32, i32
  }
  func.func @transform_4(%arg0: i32) -> (i32, i32) {
    %c0_i32 = arith.constant 0 : i32
    %c0_i32_0 = arith.constant 0 : i32
    %c0_i32_1 = arith.constant 0 : i32
    return %c0_i32, %c0_i32_0 : i32, i32
  }
  func.func @transform_5(%arg0: i32) -> (i32, i32) {
    %c0_i32 = arith.constant 0 : i32
    %c0_i32_0 = arith.constant 0 : i32
    %c0_i32_1 = arith.constant 0 : i32
    return %c0_i32, %c0_i32_0 : i32, i32
  }
  func.func @transform_6(%arg0: i32) -> (i32, i32) {
    %c0_i32 = arith.constant 0 : i32
    %c0_i32_0 = arith.constant 0 : i32
    %c0_i32_1 = arith.constant 0 : i32
    return %c0_i32, %c0_i32_0 : i32, i32
  }
  func.func @transform_7(%arg0: i32) -> (i32, i32) {
    %c0_i32 = arith.constant 0 : i32
    %c0_i32_0 = arith.constant 0 : i32
    %c0_i32_1 = arith.constant 0 : i32
    return %c0_i32, %c0_i32_0 : i32, i32
  }
  func.func @transform_8(%arg0: i32) -> (i32, i32) {
    %c0_i32 = arith.constant 0 : i32
    %c0_i32_0 = arith.constant 0 : i32
    %c0_i32_1 = arith.constant 0 : i32
    return %c0_i32, %c0_i32_0 : i32, i32
  }
  func.func @transform_9(%arg0: i32) -> (i32, i32) {
    %c0_i32 = arith.constant 0 : i32
    %c0_i32_0 = arith.constant 0 : i32
    return %arg0, %c0_i32 : i32, i32
  }
  func.func @transform_10(%arg0: i32) -> (i32, i32) {
    %c0_i32 = arith.constant 0 : i32
    %c0_i32_0 = arith.constant 0 : i32
    return %arg0, %c0_i32 : i32, i32
  }
}

module attributes {stable_mosaic.version = 14 : i64} {
  func.func @_finish_body(%arg0: i32, %arg1: memref<2000x96xf32, #tpu.memory_space<vmem>>, %arg2: memref<2000x96xf32, #tpu.memory_space<vmem>>, %arg3: memref<2000x80xf32, #tpu.memory_space<vmem>>, %arg4: memref<2000x160xf32, #tpu.memory_space<vmem>>, %arg5: memref<128x16xf32, #tpu.memory_space<vmem>>, %arg6: memref<1x128xf32, #tpu.memory_space<vmem>>, %arg7: memref<8x128xf32, #tpu.memory_space<vmem>>, %arg8: memref<1x8xf32, #tpu.memory_space<vmem>>, %arg9: memref<2000x8xf32, #tpu.memory_space<vmem>>) attributes {dimension_semantics = [#tpu.dimension_semantics<arbitrary>], iteration_bounds = array<i64: 5>, scalar_prefetch = 0 : i64, scratch_operands = 0 : i64, tpu.core_type = #tpu.core_type<tc>, window_params = [{transform_indices = @transform_0, window_bounds = array<i64: 2000, 96>}, {transform_indices = @transform_1, window_bounds = array<i64: 2000, 96>}, {transform_indices = @transform_2, window_bounds = array<i64: 2000, 80>}, {transform_indices = @transform_3, window_bounds = array<i64: 2000, 160>}, {pipeline_mode = #tpu.pipeline_mode<synchronous>, transform_indices = @transform_4, window_bounds = array<i64: 128, 16>}, {pipeline_mode = #tpu.pipeline_mode<synchronous>, transform_indices = @transform_5, window_bounds = array<i64: 1, 128>}, {pipeline_mode = #tpu.pipeline_mode<synchronous>, transform_indices = @transform_6, window_bounds = array<i64: 8, 128>}, {pipeline_mode = #tpu.pipeline_mode<synchronous>, transform_indices = @transform_7, window_bounds = array<i64: 1, 8>}, {transform_indices = @transform_8, window_bounds = array<i64: 2000, 8>}]} {
    %get3A = arith.constant 0 : index
    %get3A_0 = arith.constant 0 : index
    %get3A_1 = vector.load %arg1[%get3A, %get3A_0] : memref<2000x96xf32, #tpu.memory_space<vmem>>, vector<2000x96xf32>
    %get3A_2 = arith.constant 0 : index
    %get3A_3 = arith.constant 0 : index
    %get3A_4 = vector.load %arg2[%get3A_2, %get3A_3] : memref<2000x96xf32, #tpu.memory_space<vmem>>, vector<2000x96xf32>
    %add3A = arith.addf %get3A_1, %get3A_4 : vector<2000x96xf32>
    %get3A_5 = arith.constant 0 : index
    %get3A_6 = arith.constant 0 : index
    %get3A_7 = vector.load %arg3[%get3A_5, %get3A_6] : memref<2000x80xf32, #tpu.memory_space<vmem>>, vector<2000x80xf32>
    %get3A_8 = arith.constant 0 : index
    %get3A_9 = arith.constant 0 : index
    %get3A_10 = vector.load %arg4[%get3A_8, %get3A_9] : memref<2000x160xf32, #tpu.memory_space<vmem>>, vector<2000x160xf32>
    %broadcast_in_dim3A = arith.constant 0.000000e+00 : f32
    %broadcast_in_dim3A_11 = vector.broadcast %broadcast_in_dim3A : f32 to vector<2000x16xf32>
    %slice3A = vector.extract_strided_slice %get3A_7 {offsets = [0, 0], sizes = [2000, 16], strides = [1, 1]} : vector<2000x80xf32> to vector<2000x16xf32>
    %slice3A_12 = vector.extract_strided_slice %get3A_10 {offsets = [0, 0], sizes = [2000, 16], strides = [1, 1]} : vector<2000x160xf32> to vector<2000x16xf32>
    %mul3A = arith.mulf %slice3A, %slice3A_12 : vector<2000x16xf32>
    %reduce_sum3A = arith.constant dense<0.000000e+00> : vector<2000xf32>
    %reduce_sum3A_13 = vector.multi_reduction <add>, %mul3A, %reduce_sum3A [1] : vector<2000x16xf32> to vector<2000xf32>
    %broadcast_in_dim3A_14 = vector.shape_cast %reduce_sum3A_13 : vector<2000xf32> to vector<2000x1xf32>
    %exp3A = math.exp %broadcast_in_dim3A_14 : vector<2000x1xf32>
    %slice3A_15 = vector.extract_strided_slice %get3A_10 {offsets = [0, 80], sizes = [2000, 16], strides = [1, 1]} : vector<2000x160xf32> to vector<2000x16xf32>
    %slice3A_16 = vector.extract_strided_slice %add3A {offsets = [0, 0], sizes = [2000, 16], strides = [1, 1]} : vector<2000x96xf32> to vector<2000x16xf32>
    %mul3A_17 = vector.broadcast %exp3A : vector<2000x1xf32> to vector<2000x16xf32>
    %mul3A_18 = arith.mulf %mul3A_17, %slice3A_15 : vector<2000x16xf32>
    %add3A_19 = arith.addf %slice3A_16, %mul3A_18 : vector<2000x16xf32>
    %slice3A_20 = vector.extract_strided_slice %add3A {offsets = [0, 80], sizes = [2000, 1], strides = [1, 1]} : vector<2000x96xf32> to vector<2000x1xf32>
    %add3A_21 = arith.addf %slice3A_20, %exp3A : vector<2000x1xf32>
    %add3A_22 = arith.constant 9.99999996E-13 : f32
    %add3A_23 = vector.broadcast %add3A_22 : f32 to vector<2000x1xf32>
    %add3A_24 = arith.addf %add3A_21, %add3A_23 : vector<2000x1xf32>
    %div3A = vector.broadcast %add3A_24 : vector<2000x1xf32> to vector<2000x16xf32>
    %div3A_25 = arith.divf %add3A_19, %div3A : vector<2000x16xf32>
    %add3A_26 = arith.addf %broadcast_in_dim3A_11, %div3A_25 : vector<2000x16xf32>
    %slice3A_27 = vector.extract_strided_slice %get3A_7 {offsets = [0, 16], sizes = [2000, 16], strides = [1, 1]} : vector<2000x80xf32> to vector<2000x16xf32>
    %slice3A_28 = vector.extract_strided_slice %get3A_10 {offsets = [0, 16], sizes = [2000, 16], strides = [1, 1]} : vector<2000x160xf32> to vector<2000x16xf32>
    %mul3A_29 = arith.mulf %slice3A_27, %slice3A_28 : vector<2000x16xf32>
    %reduce_sum3A_30 = arith.constant dense<0.000000e+00> : vector<2000xf32>
    %reduce_sum3A_31 = vector.multi_reduction <add>, %mul3A_29, %reduce_sum3A_30 [1] : vector<2000x16xf32> to vector<2000xf32>
    %broadcast_in_dim3A_32 = vector.shape_cast %reduce_sum3A_31 : vector<2000xf32> to vector<2000x1xf32>
    %exp3A_33 = math.exp %broadcast_in_dim3A_32 : vector<2000x1xf32>
    %slice3A_34 = vector.extract_strided_slice %get3A_10 {offsets = [0, 96], sizes = [2000, 16], strides = [1, 1]} : vector<2000x160xf32> to vector<2000x16xf32>
    %slice3A_35 = vector.extract_strided_slice %add3A {offsets = [0, 16], sizes = [2000, 16], strides = [1, 1]} : vector<2000x96xf32> to vector<2000x16xf32>
    %mul3A_36 = vector.broadcast %exp3A_33 : vector<2000x1xf32> to vector<2000x16xf32>
    %mul3A_37 = arith.mulf %mul3A_36, %slice3A_34 : vector<2000x16xf32>
    %add3A_38 = arith.addf %slice3A_35, %mul3A_37 : vector<2000x16xf32>
    %slice3A_39 = vector.extract_strided_slice %add3A {offsets = [0, 81], sizes = [2000, 1], strides = [1, 1]} : vector<2000x96xf32> to vector<2000x1xf32>
    %add3A_40 = arith.addf %slice3A_39, %exp3A_33 : vector<2000x1xf32>
    %add3A_41 = arith.constant 9.99999996E-13 : f32
    %add3A_42 = vector.broadcast %add3A_41 : f32 to vector<2000x1xf32>
    %add3A_43 = arith.addf %add3A_40, %add3A_42 : vector<2000x1xf32>
    %div3A_44 = vector.broadcast %add3A_43 : vector<2000x1xf32> to vector<2000x16xf32>
    %div3A_45 = arith.divf %add3A_38, %div3A_44 : vector<2000x16xf32>
    %add3A_46 = arith.addf %add3A_26, %div3A_45 : vector<2000x16xf32>
    %slice3A_47 = vector.extract_strided_slice %get3A_7 {offsets = [0, 32], sizes = [2000, 16], strides = [1, 1]} : vector<2000x80xf32> to vector<2000x16xf32>
    %slice3A_48 = vector.extract_strided_slice %get3A_10 {offsets = [0, 32], sizes = [2000, 16], strides = [1, 1]} : vector<2000x160xf32> to vector<2000x16xf32>
    %mul3A_49 = arith.mulf %slice3A_47, %slice3A_48 : vector<2000x16xf32>
    %reduce_sum3A_50 = arith.constant dense<0.000000e+00> : vector<2000xf32>
    %reduce_sum3A_51 = vector.multi_reduction <add>, %mul3A_49, %reduce_sum3A_50 [1] : vector<2000x16xf32> to vector<2000xf32>
    %broadcast_in_dim3A_52 = vector.shape_cast %reduce_sum3A_51 : vector<2000xf32> to vector<2000x1xf32>
    %exp3A_53 = math.exp %broadcast_in_dim3A_52 : vector<2000x1xf32>
    %slice3A_54 = vector.extract_strided_slice %get3A_10 {offsets = [0, 112], sizes = [2000, 16], strides = [1, 1]} : vector<2000x160xf32> to vector<2000x16xf32>
    %slice3A_55 = vector.extract_strided_slice %add3A {offsets = [0, 32], sizes = [2000, 16], strides = [1, 1]} : vector<2000x96xf32> to vector<2000x16xf32>
    %mul3A_56 = vector.broadcast %exp3A_53 : vector<2000x1xf32> to vector<2000x16xf32>
    %mul3A_57 = arith.mulf %mul3A_56, %slice3A_54 : vector<2000x16xf32>
    %add3A_58 = arith.addf %slice3A_55, %mul3A_57 : vector<2000x16xf32>
    %slice3A_59 = vector.extract_strided_slice %add3A {offsets = [0, 82], sizes = [2000, 1], strides = [1, 1]} : vector<2000x96xf32> to vector<2000x1xf32>
    %add3A_60 = arith.addf %slice3A_59, %exp3A_53 : vector<2000x1xf32>
    %add3A_61 = arith.constant 9.99999996E-13 : f32
    %add3A_62 = vector.broadcast %add3A_61 : f32 to vector<2000x1xf32>
    %add3A_63 = arith.addf %add3A_60, %add3A_62 : vector<2000x1xf32>
    %div3A_64 = vector.broadcast %add3A_63 : vector<2000x1xf32> to vector<2000x16xf32>
    %div3A_65 = arith.divf %add3A_58, %div3A_64 : vector<2000x16xf32>
    %add3A_66 = arith.addf %add3A_46, %div3A_65 : vector<2000x16xf32>
    %slice3A_67 = vector.extract_strided_slice %get3A_7 {offsets = [0, 48], sizes = [2000, 16], strides = [1, 1]} : vector<2000x80xf32> to vector<2000x16xf32>
    %slice3A_68 = vector.extract_strided_slice %get3A_10 {offsets = [0, 48], sizes = [2000, 16], strides = [1, 1]} : vector<2000x160xf32> to vector<2000x16xf32>
    %mul3A_69 = arith.mulf %slice3A_67, %slice3A_68 : vector<2000x16xf32>
    %reduce_sum3A_70 = arith.constant dense<0.000000e+00> : vector<2000xf32>
    %reduce_sum3A_71 = vector.multi_reduction <add>, %mul3A_69, %reduce_sum3A_70 [1] : vector<2000x16xf32> to vector<2000xf32>
    %broadcast_in_dim3A_72 = vector.shape_cast %reduce_sum3A_71 : vector<2000xf32> to vector<2000x1xf32>
    %exp3A_73 = math.exp %broadcast_in_dim3A_72 : vector<2000x1xf32>
    %slice3A_74 = vector.extract_strided_slice %get3A_10 {offsets = [0, 128], sizes = [2000, 16], strides = [1, 1]} : vector<2000x160xf32> to vector<2000x16xf32>
    %slice3A_75 = vector.extract_strided_slice %add3A {offsets = [0, 48], sizes = [2000, 16], strides = [1, 1]} : vector<2000x96xf32> to vector<2000x16xf32>
    %mul3A_76 = vector.broadcast %exp3A_73 : vector<2000x1xf32> to vector<2000x16xf32>
    %mul3A_77 = arith.mulf %mul3A_76, %slice3A_74 : vector<2000x16xf32>
    %add3A_78 = arith.addf %slice3A_75, %mul3A_77 : vector<2000x16xf32>
    %slice3A_79 = vector.extract_strided_slice %add3A {offsets = [0, 83], sizes = [2000, 1], strides = [1, 1]} : vector<2000x96xf32> to vector<2000x1xf32>
    %add3A_80 = arith.addf %slice3A_79, %exp3A_73 : vector<2000x1xf32>
    %add3A_81 = arith.constant 9.99999996E-13 : f32
    %add3A_82 = vector.broadcast %add3A_81 : f32 to vector<2000x1xf32>
    %add3A_83 = arith.addf %add3A_80, %add3A_82 : vector<2000x1xf32>
    %div3A_84 = vector.broadcast %add3A_83 : vector<2000x1xf32> to vector<2000x16xf32>
    %div3A_85 = arith.divf %add3A_78, %div3A_84 : vector<2000x16xf32>
    %add3A_86 = arith.addf %add3A_66, %div3A_85 : vector<2000x16xf32>
    %slice3A_87 = vector.extract_strided_slice %get3A_7 {offsets = [0, 64], sizes = [2000, 16], strides = [1, 1]} : vector<2000x80xf32> to vector<2000x16xf32>
    %slice3A_88 = vector.extract_strided_slice %get3A_10 {offsets = [0, 64], sizes = [2000, 16], strides = [1, 1]} : vector<2000x160xf32> to vector<2000x16xf32>
    %mul3A_89 = arith.mulf %slice3A_87, %slice3A_88 : vector<2000x16xf32>
    %reduce_sum3A_90 = arith.constant dense<0.000000e+00> : vector<2000xf32>
    %reduce_sum3A_91 = vector.multi_reduction <add>, %mul3A_89, %reduce_sum3A_90 [1] : vector<2000x16xf32> to vector<2000xf32>
    %broadcast_in_dim3A_92 = vector.shape_cast %reduce_sum3A_91 : vector<2000xf32> to vector<2000x1xf32>
    %exp3A_93 = math.exp %broadcast_in_dim3A_92 : vector<2000x1xf32>
    %slice3A_94 = vector.extract_strided_slice %get3A_10 {offsets = [0, 144], sizes = [2000, 16], strides = [1, 1]} : vector<2000x160xf32> to vector<2000x16xf32>
    %slice3A_95 = vector.extract_strided_slice %add3A {offsets = [0, 64], sizes = [2000, 16], strides = [1, 1]} : vector<2000x96xf32> to vector<2000x16xf32>
    %mul3A_96 = vector.broadcast %exp3A_93 : vector<2000x1xf32> to vector<2000x16xf32>
    %mul3A_97 = arith.mulf %mul3A_96, %slice3A_94 : vector<2000x16xf32>
    %add3A_98 = arith.addf %slice3A_95, %mul3A_97 : vector<2000x16xf32>
    %slice3A_99 = vector.extract_strided_slice %add3A {offsets = [0, 84], sizes = [2000, 1], strides = [1, 1]} : vector<2000x96xf32> to vector<2000x1xf32>
    %add3A_100 = arith.addf %slice3A_99, %exp3A_93 : vector<2000x1xf32>
    %add3A_101 = arith.constant 9.99999996E-13 : f32
    %add3A_102 = vector.broadcast %add3A_101 : f32 to vector<2000x1xf32>
    %add3A_103 = arith.addf %add3A_100, %add3A_102 : vector<2000x1xf32>
    %div3A_104 = vector.broadcast %add3A_103 : vector<2000x1xf32> to vector<2000x16xf32>
    %div3A_105 = arith.divf %add3A_98, %div3A_104 : vector<2000x16xf32>
    %add3A_106 = arith.addf %add3A_86, %div3A_105 : vector<2000x16xf32>
    %mul3A_107 = arith.constant 2.000000e-01 : f32
    %mul3A_108 = vector.broadcast %mul3A_107 : f32 to vector<2000x16xf32>
    %mul3A_109 = arith.mulf %add3A_106, %mul3A_108 : vector<2000x16xf32>
    %get3A_110 = arith.constant 0 : index
    %get3A_111 = arith.constant 0 : index
    %get3A_112 = vector.load %arg5[%get3A_110, %get3A_111] : memref<128x16xf32, #tpu.memory_space<vmem>>, vector<128x16xf32>
    %dot_general3A = arith.constant dense<0.000000e+00> : vector<2000x128xf32>
    %dot_general3A_113 = tpu.matmul %mul3A_109, %get3A_112, %dot_general3A {dimension_numbers = #tpu.dot_dimension_numbers<[1], [1], [0], [0], [0, 0, 1, 0], [], []>, transpose_lhs_hint = false} : vector<2000x16xf32>, vector<128x16xf32>, vector<2000x128xf32> -> vector<2000x128xf32>
    %get3A_114 = arith.constant 0 : index
    %get3A_115 = arith.constant 0 : index
    %get3A_116 = vector.load %arg6[%get3A_114, %get3A_115] : memref<1x128xf32, #tpu.memory_space<vmem>>, vector<1x128xf32>
    %add3A_117 = vector.broadcast %get3A_116 : vector<1x128xf32> to vector<2000x128xf32>
    %add3A_118 = arith.addf %dot_general3A_113, %add3A_117 : vector<2000x128xf32>
    %max3A = arith.constant 0.000000e+00 : f32
    %max3A_119 = vector.broadcast %max3A : f32 to vector<2000x128xf32>
    %max3A_120 = arith.maximumf %add3A_118, %max3A_119 : vector<2000x128xf32>
    %get3A_121 = arith.constant 0 : index
    %get3A_122 = arith.constant 0 : index
    %get3A_123 = vector.load %arg7[%get3A_121, %get3A_122] : memref<8x128xf32, #tpu.memory_space<vmem>>, vector<8x128xf32>
    %dot_general3A_124 = arith.constant dense<0.000000e+00> : vector<2000x8xf32>
    %dot_general3A_125 = tpu.matmul %max3A_120, %get3A_123, %dot_general3A_124 {dimension_numbers = #tpu.dot_dimension_numbers<[1], [1], [0], [0], [0, 0, 1, 0], [], []>, transpose_lhs_hint = false} : vector<2000x128xf32>, vector<8x128xf32>, vector<2000x8xf32> -> vector<2000x8xf32>
    %get3A_126 = arith.constant 0 : index
    %get3A_127 = arith.constant 0 : index
    %get3A_128 = vector.load %arg8[%get3A_126, %get3A_127] : memref<1x8xf32, #tpu.memory_space<vmem>>, vector<1x8xf32>
    %add3A_129 = vector.broadcast %get3A_128 : vector<1x8xf32> to vector<2000x8xf32>
    %add3A_130 = arith.addf %dot_general3A_125, %add3A_129 : vector<2000x8xf32>
    %swap3A = arith.constant 0 : index
    %swap3A_131 = arith.constant 0 : index
    %swap3A_132 = vector.load %arg9[%swap3A, %swap3A_131] : memref<2000x8xf32, #tpu.memory_space<vmem>>, vector<2000x8xf32>
    tpu.vector_store %arg9[%swap3A, %swap3A_131], %add3A_130 {strides = array<i32>} : memref<2000x8xf32, #tpu.memory_space<vmem>>, vector<2000x8xf32>,
    return
  }
  func.func @transform_0(%arg0: i32) -> (i32, i32) {
    %c0_i32 = arith.constant 0 : i32
    %c0_i32_0 = arith.constant 0 : i32
    return %arg0, %c0_i32 : i32, i32
  }
  func.func @transform_1(%arg0: i32) -> (i32, i32) {
    %c0_i32 = arith.constant 0 : i32
    %c0_i32_0 = arith.constant 0 : i32
    return %arg0, %c0_i32 : i32, i32
  }
  func.func @transform_2(%arg0: i32) -> (i32, i32) {
    %c0_i32 = arith.constant 0 : i32
    %c0_i32_0 = arith.constant 0 : i32
    return %arg0, %c0_i32 : i32, i32
  }
  func.func @transform_3(%arg0: i32) -> (i32, i32) {
    %c0_i32 = arith.constant 0 : i32
    %c0_i32_0 = arith.constant 0 : i32
    return %arg0, %c0_i32 : i32, i32
  }
  func.func @transform_4(%arg0: i32) -> (i32, i32) {
    %c0_i32 = arith.constant 0 : i32
    %c0_i32_0 = arith.constant 0 : i32
    %c0_i32_1 = arith.constant 0 : i32
    return %c0_i32, %c0_i32_0 : i32, i32
  }
  func.func @transform_5(%arg0: i32) -> (i32, i32) {
    %c0_i32 = arith.constant 0 : i32
    %c0_i32_0 = arith.constant 0 : i32
    %c0_i32_1 = arith.constant 0 : i32
    return %c0_i32, %c0_i32_0 : i32, i32
  }
  func.func @transform_6(%arg0: i32) -> (i32, i32) {
    %c0_i32 = arith.constant 0 : i32
    %c0_i32_0 = arith.constant 0 : i32
    %c0_i32_1 = arith.constant 0 : i32
    return %c0_i32, %c0_i32_0 : i32, i32
  }
  func.func @transform_7(%arg0: i32) -> (i32, i32) {
    %c0_i32 = arith.constant 0 : i32
    %c0_i32_0 = arith.constant 0 : i32
    %c0_i32_1 = arith.constant 0 : i32
    return %c0_i32, %c0_i32_0 : i32, i32
  }
  func.func @transform_8(%arg0: i32) -> (i32, i32) {
    %c0_i32 = arith.constant 0 : i32
    %c0_i32_0 = arith.constant 0 : i32
    return %arg0, %c0_i32 : i32, i32
  }
}

</mosaic_0001>

<sc_bundles>
// kernel: kernel.5.cloned.1.call-start
scs
__scs_entry_jumppad:
0x0: {  	(pc) =	sbr.rel $0x88, $3  }
0x1: {  	(tag) =	ssettag $0x0;
	lr =	simm.s32 $0x1  }
0x2: {  	[smem:$0x3F91] =	sst lr;
	_ =	strace $0xD0000000  }
0x3: {  	_ = 	snop  }
0x4: {  	_ = 	snop  }
0x5: {  	_ = 	snop  }
0x6: {  	_ = 	snop  }
0x7: {  	_ = 	snop  }
__scs_overlays_trampoline_lowered:
0x8: {  	[smem:$0x3FA0] =	sst s0  }
0x9: {  	[smem:$0x3FA1] =	sst s1  }
0xa: {  	[smem:$0x3FA2] =	sst s2  }
0xb: {  	[smem:$0x3FA3] =	sst s3  }
0xc: {  	[smem:$0x3FA4] =	sst s4  }
0xd: {  	[smem:$0x3FA5] =	sst s5  }
0xe: {  	[smem:$0x3FA6] =	sst s6  }
0xf: {  	[smem:$0x3FA7] =	sst s7  }
0x10: {  	[smem:$0x3FA8] =	sst s8  }
0x11: {  	[smem:$0x3FA9] =	sst s9;
	s0 =	simm.s32 @!p0 $0x0  }
0x12: {  	s1 =	sld [smem:$0x3F8F];
	s0 =	simm.s32 @p0 $0x1  }
0x13: {  	[smem:$0x3FAA] =	sst s0;
	s0 =	simm.s32 @!p1 $0x0  }
0x14: {  	s2 =	sld [smem:$0x3F8E];
	s0 =	simm.s32 @p1 $0x1  }
0x15: {  	[smem:$0x3FAB] =	sst s0;
	s0 =	simm.s32 @!p2 $0x0  }
0x16: {  	s3 =	sld [smem:$0x3FDB];
	s0 =	simm.s32 @p2 $0x1  }
0x17: {  	s4 =	simm.s32 $0x1BF5;
	[smem:$0x3FAD] =	sst s0  }
0x18: {  	s0 =	sld [smem:$0x3F90];
	_ =	swait.ge [sflag:s4], $0x0  }
0x19: {  	s7 =	sld [smem:$0x3F91]  }
0x1a: {  	s8 =	sadd.s32 $0xFFFFE003, lr  }
0x1b: {  	s9 =	sadd.s32 $0xFFFFFEF7, lr;
	s5 =	simm.s32 $0xFFFFFFFF;
	p2 =	slt.u32 s8, $0xFFFFF086  }
0x1c: {  	p1 =	slt.u32 s9, $0xF7A;
	s5 =	simm.s32 @!p2 $0x0  }
0x1d: {  	s5 =	simm.s32 @p1 $0x1;
	p0 =	seq.s32 s7, s2  }
0x1e: {  	s7 =	smul.u32 @!p0 $0xF7A, s2;
	p2 =	seq.s32 @!p0 s5, $0x0  }
0x1f: {  	s9 =	smul.u32 $0xF7A, s1;
	s8 =	simm.s32 @!p0 $0x1BF5;
	p2 =	por !p2, p0  }
0x20: {  	[sflag:s8] =	ssyncset.s32 @!p0 $0xFFFFF086;
	s6 =	sadd.s32 @!p0 s3, s7;
	s7 =	simm.s32 @!p0 $0x108  }
0x21: {  	s3 =	sadd.s32 s3, s9;
	s6 =	sadd.s32 @!p0 $0x88, s6;
	s7 =	simm.s32 @p2 $0x1082  }
0x22: {  	[simem:s7], [sflag:s8] =	dma.local @!p0 [hbm:s6], $0xF7A  }
0x23: {  	s9 =	sor.u32 $0xD0000000, s2;
	s6 =	simm.s32 $0x108;
	_ =	swait.ge @!p0 [sflag:s8], $0x0  }
0x24: {  	s3 =	sadd.s32 $0x88, s3;
	s6 =	simm.s32 @!p1 $0x1082;
	[sflag:s4] =	ssyncset.s32 $0xFFFFF086  }
0x25: {  	[simem:s6], [sflag:s4] =	dma.local [hbm:s3], $0xF7A  }
0x26: {  	[smem:$0x3F91] =	sst s1;
	(tag) =	ssettag s2;
	_ =	strace s9  }
0x27: {  	s1 =	sld [smem:$0x3FA1]  }
0x28: {  	s2 =	sld [smem:$0x3FA2]  }
0x29: {  	s4 =	sld [smem:$0x3FA4]  }
0x2a: {  	p0 =	seq.s32 s5, $0x0;
	s5 =	sld [smem:$0x3FA5]  }
0x2b: {  	s6 =	sld [smem:$0x3FA6]  }
0x2c: {  	s7 =	sld [smem:$0x3FA7]  }
0x2d: {  	s3 =	simm.s32 $0x108;
	s8 =	sld [smem:$0x3FA8]  }
0x2e: {  	s3 =	simm.s32 @!p0 $0x1082;
	s9 =	sld [smem:$0x3FA9]  }
0x2f: {  	lr =	sadd.s32 s0, s3;
	s0 =	sld [smem:$0x3FA0]  }
0x30: {  	s3 =	sld [smem:$0x3FA3]  }
0x31: {  	[smem:$0x3FAC] =	sst s10  }
0x32: {  	s10 =	sld [smem:$0x3FAA];
	_ =	sdelay $0x3  }
0x33: {  	p0 =	seq.s32 s10, $0x1;
	s10 =	sld [smem:$0x3FAC];
	_ =	sdelay $0x3  }
0x34: {  	[smem:$0x3FAC] =	sst s10  }
0x35: {  	s10 =	sld [smem:$0x3FAB];
	_ =	sdelay $0x3  }
0x36: {  	p1 =	seq.s32 s10, $0x1;
	s10 =	sld [smem:$0x3FAC];
	_ =	sdelay $0x3  }
0x37: {  	[smem:$0x3FAC] =	sst s10  }
0x38: {  	s10 =	sld [smem:$0x3FAD]  }
0x39: {  	_ = 	snop;
	(pc) =	sbr.ind lr, $3  }
0x3a: {  	_ = 	snop  }
0x3b: {  	_ = 	snop  }
0x3c: {  	p2 =	seq.s32 s10, $0x1;
	s10 =	sld [smem:$0x3FAC]  }
0x3d: {  	_ =	shalt  }
0x3e: {  	_ =	shalt  }
0x3f: {  	_ =	shalt  }
0x40: {  	_ =	shalt  }
0x41: {  	_ =	shalt  }
0x42: {  	_ =	shalt  }
0x43: {  	_ =	shalt  }
0x44: {  	_ =	shalt  }
0x45: {  	_ =	shalt  }
0x46: {  	_ =	shalt  }
0x47: {  	_ =	shalt  }
0x48: {  	_ =	shalt  }
0x49: {  	_ =	shalt  }
0x4a: {  	_ =	shalt  }
0x4b: {  	_ =	shalt  }
0x4c: {  	_ =	shalt  }
0x4d: {  	_ =	shalt  }
0x4e: {  	_ =	shalt  }
0x4f: {  	_ =	shalt  }
0x50: {  	_ =	shalt  }
0x51: {  	_ =	shalt  }
0x52: {  	_ =	shalt  }
0x53: {  	_ =	shalt  }
0x54: {  	_ =	shalt  }
0x55: {  	_ =	shalt  }
0x56: {  	_ =	shalt  }
0x57: {  	_ =	shalt  }
0x58: {  	_ =	shalt  }
0x59: {  	_ =	shalt  }
0x5a: {  	_ =	shalt  }
0x5b: {  	_ =	shalt  }
0x5c: {  	_ =	shalt  }
0x5d: {  	_ =	shalt  }
0x5e: {  	_ =	shalt  }
0x5f: {  	_ =	shalt  }
0x60: {  	_ =	shalt  }
0x61: {  	_ =	shalt  }
0x62: {  	_ =	shalt  }
0x63: {  	_ =	shalt  }
0x64: {  	_ =	shalt  }
0x65: {  	_ =	shalt  }
0x66: {  	_ =	shalt  }
0x67: {  	_ =	shalt  }
0x68: {  	_ =	shalt  }
0x69: {  	_ =	shalt  }
0x6a: {  	_ =	shalt  }
0x6b: {  	_ =	shalt  }
0x6c: {  	_ =	shalt  }
0x6d: {  	_ =	shalt  }
0x6e: {  	_ =	shalt  }
0x6f: {  	_ =	shalt  }
0x70: {  	_ =	shalt  }
0x71: {  	_ =	shalt  }
0x72: {  	_ =	shalt  }
0x73: {  	_ =	shalt  }
0x74: {  	_ =	shalt  }
0x75: {  	_ =	shalt  }
0x76: {  	_ =	shalt  }
0x77: {  	_ =	shalt  }
0x78: {  	_ =	shalt  }
0x79: {  	_ =	shalt  }
0x7a: {  	_ =	shalt  }
0x7b: {  	_ =	shalt  }
0x7c: {  	_ =	shalt  }
0x7d: {  	_ =	shalt  }
0x7e: {  	_ =	shalt  }
0x7f: {  	_ =	shalt  }
0x80: {  	_ =	shalt  }
0x81: {  	_ =	shalt  }
0x82: {  	_ =	shalt  }
0x83: {  	_ =	shalt  }
0x84: {  	_ =	shalt  }
0x85: {  	_ =	shalt  }
0x86: {  	_ =	shalt  }
0x87: {  	_ =	shalt  }
.Lfunc_end0:
.L_simem_size_0:
called_computation_lowered:
.L_overlay_start_0:
0x88: {  	s2 =	sld [smem:$0x3FD9]  }
0x89: {  	s3 =	sld [smem:$0x3FFE];
	_ =	sdelay $0x1  }
0x8a: {  	s1 =	srdreg.scid  }
0x8b: {  	s0 =	sand.u32 $0x1, s1  }
0x8c: {  	s16 =	sshll.u32 s0, $0xA;
	s2 =	sadd.s32 s3, s2  }
0x8d: {  	s2 =	sadd.s32 s2, s16  }
0x8e: {  	[smem:$0x3FB8] =	sst s2  }
0x8f: {  	_ = 	snop  }
0x90: {  	(tm) =	ssettm $0x1  }
0x91: {  	s17 =	sld [smem:$0x3FFB];
	_ =	sdelay $0x3  }
0x92: {  	_ =	strace s17  }
0x93: {  	s2 =	sld [smem:$0x3FFC];
	_ =	sdelay $0x3  }
0x94: {  	_ =	strace s2  }
0x95: {  	s2 =	sld [smem:$0x3FFD];
	_ =	sdelay $0x3  }
0x96: {  	_ =	strace s2  }
0x97: {  	_ =	strace $0x8FFFFFFF  }
0x98: {  	s18 =	sld [smem:$0x3FDB];
	_ =	sdelay $0x1  }
0x99: {  	s19 =	simm.s32 $_scs_section_size  }
0x9a: {  	s4 =	simm.s32 $_size__tile_overlayer_lowered;
	s5 =	simm.s32 $_tile_overlayer_lowered  }
0x9b: {  	s22 =	simm.s32 $0x1BFF;
	s21 =	sshll.u32 s5, $0x1;
	s2 =	sadd.s32 s19, s18  }
0x9c: {  	s6 =	simm.s32 $0x0;
	s20 =	sshll.u32 s4, $0x1;
	s4 =	sadd.s32 s21, s2  }
0x9d: {  	[timem:s6], [sflag:s22] =	dma.local [hbm:s4], s20  }
0x9e: {  	_ =	swait.ge [sflag:s22], s20  }
0x9f: {  	s3 =	ssub.s32 $0x0, s20;
	[sflag:s22] =	ssyncset.done $0x0  }
0xa0: {  	[sflag:s22] =	ssyncadd.s32 s3;
	_ =	sdelay $0x1  }
0xa1: {  	s23 =	simm.s32 $0x1B8B  }
0xa2: {  	_ =	swait.ge [sflag:s23], $0x1  }
0xa3: {  	[sflag:s23] =	ssyncset.done $0x0  }
0xa4: {  	s25 =	simm.s32 $0x1B8E;
	s24 =	sld [smem:$0x3FFE];
	[sflag:s23] =	ssyncadd.s32 $0xFFFFFFFF  }
0xa5: {  	s26 =	simm.s32 $execute0_lowered;
	[smem:$0x3FD2] =	sst s25  }
0xa6: {  	s4 =	sshll.u32 s26, $0x1;
	_ =	strace $0x80000046;
	[dreg:$0x1] =	wrdreg $0xFFFFFFFF  }
0xa7: {  	s28 =	simm.s32 $_size_execute0_lowered;
	s2 =	sadd.s32 s2, s4;
	[dreg:$0x0] =	wrdreg $0x0  }
0xa8: {  	s4 =	sshll.u32 s28, $0x1;
	[dreg:$0x2] =	wrdreg s2  }
0xa9: {  	[dreg:$0x3] =	wrdreg s4  }
0xaa: {  	[dreg:$0x4] =	wrdreg $0xC0  }
0xab: {  	_ =	task [dreg:s6], $0x5FFFF  }
0xac: {  	[dreg:$0x1] =	wrdreg $0xFFFFFFFF  }
0xad: {  	[dreg:$0x0] =	wrdreg $0x60  }
0xae: {  	[dreg:$0x2] =	wrdreg s24  }
0xaf: {  	[dreg:$0x3] =	wrdreg $0x102200  }
0xb0: {  	[dreg:$0x4] =	wrdreg $0x9  }
0xb1: {  	_ =	task.clear_ibuf [dreg:s6], $0x5FFFF;
	_ =	strace $0x90000046  }
0xb2: {  	s29 =	simm.s32 $0x9;
	_ =	strace $0x80000048  }
0xb3: {  	_ =	swait.ge [sflag:s29], $0x1  }
0xb4: {  	[sflag:s29] =	ssyncadd.s32 $0xFFFFFFFF  }
0xb5: {  	_ =	strace $0x90000048  }
0xb6: {  	_ =	sfence  }
0xb7: {  	s30 =	sld [smem:$0x0];
	_ =	sdelay $0x2  }
0xb8: {  	s31 =	sshll.u32 s1, $0xD;
	s1 =	sshrl.u32 s1, $0x2  }
0xb9: {  	s3 =	sand.u32 $0x4000, s31;
	s1 =	sadd.s32 s1, s30  }
0xba: {  	s0 =	sor.u32 s3, s0;
	s1 =	sshll.u32 s1, $0x11  }
0xbb: {  	s0 =	sor.u32 s1, s0  }
0xbc: {  	s0 =	sadd.s32 $0x8F2B, s0  }
0xbd: {  	[sflag:s0] =	ssyncadd.remote.s32 $0x1  }
0xbe: {  	_ =	sfence.sel $0xFFFF  }
0xbf: {  	[dreg:$0x0] =	wrdreg $0xFFFFFFFF;
	(pc) =	sbr.abs _section_cstart, $3  }
0xc0: {  	[dreg:$0x1] =	wrdreg $0xFFFFFFFF  }
0xc1: {  	_ =	task.clear_ibuf [dreg:s6], $0x2FFFF;
	_ =	strace $0x9FFFFFFF  }
0xc2: {  	(tm) =	ssettm $0x7FFFFFFF  }
0xc3: {  	_ =	shalt  }
tec
execute0_lowered:
.L_overlay_start_1:
0x0: {  	(tag) =	ssettag $0x1  }
0x1: {  	s0 =	srdreg.scid;
	s1 =	rddreg [dreg:$0x0]  }
0x2: {  	s9 =	stileid.u32;
	s2 =	rddreg [dreg:$0x1]  }
0x3: {  	s18 =	simm.s32 $0xE420;
	s19 =	simm.s32 $0x3;
	s21 =	simm.s32 $0x50  }
0x4: {  	s22 =	simm.s32 $0x4E20;
	s28 =	simm.s32 $0x2;
	s0 =	sand.u32 $0x1, s0  }
0x5: {  	s5 =	smul.u32 $0x3B400, s9;
	s3 =	sshll.u32 s0, $0x4;
	s7 =	ssub.s32 $0x2, s0  }
0x6: {  	v0 =	vimm.s32 $0x76543210;
	v1 =	vimm.s32 $0xFEDCBA98;
	p0 =	seq.s32 s0, $0x1;
	s0 =	simm.s32 $0xD4E00;
	s4 =	sor.u32 s9, s3  }
0x7: {  	v2 =	vimm.s32 $0xBA98FEDC;
	v3 =	vimm.s32 $0x32107654;
	s3 =	simm.s32 $0x0;
	s5 =	sshrl.u32 s5, $0x2;
	s9 =	smul.u32 $0xED00, s9  }
0x8: {  	v4 =	vimm.s32 $0xDCFE98BA;
	v5 =	vimm.s32 $0x54761032;
	s8 =	sshrl.u32 s7, $0x1;
	s0 =	simm.s32 @!p0 $0xF2800;
	s4 =	smul.u32 $0x4E2, s4  }
0x9: {  	v6 =	vimm.s32 $0xEFCDAB89;
	v7 =	vimm.s32 $0x67452301;
	[smem:$0x7FF] =	sst s3;
	s10 =	sadd.s32 s5, s2;
	s5 =	sadd.s32 $0x77C00, s1  }
0xa: {  	vm0 =	vmmov $0x1;
	vm1 =	vcmask $0x314;
	vm2 =	vcmask $0x714;
	s8 =	ssub.s32 s7, s8;
	s0 =	sadd.s32 s0, s1;
	s23 =	sadd.s32 $0x1E00, s10  }
0xb: {  	v0 =	vunpack.c.l.s4.s8 v0;
	v1 =	vunpack.c.l.s4.s8 v1;
	v2 =	vunpack.c.l.s4.s8 v2;
	_ =	strace $0x80000047;
	s11 =	sadd.s32 $0x3C00, s10;
	[dreg:$0x3] =	wrdreg s23  }
0xc: {  	v3 =	vunpack.c.l.s4.s8 v3;
	v4 =	vunpack.c.l.s4.s8 v4;
	v5 =	vunpack.c.l.s4.s8 v5;
	s7 =	sadd.s32 s9, s2;
	s24 =	sadd.s32 $0x5A00, s10;
	[dreg:$0x4] =	wrdreg s11  }
0xd: {  	v6 =	vunpack.c.l.s4.s8 v6;
	v7 =	vunpack.c.l.s4.s8 v7;
	v2 =	vunpack.c.0.s8.s32 v2;
	s25 =	sadd.s32 $0x7800, s10;
	s26 =	sadd.s32 $0x9600, s10;
	[dreg:$0x5] =	wrdreg s24  }
0xe: {  	v3 =	vunpack.c.0.s8.s32 v3;
	v4 =	vunpack.c.0.s8.s32 v4;
	v5 =	vunpack.c.0.s8.s32 v5;
	s29 =	sadd.s32 $0xB400, s10;
	s10 =	sadd.s32 $0xD200, s10;
	[dreg:$0x6] =	wrdreg s25  }
0xf: {  	v1 =	vunpack.c.0.s8.s32 v1;
	v6 =	vunpack.c.0.s8.s32 v6;
	v7 =	vunpack.c.0.s8.s32 v7;
	s31 =	sshrl.u32 s9, $0x3;
	s16 =	smax.u32 s8, $0x1;
	[dreg:$0x7] =	wrdreg s26  }
0x10: {  	v2 =	vcombine.low v3, v2;
	v3 =	vcombine.low v5, v4;
	v4 =	vunpack.c.0.s8.s32 v0;
	s6 =	sadd.s32 s4, s1;
	s4 =	sadd.s32 $0xA8A00, s1;
	[dreg:$0x8] =	wrdreg s29  }
0x11: {  	vm3 =	vcmask $0xB14;
	v5 =	vcombine.low v7, v6;
	v1 =	vand.u32 $0xF, v1;
	[dreg:$0x9] =	wrdreg s10;
	s17 =	sadd.s32 s0, s31;
	s23 =	simm.s32 $0x8020  }
0x12: {  	vm4 =	vcmask $0xF14;
	v0 =	vimm.f32 $0.0e+00;
	s24 =	simm.s32 $0x6720;
	s25 =	simm.s32 $0xB220;
	s30 =	sadd.s32 $0xCB000, s6;
	v1 =	vcombine.low v1, v4  }
0x13: {  	s26 =	simm.s32 $0x1;
	s15 =	sadd.s32 $0xC1200, s6;
	v2 =	vand.u32 $0xF, v2;
	v3 =	vand.u32 $0xF, v3;
	v4 =	vand.u32 $0xF, v5;
	[dreg:$0xa] =	wrdreg s30  }
.LBB2_1:
0x14: {  	s0 =	simm.s32 $0x0  }
0x15: {  	[tilespmem:s0+$0xE470] =	vst v0  }
0x16: {  	[tilespmem:s0+$0xE420] =	vst v0  }
0x17: {  	[tilespmem:s0+$0xE430] =	vst v0  }
0x18: {  	[tilespmem:s0+$0xE440] =	vst v0  }
0x19: {  	s1 =	simm.s32 $0x180;
	[tilespmem:s0+$0xE450] =	vst v0  }
.LBB2_2:
0x1a: {  	p0 =	sne.s32 s1, $0x7680;
	[tilespmem:s0+$0xE460] =	vst v0;
	s0 =	sshra.s32 s1, $0x2;
	s1 =	sadd.s32 $0x180, s1  }
.Ltmp0:
0x1b: {  	[tilespmem:s0+$0xE470] =	vst v0;
	(pc) =	sbr.rel @p0 .LBB2_2-.Ltmp0, $4  }
0x1c: {  	[tilespmem:s0+$0xE420] =	vst v0  }
0x1d: {  	[tilespmem:s0+$0xE430] =	vst v0  }
0x1e: {  	[tilespmem:s0+$0xE440] =	vst v0  }
0x1f: {  	[tilespmem:s0+$0xE450] =	vst v0  }
0x20: {  	[tilespmem:s0+$0xE460] =	vst v0  }
0x21: {  	[spmem:s7] =	stream.linear.scatter [tilespmem:s18], [sflag:$0x3], $0x1E00, $0x38;
	[tilespmem:$0x1EF20] =	vst v63  }
0x22: {  	_ =	swait.ge [sflag:s19], $0x1E00  }
0x23: {  	[sflag:s19] =	ssyncset.done $0x0  }
0x24: {  	s9 =	rddreg [dreg:$0x3];
	[sflag:s19] =	ssyncadd.s32 $0xFFFFE200  }
0x25: {  	[spmem:s9] =	stream.linear.scatter [tilespmem:s18], [sflag:$0x3], $0x1E00, $0x38;
	[tilespmem:$0x1EF20] =	vst v63  }
0x26: {  	_ =	swait.ge [sflag:s19], $0x1E00  }
0x27: {  	[sflag:s19] =	ssyncset.done $0x0  }
0x28: {  	s10 =	rddreg [dreg:$0x4];
	[sflag:s19] =	ssyncadd.s32 $0xFFFFE200  }
0x29: {  	[spmem:s10] =	stream.linear.scatter [tilespmem:s18], [sflag:$0x3], $0x1E00, $0x38;
	[tilespmem:$0x1EF20] =	vst v63  }
0x2a: {  	_ =	swait.ge [sflag:s19], $0x1E00  }
0x2b: {  	[sflag:s19] =	ssyncset.done $0x0  }
0x2c: {  	s11 =	rddreg [dreg:$0x5];
	[sflag:s19] =	ssyncadd.s32 $0xFFFFE200  }
0x2d: {  	[spmem:s11] =	stream.linear.scatter [tilespmem:s18], [sflag:$0x3], $0x1E00, $0x38;
	[tilespmem:$0x1EF20] =	vst v63  }
0x2e: {  	_ =	swait.ge [sflag:s19], $0x1E00  }
0x2f: {  	[sflag:s19] =	ssyncset.done $0x0  }
0x30: {  	s12 =	rddreg [dreg:$0x6];
	[sflag:s19] =	ssyncadd.s32 $0xFFFFE200  }
0x31: {  	[spmem:s12] =	stream.linear.scatter [tilespmem:s18], [sflag:$0x3], $0x1E00, $0x38;
	[tilespmem:$0x1EF20] =	vst v63  }
0x32: {  	_ =	swait.ge [sflag:s19], $0x1E00  }
0x33: {  	[sflag:s19] =	ssyncset.done $0x0  }
0x34: {  	s13 =	rddreg [dreg:$0x7];
	[sflag:s19] =	ssyncadd.s32 $0xFFFFE200  }
0x35: {  	[spmem:s13] =	stream.linear.scatter [tilespmem:s18], [sflag:$0x3], $0x1E00, $0x38;
	[tilespmem:$0x1EF20] =	vst v63  }
0x36: {  	_ =	swait.ge [sflag:s19], $0x1E00  }
0x37: {  	[sflag:s19] =	ssyncset.done $0x0  }
0x38: {  	s14 =	rddreg [dreg:$0x8];
	[sflag:s19] =	ssyncadd.s32 $0xFFFFE200  }
0x39: {  	[spmem:s14] =	stream.linear.scatter [tilespmem:s18], [sflag:$0x3], $0x1E00, $0x38;
	[tilespmem:$0x1EF20] =	vst v63  }
0x3a: {  	_ =	swait.ge [sflag:s19], $0x1E00  }
0x3b: {  	[sflag:s19] =	ssyncset.done $0x0  }
0x3c: {  	s20 =	rddreg [dreg:$0x9];
	[sflag:s19] =	ssyncadd.s32 $0xFFFFE200  }
0x3d: {  	[spmem:s20] =	stream.linear.scatter [tilespmem:s18], [sflag:$0x3], $0x1B00, $0x38;
	[tilespmem:$0x1EF20] =	vst v63  }
0x3e: {  	_ =	swait.ge [sflag:s19], $0x1B00  }
0x3f: {  	[sflag:s19] =	ssyncset.done $0x0  }
0x40: {  	[sflag:s19] =	ssyncadd.s32 $0xFFFFE500  }
0x41: {  	[bflag:$0x0] =	sbarrier.arrive $0xFFFF  }
0x42: {  	s30 =	simm.s32 $0x0;
	s29 =	rddreg [dreg:$0xa]  }
0x43: {  	[tilespmem:s30], [sflag:$0x3] =	stream.linear.gather [hbm4b:s29+s30], $0x2710, $0x38;
	[tilespmem:$0x1EF20] =	vst v63  }
0x44: {  	_ =	swait.ge [sflag:s19], $0x2710  }
0x45: {  	[sflag:s19] =	ssyncset.done $0x0  }
0x46: {  	s31 =	simm.s32 $0x2710;
	[sflag:s19] =	ssyncadd.s32 $0xFFFFD8F0  }
0x47: {  	[tilespmem:s31], [sflag:$0x3] =	stream.linear.gather [hbm4b:s15+s30], $0x2710, $0x38;
	[tilespmem:$0x1EF20] =	vst v63  }
0x48: {  	_ =	swait.ge [sflag:s19], $0x2710  }
0x49: {  	[sflag:s19] =	ssyncset.done $0x0  }
0x4a: {  	[sflag:s19] =	ssyncadd.s32 $0xFFFFD8F0  }
0x4b: {  	[tilespmem:s22], [sflag:$0x1] =	stream.indirect.gather [hbm4b:s4+s21], $0x50, s31, s21, $0xb8;
	[tilespmem:$0x1EF20] =	vst v63  }
0x4c: {  	_ = 	snop  }
0x4d: {  	[tilespmem:s23], [sflag:$0x2] =	stream.indirect.gather [hbm4b:s5+s21], $0xA0, s30, s21, $0xb8;
	[tilespmem:$0x1EF20] =	vst v63  }
.LBB2_4:
0x4e: {  	s1 =	smul.u32 $0xA0, s30;
	_ =	sdelay $0x1  }
0x4f: {  	s31 =	sadd.s32 $0x2760, s1  }
0x50: {  	[tilespmem:s24], [sflag:$0x1] =	stream.indirect.gather [hbm4b:s4+s21], $0x50, s31, s21, $0xb8;
	[tilespmem:$0x1EF20] =	vst v63  }
0x51: {  	s0 =	sadd.s32 $0x50, s1  }
0x52: {  	[tilespmem:s25], [sflag:$0x2] =	stream.indirect.gather [hbm4b:s5+s21], $0xA0, s0, s21, $0xb8;
	[tilespmem:$0x1EF20] =	vst v63  }
0x53: {  	_ =	swait.ge [sflag:s26], $0x1900  }
0x54: {  	[sflag:s26] =	ssyncset.done $0x0  }
0x55: {  	[sflag:s26] =	ssyncadd.s32 $0xFFFFE700  }
0x56: {  	_ =	swait.ge [sflag:s28], $0x3200  }
0x57: {  	[sflag:s28] =	ssyncset.done $0x0  }
0x58: {  	s10 =	simm.s32 $0x4EC0;
	[sflag:s28] =	ssyncadd.s32 $0xFFFFCE00  }
0x59: {  	s9 =	simm.s32 $0x8160;
	v5 =	vld [tilespmem:s10+$0x50]  }
0x5a: {  	v6 =	vld [tilespmem:s9+$0xA0];
	_ =	sdelay $0x4  }
0x5b: {  	v5 =	vmul.f32 v6, v5;
	_ =	sdelay $0x1  }
0x5c: {  	v6 =	vperm.xlane v5, v1;
	_ =	sdelay $0x1  }
0x5d: {  	v5 =	vadd.f32 v6, v5;
	_ =	sdelay $0x1  }
0x5e: {  	v6 =	vperm.xlane v5, v2;
	_ =	sdelay $0x1  }
0x5f: {  	v5 =	vadd.f32 v6, v5;
	_ =	sdelay $0x1  }
0x60: {  	v6 =	vperm.xlane v5, v3;
	_ =	sdelay $0x1  }
0x61: {  	v5 =	vadd.f32 v6, v5  }
0x62: {  	v8 =	vld [tilespmem:s10+$0xFFFFFFB0]  }
0x63: {  	v9 =	vld [tilespmem:s9+$0xFFFFFF60];
	v7 =	vperm.xlane v5, v4  }
0x64: {  	v6 =	vld [tilespmem:s9+$0xFFFFFEC0]  }
0x65: {  	v5 =	vadd.f32 v7, v5;
	v7 =	vld [tilespmem:s10+$0xFFFFFF60]  }
0x66: {  	v10 =	vld [tilespmem:s10+$0x0]  }
0x67: {  	v11 =	vld [tilespmem:s9+$0x0];
	v5 =	vmul.f32 $1.442695020e+00, v5;
	_ =	sdelay $0x1  }
0x68: {  	(erf) = vpow2.f32 v5;
	v5 =	vmul.f32 v9, v8  }
0x69: {  	v6 =	vmul.f32 v6, v7  }
0x6a: {  	v7 =	vperm.xlane v5, v1  }
0x6b: {  	v8 =	vmul.f32 v11, v10;
	v9 =	vperm.xlane v6, v1  }
0x6c: {  	v5 =	vadd.f32 v7, v5  }
0x6d: {  	v10 =	vperm.xlane v8, v1;
	v7 =	vld [tilespmem:s9+$0xF0];
	v6 =	vadd.f32 v9, v6  }
0x6e: {  	v9 =	vperm.xlane v5, v2  }
0x6f: {  	v8 =	vadd.f32 v10, v8;
	v10 =	vperm.xlane v6, v2  }
0x70: {  	v9 =	vadd.f32 v9, v5  }
0x71: {  	v11 =	vperm.xlane v8, v2;
	v5 =	vpop (erf);
	v6 =	vadd.f32 v10, v6  }
0x72: {  	v7 =	vmul.f32 v5, v7;
	v10 =	vperm.xlane v9, v3  }
0x73: {  	s29 =	simm.s32 $0xE4E0;
	v8 =	vadd.f32 v11, v8;
	v11 =	vperm.xlane v6, v3  }
0x74: {  	[tilespmem:s29+$0x60] =	vst v7;
	v7 =	vadd.f32 v10, v9  }
0x75: {  	v10 =	vperm.xlane v8, v3;
	v9 =	vld [tilespmem:s10+$0x60];
	v6 =	vadd.f32 v11, v6  }
0x76: {  	v11 =	vld [tilespmem:s9+$0xB0];
	v12 =	vperm.xlane v7, v4  }
0x77: {  	v8 =	vadd.f32 v10, v8;
	v10 =	vperm.xlane v6, v4  }
0x78: {  	v7 =	vadd.f32 v12, v7  }
0x79: {  	v6 =	vadd.f32 v10, v6  }
0x7a: {  	v12 =	vperm.xlane v8, v4;
	v7 =	vmul.f32 $1.442695020e+00, v7  }
0x7b: {  	v9 =	vmul.f32 v11, v9;
	v6 =	vmul.f32 $1.442695020e+00, v6  }
0x7c: {  	(erf) = vpow2.f32 v7  }
0x7d: {  	v8 =	vadd.f32 v12, v8;
	v7 =	vperm.xlane v9, v1;
	(erf) = vpow2.f32 v6;
	_ =	sdelay $0x1  }
0x7e: {  	v6 =	vmul.f32 $1.442695020e+00, v8;
	v7 =	vadd.f32 v7, v9;
	_ =	sdelay $0x1  }
0x7f: {  	v9 =	vld [tilespmem:s9+$0xFFFFFFB0];
	(erf) = vpow2.f32 v6;
	v6 =	vperm.xlane v7, v2  }
0x80: {  	v10 =	vld [tilespmem:s9+$0xFFFFFF10]  }
0x81: {  	v6 =	vadd.f32 v6, v7;
	_ =	sdelay $0x1  }
0x82: {  	v11 =	vperm.xlane v6, v3;
	v8 =	vpop (erf)  }
0x83: {  	v12 =	vld [tilespmem:s9+$0x50];
	v9 =	vmul.f32 v8, v9;
	v7 =	vpop (erf)  }
0x84: {  	v11 =	vadd.f32 v11, v6;
	v10 =	vmul.f32 v7, v10  }
0x85: {  	[tilespmem:s29+$0xFFFFFFA0] =	vst v9  }
0x86: {  	v9 =	vperm.xlane v11, v4;
	[tilespmem:s29+$0xFFFFFF40] =	vst v10  }
0x87: {  	v6 =	vpop (erf);
	v13 =	vld [tilespmem:s10+$0xFFFFFF70]  }
0x88: {  	v12 =	vmul.f32 v6, v12;
	v9 =	vadd.f32 v9, v11;
	v11 =	vld [tilespmem:s9+$0xFFFFFED0]  }
0x89: {  	v10 =	vld [tilespmem:s10+$0xFFFFFFC0]  }
0x8a: {  	[tilespmem:s29+$0x0] =	vst v12;
	v12 =	vld [tilespmem:s9+$0xFFFFFF70];
	v9 =	vmul.f32 $1.442695020e+00, v9;
	_ =	sdelay $0x1  }
0x8b: {  	v14 =	vld [tilespmem:s10+$0x10];
	(erf) = vpow2.f32 v9  }
0x8c: {  	v15 =	vld [tilespmem:s9+$0x10];
	v9 =	vmul.f32 v11, v13;
	_ =	sdelay $0x1  }
0x8d: {  	v10 =	vmul.f32 v12, v10;
	v11 =	vperm.xlane v9, v1;
	_ =	sdelay $0x1  }
0x8e: {  	v13 =	vld [tilespmem:s9+$0x100];
	v11 =	vadd.f32 v11, v9;
	v9 =	vperm.xlane v10, v1  }
0x8f: {  	v12 =	vmul.f32 v15, v14;
	_ =	sdelay $0x1  }
0x90: {  	v14 =	vperm.xlane v12, v1  }
0x91: {  	v15 =	vperm.xlane v11, v2;
	v10 =	vadd.f32 v9, v10;
	v9 =	vpop (erf)  }
0x92: {  	v12 =	vadd.f32 v14, v12;
	v13 =	vmul.f32 v9, v13  }
0x93: {  	v11 =	vadd.f32 v15, v11;
	v14 =	vperm.xlane v10, v2  }
0x94: {  	v15 =	vperm.xlane v12, v2;
	[tilespmem:s29+$0x70] =	vst v13  }
0x95: {  	v16 =	vperm.xlane v11, v3;
	v10 =	vadd.f32 v14, v10;
	v13 =	vld [tilespmem:s10+$0x70]  }
0x96: {  	v12 =	vadd.f32 v15, v12;
	v15 =	vld [tilespmem:s9+$0xC0]  }
0x97: {  	v11 =	vadd.f32 v16, v11;
	v14 =	vperm.xlane v10, v3  }
0x98: {  	v16 =	vperm.xlane v12, v3  }
0x99: {  	v17 =	vperm.xlane v11, v4;
	v10 =	vadd.f32 v14, v10  }
0x9a: {  	v12 =	vadd.f32 v16, v12  }
0x9b: {  	v11 =	vadd.f32 v17, v11;
	v14 =	vperm.xlane v10, v4;
	v13 =	vmul.f32 v15, v13  }
0x9c: {  	v15 =	vperm.xlane v12, v4  }
0x9d: {  	s14 =	simm.s32 $0x5000;
	v11 =	vmul.f32 $1.442695020e+00, v11;
	v10 =	vadd.f32 v14, v10;
	v14 =	vperm.xlane v13, v1  }
0x9e: {  	s12 =	simm.s32 $0x83E0;
	v16 =	vld [tilespmem:s14+$0x50];
	v12 =	vadd.f32 v15, v12  }
0x9f: {  	v10 =	vmul.f32 $1.442695020e+00, v10;
	(erf) = vpow2.f32 v11;
	v11 =	vld [tilespmem:s12+$0xA0];
	v13 =	vadd.f32 v14, v13  }
0xa0: {  	v18 =	vld [tilespmem:s12+$0xFFFFFF60];
	v12 =	vmul.f32 $1.442695020e+00, v12  }
0xa1: {  	v17 =	vld [tilespmem:s14+$0xFFFFFFB0];
	(erf) = vpow2.f32 v10;
	v15 =	vperm.xlane v13, v2  }
0xa2: {  	v14 =	vld [tilespmem:s9+$0xFFFFFF20]  }
0xa3: {  	(erf) = vpow2.f32 v12;
	v13 =	vadd.f32 v15, v13;
	v15 =	vld [tilespmem:s12+$0xFFFFFEC0]  }
0xa4: {  	v11 =	vmul.f32 v11, v16;
	v16 =	vld [tilespmem:s14+$0xFFFFFF60];
	_ =	sdelay $0x1  }
0xa5: {  	v10 =	vld [tilespmem:s9+$0xFFFFFFC0];
	v19 =	vperm.xlane v13, v3;
	v20 =	vperm.xlane v11, v1;
	_ =	sdelay $0x1  }
0xa6: {  	v21 =	vld [tilespmem:s9+$0x60];
	v17 =	vmul.f32 v18, v17;
	v12 =	vpop (erf);
	v13 =	vadd.f32 v19, v13;
	v19 =	vadd.f32 v20, v11  }
0xa7: {  	v18 =	vld [tilespmem:s12+$0x0];
	v14 =	vmul.f32 v12, v14;
	v15 =	vmul.f32 v15, v16  }
0xa8: {  	v20 =	vld [tilespmem:s14+$0x0];
	v11 =	vpop (erf);
	v22 =	vperm.xlane v13, v4;
	v23 =	vperm.xlane v19, v2  }
0xa9: {  	v24 =	vmul.f32 v11, v10;
	[tilespmem:s29+$0xFFFFFF50] =	vst v14;
	v14 =	vperm.xlane v17, v1  }
0xaa: {  	v10 =	vpop (erf);
	v13 =	vadd.f32 v22, v13;
	v16 =	vadd.f32 v23, v19;
	v19 =	vld [tilespmem:s10+$0xFFFFFF80];
	v22 =	vperm.xlane v15, v1  }
0xab: {  	v21 =	vmul.f32 v10, v21;
	v23 =	vld [tilespmem:s9+$0xFFFFFEE0];
	[tilespmem:s29+$0xFFFFFFB0] =	vst v24;
	v14 =	vadd.f32 v14, v17  }
0xac: {  	v13 =	vmul.f32 $1.442695020e+00, v13;
	v17 =	vperm.xlane v16, v3;
	v24 =	vld [tilespmem:s10+$0xFFFFFFD0];
	v15 =	vadd.f32 v22, v15  }
0xad: {  	v18 =	vmul.f32 v18, v20;
	[tilespmem:s29+$0x10] =	vst v21;
	v20 =	vld [tilespmem:s9+$0xFFFFFF80];
	v21 =	vperm.xlane v14, v2  }
0xae: {  	v25 =	vld [tilespmem:s9+$0x20];
	(erf) = vpow2.f32 v13;
	v13 =	vadd.f32 v17, v16;
	v17 =	vperm.xlane v15, v2  }
0xaf: {  	v22 =	vperm.xlane v18, v1;
	v16 =	vld [tilespmem:s10+$0x20];
	v14 =	vadd.f32 v21, v14  }
0xb0: {  	v19 =	vmul.f32 v23, v19;
	v21 =	vperm.xlane v13, v4;
	v15 =	vadd.f32 v17, v15  }
0xb1: {  	v17 =	vadd.f32 v22, v18;
	v18 =	vperm.xlane v14, v3  }
0xb2: {  	v13 =	vadd.f32 v21, v13;
	v21 =	vperm.xlane v19, v1;
	v22 =	vperm.xlane v15, v3  }
0xb3: {  	v23 =	vld [tilespmem:s9+$0x110];
	v26 =	vperm.xlane v17, v2;
	v14 =	vadd.f32 v18, v14;
	v18 =	vmul.f32 v20, v24  }
0xb4: {  	v16 =	vmul.f32 v25, v16;
	v13 =	vmul.f32 $1.442695020e+00, v13  }
0xb5: {  	v20 =	vadd.f32 v22, v15;
	v17 =	vadd.f32 v26, v17;
	v22 =	vperm.xlane v14, v4  }
0xb6: {  	(erf) = vpow2.f32 v13;
	v13 =	vadd.f32 v21, v19;
	v19 =	vperm.xlane v18, v1  }
0xb7: {  	v21 =	vperm.xlane v20, v4;
	v24 =	vperm.xlane v17, v3;
	v15 =	vpop (erf);
	v14 =	vadd.f32 v22, v14  }
0xb8: {  	v22 =	vmul.f32 v15, v23;
	v23 =	vperm.xlane v13, v2;
	v18 =	vadd.f32 v19, v18  }
0xb9: {  	v19 =	vadd.f32 v21, v20;
	v20 =	vperm.xlane v16, v1;
	v17 =	vadd.f32 v24, v17  }
0xba: {  	v21 =	vld [tilespmem:s12+$0xF0];
	v14 =	vmul.f32 $1.442695020e+00, v14;
	[tilespmem:s29+$0x80] =	vst v22;
	v13 =	vadd.f32 v23, v13  }
0xbb: {  	v19 =	vmul.f32 $1.442695020e+00, v19;
	v20 =	vadd.f32 v20, v16;
	v16 =	vperm.xlane v17, v4;
	v23 =	vld [tilespmem:s10+$0x80]  }
0xbc: {  	v22 =	vperm.xlane v18, v2;
	(erf) = vpow2.f32 v14;
	v14 =	vld [tilespmem:s9+$0xD0]  }
0xbd: {  	v24 =	vperm.xlane v13, v3;
	(erf) = vpow2.f32 v19  }
0xbe: {  	v18 =	vadd.f32 v22, v18;
	v19 =	vperm.xlane v20, v2  }
0xbf: {  	v17 =	vadd.f32 v16, v17;
	v13 =	vadd.f32 v24, v13;
	v16 =	vpop (erf)  }
0xc0: {  	v22 =	vperm.xlane v18, v3;
	v19 =	vadd.f32 v19, v20;
	v20 =	vmul.f32 v16, v21  }
0xc1: {  	s0 =	simm.s32 $0xE660;
	v17 =	vmul.f32 $1.442695020e+00, v17;
	v14 =	vmul.f32 v14, v23  }
0xc2: {  	v21 =	vperm.xlane v13, v4;
	v23 =	vld [tilespmem:s12+$0xFFFFFF10];
	v18 =	vadd.f32 v22, v18;
	v22 =	vperm.xlane v19, v3;
	[tilespmem:s0+$0x60] =	vst v20  }
0xc3: {  	(erf) = vpow2.f32 v17;
	v20 =	vperm.xlane v14, v1;
	v24 =	vld [tilespmem:s14+$0x60]  }
0xc4: {  	v13 =	vadd.f32 v21, v13;
	v21 =	vperm.xlane v18, v4;
	v19 =	vadd.f32 v22, v19;
	v22 =	vld [tilespmem:s12+$0xB0]  }
0xc5: {  	v25 =	vld [tilespmem:s12+$0xFFFFFFB0];
	v17 =	vpop (erf);
	v14 =	vadd.f32 v20, v14  }
0xc6: {  	v13 =	vmul.f32 $1.442695020e+00, v13;
	v20 =	vadd.f32 v21, v18;
	v21 =	vperm.xlane v19, v4;
	v18 =	vpop (erf)  }
0xc7: {  	v23 =	vmul.f32 v18, v23;
	v27 =	vperm.xlane v14, v2  }
0xc8: {  	v26 =	vld [tilespmem:s12+$0x50];
	(erf) = vpow2.f32 v13;
	v13 =	vmul.f32 $1.442695020e+00, v20  }
0xc9: {  	[tilespmem:s0+$0xFFFFFF40] =	vst v23;
	v14 =	vadd.f32 v27, v14;
	v20 =	vmul.f32 v22, v24  }
0xca: {  	v21 =	vadd.f32 v21, v19;
	(erf) = vpow2.f32 v13;
	v13 =	vmul.f32 v17, v25;
	v22 =	vld [tilespmem:s14+$0xFFFFFF70]  }
0xcb: {  	v23 =	vld [tilespmem:s12+$0xFFFFFED0];
	v24 =	vperm.xlane v14, v3;
	v25 =	vperm.xlane v20, v1  }
0xcc: {  	v28 =	vld [tilespmem:s9+$0xFFFFFF30];
	v21 =	vmul.f32 $1.442695020e+00, v21;
	v19 =	vpop (erf)  }
0xcd: {  	v27 =	vld [tilespmem:s9+$0xFFFFFFD0];
	[tilespmem:s0+$0xFFFFFFA0] =	vst v13;
	v13 =	vmul.f32 v19, v26;
	v14 =	vadd.f32 v24, v14;
	v24 =	vadd.f32 v25, v20  }
0xce: {  	(erf) = vpow2.f32 v21;
	v26 =	vld [tilespmem:s14+$0xFFFFFFC0]  }
0xcf: {  	[tilespmem:s0+$0x0] =	vst v13;
	v13 =	vld [tilespmem:s12+$0xFFFFFF70];
	v21 =	vperm.xlane v14, v4;
	v29 =	vperm.xlane v24, v2  }
0xd0: {  	v25 =	vld [tilespmem:s14+$0x10];
	v22 =	vmul.f32 v23, v22  }
0xd1: {  	v30 =	vld [tilespmem:s12+$0x10];
	v20 =	vpop (erf);
	v14 =	vadd.f32 v21, v14;
	v23 =	vadd.f32 v29, v24  }
0xd2: {  	v24 =	vmul.f32 v20, v28;
	v28 =	vperm.xlane v22, v1  }
0xd3: {  	v14 =	vmul.f32 $1.442695020e+00, v14;
	v29 =	vperm.xlane v23, v3  }
0xd4: {  	v26 =	vmul.f32 v13, v26;
	v21 =	vpop (erf);
	v22 =	vadd.f32 v28, v22  }
0xd5: {  	v31 =	vld [tilespmem:s9+$0x70];
	[tilespmem:s29+$0xFFFFFF60] =	vst v24;
	v24 =	vmul.f32 v21, v27;
	(erf) = vpow2.f32 v14;
	v14 =	vadd.f32 v29, v23  }
0xd6: {  	v25 =	vmul.f32 v30, v25;
	v27 =	vld [tilespmem:s10+$0xFFFFFF90];
	v28 =	vperm.xlane v22, v2  }
0xd7: {  	v23 =	vld [tilespmem:s9+$0xFFFFFEF0];
	[tilespmem:s29+$0xFFFFFFC0] =	vst v24;
	v24 =	vperm.xlane v26, v1;
	v32 =	vperm.xlane v14, v4  }
0xd8: {  	v30 =	vperm.xlane v25, v1;
	v29 =	vld [tilespmem:s10+$0xFFFFFFE0];
	v22 =	vadd.f32 v28, v22  }
0xd9: {  	v13 =	vpop (erf);
	v33 =	vld [tilespmem:s9+$0xFFFFFF90];
	v24 =	vadd.f32 v24, v26;
	v14 =	vadd.f32 v32, v14  }
0xda: {  	v25 =	vadd.f32 v30, v25;
	v26 =	vmul.f32 v13, v31;
	v30 =	vperm.xlane v22, v3  }
0xdb: {  	v31 =	vld [tilespmem:s9+$0x120];
	v28 =	vperm.xlane v24, v2;
	v14 =	vmul.f32 $1.442695020e+00, v14  }
0xdc: {  	[tilespmem:s29+$0x20] =	vst v26;
	v26 =	vperm.xlane v25, v2  }
0xdd: {  	v23 =	vmul.f32 v23, v27;
	v46 =	vld [tilespmem:s10+$0x30];
	v22 =	vadd.f32 v30, v22;
	v24 =	vadd.f32 v28, v24  }
0xde: {  	v27 =	vld [tilespmem:s9+$0x30];
	v25 =	vadd.f32 v26, v25;
	v26 =	vmul.f32 v33, v29;
	(erf) = vpow2.f32 v14  }
0xdf: {  	v47 =	vperm.xlane v23, v1;
	v29 =	vperm.xlane v22, v4;
	v14 =	vpop (erf)  }
0xe0: {  	v28 =	vperm.xlane v24, v3;
	v31 =	vmul.f32 v14, v31  }
0xe1: {  	v5 =	vnsel vm0, $0x0, v5;
	v30 =	vperm.xlane v25, v3;
	v22 =	vadd.f32 v29, v22  }
0xe2: {  	v23 =	vadd.f32 v47, v23;
	v29 =	vld [tilespmem:s12+$0x100];
	v24 =	vadd.f32 v28, v24;
	v28 =	vperm.xlane v26, v1;
	[tilespmem:s29+$0x90] =	vst v31  }
0xe3: {  	v25 =	vadd.f32 v30, v25;
	v27 =	vmul.f32 v27, v46;
	v22 =	vmul.f32 $1.442695020e+00, v22;
	v30 =	vld [tilespmem:s10+$0x90]  }
0xe4: {  	v33 =	vperm.xlane v23, v2;
	v31 =	vperm.xlane v24, v4;
	v26 =	vadd.f32 v28, v26;
	v28 =	vld [tilespmem:s9+$0xE0]  }
0xe5: {  	v8 =	vnsel vm0, $0x0, v8;
	v48 =	vperm.xlane v25, v4;
	(erf) = vpow2.f32 v22  }
0xe6: {  	v7 =	vnsel vm0, $0x0, v7;
	v22 =	vadd.f32 v31, v24;
	v24 =	vperm.xlane v26, v2  }
0xe7: {  	v23 =	vadd.f32 v33, v23;
	v31 =	vperm.xlane v27, v1;
	v25 =	vadd.f32 v48, v25;
	v49 =	vpop (erf)  }
0xe8: {  	v22 =	vmul.f32 $1.442695020e+00, v22;
	v24 =	vadd.f32 v24, v26;
	v26 =	vmul.f32 v49, v29  }
0xe9: {  	v27 =	vadd.f32 v31, v27;
	v25 =	vmul.f32 $1.442695020e+00, v25;
	v28 =	vmul.f32 v28, v30  }
0xea: {  	v6 =	vnsel vm0, $0x0, v6;
	v29 =	vld [tilespmem:s12+$0xFFFFFF20];
	v30 =	vperm.xlane v23, v3;
	v31 =	vperm.xlane v24, v3;
	[tilespmem:s0+$0x70] =	vst v26  }
0xeb: {  	v9 =	vsel vm1, v5, v9;
	v5 =	vperm.xlane v27, v2;
	v26 =	vperm.xlane v28, v1;
	v50 =	vld [tilespmem:s14+$0x70]  }
0xec: {  	(erf) = vpow2.f32 v22;
	v22 =	vadd.f32 v30, v23;
	v23 =	vadd.f32 v31, v24;
	v24 =	vld [tilespmem:s12+$0xC0]  }
0xed: {  	v7 =	vsel vm1, v7, v12;
	(erf) = vpow2.f32 v25;
	v12 =	vadd.f32 v26, v28  }
0xee: {  	s8 =	simm.s32 $0x5140;
	v25 =	vadd.f32 v5, v27;
	v5 =	vperm.xlane v22, v4;
	v26 =	vperm.xlane v23, v4;
	v27 =	vpop (erf)  }
0xef: {  	v51 =	vld [tilespmem:s8+$0xFFFFFFB0];
	v8 =	vsel vm1, v8, v11;
	v28 =	vmul.f32 v27, v29;
	v29 =	vperm.xlane v12, v2  }
0xf0: {  	v11 =	vld [tilespmem:s12+$0xFFFFFFC0];
	v31 =	vperm.xlane v25, v3;
	v22 =	vadd.f32 v5, v22;
	v23 =	vadd.f32 v26, v23  }
0xf1: {  	v30 =	vld [tilespmem:s12+$0x60];
	v5 =	vsel vm1, v6, v10;
	[tilespmem:s0+$0xFFFFFF50] =	vst v28;
	v10 =	vadd.f32 v29, v12;
	v12 =	vmul.f32 v24, v50  }
0xf2: {  	v24 =	vadd.f32 v31, v25;
	v22 =	vmul.f32 $1.442695020e+00, v22;
	v23 =	vmul.f32 $1.442695020e+00, v23;
	v25 =	vld [tilespmem:s14+$0xFFFFFF80]  }
0xf3: {  	v6 =	vsel vm2, v9, v15;
	v9 =	vld [tilespmem:s12+$0xFFFFFEE0];
	v15 =	vperm.xlane v10, v3;
	v28 =	vperm.xlane v12, v1  }
0xf4: {  	s20 =	simm.s32 $0x8660;
	v29 =	vperm.xlane v24, v4;
	(erf) = vpow2.f32 v22;
	v22 =	vld [tilespmem:s8+$0x50]  }
0xf5: {  	v31 =	vpop (erf);
	(erf) = vpow2.f32 v23;
	v10 =	vadd.f32 v15, v10;
	v15 =	vld [tilespmem:s20+$0xA0];
	v12 =	vadd.f32 v28, v12  }
0xf6: {  	v35 =	vld [tilespmem:s20+$0xFFFFFEC0];
	v16 =	vnsel vm0, $0x0, v16;
	v11 =	vmul.f32 v31, v11;
	v24 =	vadd.f32 v29, v24  }
0xf7: {  	v26 =	vld [tilespmem:s9+$0xFFFFFF40];
	v23 =	vnsel vm0, $0x0, v17;
	v29 =	vperm.xlane v10, v4;
	v34 =	vperm.xlane v12, v2  }
0xf8: {  	v17 =	vnsel vm0, $0x0, v18;
	v9 =	vmul.f32 v9, v25;
	v25 =	vld [tilespmem:s20+$0xFFFFFF60];
	v28 =	vpop (erf);
	v24 =	vmul.f32 $1.442695020e+00, v24  }
0xf9: {  	v18 =	vld [tilespmem:s9+$0xFFFFFFE0];
	v30 =	vmul.f32 v28, v30;
	v29 =	vadd.f32 v29, v10;
	v12 =	vadd.f32 v34, v12  }
0xfa: {  	v10 =	vsel vm2, v7, v20;
	v7 =	vld [tilespmem:s8+$0x0];
	v20 =	vperm.xlane v9, v1;
	v22 =	vmul.f32 v15, v22  }
0xfb: {  	v15 =	vsel vm2, v8, v21;
	v21 =	vld [tilespmem:s8+$0xFFFFFF60];
	v8 =	vmul.f32 $1.442695020e+00, v29;
	v29 =	vperm.xlane v12, v3  }
0xfc: {  	(erf) = vpow2.f32 v24;
	v24 =	vld [tilespmem:s20+$0x0];
	v9 =	vadd.f32 v20, v9;
	v20 =	vperm.xlane v22, v1  }
0xfd: {  	v52 =	vpop (erf);
	(erf) = vpow2.f32 v8;
	v8 =	vmul.f32 v25, v51;
	v12 =	vadd.f32 v29, v12  }
0xfe: {  	[tilespmem:s0+$0xFFFFFFB0] =	vst v11;
	v11 =	vperm.xlane v9, v2;
	v25 =	vpop (erf);
	v20 =	vadd.f32 v20, v22;
	v22 =	vmul.f32 v52, v26  }
0xff: {  	v17 =	vsel vm1, v17, v27;
	v18 =	vmul.f32 v25, v18;
	v29 =	vperm.xlane v12, v4  }
0x100: {  	v27 =	vld [tilespmem:s12+$0xFFFFFF80];
	[tilespmem:s0+$0x10] =	vst v30;
	v26 =	vsel vm1, v16, v49;
	v21 =	vmul.f32 v35, v21;
	v30 =	vperm.xlane v20, v2  }
0x101: {  	v16 =	vld [tilespmem:s14+$0xFFFFFFD0];
	v7 =	vmul.f32 v24, v7;
	v53 =	vperm.xlane v8, v1;
	v12 =	vadd.f32 v29, v12  }
0x102: {  	v24 =	vld [tilespmem:s14+$0x20];
	v9 =	vadd.f32 v11, v9;
	v11 =	vperm.xlane v21, v1;
	v20 =	vadd.f32 v30, v20  }
0x103: {  	v29 =	vld [tilespmem:s12+$0x20];
	v8 =	vadd.f32 v53, v8;
	v30 =	vperm.xlane v7, v1;
	v12 =	vmul.f32 $1.442695020e+00, v12  }
0x104: {  	v54 =	vperm.xlane v9, v3;
	v11 =	vadd.f32 v11, v21;
	v21 =	vperm.xlane v20, v3  }
0x105: {  	v7 =	vadd.f32 v30, v7;
	v30 =	vperm.xlane v8, v2;
	(erf) = vpow2.f32 v12  }
0x106: {  	v19 =	vnsel vm0, $0x0, v19;
	v12 =	vmul.f32 v27, v16;
	v16 =	vperm.xlane v11, v2  }
0x107: {  	v20 =	vadd.f32 v21, v20;
	v8 =	vadd.f32 v30, v8;
	v21 =	vperm.xlane v7, v2  }
0x108: {  	v24 =	vmul.f32 v29, v24;
	v11 =	vadd.f32 v16, v11;
	v27 =	vperm.xlane v12, v1  }
0x109: {  	v16 =	vperm.xlane v20, v4;
	v29 =	vperm.xlane v8, v3;
	v7 =	vadd.f32 v21, v7  }
0x10a: {  	v21 =	vperm.xlane v24, v1;
	v30 =	vperm.xlane v11, v3;
	v12 =	vadd.f32 v27, v12  }
0x10b: {  	v16 =	vadd.f32 v16, v20;
	v20 =	vld [tilespmem:s12+$0x110];
	v27 =	vadd.f32 v29, v8;
	v29 =	vperm.xlane v7, v3  }
0x10c: {  	v21 =	vadd.f32 v21, v24;
	v30 =	vadd.f32 v30, v11;
	v55 =	vperm.xlane v12, v2  }
0x10d: {  	v24 =	vpop (erf);
	v11 =	vsel vm1, v23, v31;
	v16 =	vmul.f32 $1.442695020e+00, v16;
	v23 =	vperm.xlane v27, v4  }
0x10e: {  	v8 =	vpop (erf);
	v31 =	vperm.xlane v21, v2;
	v7 =	vadd.f32 v29, v7;
	v29 =	vperm.xlane v30, v4  }
0x10f: {  	v56 =	vld [tilespmem:s9+$0x80];
	[tilespmem:s29+$0xFFFFFF70] =	vst v22;
	v12 =	vadd.f32 v55, v12;
	(erf) = vpow2.f32 v16;
	v37 =	vpop (erf);
	v16 =	vadd.f32 v23, v27  }
0x110: {  	[tilespmem:s29+$0xFFFFFFD0] =	vst v18;
	v18 =	vld [tilespmem:s9+$0xFFFFFF00];
	v27 =	vperm.xlane v7, v4;
	v21 =	vadd.f32 v31, v21;
	v20 =	vmul.f32 v37, v20  }
0x111: {  	v9 =	vadd.f32 v54, v9;
	v23 =	vld [tilespmem:s9+$0x130];
	v29 =	vadd.f32 v29, v30;
	v30 =	vperm.xlane v12, v3  }
0x112: {  	v31 =	vld [tilespmem:s20+$0xF0];
	v16 =	vmul.f32 $1.442695020e+00, v16;
	v22 =	vperm.xlane v21, v3;
	[tilespmem:s0+$0x80] =	vst v20;
	v20 =	vadd.f32 v27, v7  }
0x113: {  	v27 =	vperm.xlane v9, v4;
	v29 =	vmul.f32 $1.442695020e+00, v29;
	v7 =	vsel vm1, v19, v28;
	v19 =	vld [tilespmem:s10+$0xFFFFFFA0]  }
0x114: {  	v12 =	vadd.f32 v30, v12;
	v57 =	vld [tilespmem:s14+$0x80];
	(erf) = vpow2.f32 v16;
	v21 =	vadd.f32 v22, v21  }
0x115: {  	v16 =	vld [tilespmem:s12+$0xD0];
	v20 =	vmul.f32 $1.442695020e+00, v20;
	(erf) = vpow2.f32 v29;
	v27 =	vadd.f32 v27, v9  }
0x116: {  	v36 =	vld [tilespmem:s20+$0xFFFFFF10];
	v5 =	vsel vm2, v5, v13;
	v28 =	vperm.xlane v12, v4;
	v22 =	vperm.xlane v21, v4  }
0x117: {  	v13 =	vld [tilespmem:s10+$0xFFFFFFF0];
	v9 =	vsel vm3, v6, v14;
	(erf) = vpow2.f32 v20;
	v14 =	vmul.f32 $1.442695020e+00, v27  }
0x118: {  	v6 =	vld [tilespmem:s9+$0xFFFFFFA0];
	v20 =	vmul.f32 v24, v56;
	v28 =	vadd.f32 v28, v12;
	v12 =	vmul.f32 v8, v23  }
0x119: {  	v38 =	vld [tilespmem:s20+$0xFFFFFFB0];
	v19 =	vmul.f32 v18, v19;
	v27 =	vpop (erf);
	(erf) = vpow2.f32 v14;
	v14 =	vadd.f32 v22, v21  }
0x11a: {  	v29 =	vld [tilespmem:s20+$0x50];
	[tilespmem:s29+$0x30] =	vst v20;
	v30 =	vmul.f32 v27, v31;
	v31 =	vmul.f32 v16, v57  }
0x11b: {  	s6 =	simm.s32 $0xE7E0;
	v21 =	vmul.f32 $1.442695020e+00, v28;
	v20 =	vld [tilespmem:s10+$0x40];
	v14 =	vmul.f32 $1.442695020e+00, v14  }
0x11c: {  	v16 =	vsel vm3, v10, v52;
	v23 =	vld [tilespmem:s9+$0x40];
	v10 =	vsel vm2, v26, v37;
	[tilespmem:s6+$0x60] =	vst v30;
	v22 =	vperm.xlane v31, v1  }
0x11d: {  	v13 =	vmul.f32 v6, v13;
	v6 =	vsel vm3, v15, v25;
	(erf) = vpow2.f32 v21;
	v26 =	vld [tilespmem:s8+$0x60];
	v28 =	vpop (erf)  }
0x11e: {  	v15 =	vperm.xlane v19, v1;
	v21 =	vld [tilespmem:s20+$0xB0];
	v22 =	vadd.f32 v22, v31;
	v58 =	vmul.f32 v28, v38  }
0x11f: {  	v5 =	vsel vm3, v5, v24;
	v25 =	vld [tilespmem:s12+$0xFFFFFF30];
	v24 =	vperm.xlane v13, v1;
	(erf) = vpow2.f32 v14;
	v14 =	vpop (erf)  }
0x120: {  	v18 =	vnsel vm0, $0x0, v27;
	v31 =	vld [tilespmem:s12+$0xFFFFFFD0];
	v27 =	vmul.f32 v14, v36;
	v30 =	vperm.xlane v22, v2;
	[tilespmem:s6+$0xFFFFFFA0] =	vst v58  }
0x121: {  	v13 =	vadd.f32 v24, v13;
	v23 =	vmul.f32 v23, v20;
	v59 =	vpop (erf);
	v20 =	vnsel vm0, $0x0, v14;
	v14 =	vld [tilespmem:s8+$0xFFFFFFC0]  }
0x122: {  	v61 =	vadd.f32 v15, v19;
	v19 =	vmul.f32 v59, v29;
	v63 =	vld [tilespmem:s20+$0xFFFFFF70];
	[tilespmem:s6+$0xFFFFFF40] =	vst v27;
	v22 =	vadd.f32 v30, v22  }
0x123: {  	v29 =	vperm.xlane v13, v2;
	v21 =	vmul.f32 v21, v26;
	v24 =	vld [tilespmem:s8+$0xFFFFFF70]  }
0x124: {  	v15 =	vnsel vm0, $0x0, v28;
	v27 =	vld [tilespmem:s20+$0xFFFFFED0];
	v28 =	vperm.xlane v22, v3  }
0x125: {  	v26 =	vperm.xlane v61, v2;
	v62 =	vpop (erf);
	v29 =	vadd.f32 v29, v13;
	v30 =	vperm.xlane v21, v1  }
0x126: {  	[tilespmem:s6+$0x0] =	vst v19;
	v25 =	vmul.f32 v62, v25;
	v13 =	vsel vm2, v17, v62;
	v17 =	vpop (erf);
	v22 =	vadd.f32 v28, v22  }
0x127: {  	v40 =	vld [tilespmem:s8+$0x10];
	v31 =	vmul.f32 v17, v31;
	v44 =	vperm.xlane v29, v3;
	v30 =	vadd.f32 v30, v21  }
0x128: {  	v19 =	vnsel vm0, $0x0, v59;
	v42 =	vld [tilespmem:s20+$0x10];
	v14 =	vmul.f32 v63, v14;
	v43 =	vperm.xlane v22, v4  }
0x129: {  	v26 =	vadd.f32 v26, v61;
	v24 =	vmul.f32 v27, v24;
	v27 =	vperm.xlane v30, v2  }
0x12a: {  	v28 =	vperm.xlane v23, v1;
	v33 =	vperm.xlane v14, v1;
	v22 =	vadd.f32 v43, v22  }
0x12b: {  	v60 =	vld [tilespmem:s12+$0x70];
	v41 =	vperm.xlane v26, v3;
	[tilespmem:s0+$0xFFFFFFC0] =	vst v31;
	v45 =	vperm.xlane v24, v1;
	v27 =	vadd.f32 v27, v30  }
0x12c: {  	v23 =	vadd.f32 v28, v23;
	v46 =	vld [tilespmem:s14+$0xFFFFFFE0];
	v14 =	vadd.f32 v33, v14;
	v22 =	vmul.f32 $1.442695020e+00, v22  }
0x12d: {  	[tilespmem:s0+$0xFFFFFF60] =	vst v25;
	v48 =	vld [tilespmem:s12+$0xFFFFFF90];
	v25 =	vmul.f32 v42, v40;
	v24 =	vadd.f32 v45, v24;
	v28 =	vperm.xlane v27, v3  }
0x12e: {  	v26 =	vadd.f32 v41, v26;
	v30 =	vld [tilespmem:s14+$0xFFFFFF90];
	v49 =	vperm.xlane v14, v2;
	(erf) = vpow2.f32 v22  }
0x12f: {  	v22 =	vadd.f32 v44, v29;
	v29 =	vld [tilespmem:s12+$0xFFFFFEF0];
	v31 =	vperm.xlane v24, v2;
	v27 =	vadd.f32 v28, v27  }
0x130: {  	v21 =	vpop (erf);
	v47 =	vperm.xlane v26, v4;
	v35 =	vperm.xlane v25, v1;
	v14 =	vadd.f32 v49, v14  }
0x131: {  	v34 =	vmul.f32 v21, v60;
	v24 =	vadd.f32 v31, v24;
	v31 =	vperm.xlane v27, v4  }
0x132: {  	v26 =	vadd.f32 v47, v26;
	v25 =	vadd.f32 v35, v25;
	v35 =	vperm.xlane v14, v3  }
0x133: {  	[tilespmem:s0+$0x20] =	vst v34;
	v32 =	vmul.f32 v48, v46;
	v28 =	vperm.xlane v23, v2;
	v27 =	vadd.f32 v31, v27  }
0x134: {  	v52 =	vld [tilespmem:s12+$0x30];
	v51 =	vperm.xlane v24, v3;
	v14 =	vadd.f32 v35, v14;
	v29 =	vmul.f32 v29, v30  }
0x135: {  	v23 =	vadd.f32 v28, v23;
	v31 =	vld [tilespmem:s12+$0x120];
	v30 =	vperm.xlane v25, v2;
	v27 =	vmul.f32 $1.442695020e+00, v27  }
0x136: {  	v28 =	vld [tilespmem:s14+$0x30];
	v50 =	vperm.xlane v22, v4;
	v24 =	vadd.f32 v51, v24;
	v55 =	vperm.xlane v14, v4  }
0x137: {  	v53 =	vperm.xlane v29, v1;
	v25 =	vadd.f32 v30, v25;
	(erf) = vpow2.f32 v27  }
0x138: {  	v39 =	vperm.xlane v23, v3;
	v22 =	vadd.f32 v50, v22;
	v30 =	vperm.xlane v24, v4  }
0x139: {  	v14 =	vadd.f32 v55, v14;
	v54 =	vperm.xlane v25, v3;
	v29 =	vadd.f32 v53, v29;
	v27 =	vpop (erf)  }
0x13a: {  	v24 =	vadd.f32 v30, v24;
	v30 =	vperm.xlane v32, v1;
	v31 =	vmul.f32 v27, v31  }
0x13b: {  	v28 =	vmul.f32 v52, v28;
	v14 =	vmul.f32 $1.442695020e+00, v14;
	v25 =	vadd.f32 v54, v25  }
0x13c: {  	v56 =	vld [tilespmem:s20+$0x100];
	v58 =	vperm.xlane v29, v2;
	v24 =	vmul.f32 $1.442695020e+00, v24;
	v30 =	vadd.f32 v30, v32;
	[tilespmem:s0+$0x90] =	vst v31  }
0x13d: {  	v23 =	vadd.f32 v39, v23;
	v31 =	vperm.xlane v28, v1;
	v60 =	vperm.xlane v25, v4;
	v57 =	vld [tilespmem:s14+$0x90]  }
0x13e: {  	v59 =	vld [tilespmem:s12+$0xE0];
	(erf) = vpow2.f32 v24;
	v24 =	vadd.f32 v58, v29;
	v29 =	vperm.xlane v30, v2  }
0x13f: {  	v26 =	vmul.f32 $1.442695020e+00, v26;
	v28 =	vadd.f32 v31, v28;
	v25 =	vadd.f32 v60, v25  }
0x140: {  	(erf) = vpow2.f32 v14;
	v29 =	vadd.f32 v29, v30;
	v30 =	vperm.xlane v24, v3;
	v61 =	vpop (erf)  }
0x141: {  	v14 =	vsel vm2, v11, v17;
	v31 =	vperm.xlane v28, v2;
	v35 =	vmul.f32 v61, v56  }
0x142: {  	v62 =	vld [tilespmem:s20+$0xFFFFFF20];
	v25 =	vmul.f32 $1.442695020e+00, v25;
	v63 =	vperm.xlane v29, v3;
	v11 =	vadd.f32 v30, v24  }
0x143: {  	v40 =	vld [tilespmem:s20+$0xFFFFFFC0];
	v30 =	vperm.xlane v23, v4;
	v32 =	vmul.f32 v59, v57;
	v28 =	vadd.f32 v31, v28;
	[tilespmem:s6+$0x70] =	vst v35  }
0x144: {  	(erf) = vpow2.f32 v25;
	v24 =	vadd.f32 v63, v29;
	v31 =	vperm.xlane v11, v4;
	v29 =	vld [tilespmem:s8+$0x70]  }
0x145: {  	v23 =	vadd.f32 v30, v23;
	v17 =	vperm.xlane v32, v1;
	v25 =	vperm.xlane v28, v3;
	v35 =	vld [tilespmem:s20+$0xC0]  }
0x146: {  	v22 =	vmul.f32 $1.442695020e+00, v22;
	v41 =	vperm.xlane v24, v4;
	v11 =	vadd.f32 v31, v11  }
0x147: {  	v23 =	vmul.f32 $1.442695020e+00, v23;
	v17 =	vadd.f32 v17, v32;
	v25 =	vadd.f32 v25, v28;
	v28 =	vpop (erf)  }
0x148: {  	v43 =	vld [tilespmem:s20+$0x60];
	v31 =	vmul.f32 v28, v62;
	v11 =	vmul.f32 $1.442695020e+00, v11  }
0x149: {  	v45 =	vld [tilespmem:s12+$0xFFFFFF40];
	v24 =	vadd.f32 v41, v24;
	v30 =	vpop (erf);
	v42 =	vperm.xlane v17, v2;
	v44 =	vperm.xlane v25, v4  }
0x14a: {  	v49 =	vld [tilespmem:s12+$0xFFFFFFE0];
	v32 =	vmul.f32 v30, v40;
	[tilespmem:s6+$0xFFFFFF50] =	vst v31;
	v29 =	vmul.f32 v35, v29  }
0x14b: {  	v24 =	vmul.f32 $1.442695020e+00, v24;
	(erf) = vpow2.f32 v11;
	v31 =	vadd.f32 v42, v17;
	v46 =	vld [tilespmem:s8+$0xFFFFFF80]  }
0x14c: {  	s10 =	simm.s32 $0x5280;
	v25 =	vadd.f32 v44, v25;
	v47 =	vld [tilespmem:s20+$0xFFFFFEE0];
	v17 =	vsel vm1, v20, v28;
	v20 =	vperm.xlane v29, v1  }
0x14d: {  	s13 =	simm.s32 $0x88E0;
	v50 =	vld [tilespmem:s10+$0x50];
	v11 =	vpop (erf);
	(erf) = vpow2.f32 v24;
	v48 =	vperm.xlane v31, v3  }
0x14e: {  	v51 =	vld [tilespmem:s13+$0xA0];
	v25 =	vmul.f32 $1.442695020e+00, v25;
	v24 =	vmul.f32 v11, v43  }
0x14f: {  	v28 =	vsel vm1, v19, v11;
	v11 =	vld [tilespmem:s10+$0xFFFFFFB0];
	v29 =	vadd.f32 v20, v29;
	v20 =	vsel vm1, v15, v30  }
0x150: {  	v15 =	vsel vm2, v7, v21;
	v21 =	vld [tilespmem:s13+$0xFFFFFF60];
	v31 =	vadd.f32 v48, v31;
	(erf) = vpow2.f32 v25  }
0x151: {  	v7 =	vsel vm3, v10, v27;
	v10 =	vld [tilespmem:s13+$0x0];
	[tilespmem:s6+$0x10] =	vst v24;
	v19 =	vmul.f32 v47, v46;
	v52 =	vperm.xlane v29, v2  }
0x152: {  	(erf) = vpow2.f32 v26;
	v55 =	vld [tilespmem:s8+$0x20];
	v30 =	vperm.xlane v31, v4  }
0x153: {  	v58 =	vld [tilespmem:s20+$0x20];
	(erf) = vpow2.f32 v22;
	v22 =	vperm.xlane v19, v1  }
0x154: {  	v27 =	vmul.f32 v51, v50;
	v25 =	vld [tilespmem:s13+$0xFFFFFEC0];
	v29 =	vadd.f32 v52, v29;
	(erf) = vpow2.f32 v23  }
0x155: {  	v23 =	vld [tilespmem:s10+$0xFFFFFF60];
	v26 =	vadd.f32 v30, v31;
	v21 =	vmul.f32 v21, v11;
	v19 =	vadd.f32 v22, v19  }
0x156: {  	v30 =	vld [tilespmem:s10+$0x0];
	v31 =	vperm.xlane v29, v3;
	v22 =	vsel vm4, v9, v8;
	v8 =	vperm.xlane v27, v1;
	v9 =	vpop (erf)  }
0x157: {  	v26 =	vmul.f32 $1.442695020e+00, v26;
	v53 =	vmul.f32 v9, v45  }
0x158: {  	v34 =	vmul.f32 v58, v55;
	v11 =	vperm.xlane v19, v2  }
0x159: {  	v27 =	vadd.f32 v8, v27;
	v8 =	vsel vm3, v13, v9;
	v9 =	vperm.xlane v21, v1  }
0x15a: {  	[tilespmem:s6+$0xFFFFFFB0] =	vst v32;
	(erf) = vpow2.f32 v26;
	v26 =	vadd.f32 v31, v29;
	v29 =	vpop (erf);
	v23 =	vmul.f32 v25, v23  }
0x15b: {  	v31 =	vld [tilespmem:s8+$0xFFFFFFD0];
	v54 =	vmul.f32 v29, v49;
	v10 =	vmul.f32 v10, v30  }
0x15c: {  	v24 =	vadd.f32 v11, v19;
	v30 =	vld [tilespmem:s20+$0xFFFFFF80];
	v21 =	vadd.f32 v9, v21;
	v11 =	vperm.xlane v26, v4  }
0x15d: {  	v25 =	vperm.xlane v27, v2;
	v57 =	vperm.xlane v23, v1  }
0x15e: {  	v13 =	vperm.xlane v10, v1;
	v59 =	vperm.xlane v21, v2;
	v26 =	vadd.f32 v11, v26  }
0x15f: {  	v25 =	vadd.f32 v25, v27;
	v27 =	vperm.xlane v24, v3;
	v23 =	vadd.f32 v57, v23  }
0x160: {  	v13 =	vadd.f32 v13, v10;
	v21 =	vadd.f32 v59, v21;
	v10 =	vmul.f32 $1.442695020e+00, v26  }
0x161: {  	v24 =	vadd.f32 v27, v24;
	v26 =	vperm.xlane v25, v3;
	v31 =	vmul.f32 v30, v31  }
0x162: {  	v35 =	vpop (erf);
	v27 =	vperm.xlane v23, v2;
	v37 =	vperm.xlane v21, v3  }
0x163: {  	v19 =	vpop (erf);
	v52 =	vperm.xlane v24, v4;
	(erf) = vpow2.f32 v10;
	v25 =	vadd.f32 v26, v25  }
0x164: {  	v26 =	vperm.xlane v13, v2;
	v23 =	vadd.f32 v27, v23;
	v21 =	vadd.f32 v37, v21  }
0x165: {  	v18 =	vsel vm1, v18, v61;
	v60 =	vperm.xlane v31, v1;
	v27 =	vperm.xlane v25, v4  }
0x166: {  	v13 =	vadd.f32 v26, v13;
	v61 =	vperm.xlane v23, v3;
	v43 =	vperm.xlane v21, v4  }
0x167: {  	v26 =	vperm.xlane v34, v1;
	v25 =	vadd.f32 v27, v25;
	v27 =	vadd.f32 v60, v31  }
0x168: {  	v31 =	vld [tilespmem:s20+$0x110];
	v62 =	vperm.xlane v13, v3;
	v23 =	vadd.f32 v61, v23;
	v21 =	vadd.f32 v43, v21  }
0x169: {  	v56 =	vld [tilespmem:s12+$0x130];
	v11 =	vpop (erf);
	v26 =	vadd.f32 v26, v34;
	v25 =	vmul.f32 $1.442695020e+00, v25;
	v63 =	vperm.xlane v27, v2  }
0x16a: {  	v42 =	vld [tilespmem:s12+$0x80];
	v9 =	vpop (erf);
	v13 =	vadd.f32 v62, v13;
	v46 =	vperm.xlane v23, v4;
	v21 =	vmul.f32 $1.442695020e+00, v21  }
0x16b: {  	v51 =	vld [tilespmem:s13+$0xF0];
	[tilespmem:s0+$0xFFFFFF70] =	vst v53;
	v10 =	vpop (erf);
	v44 =	vperm.xlane v26, v2;
	(erf) = vpow2.f32 v25;
	v25 =	vadd.f32 v63, v27  }
0x16c: {  	v45 =	vld [tilespmem:s14+$0xFFFFFFA0];
	v48 =	vperm.xlane v13, v4;
	v23 =	vadd.f32 v46, v23;
	v27 =	vpop (erf);
	(erf) = vpow2.f32 v21  }
0x16d: {  	v47 =	vld [tilespmem:s12+$0xFFFFFF00];
	[tilespmem:s0+$0xFFFFFFD0] =	vst v54;
	v26 =	vadd.f32 v44, v26;
	v31 =	vmul.f32 v27, v31;
	v50 =	vperm.xlane v25, v3  }
0x16e: {  	v49 =	vld [tilespmem:s14+$0xFFFFFFF0];
	v13 =	vadd.f32 v48, v13;
	v23 =	vmul.f32 $1.442695020e+00, v23  }
0x16f: {  	v54 =	vld [tilespmem:s12+$0xFFFFFFA0];
	v21 =	vadd.f32 v52, v24;
	[tilespmem:s6+$0x80] =	vst v31;
	v25 =	vadd.f32 v50, v25;
	v31 =	vperm.xlane v26, v3  }
0x170: {  	v13 =	vmul.f32 $1.442695020e+00, v13;
	(erf) = vpow2.f32 v23;
	v53 =	vld [tilespmem:s8+$0x80]  }
0x171: {  	v21 =	vmul.f32 $1.442695020e+00, v21;
	v24 =	vld [tilespmem:s20+$0xD0];
	v23 =	vperm.xlane v25, v4  }
0x172: {  	v26 =	vadd.f32 v31, v26;
	(erf) = vpow2.f32 v13;
	v13 =	vsel vm2, v18, v27;
	v18 =	vld [tilespmem:s13+$0xFFFFFFB0]  }
0x173: {  	v30 =	vmul.f32 v10, v56;
	v27 =	vmul.f32 v35, v42  }
0x174: {  	v55 =	vld [tilespmem:s13+$0x50];
	(erf) = vpow2.f32 v21;
	v23 =	vadd.f32 v23, v25;
	v25 =	vperm.xlane v26, v4  }
0x175: {  	v14 =	vsel vm3, v14, v29;
	v31 =	vld [tilespmem:s13+$0xFFFFFF10];
	v21 =	vmul.f32 v47, v45;
	[tilespmem:s0+$0x30] =	vst v27;
	v27 =	vmul.f32 v54, v49;
	v40 =	vpop (erf)  }
0x176: {  	v29 =	vld [tilespmem:s20+$0xFFFFFF30];
	v32 =	vmul.f32 v40, v51;
	v25 =	vadd.f32 v25, v26;
	v26 =	vmul.f32 v24, v53;
	v61 =	vpop (erf)  }
0x177: {  	s11 =	simm.s32 $0xE960;
	v56 =	vld [tilespmem:s14+$0x40];
	v23 =	vmul.f32 $1.442695020e+00, v23;
	v18 =	vmul.f32 v61, v18  }
0x178: {  	v58 =	vld [tilespmem:s12+$0x40];
	[tilespmem:s11+$0x60] =	vst v32;
	v25 =	vmul.f32 $1.442695020e+00, v25;
	v57 =	vperm.xlane v26, v1  }
0x179: {  	(erf) = vpow2.f32 v23;
	v23 =	vperm.xlane v21, v1;
	v59 =	vld [tilespmem:s10+$0x60];
	v62 =	vpop (erf)  }
0x17a: {  	v60 =	vld [tilespmem:s13+$0xB0];
	v26 =	vadd.f32 v57, v26;
	v31 =	vmul.f32 v62, v31  }
0x17b: {  	[tilespmem:s11+$0xFFFFFFA0] =	vst v18;
	(erf) = vpow2.f32 v25;
	v25 =	vperm.xlane v27, v1;
	v21 =	vadd.f32 v23, v21;
	v23 =	vld [tilespmem:s20+$0xFFFFFFD0]  }
0x17c: {  	v15 =	vsel vm3, v15, v35;
	v24 =	vnsel vm0, $0x0, v40;
	v63 =	vpop (erf);
	[tilespmem:s11+$0xFFFFFF40] =	vst v31;
	v31 =	vld [tilespmem:s10+$0xFFFFFFC0]  }
0x17d: {  	v45 =	vperm.xlane v26, v2;
	v25 =	vadd.f32 v25, v27;
	v18 =	vmul.f32 v63, v55;
	v42 =	vld [tilespmem:s10+$0xFFFFFF70]  }
0x17e: {  	v33 =	vnsel vm0, $0x0, v61;
	v35 =	vmul.f32 v58, v56;
	v47 =	vperm.xlane v21, v2;
	v48 =	vld [tilespmem:s13+$0xFFFFFED0]  }
0x17f: {  	v32 =	vnsel vm0, $0x0, v62;
	v26 =	vadd.f32 v45, v26;
	v41 =	vperm.xlane v25, v2;
	[tilespmem:s11+$0x0] =	vst v18;
	v18 =	vld [tilespmem:s13+$0xFFFFFF70]  }
0x180: {  	v27 =	vld [tilespmem:s20+$0x70];
	v46 =	vpop (erf);
	v50 =	vperm.xlane v35, v1;
	v36 =	vmul.f32 v60, v59;
	v21 =	vadd.f32 v47, v21  }
0x181: {  	v29 =	vmul.f32 v46, v29;
	v51 =	vld [tilespmem:s10+$0x10];
	v49 =	vperm.xlane v26, v3;
	v25 =	vadd.f32 v41, v25  }
0x182: {  	v40 =	vadd.f32 v50, v35;
	v44 =	vld [tilespmem:s13+$0x10];
	v43 =	vperm.xlane v36, v1;
	v52 =	vperm.xlane v21, v3;
	v39 =	vpop (erf)  }
0x183: {  	v26 =	vadd.f32 v49, v26;
	v23 =	vmul.f32 v39, v23;
	v53 =	vperm.xlane v25, v3  }
0x184: {  	v36 =	vadd.f32 v43, v36;
	v38 =	vmul.f32 v48, v42;
	v35 =	vpop (erf);
	v18 =	vmul.f32 v18, v31  }
0x185: {  	[tilespmem:s6+$0xFFFFFF60] =	vst v29;
	v21 =	vadd.f32 v52, v21;
	v31 =	vperm.xlane v40, v2;
	v27 =	vmul.f32 v35, v27  }
0x186: {  	v34 =	vnsel vm0, $0x0, v63;
	v56 =	vld [tilespmem:s8+$0xFFFFFF90];
	v45 =	vperm.xlane v26, v4;
	v54 =	vperm.xlane v36, v2  }
0x187: {  	v55 =	vperm.xlane v21, v4;
	v37 =	vmul.f32 v44, v51;
	[tilespmem:s6+$0xFFFFFFC0] =	vst v23;
	v23 =	vld [tilespmem:s20+$0xFFFFFEF0];
	v31 =	vadd.f32 v31, v40  }
0x188: {  	v29 =	vperm.xlane v38, v1;
	v59 =	vld [tilespmem:s8+$0xFFFFFFE0];
	v26 =	vadd.f32 v45, v26;
	v36 =	vadd.f32 v54, v36  }
0x189: {  	v57 =	vperm.xlane v18, v1;
	v44 =	vperm.xlane v37, v1;
	v41 =	vadd.f32 v55, v21;
	[tilespmem:s6+$0x20] =	vst v27;
	v21 =	vld [tilespmem:s20+$0xFFFFFF90]  }
0x18a: {  	v17 =	vsel vm2, v17, v46;
	v60 =	vld [tilespmem:s8+$0x30];
	v26 =	vmul.f32 $1.442695020e+00, v26;
	v58 =	vperm.xlane v36, v3  }
0x18b: {  	v29 =	vadd.f32 v29, v38;
	v61 =	vperm.xlane v31, v3;
	v62 =	vld [tilespmem:s20+$0x30];
	v37 =	vadd.f32 v44, v37  }
0x18c: {  	v23 =	vmul.f32 v23, v56;
	(erf) = vpow2.f32 v26;
	v27 =	vadd.f32 v58, v36  }
0x18d: {  	v18 =	vadd.f32 v57, v18;
	v26 =	vperm.xlane v29, v2;
	v46 =	vperm.xlane v37, v2  }
0x18e: {  	v25 =	vadd.f32 v53, v25;
	v21 =	vmul.f32 v21, v59;
	v63 =	vperm.xlane v27, v4  }
0x18f: {  	v26 =	vadd.f32 v26, v29;
	v29 =	vperm.xlane v18, v2;
	v37 =	vadd.f32 v46, v37  }
0x190: {  	v36 =	vmul.f32 v62, v60;
	v52 =	vperm.xlane v21, v1;
	v27 =	vadd.f32 v63, v27  }
0x191: {  	v49 =	vld [tilespmem:s20+$0x120];
	v48 =	vperm.xlane v26, v3;
	v18 =	vadd.f32 v29, v18;
	v29 =	vperm.xlane v23, v1  }
0x192: {  	v31 =	vadd.f32 v61, v31;
	v50 =	vperm.xlane v37, v3;
	v27 =	vmul.f32 $1.442695020e+00, v27  }
0x193: {  	v40 =	vadd.f32 v48, v26;
	v26 =	vperm.xlane v18, v3;
	v23 =	vadd.f32 v29, v23  }
0x194: {  	v54 =	vperm.xlane v36, v1;
	(erf) = vpow2.f32 v27;
	v27 =	vadd.f32 v50, v37  }
0x195: {  	v51 =	vperm.xlane v40, v4;
	v18 =	vadd.f32 v26, v18;
	v47 =	vperm.xlane v23, v2;
	v29 =	vpop (erf)  }
0x196: {  	v21 =	vadd.f32 v52, v21;
	v42 =	vmul.f32 v29, v49;
	v55 =	vperm.xlane v27, v4  }
0x197: {  	[tilespmem:s0+$0xA0] =	vst v30;
	v30 =	vld [tilespmem:s20+$0x80];
	v36 =	vadd.f32 v54, v36;
	v40 =	vadd.f32 v51, v40;
	v53 =	vperm.xlane v18, v4  }
0x198: {  	v38 =	vperm.xlane v25, v4;
	v56 =	vld [tilespmem:s13+$0x100];
	v60 =	vadd.f32 v47, v23;
	[tilespmem:s6+$0x90] =	vst v42;
	v59 =	vadd.f32 v55, v27  }
0x199: {  	v23 =	vperm.xlane v21, v2;
	v57 =	vmul.f32 $1.442695020e+00, v40;
	v18 =	vadd.f32 v53, v18;
	v58 =	vld [tilespmem:s8+$0x90]  }
0x19a: {  	v63 =	vadd.f32 v38, v25;
	v50 =	vperm.xlane v36, v2;
	v61 =	vld [tilespmem:s20+$0xE0];
	v25 =	vmul.f32 $1.442695020e+00, v59  }
0x19b: {  	v54 =	vld [tilespmem:s13+$0xFFFFFFC0];
	v49 =	vadd.f32 v23, v21;
	v62 =	vmul.f32 $1.442695020e+00, v18;
	(erf) = vpow2.f32 v57  }
0x19c: {  	v26 =	vld [tilespmem:s9+$0xFFFFFF50];
	v36 =	vadd.f32 v50, v36;
	v51 =	vperm.xlane v60, v3  }
0x19d: {  	v27 =	vld [tilespmem:s9+$0xFFFFFFF0];
	v52 =	vperm.xlane v49, v3;
	(erf) = vpow2.f32 v62  }
0x19e: {  	v21 =	vld [tilespmem:s12+$0xFFFFFF50];
	v23 =	vsel vm2, v20, v39;
	v55 =	vperm.xlane v36, v3;
	(erf) = vpow2.f32 v25;
	v25 =	vpop (erf)  }
0x19f: {  	v20 =	vld [tilespmem:s12+$0xFFFFFFF0];
	v38 =	vadd.f32 v52, v49;
	v40 =	vmul.f32 v61, v58;
	v46 =	vmul.f32 v25, v56  }
0x1a0: {  	v16 =	vsel vm4, v16, v19;
	v53 =	vld [tilespmem:s13+$0xFFFFFF20];
	v39 =	vmul.f32 $1.442695020e+00, v41;
	v43 =	vadd.f32 v51, v60  }
0x1a1: {  	v57 =	vld [tilespmem:s13+$0x60];
	v36 =	vadd.f32 v55, v36;
	v49 =	vperm.xlane v38, v4;
	v58 =	vperm.xlane v40, v1;
	[tilespmem:s11+$0x70] =	vst v46  }
0x1a2: {  	v56 =	vperm.xlane v31, v4;
	v24 =	vsel vm1, v24, v25;
	v25 =	vperm.xlane v43, v4;
	v48 =	vld [tilespmem:s10+$0x70]  }
0x1a3: {  	v60 =	vperm.xlane v36, v4;
	v59 =	vadd.f32 v49, v38;
	v50 =	vld [tilespmem:s13+$0xC0];
	v40 =	vadd.f32 v58, v40  }
0x1a4: {  	[tilespmem:s29+$0xA0] =	vst v12;
	v18 =	vld [tilespmem:s9+$0x90];
	v38 =	vmul.f32 $1.442695020e+00, v63;
	v45 =	vadd.f32 v56, v31;
	v43 =	vadd.f32 v25, v43;
	v12 =	vpop (erf)  }
0x1a5: {  	[tilespmem:s29+$0xB0] =	vst v22;
	v25 =	vld [tilespmem:s12+$0x90];
	v61 =	vmul.f32 v12, v53;
	v22 =	vsel vm1, v32, v12;
	v12 =	vperm.xlane v40, v2  }
0x1a6: {  	v28 =	vsel vm2, v28, v35;
	v31 =	vld [tilespmem:s20+$0xFFFFFF40];
	v42 =	vmul.f32 $1.442695020e+00, v59;
	v51 =	vmul.f32 $1.442695020e+00, v43;
	v62 =	vpop (erf)  }
0x1a7: {  	v37 =	vmul.f32 $1.442695020e+00, v45;
	v32 =	vld [tilespmem:s20+$0xFFFFFFE0];
	[tilespmem:s11+$0xFFFFFF50] =	vst v61;
	v44 =	vmul.f32 v62, v54;
	v52 =	vpop (erf);
	v41 =	vadd.f32 v12, v40  }
0x1a8: {  	[tilespmem:s29+$0xFFFFFF90] =	vst v16;
	v46 =	vadd.f32 v60, v36;
	v40 =	vld [tilespmem:s10+$0xFFFFFF80];
	v63 =	vmul.f32 v52, v57;
	v43 =	vmul.f32 v50, v48  }
0x1a9: {  	s14 =	simm.s32 $0x53C0;
	(erf) = vpow2.f32 v51;
	v16 =	vsel vm1, v33, v62;
	v36 =	vld [tilespmem:s13+$0xFFFFFEE0];
	[tilespmem:s11+$0xFFFFFFB0] =	vst v44;
	v33 =	vperm.xlane v41, v3  }
0x1aa: {  	s9 =	simm.s32 $0x88E0;
	s12 =	simm.s32 $0xC;
	v12 =	vsel vm1, v34, v52;
	v44 =	vmul.f32 $1.442695020e+00, v46;
	v34 =	vld [tilespmem:s10+$0xFFFFFFD0];
	[tilespmem:s11+$0x10] =	vst v63;
	v45 =	vperm.xlane v43, v1  }
.LBB2_5:
0x1ab: {  	v35 =	vld [tilespmem:s14+$0x50];
	s13 =	sadd.s32 $0x280, s13;
	v33 =	vadd.f32 v33, v41;
	(erf) = vpow2.f32 v42;
	v19 =	vmul.f32 v19, v26;
	v26 =	vmovc v21  }
0x1ac: {  	v42 =	vmul.f32 v11, v27;
	v27 =	vmovc v20;
	v21 =	vld [tilespmem:s13+$0xA0];
	v41 =	vadd.f32 v45, v43;
	(erf) = vpow2.f32 v44  }
0x1ad: {  	v13 =	vsel vm3, v13, v29;
	v20 =	vld [tilespmem:s13+$0xFFFFFEC0];
	v29 =	vperm.xlane v33, v4;
	(erf) = vpow2.f32 v39;
	[tilespmem:s29+$0xFFFFFF80] =	vst v19  }
0x1ae: {  	v19 =	vld [tilespmem:s14+$0xFFFFFFB0];
	v36 =	vmul.f32 v36, v40;
	v39 =	vperm.xlane v41, v2;
	[tilespmem:s29+$0xFFFFFFE0] =	vst v42;
	v40 =	vsel vm4, v6, v11  }
0x1af: {  	v6 =	vmovc v14;
	v11 =	vld [tilespmem:s13+$0xFFFFFF60];
	v29 =	vadd.f32 v29, v33;
	(erf) = vpow2.f32 v38;
	[tilespmem:s29+$0xFFFFFFF0] =	vst v40;
	v33 =	vmul.f32 v9, v18  }
0x1b0: {  	s12 =	sadd.s32 $0x4, s12;
	v18 =	vmovc v25;
	v38 =	vld [tilespmem:s14+$0x0];
	v14 =	vperm.xlane v36, v1;
	v39 =	vadd.f32 v39, v41;
	(erf) = vpow2.f32 v37  }
0x1b1: {  	p0 =	slt.u32 s12, $0x4C;
	v9 =	vsel vm4, v5, v9;
	v5 =	vmovc v15;
	v37 =	vld [tilespmem:s13+$0x0];
	v21 =	vmul.f32 v21, v35;
	v25 =	vmul.f32 $1.442695020e+00, v29;
	[tilespmem:s29+$0x40] =	vst v33  }
0x1b2: {  	v15 =	vsel vm4, v7, v10;
	v35 =	vld [tilespmem:s14+$0xFFFFFF60];
	v36 =	vadd.f32 v14, v36;
	v33 =	vperm.xlane v39, v3;
	[tilespmem:s29+$0x50] =	vst v9;
	s29 =	smov.u32 s0;
	s0 =	smov.u32 s6;
	s6 =	smov.u32 s11  }
0x1b3: {  	v7 =	vmov v13;
	v29 =	vld [tilespmem:s13+$0xFFFFFF10];
	v9 =	vperm.xlane v21, v1;
	v10 =	vpop (erf);
	(erf) = vpow2.f32 v25;
	[tilespmem:s29+$0xB0] =	vst v15  }
0x1b4: {  	v13 =	vmul.f32 v11, v19;
	v25 =	vld [tilespmem:s13+$0xFFFFFFB0];
	v11 =	vperm.xlane v36, v2;
	v39 =	vadd.f32 v33, v39;
	v14 =	vpop (erf)  }
0x1b5: {  	v33 =	vld [tilespmem:s13+$0x50];
	v9 =	vadd.f32 v9, v21;
	v21 =	vmul.f32 v10, v31;
	v31 =	vmul.f32 v14, v32;
	v15 =	vpop (erf)  }
0x1b6: {  	v32 =	vmul.f32 v37, v38;
	v36 =	vadd.f32 v11, v36;
	v37 =	vld [tilespmem:s9+$0xFFFFFF80];
	v41 =	vperm.xlane v39, v4;
	v19 =	vpop (erf)  }
0x1b7: {  	v20 =	vmul.f32 v20, v35;
	v38 =	vperm.xlane v9, v2;
	v40 =	vld [tilespmem:s10+$0x20];
	[tilespmem:s0+$0xFFFFFF70] =	vst v21;
	v35 =	vsel vm3, v17, v10  }
0x1b8: {  	v10 =	vperm.xlane v13, v1;
	v17 =	vperm.xlane v32, v1;
	v21 =	vadd.f32 v41, v39;
	[tilespmem:s0+$0xFFFFFFD0] =	vst v31;
	v39 =	vld [tilespmem:s20+$0x130];
	v11 =	vpop (erf)  }
0x1b9: {  	v41 =	vperm.xlane v36, v3;
	v31 =	vperm.xlane v20, v1;
	v38 =	vadd.f32 v38, v9;
	v42 =	vld [tilespmem:s9+$0x20];
	v9 =	vpop (erf)  }
0x1ba: {  	v13 =	vadd.f32 v10, v13;
	v43 =	vadd.f32 v17, v32;
	v17 =	vld [tilespmem:s9+$0xFFFFFF30];
	v44 =	vmul.f32 $1.442695020e+00, v21  }
0x1bb: {  	v20 =	vadd.f32 v31, v20;
	v21 =	vperm.xlane v38, v3;
	v34 =	vmul.f32 v37, v34;
	v32 =	vld [tilespmem:s9+$0xFFFFFFD0]  }
0x1bc: {  	v36 =	vadd.f32 v41, v36;
	v37 =	vperm.xlane v13, v2;
	v31 =	vld [tilespmem:s9+$0x70];
	(erf) = vpow2.f32 v44;
	v10 =	vpop (erf)  }
0x1bd: {  	v41 =	vperm.xlane v20, v2;
	v21 =	vadd.f32 v21, v38;
	v38 =	vld [tilespmem:s8+$0xFFFFFFA0];
	v39 =	vmul.f32 v10, v39  }
0x1be: {  	v13 =	vadd.f32 v37, v13;
	v37 =	vperm.xlane v43, v2;
	v40 =	vmul.f32 v42, v40;
	v42 =	vld [tilespmem:s20+$0xFFFFFF00]  }
0x1bf: {  	v44 =	vperm.xlane v34, v1;
	v20 =	vadd.f32 v41, v20;
	v41 =	vperm.xlane v21, v4;
	v45 =	vld [tilespmem:s8+$0xFFFFFFF0];
	[tilespmem:s0+$0xA0] =	vst v39  }
0x1c0: {  	v39 =	vperm.xlane v13, v3;
	v37 =	vadd.f32 v37, v43;
	v43 =	vperm.xlane v40, v1;
	v46 =	vld [tilespmem:s20+$0xFFFFFFA0]  }
0x1c1: {  	v34 =	vadd.f32 v44, v34;
	v47 =	vperm.xlane v20, v3;
	v41 =	vadd.f32 v41, v21;
	v44 =	vld [tilespmem:s9+$0x110]  }
0x1c2: {  	v13 =	vadd.f32 v39, v13;
	v39 =	vperm.xlane v37, v3;
	v40 =	vadd.f32 v43, v40;
	v21 =	vld [tilespmem:s20+$0xFFFFFF50]  }
0x1c3: {  	v43 =	vadd.f32 v47, v20;
	v50 =	vmul.f32 $1.442695020e+00, v41;
	v47 =	vperm.xlane v34, v2;
	v20 =	vld [tilespmem:s20+$0xFFFFFFF0]  }
0x1c4: {  	v48 =	vperm.xlane v13, v4;
	v37 =	vadd.f32 v39, v37;
	v39 =	vperm.xlane v40, v2  }
0x1c5: {  	v49 =	vperm.xlane v43, v4;
	(erf) = vpow2.f32 v50;
	v34 =	vadd.f32 v47, v34;
	v41 =	vpop (erf)  }
0x1c6: {  	v13 =	vadd.f32 v48, v13;
	v47 =	vperm.xlane v37, v4;
	v44 =	vmul.f32 v41, v44  }
0x1c7: {  	v39 =	vadd.f32 v39, v40;
	v43 =	vadd.f32 v49, v43;
	v48 =	vperm.xlane v34, v3  }
0x1c8: {  	v13 =	vmul.f32 $1.442695020e+00, v13;
	v37 =	vadd.f32 v47, v37;
	v47 =	vperm.xlane v36, v4;
	v40 =	vld [tilespmem:s13+$0xF0];
	[tilespmem:s11+$0x80] =	vst v44  }
0x1c9: {  	v44 =	vperm.xlane v39, v3;
	v43 =	vmul.f32 $1.442695020e+00, v43;
	v34 =	vadd.f32 v48, v34;
	v48 =	vld [tilespmem:s10+$0x80]  }
0x1ca: {  	v37 =	vmul.f32 $1.442695020e+00, v37;
	(erf) = vpow2.f32 v13;
	v13 =	vadd.f32 v47, v36;
	v36 =	vld [tilespmem:s9+$0xD0]  }
0x1cb: {  	v39 =	vadd.f32 v44, v39;
	(erf) = vpow2.f32 v43;
	v43 =	vperm.xlane v34, v4  }
0x1cc: {  	(erf) = vpow2.f32 v37;
	v37 =	vmul.f32 $1.442695020e+00, v13;
	v13 =	vsel vm2, v24, v41  }
0x1cd: {  	v30 =	vmul.f32 v15, v30;
	v24 =	vperm.xlane v39, v4;
	v34 =	vadd.f32 v43, v34  }
0x1ce: {  	v14 =	vsel vm3, v23, v14;
	v41 =	vpop (erf);
	(erf) = vpow2.f32 v37;
	v37 =	vmul.f32 v42, v38  }
0x1cf: {  	v38 =	vadd.f32 v24, v39;
	v23 =	vmul.f32 v41, v40;
	v36 =	vmul.f32 v36, v48;
	[tilespmem:s0+$0x30] =	vst v30  }
0x1d0: {  	s11 =	sadd.s32 $0x180, s11;
	v24 =	vnsel vm0, $0x0, v41;
	v30 =	vmul.f32 $1.442695020e+00, v34;
	v34 =	vmul.f32 v46, v45;
	v39 =	vld [tilespmem:s8+$0x40];
	s8 =	smov.u32 s10;
	s10 =	smov.u32 s14  }
0x1d1: {  	v15 =	vsel vm3, v28, v15;
	[tilespmem:s11+$0x60] =	vst v23;
	v23 =	vmul.f32 $1.442695020e+00, v38;
	v38 =	vperm.xlane v36, v1;
	v40 =	vld [tilespmem:s20+$0x40]  }
0x1d2: {  	v28 =	vsel vm4, v8, v19;
	v8 =	vmovc v35;
	v41 =	vld [tilespmem:s14+$0x60];
	(erf) = vpow2.f32 v30;
	v30 =	vperm.xlane v37, v1  }
0x1d3: {  	v35 =	vld [tilespmem:s13+$0xB0];
	v42 =	vpop (erf);
	v36 =	vadd.f32 v38, v36;
	(erf) = vpow2.f32 v23;
	v23 =	vperm.xlane v34, v1;
	[tilespmem:s29+$0xFFFFFF90] =	vst v28  }
0x1d4: {  	v38 =	vmul.f32 v42, v25;
	v28 =	vnsel vm0, $0x0, v42;
	v42 =	vpop (erf);
	v30 =	vadd.f32 v30, v37;
	v25 =	vld [tilespmem:s20+$0x90];
	s20 =	smov.u32 s9;
	s9 =	smov.u32 s13  }
0x1d5: {  	v29 =	vmul.f32 v42, v29;
	v37 =	vpop (erf);
	v43 =	vperm.xlane v36, v2;
	v23 =	vadd.f32 v23, v34  }
0x1d6: {  	v34 =	vnsel vm0, $0x0, v42;
	[tilespmem:s11+$0xFFFFFFA0] =	vst v38;
	v33 =	vmul.f32 v37, v33;
	v38 =	vmul.f32 v40, v39  }
0x1d7: {  	v40 =	vperm.xlane v30, v2;
	[tilespmem:s11+$0xFFFFFF40] =	vst v29;
	v29 =	vld [tilespmem:s14+$0xFFFFFFC0];
	v36 =	vadd.f32 v43, v36;
	v39 =	vpop (erf);
	v42 =	vperm.xlane v23, v2  }
0x1d8: {  	v43 =	vld [tilespmem:s14+$0xFFFFFF70];
	[tilespmem:s11+$0x0] =	vst v33;
	v33 =	vnsel vm0, $0x0, v37;
	v35 =	vmul.f32 v35, v41;
	v17 =	vmul.f32 v39, v17  }
0x1d9: {  	v30 =	vadd.f32 v40, v30;
	v40 =	vperm.xlane v38, v1;
	v37 =	vld [tilespmem:s13+$0xFFFFFED0];
	v41 =	vperm.xlane v36, v3  }
0x1da: {  	v23 =	vadd.f32 v42, v23;
	v44 =	vld [tilespmem:s13+$0xFFFFFF70];
	v45 =	vperm.xlane v35, v1;
	[tilespmem:s6+$0xFFFFFF60] =	vst v17;
	v17 =	vsel vm2, v22, v39  }
0x1db: {  	v38 =	vadd.f32 v40, v38;
	v39 =	vld [tilespmem:s14+$0x10];
	v41 =	vadd.f32 v41, v36;
	v42 =	vpop (erf);
	v36 =	vperm.xlane v30, v3  }
0x1dc: {  	v46 =	vperm.xlane v23, v3;
	v40 =	vld [tilespmem:s13+$0x10];
	v45 =	vadd.f32 v45, v35;
	v32 =	vmul.f32 v42, v32;
	v35 =	vpop (erf)  }
0x1dd: {  	v22 =	vld [tilespmem:s13+$0xFFFFFF20];
	v31 =	vmul.f32 v35, v31;
	v47 =	vperm.xlane v41, v4;
	v30 =	vadd.f32 v36, v30  }
0x1de: {  	v23 =	vadd.f32 v46, v23;
	v43 =	vmul.f32 v37, v43;
	v37 =	vld [tilespmem:s13+$0xFFFFFFC0];
	v48 =	vperm.xlane v45, v2;
	[tilespmem:s6+$0xFFFFFFC0] =	vst v32  }
0x1df: {  	v32 =	vperm.xlane v38, v2;
	v29 =	vmul.f32 v44, v29;
	v36 =	vld [tilespmem:s13+$0x60];
	[tilespmem:s6+$0x20] =	vst v31;
	v31 =	vadd.f32 v47, v41  }
0x1e0: {  	v46 =	vperm.xlane v30, v4;
	v41 =	vperm.xlane v43, v1;
	v44 =	vadd.f32 v48, v45;
	v45 =	vld [tilespmem:s8+$0xFFFFFF90]  }
0x1e1: {  	v38 =	vadd.f32 v32, v38;
	v39 =	vmul.f32 v40, v39;
	v40 =	vld [tilespmem:s20+$0xFFFFFEF0];
	v31 =	vmul.f32 $1.442695020e+00, v31  }
0x1e2: {  	v32 =	vadd.f32 v41, v43;
	v41 =	vperm.xlane v29, v1;
	v43 =	vperm.xlane v44, v3;
	v47 =	vld [tilespmem:s8+$0xFFFFFFE0]  }
0x1e3: {  	v46 =	vadd.f32 v46, v30;
	v48 =	vperm.xlane v39, v1;
	v49 =	vld [tilespmem:s20+$0xFFFFFF90];
	(erf) = vpow2.f32 v31  }
0x1e4: {  	v30 =	vperm.xlane v32, v2;
	v29 =	vadd.f32 v41, v29;
	v41 =	vadd.f32 v43, v44;
	v43 =	vld [tilespmem:s8+$0x30]  }
0x1e5: {  	v50 =	vperm.xlane v38, v3;
	v39 =	vadd.f32 v48, v39;
	v44 =	vld [tilespmem:s20+$0x30];
	v48 =	vperm.xlane v23, v4  }
0x1e6: {  	v51 =	vadd.f32 v30, v32;
	v30 =	vperm.xlane v29, v2;
	v52 =	vperm.xlane v41, v4;
	v31 =	vld [tilespmem:s20+$0xFFFFFF40]  }
0x1e7: {  	v38 =	vadd.f32 v50, v38;
	v40 =	vmul.f32 v40, v45;
	v53 =	vperm.xlane v39, v2;
	v32 =	vld [tilespmem:s20+$0xFFFFFFE0]  }
0x1e8: {  	v45 =	vperm.xlane v51, v3;
	v29 =	vadd.f32 v30, v29;
	v41 =	vadd.f32 v52, v41;
	v50 =	vld [tilespmem:s20+$0x120]  }
0x1e9: {  	v52 =	vperm.xlane v40, v1;
	v47 =	vmul.f32 v49, v47;
	v39 =	vadd.f32 v53, v39;
	v30 =	vld [tilespmem:s20+$0x80]  }
0x1ea: {  	v45 =	vadd.f32 v45, v51;
	v49 =	vperm.xlane v29, v3;
	v41 =	vmul.f32 $1.442695020e+00, v41  }
0x1eb: {  	v40 =	vadd.f32 v52, v40;
	v43 =	vmul.f32 v44, v43;
	v51 =	vperm.xlane v39, v3  }
0x1ec: {  	v44 =	vperm.xlane v45, v4;
	v49 =	vadd.f32 v49, v29;
	(erf) = vpow2.f32 v41;
	v29 =	vpop (erf)  }
0x1ed: {  	v41 =	vperm.xlane v47, v1;
	v39 =	vadd.f32 v51, v39;
	v50 =	vmul.f32 v29, v50  }
0x1ee: {  	v51 =	vperm.xlane v43, v1;
	v44 =	vadd.f32 v44, v45;
	v45 =	vperm.xlane v49, v4  }
0x1ef: {  	v54 =	vperm.xlane v40, v2;
	v41 =	vadd.f32 v41, v47;
	v52 =	vperm.xlane v39, v4;
	v53 =	vld [tilespmem:s13+$0x100];
	[tilespmem:s6+$0x90] =	vst v50  }
0x1f0: {  	v43 =	vadd.f32 v51, v43;
	v44 =	vmul.f32 $1.442695020e+00, v44;
	v45 =	vadd.f32 v45, v49;
	v47 =	vld [tilespmem:s8+$0x90]  }
0x1f1: {  	v40 =	vadd.f32 v54, v40;
	v49 =	vperm.xlane v41, v2;
	v39 =	vadd.f32 v52, v39;
	v50 =	vld [tilespmem:s20+$0xE0]  }
0x1f2: {  	v45 =	vmul.f32 $1.442695020e+00, v45;
	(erf) = vpow2.f32 v44;
	v44 =	vadd.f32 v48, v23  }
0x1f3: {  	v41 =	vadd.f32 v49, v41;
	v48 =	vperm.xlane v43, v2;
	v39 =	vmul.f32 $1.442695020e+00, v39  }
0x1f4: {  	v23 =	vsel vm2, v16, v42;
	(erf) = vpow2.f32 v45;
	v45 =	vperm.xlane v40, v3  }
0x1f5: {  	v42 =	vadd.f32 v48, v43;
	(erf) = vpow2.f32 v39;
	v16 =	vpop (erf);
	v39 =	vperm.xlane v41, v3  }
0x1f6: {  	v43 =	vmul.f32 v16, v53;
	v40 =	vadd.f32 v45, v40;
	v45 =	vmul.f32 v50, v47  }
0x1f7: {  	v47 =	vperm.xlane v38, v4;
	v41 =	vadd.f32 v39, v41;
	v39 =	vperm.xlane v42, v3  }
0x1f8: {  	v24 =	vsel vm1, v24, v16;
	[tilespmem:s11+$0x70] =	vst v43;
	v16 =	vperm.xlane v40, v4;
	v43 =	vperm.xlane v45, v1  }
0x1f9: {  	v47 =	vadd.f32 v47, v38;
	v48 =	vld [tilespmem:s14+$0x70];
	v49 =	vperm.xlane v41, v4;
	v50 =	vadd.f32 v39, v42  }
0x1fa: {  	v39 =	vmul.f32 $1.442695020e+00, v46;
	v51 =	vld [tilespmem:s13+$0xC0];
	v16 =	vadd.f32 v16, v40;
	v40 =	vadd.f32 v43, v45  }
0x1fb: {  	v38 =	vmul.f32 $1.442695020e+00, v44;
	v42 =	vpop (erf);
	v41 =	vadd.f32 v49, v41;
	v43 =	vperm.xlane v50, v4  }
0x1fc: {  	v44 =	vmul.f32 v42, v22;
	v22 =	vsel vm1, v34, v42;
	v34 =	vperm.xlane v40, v2  }
.Ltmp1:
0x1fd: {  	v46 =	vmul.f32 $1.442695020e+00, v16;
	v45 =	vpop (erf);
	v42 =	vmul.f32 $1.442695020e+00, v41;
	v49 =	vadd.f32 v43, v50;
	(pc) =	sbr.rel @p0 .LBB2_5-.Ltmp1, $4  }
0x1fe: {  	[tilespmem:s11+$0xFFFFFF50] =	vst v44;
	v44 =	vmul.f32 v45, v37;
	v50 =	vpop (erf);
	v41 =	vadd.f32 v34, v40;
	v37 =	vmul.f32 $1.442695020e+00, v47  }
0x1ff: {  	v16 =	vsel vm1, v28, v45;
	v40 =	vld [tilespmem:s14+$0xFFFFFF80];
	v28 =	vmul.f32 v50, v36;
	v43 =	vmul.f32 v51, v48  }
0x200: {  	v47 =	vsel vm1, v33, v50;
	v36 =	vld [tilespmem:s13+$0xFFFFFEE0];
	[tilespmem:s11+$0xFFFFFFB0] =	vst v44;
	v44 =	vmul.f32 $1.442695020e+00, v49;
	v33 =	vperm.xlane v41, v3  }
0x201: {  	s14 =	sadd.s32 $0x140, s14;
	v34 =	vld [tilespmem:s10+$0xFFFFFFD0];
	[tilespmem:s11+$0x10] =	vst v28;
	v45 =	vperm.xlane v43, v1;
	v28 =	vsel vm2, v12, v35;
	(erf) = vpow2.f32 v46;
	v12 =	vmovc v47  }
0x202: {  	v19 =	vmul.f32 v19, v26  }
0x203: {  	(erf) = vpow2.f32 v42;
	v26 =	vmul.f32 v11, v27  }
0x204: {  	(erf) = vpow2.f32 v44;
	[tilespmem:s29+$0xFFFFFF80] =	vst v19  }
0x205: {  	(erf) = vpow2.f32 v39;
	[tilespmem:s29+$0xFFFFFFE0] =	vst v26  }
0x206: {  	v19 =	vadd.f32 v45, v43;
	(erf) = vpow2.f32 v38  }
0x207: {  	v27 =	vld [tilespmem:s9+$0xFFFFFF80]  }
0x208: {  	v26 =	vperm.xlane v19, v2  }
0x209: {  	v36 =	vmul.f32 v36, v40;
	v35 =	vld [tilespmem:s10+$0x20]  }
0x20a: {  	v19 =	vadd.f32 v26, v19;
	v26 =	vld [tilespmem:s9+$0x20]  }
0x20b: {  	v50 =	vperm.xlane v36, v1  }
0x20c: {  	v33 =	vadd.f32 v33, v41;
	v49 =	vperm.xlane v19, v3;
	v27 =	vmul.f32 v27, v34  }
0x20d: {  	v36 =	vadd.f32 v50, v36  }
0x20e: {  	v51 =	vperm.xlane v33, v4;
	v19 =	vadd.f32 v49, v19;
	v52 =	vperm.xlane v27, v1  }
0x20f: {  	v54 =	vperm.xlane v36, v2;
	v26 =	vmul.f32 v26, v35  }
0x210: {  	v53 =	vperm.xlane v19, v4;
	v27 =	vadd.f32 v52, v27  }
0x211: {  	v33 =	vadd.f32 v51, v33;
	v56 =	vadd.f32 v54, v36;
	v55 =	vperm.xlane v26, v1  }
0x212: {  	v19 =	vadd.f32 v53, v19;
	v35 =	vperm.xlane v27, v2  }
0x213: {  	v33 =	vmul.f32 $1.442695020e+00, v33;
	v57 =	vperm.xlane v56, v3;
	v26 =	vadd.f32 v55, v26  }
0x214: {  	(erf) = vpow2.f32 v37;
	v19 =	vmul.f32 $1.442695020e+00, v19;
	v35 =	vadd.f32 v35, v27  }
0x215: {  	(erf) = vpow2.f32 v33;
	v33 =	vadd.f32 v57, v56;
	v58 =	vperm.xlane v26, v2  }
0x216: {  	(erf) = vpow2.f32 v19;
	v19 =	vperm.xlane v35, v3  }
0x217: {  	v60 =	vperm.xlane v33, v4;
	v59 =	vadd.f32 v58, v26  }
0x218: {  	v27 =	vpop (erf);
	v35 =	vadd.f32 v19, v35  }
0x219: {  	v26 =	vpop (erf);
	v33 =	vadd.f32 v60, v33;
	v61 =	vperm.xlane v59, v3  }
0x21a: {  	v19 =	vpop (erf);
	v63 =	vperm.xlane v35, v4  }
0x21b: {  	v62 =	vld [tilespmem:s9+$0x110];
	v33 =	vmul.f32 $1.442695020e+00, v33;
	v45 =	vadd.f32 v61, v59;
	v40 =	vpop (erf)  }
0x21c: {  	v39 =	vpop (erf);
	v35 =	vadd.f32 v63, v35  }
0x21d: {  	(erf) = vpow2.f32 v33;
	v46 =	vperm.xlane v45, v4;
	v37 =	vpop (erf)  }
0x21e: {  	v38 =	vpop (erf);
	v35 =	vmul.f32 $1.442695020e+00, v35  }
0x21f: {  	v47 =	vadd.f32 v46, v45;
	v34 =	vpop (erf)  }
0x220: {  	v48 =	vmul.f32 v34, v62;
	(erf) = vpow2.f32 v35  }
0x221: {  	v33 =	vmul.f32 $1.442695020e+00, v47  }
0x222: {  	v49 =	vld [tilespmem:s9+$0xFFFFFF30];
	[tilespmem:s11+$0x80] =	vst v48  }
0x223: {  	(erf) = vpow2.f32 v33;
	v50 =	vld [tilespmem:s10+$0x80]  }
0x224: {  	v51 =	vld [tilespmem:s9+$0xD0]  }
0x225: {  	v52 =	vld [tilespmem:s9+$0xFFFFFFD0]  }
0x226: {  	v36 =	vpop (erf)  }
0x227: {  	v54 =	vmul.f32 v36, v49  }
0x228: {  	v53 =	vld [tilespmem:s9+$0x70]  }
0x229: {  	[tilespmem:s11+$0xFFFFFF60] =	vst v54;
	v41 =	vmul.f32 v51, v50;
	v35 =	vpop (erf)  }
0x22a: {  	v56 =	vld [tilespmem:s10+$0xFFFFFF90];
	v42 =	vmul.f32 v35, v52  }
0x22b: {  	v57 =	vld [tilespmem:s9+$0xFFFFFEF0];
	v55 =	vperm.xlane v41, v1  }
0x22c: {  	v33 =	vpop (erf);
	[tilespmem:s11+$0xFFFFFFC0] =	vst v42  }
0x22d: {  	v41 =	vadd.f32 v55, v41;
	v43 =	vmul.f32 v33, v53;
	v58 =	vld [tilespmem:s10+$0xFFFFFFE0]  }
0x22e: {  	v59 =	vld [tilespmem:s9+$0xFFFFFF90]  }
0x22f: {  	v46 =	vperm.xlane v41, v2;
	[tilespmem:s11+$0x20] =	vst v43  }
0x230: {  	v42 =	vmul.f32 v57, v56;
	v47 =	vld [tilespmem:s10+$0x30]  }
0x231: {  	v60 =	vld [tilespmem:s9+$0x30];
	v41 =	vadd.f32 v46, v41  }
0x232: {  	v48 =	vperm.xlane v42, v1  }
0x233: {  	v61 =	vperm.xlane v41, v3;
	v43 =	vmul.f32 v59, v58;
	_ =	sdelay $0x1  }
0x234: {  	v42 =	vadd.f32 v48, v42;
	v41 =	vadd.f32 v61, v41;
	v63 =	vperm.xlane v43, v1  }
0x235: {  	v62 =	vmul.f32 v60, v47  }
0x236: {  	v48 =	vperm.xlane v42, v2;
	v52 =	vperm.xlane v41, v4;
	v43 =	vadd.f32 v63, v43  }
0x237: {  	v47 =	vperm.xlane v62, v1  }
0x238: {  	v42 =	vadd.f32 v48, v42;
	v41 =	vadd.f32 v52, v41;
	v45 =	vperm.xlane v43, v2  }
0x239: {  	v44 =	vadd.f32 v47, v62  }
0x23a: {  	v54 =	vperm.xlane v42, v3;
	v41 =	vmul.f32 $1.442695020e+00, v41;
	v43 =	vadd.f32 v45, v43  }
0x23b: {  	v53 =	vperm.xlane v44, v2  }
0x23c: {  	v42 =	vadd.f32 v54, v42;
	(erf) = vpow2.f32 v41;
	v55 =	vperm.xlane v43, v3  }
0x23d: {  	v31 =	vmul.f32 v27, v31;
	v44 =	vadd.f32 v53, v44  }
0x23e: {  	v57 =	vperm.xlane v42, v4;
	v41 =	vadd.f32 v55, v43  }
0x23f: {  	v32 =	vmul.f32 v26, v32;
	[tilespmem:s6+$0xFFFFFF70] =	vst v31;
	v31 =	vld [tilespmem:s9+$0x120];
	v56 =	vperm.xlane v44, v3  }
0x240: {  	v59 =	vld [tilespmem:s8+$0xFFFFFFA0];
	v42 =	vadd.f32 v57, v42;
	v58 =	vperm.xlane v41, v4  }
0x241: {  	[tilespmem:s6+$0xFFFFFFD0] =	vst v32;
	v30 =	vmul.f32 v19, v30;
	v60 =	vld [tilespmem:s20+$0xFFFFFF00];
	v43 =	vadd.f32 v56, v44  }
0x242: {  	v63 =	vld [tilespmem:s20+$0xFFFFFFA0];
	v42 =	vmul.f32 $1.442695020e+00, v42;
	v41 =	vadd.f32 v58, v41  }
0x243: {  	[tilespmem:s6+$0x30] =	vst v30;
	v62 =	vld [tilespmem:s8+$0xFFFFFFF0];
	v61 =	vperm.xlane v43, v4  }
0x244: {  	v52 =	vld [tilespmem:s8+$0x40];
	(erf) = vpow2.f32 v42;
	v41 =	vmul.f32 $1.442695020e+00, v41  }
0x245: {  	v53 =	vld [tilespmem:s20+$0x40];
	v43 =	vadd.f32 v61, v43;
	v30 =	vpop (erf)  }
0x246: {  	v31 =	vmul.f32 v30, v31;
	(erf) = vpow2.f32 v41  }
0x247: {  	v43 =	vmul.f32 $1.442695020e+00, v43  }
0x248: {  	v54 =	vld [tilespmem:s9+$0xFFFFFF40];
	v56 =	vmul.f32 v63, v62;
	[tilespmem:s11+$0x90] =	vst v31  }
0x249: {  	v31 =	vmul.f32 v60, v59;
	(erf) = vpow2.f32 v43;
	v55 =	vld [tilespmem:s10+$0x90]  }
0x24a: {  	v42 =	vmul.f32 v53, v52;
	v46 =	vperm.xlane v56, v1;
	v57 =	vld [tilespmem:s9+$0xE0]  }
0x24b: {  	v58 =	vld [tilespmem:s9+$0xFFFFFFE0];
	v44 =	vperm.xlane v31, v1  }
0x24c: {  	v59 =	vadd.f32 v46, v56;
	v60 =	vperm.xlane v42, v1  }
0x24d: {  	v41 =	vpop (erf);
	v31 =	vadd.f32 v44, v31  }
0x24e: {  	v61 =	vld [tilespmem:s9+$0x80];
	v50 =	vperm.xlane v59, v2;
	v42 =	vadd.f32 v60, v42;
	v48 =	vmul.f32 v41, v54  }
0x24f: {  	v43 =	vmul.f32 v57, v55;
	v49 =	vperm.xlane v31, v2;
	v32 =	vpop (erf)  }
0x250: {  	v44 =	vadd.f32 v50, v59;
	[tilespmem:s11+$0xFFFFFF70] =	vst v48;
	v55 =	vperm.xlane v42, v2;
	v45 =	vmul.f32 v32, v58  }
0x251: {  	v50 =	vld [tilespmem:s10+$0xFFFFFFA0];
	v62 =	vperm.xlane v43, v1;
	v63 =	vadd.f32 v49, v31  }
0x252: {  	v51 =	vperm.xlane v44, v3;
	v42 =	vadd.f32 v55, v42;
	v31 =	vpop (erf);
	[tilespmem:s11+$0xFFFFFFD0] =	vst v45;
	v45 =	vld [tilespmem:s9+$0xFFFFFF00]  }
0x253: {  	v43 =	vadd.f32 v62, v43;
	v56 =	vmul.f32 v31, v61;
	v57 =	vperm.xlane v63, v3;
	v58 =	vld [tilespmem:s10+$0xFFFFFFF0]  }
0x254: {  	v44 =	vadd.f32 v51, v44;
	v60 =	vperm.xlane v42, v3;
	v53 =	vld [tilespmem:s9+$0xFFFFFFA0]  }
0x255: {  	v52 =	vperm.xlane v43, v2;
	[tilespmem:s11+$0x30] =	vst v56;
	v59 =	vadd.f32 v57, v63  }
0x256: {  	v54 =	vperm.xlane v44, v4;
	v42 =	vadd.f32 v60, v42;
	v61 =	vld [tilespmem:s10+$0x40]  }
0x257: {  	v18 =	vmul.f32 v9, v18;
	v62 =	vld [tilespmem:s9+$0x40];
	v43 =	vadd.f32 v52, v43;
	v63 =	vperm.xlane v59, v4  }
0x258: {  	v44 =	vadd.f32 v54, v44;
	v57 =	vperm.xlane v42, v4;
	v45 =	vmul.f32 v45, v50  }
0x259: {  	v56 =	vperm.xlane v43, v3;
	v49 =	vmul.f32 v53, v58  }
0x25a: {  	v6 =	vsel vm4, v6, v11;
	v44 =	vmul.f32 $1.442695020e+00, v44;
	v58 =	vperm.xlane v45, v1  }
0x25b: {  	v46 =	vadd.f32 v63, v59;
	v43 =	vadd.f32 v56, v43;
	v59 =	vperm.xlane v49, v1  }
0x25c: {  	v42 =	vadd.f32 v57, v42;
	v48 =	vmul.f32 v62, v61;
	v45 =	vadd.f32 v58, v45  }
0x25d: {  	v46 =	vmul.f32 $1.442695020e+00, v46;
	v60 =	vperm.xlane v43, v4;
	v61 =	vadd.f32 v59, v49  }
0x25e: {  	v5 =	vsel vm4, v5, v9;
	v62 =	vperm.xlane v48, v1;
	v63 =	vperm.xlane v45, v2  }
0x25f: {  	v42 =	vmul.f32 $1.442695020e+00, v42;
	v43 =	vadd.f32 v60, v43;
	v52 =	vperm.xlane v61, v2  }
0x260: {  	v53 =	vld [tilespmem:s20+$0x130];
	(erf) = vpow2.f32 v46;
	v48 =	vadd.f32 v62, v48;
	v54 =	vadd.f32 v63, v45  }
0x261: {  	(erf) = vpow2.f32 v44;
	v43 =	vmul.f32 $1.442695020e+00, v43;
	v55 =	vadd.f32 v52, v61  }
0x262: {  	v7 =	vsel vm4, v7, v10;
	[tilespmem:s29+$0xFFFFFFF0] =	vst v6;
	v56 =	vperm.xlane v48, v2;
	v11 =	vperm.xlane v54, v3  }
0x263: {  	[tilespmem:s0+$0xB0] =	vst v7;
	v7 =	vsel vm4, v8, v40;
	(erf) = vpow2.f32 v42;
	v6 =	vperm.xlane v55, v3  }
0x264: {  	[tilespmem:s29+$0x50] =	vst v5;
	(erf) = vpow2.f32 v43;
	v57 =	vadd.f32 v56, v48;
	v9 =	vadd.f32 v11, v54  }
0x265: {  	[tilespmem:s0+$0xFFFFFF90] =	vst v7;
	v7 =	vmul.f32 v39, v20;
	v5 =	vmul.f32 v38, v53;
	v6 =	vadd.f32 v6, v55  }
0x266: {  	[tilespmem:s29+$0x40] =	vst v18;
	v10 =	vperm.xlane v57, v3;
	v8 =	vperm.xlane v9, v4  }
0x267: {  	[tilespmem:s6+$0xA0] =	vst v5;
	v5 =	vmul.f32 v40, v21;
	v18 =	vperm.xlane v6, v4  }
0x268: {  	v10 =	vadd.f32 v10, v57;
	v8 =	vadd.f32 v8, v9  }
0x269: {  	[tilespmem:s0+$0xFFFFFFE0] =	vst v7;
	v7 =	vsel vm4, v14, v39;
	v14 =	vmul.f32 v37, v25;
	v11 =	vld [tilespmem:s9+$0x130];
	v6 =	vadd.f32 v18, v6  }
0x26a: {  	v25 =	vld [tilespmem:s20+$0xFFFFFFF0];
	v20 =	vpop (erf);
	v9 =	vperm.xlane v10, v4;
	v8 =	vmul.f32 $1.442695020e+00, v8  }
0x26b: {  	[tilespmem:s0+$0xFFFFFF80] =	vst v5;
	v5 =	vpop (erf);
	v18 =	vld [tilespmem:s20+$0xFFFFFF50];
	v6 =	vmul.f32 $1.442695020e+00, v6  }
0x26c: {  	[tilespmem:s0+$0xFFFFFFF0] =	vst v7;
	v21 =	vpop (erf);
	v9 =	vadd.f32 v9, v10;
	(erf) = vpow2.f32 v8;
	v8 =	vld [tilespmem:s20+$0x90]  }
0x26d: {  	[tilespmem:s0+$0x40] =	vst v14;
	v10 =	vsel vm4, v15, v37;
	v7 =	vpop (erf);
	(erf) = vpow2.f32 v6;
	v6 =	vsel vm3, v17, v27  }
0x26e: {  	[tilespmem:s0+$0x50] =	vst v10;
	v11 =	vmul.f32 v7, v11;
	v9 =	vmul.f32 $1.442695020e+00, v9;
	v6 =	vsel vm4, v6, v20  }
0x26f: {  	[tilespmem:s6+$0xFFFFFF90] =	vst v6;
	v6 =	vmul.f32 v5, v25  }
0x270: {  	v10 =	vmul.f32 v20, v18;
	[tilespmem:s11+$0xA0] =	vst v11;
	(erf) = vpow2.f32 v9  }
0x271: {  	v13 =	vsel vm3, v13, v29;
	v9 =	vsel vm3, v23, v26;
	[tilespmem:s6+$0xFFFFFFE0] =	vst v6;
	v6 =	vmul.f32 v21, v8  }
0x272: {  	v11 =	vld [tilespmem:s9+$0xFFFFFF50];
	[tilespmem:s6+$0xFFFFFF80] =	vst v10;
	v5 =	vsel vm4, v9, v5;
	v9 =	vsel vm3, v28, v19;
	v8 =	vsel vm2, v24, v34  }
0x273: {  	v13 =	vsel vm4, v13, v38;
	v10 =	vld [tilespmem:s9+$0xFFFFFFF0];
	v8 =	vsel vm3, v8, v30;
	[tilespmem:s6+$0x40] =	vst v6;
	v6 =	vsel vm4, v9, v21  }
0x274: {  	[tilespmem:s6+$0xB0] =	vst v13;
	v7 =	vsel vm4, v8, v7  }
0x275: {  	v13 =	vld [tilespmem:s9+$0x90];
	[tilespmem:s6+$0xFFFFFFF0] =	vst v5;
	v5 =	vsel vm2, v22, v36  }
0x276: {  	v5 =	vsel vm3, v5, v41;
	[tilespmem:s6+$0x50] =	vst v6;
	v6 =	vpop (erf)  }
0x277: {  	[tilespmem:s11+$0xB0] =	vst v7;
	v7 =	vpop (erf);
	v5 =	vsel vm4, v5, v6;
	v6 =	vmul.f32 v6, v11  }
0x278: {  	v8 =	vsel vm2, v16, v35;
	[tilespmem:s11+$0xFFFFFF90] =	vst v5;
	v5 =	vmul.f32 v7, v10  }
0x279: {  	v8 =	vsel vm3, v8, v32;
	v9 =	vpop (erf);
	[tilespmem:s11+$0xFFFFFF80] =	vst v6  }
0x27a: {  	s10 =	smul.u32 $0x280, s30;
	v6 =	vsel vm2, v12, v33;
	[tilespmem:s11+$0xFFFFFFE0] =	vst v5;
	v5 =	vsel vm4, v8, v7;
	v7 =	vmul.f32 v9, v13  }
0x27b: {  	v6 =	vsel vm3, v6, v31;
	[tilespmem:s11+$0xFFFFFFF0] =	vst v5  }
0x27c: {  	s0 =	sshra.s32 s10, $0x2;
	v5 =	vsel vm4, v6, v9;
	[tilespmem:s11+$0x40] =	vst v7  }
0x27d: {  	s0 =	sadd.s32 $0x2710, s0;
	[tilespmem:s11+$0x50] =	vst v5  }
0x27e: {  	[spmem:s2] =	stream.indirect.scatter.add.f32 [tilespmem:s18], [sflag:$0x3], $0x60, s0, s21, $0xb8;
	[tilespmem:$0x1EF20] =	vst v63  }
0x27f: {  	_ =	swait.ge [sflag:s19], $0x1E00  }
0x280: {  	[sflag:s19] =	ssyncset.done $0x0  }
0x281: {  	s11 =	sadd.s32 $0x27B0, s1;
	[sflag:s19] =	ssyncadd.s32 $0xFFFFE200  }
0x282: {  	[tilespmem:s22], [sflag:$0x1] =	stream.indirect.gather [hbm4b:s4+s21], $0x50, s11, s21, $0xb8;
	[tilespmem:$0x1EF20] =	vst v63  }
0x283: {  	s12 =	sadd.s32 $0xA0, s1  }
0x284: {  	[tilespmem:s23], [sflag:$0x2] =	stream.indirect.gather [hbm4b:s5+s21], $0xA0, s12, s21, $0xb8;
	[tilespmem:$0x1EF20] =	vst v63  }
0x285: {  	_ =	swait.ge [sflag:s26], $0x1900  }
0x286: {  	[sflag:s26] =	ssyncset.done $0x0  }
0x287: {  	[sflag:s26] =	ssyncadd.s32 $0xFFFFE700  }
0x288: {  	_ =	swait.ge [sflag:s28], $0x3200  }
0x289: {  	[sflag:s28] =	ssyncset.done $0x0  }
0x28a: {  	s13 =	simm.s32 $0x6850;
	[sflag:s28] =	ssyncadd.s32 $0xFFFFCE00  }
0x28b: {  	s29 =	simm.s32 $0xB490;
	v5 =	vld [tilespmem:s13+$0xFFFFFFC0]  }
0x28c: {  	v6 =	vld [tilespmem:s29+$0xFFFFFF70];
	_ =	sdelay $0x4  }
0x28d: {  	v5 =	vmul.f32 v6, v5;
	_ =	sdelay $0x1  }
0x28e: {  	v6 =	vperm.xlane v5, v1;
	_ =	sdelay $0x1  }
0x28f: {  	v5 =	vadd.f32 v6, v5;
	_ =	sdelay $0x1  }
0x290: {  	v6 =	vperm.xlane v5, v2;
	_ =	sdelay $0x1  }
0x291: {  	v5 =	vadd.f32 v6, v5;
	_ =	sdelay $0x1  }
0x292: {  	v6 =	vperm.xlane v5, v3;
	_ =	sdelay $0x1  }
0x293: {  	v5 =	vadd.f32 v6, v5  }
0x294: {  	v8 =	vld [tilespmem:s13+$0xFFFFFF20]  }
0x295: {  	v9 =	vld [tilespmem:s29+$0xFFFFFE30];
	v7 =	vperm.xlane v5, v4  }
0x296: {  	v6 =	vld [tilespmem:s29+$0xFFFFFD90]  }
0x297: {  	v5 =	vadd.f32 v7, v5;
	v7 =	vld [tilespmem:s13+$0xFFFFFED0]  }
0x298: {  	v10 =	vld [tilespmem:s13+$0xFFFFFF70]  }
0x299: {  	v11 =	vld [tilespmem:s29+$0xFFFFFED0];
	v5 =	vmul.f32 $1.442695020e+00, v5;
	_ =	sdelay $0x1  }
0x29a: {  	(erf) = vpow2.f32 v5;
	v5 =	vmul.f32 v9, v8  }
0x29b: {  	v6 =	vmul.f32 v6, v7  }
0x29c: {  	v7 =	vperm.xlane v5, v1  }
0x29d: {  	v8 =	vmul.f32 v11, v10;
	v9 =	vperm.xlane v6, v1  }
0x29e: {  	v5 =	vadd.f32 v7, v5  }
0x29f: {  	v10 =	vperm.xlane v8, v1;
	v7 =	vld [tilespmem:s29+$0xFFFFFFC0];
	v6 =	vadd.f32 v9, v6  }
0x2a0: {  	v9 =	vperm.xlane v5, v2  }
0x2a1: {  	v8 =	vadd.f32 v10, v8;
	v10 =	vperm.xlane v6, v2  }
0x2a2: {  	v9 =	vadd.f32 v9, v5  }
0x2a3: {  	v11 =	vperm.xlane v8, v2;
	v5 =	vpop (erf);
	v6 =	vadd.f32 v10, v6  }
0x2a4: {  	v7 =	vmul.f32 v5, v7;
	v10 =	vperm.xlane v9, v3  }
0x2a5: {  	s1 =	simm.s32 $0xE4E0;
	v8 =	vadd.f32 v11, v8;
	v11 =	vperm.xlane v6, v3  }
0x2a6: {  	[tilespmem:s1+$0x60] =	vst v7;
	v7 =	vadd.f32 v10, v9  }
0x2a7: {  	v10 =	vperm.xlane v8, v3;
	v9 =	vld [tilespmem:s13+$0xFFFFFFD0];
	v6 =	vadd.f32 v11, v6  }
0x2a8: {  	v11 =	vld [tilespmem:s29+$0xFFFFFF80];
	v12 =	vperm.xlane v7, v4  }
0x2a9: {  	v8 =	vadd.f32 v10, v8;
	v10 =	vperm.xlane v6, v4  }
0x2aa: {  	v7 =	vadd.f32 v12, v7  }
0x2ab: {  	v6 =	vadd.f32 v10, v6  }
0x2ac: {  	v12 =	vperm.xlane v8, v4;
	v7 =	vmul.f32 $1.442695020e+00, v7  }
0x2ad: {  	v9 =	vmul.f32 v11, v9;
	v6 =	vmul.f32 $1.442695020e+00, v6  }
0x2ae: {  	(erf) = vpow2.f32 v7  }
0x2af: {  	v8 =	vadd.f32 v12, v8;
	v7 =	vperm.xlane v9, v1;
	(erf) = vpow2.f32 v6;
	_ =	sdelay $0x1  }
0x2b0: {  	v6 =	vmul.f32 $1.442695020e+00, v8;
	v7 =	vadd.f32 v7, v9;
	_ =	sdelay $0x1  }
0x2b1: {  	v9 =	vld [tilespmem:s29+$0xFFFFFE80];
	(erf) = vpow2.f32 v6;
	v6 =	vperm.xlane v7, v2  }
0x2b2: {  	v10 =	vld [tilespmem:s29+$0xFFFFFDE0]  }
0x2b3: {  	v6 =	vadd.f32 v6, v7;
	_ =	sdelay $0x1  }
0x2b4: {  	v11 =	vperm.xlane v6, v3;
	v8 =	vpop (erf)  }
0x2b5: {  	v12 =	vld [tilespmem:s29+$0xFFFFFF20];
	v9 =	vmul.f32 v8, v9;
	v7 =	vpop (erf)  }
0x2b6: {  	v11 =	vadd.f32 v11, v6;
	v10 =	vmul.f32 v7, v10  }
0x2b7: {  	[tilespmem:s1+$0xFFFFFFA0] =	vst v9  }
0x2b8: {  	v9 =	vperm.xlane v11, v4;
	[tilespmem:s1+$0xFFFFFF40] =	vst v10  }
0x2b9: {  	v6 =	vpop (erf);
	v13 =	vld [tilespmem:s13+$0xFFFFFEE0]  }
0x2ba: {  	v12 =	vmul.f32 v6, v12;
	v9 =	vadd.f32 v9, v11;
	v11 =	vld [tilespmem:s29+$0xFFFFFDA0]  }
0x2bb: {  	v10 =	vld [tilespmem:s13+$0xFFFFFF30]  }
0x2bc: {  	[tilespmem:s1+$0x0] =	vst v12;
	v12 =	vld [tilespmem:s29+$0xFFFFFE40];
	v9 =	vmul.f32 $1.442695020e+00, v9;
	_ =	sdelay $0x1  }
0x2bd: {  	v14 =	vld [tilespmem:s13+$0xFFFFFF80];
	(erf) = vpow2.f32 v9  }
0x2be: {  	v15 =	vld [tilespmem:s29+$0xFFFFFEE0];
	v9 =	vmul.f32 v11, v13;
	_ =	sdelay $0x1  }
0x2bf: {  	v10 =	vmul.f32 v12, v10;
	v11 =	vperm.xlane v9, v1;
	_ =	sdelay $0x1  }
0x2c0: {  	v13 =	vld [tilespmem:s29+$0xFFFFFFD0];
	v11 =	vadd.f32 v11, v9;
	v9 =	vperm.xlane v10, v1  }
0x2c1: {  	v12 =	vmul.f32 v15, v14;
	_ =	sdelay $0x1  }
0x2c2: {  	v14 =	vperm.xlane v12, v1  }
0x2c3: {  	v15 =	vperm.xlane v11, v2;
	v10 =	vadd.f32 v9, v10;
	v9 =	vpop (erf)  }
0x2c4: {  	v12 =	vadd.f32 v14, v12;
	v13 =	vmul.f32 v9, v13  }
0x2c5: {  	v11 =	vadd.f32 v15, v11;
	v14 =	vperm.xlane v10, v2  }
0x2c6: {  	v15 =	vperm.xlane v12, v2;
	[tilespmem:s1+$0x70] =	vst v13  }
0x2c7: {  	v16 =	vperm.xlane v11, v3;
	v10 =	vadd.f32 v14, v10;
	v13 =	vld [tilespmem:s13+$0xFFFFFFE0]  }
0x2c8: {  	v12 =	vadd.f32 v15, v12;
	v15 =	vld [tilespmem:s29+$0xFFFFFF90]  }
0x2c9: {  	v11 =	vadd.f32 v16, v11;
	v14 =	vperm.xlane v10, v3  }
0x2ca: {  	v16 =	vperm.xlane v12, v3  }
0x2cb: {  	v17 =	vperm.xlane v11, v4;
	v10 =	vadd.f32 v14, v10  }
0x2cc: {  	v12 =	vadd.f32 v16, v12  }
0x2cd: {  	v11 =	vadd.f32 v17, v11;
	v14 =	vperm.xlane v10, v4;
	v13 =	vmul.f32 v15, v13  }
0x2ce: {  	v15 =	vperm.xlane v12, v4  }
0x2cf: {  	s14 =	simm.s32 $0x6990;
	v11 =	vmul.f32 $1.442695020e+00, v11;
	v10 =	vadd.f32 v14, v10;
	v14 =	vperm.xlane v13, v1  }
0x2d0: {  	s12 =	simm.s32 $0xB710;
	v16 =	vld [tilespmem:s14+$0xFFFFFFC0];
	v12 =	vadd.f32 v15, v12  }
0x2d1: {  	v10 =	vmul.f32 $1.442695020e+00, v10;
	(erf) = vpow2.f32 v11;
	v11 =	vld [tilespmem:s12+$0xFFFFFF70];
	v13 =	vadd.f32 v14, v13  }
0x2d2: {  	v18 =	vld [tilespmem:s12+$0xFFFFFE30];
	v12 =	vmul.f32 $1.442695020e+00, v12  }
0x2d3: {  	v17 =	vld [tilespmem:s14+$0xFFFFFF20];
	(erf) = vpow2.f32 v10;
	v15 =	vperm.xlane v13, v2  }
0x2d4: {  	v14 =	vld [tilespmem:s29+$0xFFFFFDF0]  }
0x2d5: {  	(erf) = vpow2.f32 v12;
	v13 =	vadd.f32 v15, v13;
	v15 =	vld [tilespmem:s12+$0xFFFFFD90]  }
0x2d6: {  	v11 =	vmul.f32 v11, v16;
	v16 =	vld [tilespmem:s14+$0xFFFFFED0];
	_ =	sdelay $0x1  }
0x2d7: {  	v10 =	vld [tilespmem:s29+$0xFFFFFE90];
	v19 =	vperm.xlane v13, v3;
	v20 =	vperm.xlane v11, v1;
	_ =	sdelay $0x1  }
0x2d8: {  	v21 =	vld [tilespmem:s29+$0xFFFFFF30];
	v17 =	vmul.f32 v18, v17;
	v12 =	vpop (erf);
	v13 =	vadd.f32 v19, v13;
	v19 =	vadd.f32 v20, v11  }
0x2d9: {  	v18 =	vld [tilespmem:s12+$0xFFFFFED0];
	v14 =	vmul.f32 v12, v14;
	v15 =	vmul.f32 v15, v16  }
0x2da: {  	v20 =	vld [tilespmem:s14+$0xFFFFFF70];
	v11 =	vpop (erf);
	v22 =	vperm.xlane v13, v4;
	v23 =	vperm.xlane v19, v2  }
0x2db: {  	v24 =	vmul.f32 v11, v10;
	[tilespmem:s1+$0xFFFFFF50] =	vst v14;
	v14 =	vperm.xlane v17, v1  }
0x2dc: {  	v10 =	vpop (erf);
	v13 =	vadd.f32 v22, v13;
	v16 =	vadd.f32 v23, v19;
	v19 =	vld [tilespmem:s13+$0xFFFFFEF0];
	v22 =	vperm.xlane v15, v1  }
0x2dd: {  	v21 =	vmul.f32 v10, v21;
	v23 =	vld [tilespmem:s29+$0xFFFFFDB0];
	[tilespmem:s1+$0xFFFFFFB0] =	vst v24;
	v14 =	vadd.f32 v14, v17  }
0x2de: {  	v13 =	vmul.f32 $1.442695020e+00, v13;
	v17 =	vperm.xlane v16, v3;
	v24 =	vld [tilespmem:s13+$0xFFFFFF40];
	v15 =	vadd.f32 v22, v15  }
0x2df: {  	v18 =	vmul.f32 v18, v20;
	[tilespmem:s1+$0x10] =	vst v21;
	v20 =	vld [tilespmem:s29+$0xFFFFFE50];
	v21 =	vperm.xlane v14, v2  }
0x2e0: {  	v25 =	vld [tilespmem:s29+$0xFFFFFEF0];
	(erf) = vpow2.f32 v13;
	v13 =	vadd.f32 v17, v16;
	v17 =	vperm.xlane v15, v2  }
0x2e1: {  	v22 =	vperm.xlane v18, v1;
	v16 =	vld [tilespmem:s13+$0xFFFFFF90];
	v14 =	vadd.f32 v21, v14  }
0x2e2: {  	v19 =	vmul.f32 v23, v19;
	v21 =	vperm.xlane v13, v4;
	v15 =	vadd.f32 v17, v15  }
0x2e3: {  	v17 =	vadd.f32 v22, v18;
	v18 =	vperm.xlane v14, v3  }
0x2e4: {  	v13 =	vadd.f32 v21, v13;
	v21 =	vperm.xlane v19, v1;
	v22 =	vperm.xlane v15, v3  }
0x2e5: {  	v23 =	vld [tilespmem:s29+$0xFFFFFFE0];
	v26 =	vperm.xlane v17, v2;
	v14 =	vadd.f32 v18, v14;
	v18 =	vmul.f32 v20, v24  }
0x2e6: {  	v16 =	vmul.f32 v25, v16;
	v13 =	vmul.f32 $1.442695020e+00, v13  }
0x2e7: {  	v20 =	vadd.f32 v22, v15;
	v17 =	vadd.f32 v26, v17;
	v22 =	vperm.xlane v14, v4  }
0x2e8: {  	(erf) = vpow2.f32 v13;
	v13 =	vadd.f32 v21, v19;
	v19 =	vperm.xlane v18, v1  }
0x2e9: {  	v21 =	vperm.xlane v20, v4;
	v24 =	vperm.xlane v17, v3;
	v15 =	vpop (erf);
	v14 =	vadd.f32 v22, v14  }
0x2ea: {  	v22 =	vmul.f32 v15, v23;
	v23 =	vperm.xlane v13, v2;
	v18 =	vadd.f32 v19, v18  }
0x2eb: {  	v19 =	vadd.f32 v21, v20;
	v20 =	vperm.xlane v16, v1;
	v17 =	vadd.f32 v24, v17  }
0x2ec: {  	v21 =	vld [tilespmem:s12+$0xFFFFFFC0];
	v14 =	vmul.f32 $1.442695020e+00, v14;
	[tilespmem:s1+$0x80] =	vst v22;
	v13 =	vadd.f32 v23, v13  }
0x2ed: {  	v19 =	vmul.f32 $1.442695020e+00, v19;
	v20 =	vadd.f32 v20, v16;
	v16 =	vperm.xlane v17, v4;
	v23 =	vld [tilespmem:s13+$0xFFFFFFF0]  }
0x2ee: {  	v22 =	vperm.xlane v18, v2;
	(erf) = vpow2.f32 v14;
	v14 =	vld [tilespmem:s29+$0xFFFFFFA0]  }
0x2ef: {  	v24 =	vperm.xlane v13, v3;
	(erf) = vpow2.f32 v19  }
0x2f0: {  	v18 =	vadd.f32 v22, v18;
	v19 =	vperm.xlane v20, v2  }
0x2f1: {  	v17 =	vadd.f32 v16, v17;
	v13 =	vadd.f32 v24, v13;
	v16 =	vpop (erf)  }
0x2f2: {  	v22 =	vperm.xlane v18, v3;
	v19 =	vadd.f32 v19, v20;
	v20 =	vmul.f32 v16, v21  }
0x2f3: {  	s0 =	simm.s32 $0xE660;
	v17 =	vmul.f32 $1.442695020e+00, v17;
	v14 =	vmul.f32 v14, v23  }
0x2f4: {  	v21 =	vperm.xlane v13, v4;
	v23 =	vld [tilespmem:s12+$0xFFFFFDE0];
	v18 =	vadd.f32 v22, v18;
	v22 =	vperm.xlane v19, v3;
	[tilespmem:s0+$0x60] =	vst v20  }
0x2f5: {  	(erf) = vpow2.f32 v17;
	v20 =	vperm.xlane v14, v1;
	v24 =	vld [tilespmem:s14+$0xFFFFFFD0]  }
0x2f6: {  	v13 =	vadd.f32 v21, v13;
	v21 =	vperm.xlane v18, v4;
	v19 =	vadd.f32 v22, v19;
	v22 =	vld [tilespmem:s12+$0xFFFFFF80]  }
0x2f7: {  	v25 =	vld [tilespmem:s12+$0xFFFFFE80];
	v17 =	vpop (erf);
	v14 =	vadd.f32 v20, v14  }
0x2f8: {  	v13 =	vmul.f32 $1.442695020e+00, v13;
	v20 =	vadd.f32 v21, v18;
	v21 =	vperm.xlane v19, v4;
	v18 =	vpop (erf)  }
0x2f9: {  	v23 =	vmul.f32 v18, v23;
	v27 =	vperm.xlane v14, v2  }
0x2fa: {  	v26 =	vld [tilespmem:s12+$0xFFFFFF20];
	(erf) = vpow2.f32 v13;
	v13 =	vmul.f32 $1.442695020e+00, v20  }
0x2fb: {  	[tilespmem:s0+$0xFFFFFF40] =	vst v23;
	v14 =	vadd.f32 v27, v14;
	v20 =	vmul.f32 v22, v24  }
0x2fc: {  	v21 =	vadd.f32 v21, v19;
	(erf) = vpow2.f32 v13;
	v13 =	vmul.f32 v17, v25;
	v22 =	vld [tilespmem:s14+$0xFFFFFEE0]  }
0x2fd: {  	v23 =	vld [tilespmem:s12+$0xFFFFFDA0];
	v24 =	vperm.xlane v14, v3;
	v25 =	vperm.xlane v20, v1  }
0x2fe: {  	v28 =	vld [tilespmem:s29+$0xFFFFFE00];
	v21 =	vmul.f32 $1.442695020e+00, v21;
	v19 =	vpop (erf)  }
0x2ff: {  	v27 =	vld [tilespmem:s29+$0xFFFFFEA0];
	[tilespmem:s0+$0xFFFFFFA0] =	vst v13;
	v13 =	vmul.f32 v19, v26;
	v14 =	vadd.f32 v24, v14;
	v24 =	vadd.f32 v25, v20  }
0x300: {  	(erf) = vpow2.f32 v21;
	v26 =	vld [tilespmem:s14+$0xFFFFFF30]  }
0x301: {  	[tilespmem:s0+$0x0] =	vst v13;
	v13 =	vld [tilespmem:s12+$0xFFFFFE40];
	v21 =	vperm.xlane v14, v4;
	v29 =	vperm.xlane v24, v2  }
0x302: {  	v25 =	vld [tilespmem:s14+$0xFFFFFF80];
	v22 =	vmul.f32 v23, v22  }
0x303: {  	v30 =	vld [tilespmem:s12+$0xFFFFFEE0];
	v20 =	vpop (erf);
	v14 =	vadd.f32 v21, v14;
	v23 =	vadd.f32 v29, v24  }
0x304: {  	v24 =	vmul.f32 v20, v28;
	v28 =	vperm.xlane v22, v1  }
0x305: {  	v14 =	vmul.f32 $1.442695020e+00, v14;
	v29 =	vperm.xlane v23, v3  }
0x306: {  	v26 =	vmul.f32 v13, v26;
	v21 =	vpop (erf);
	v22 =	vadd.f32 v28, v22  }
0x307: {  	v31 =	vld [tilespmem:s29+$0xFFFFFF40];
	[tilespmem:s1+$0xFFFFFF60] =	vst v24;
	v24 =	vmul.f32 v21, v27;
	(erf) = vpow2.f32 v14;
	v14 =	vadd.f32 v29, v23  }
0x308: {  	v25 =	vmul.f32 v30, v25;
	v27 =	vld [tilespmem:s13+$0xFFFFFF00];
	v28 =	vperm.xlane v22, v2  }
0x309: {  	v23 =	vld [tilespmem:s29+$0xFFFFFDC0];
	[tilespmem:s1+$0xFFFFFFC0] =	vst v24;
	v24 =	vperm.xlane v26, v1;
	v58 =	vperm.xlane v14, v4  }
0x30a: {  	v30 =	vperm.xlane v25, v1;
	v29 =	vld [tilespmem:s13+$0xFFFFFF50];
	v22 =	vadd.f32 v28, v22  }
0x30b: {  	v13 =	vpop (erf);
	v59 =	vld [tilespmem:s29+$0xFFFFFE60];
	v24 =	vadd.f32 v24, v26;
	v14 =	vadd.f32 v58, v14  }
0x30c: {  	v25 =	vadd.f32 v30, v25;
	v26 =	vmul.f32 v13, v31;
	v30 =	vperm.xlane v22, v3  }
0x30d: {  	v31 =	vld [tilespmem:s29+$0xFFFFFFF0];
	v28 =	vperm.xlane v24, v2;
	v14 =	vmul.f32 $1.442695020e+00, v14  }
0x30e: {  	[tilespmem:s1+$0x20] =	vst v26;
	v26 =	vperm.xlane v25, v2  }
0x30f: {  	v23 =	vmul.f32 v23, v27;
	v60 =	vld [tilespmem:s13+$0xFFFFFFA0];
	v22 =	vadd.f32 v30, v22;
	v24 =	vadd.f32 v28, v24  }
0x310: {  	v27 =	vld [tilespmem:s29+$0xFFFFFF00];
	v25 =	vadd.f32 v26, v25;
	v26 =	vmul.f32 v59, v29;
	(erf) = vpow2.f32 v14  }
0x311: {  	v61 =	vperm.xlane v23, v1;
	v29 =	vperm.xlane v22, v4;
	v14 =	vpop (erf)  }
0x312: {  	v28 =	vperm.xlane v24, v3;
	v31 =	vmul.f32 v14, v31  }
0x313: {  	v30 =	vperm.xlane v25, v3;
	v22 =	vadd.f32 v29, v22  }
0x314: {  	v23 =	vadd.f32 v61, v23;
	v29 =	vld [tilespmem:s12+$0xFFFFFFD0];
	v24 =	vadd.f32 v28, v24;
	v28 =	vperm.xlane v26, v1;
	[tilespmem:s1+$0x90] =	vst v31  }
0x315: {  	v25 =	vadd.f32 v30, v25;
	v27 =	vmul.f32 v27, v60;
	v22 =	vmul.f32 $1.442695020e+00, v22;
	v30 =	vld [tilespmem:s13+$0x0]  }
0x316: {  	v33 =	vperm.xlane v23, v2;
	v31 =	vperm.xlane v24, v4;
	v26 =	vadd.f32 v28, v26;
	v28 =	vld [tilespmem:s29+$0xFFFFFFB0]  }
0x317: {  	v62 =	vperm.xlane v25, v4;
	(erf) = vpow2.f32 v22  }
0x318: {  	v5 =	vnsel vm0, $0x0, v5;
	v22 =	vadd.f32 v31, v24;
	v24 =	vperm.xlane v26, v2  }
0x319: {  	v23 =	vadd.f32 v33, v23;
	v31 =	vperm.xlane v27, v1;
	v25 =	vadd.f32 v62, v25;
	v63 =	vpop (erf)  }
0x31a: {  	v22 =	vmul.f32 $1.442695020e+00, v22;
	v24 =	vadd.f32 v24, v26;
	v26 =	vmul.f32 v63, v29  }
0x31b: {  	v27 =	vadd.f32 v31, v27;
	v25 =	vmul.f32 $1.442695020e+00, v25;
	v28 =	vmul.f32 v28, v30  }
0x31c: {  	v7 =	vnsel vm0, $0x0, v7;
	v29 =	vld [tilespmem:s12+$0xFFFFFDF0];
	v30 =	vperm.xlane v23, v3;
	v31 =	vperm.xlane v24, v3;
	[tilespmem:s0+$0x70] =	vst v26  }
0x31d: {  	v9 =	vsel vm1, v5, v9;
	v5 =	vperm.xlane v27, v2;
	v26 =	vperm.xlane v28, v1;
	v36 =	vld [tilespmem:s14+$0xFFFFFFE0]  }
0x31e: {  	(erf) = vpow2.f32 v22;
	v22 =	vadd.f32 v30, v23;
	v23 =	vadd.f32 v31, v24;
	v24 =	vld [tilespmem:s12+$0xFFFFFF90]  }
0x31f: {  	v8 =	vnsel vm0, $0x0, v8;
	v7 =	vsel vm1, v7, v12;
	v12 =	vadd.f32 v26, v28  }
0x320: {  	(erf) = vpow2.f32 v25;
	v25 =	vadd.f32 v5, v27;
	v5 =	vperm.xlane v22, v4;
	v27 =	vpop (erf)  }
0x321: {  	s8 =	simm.s32 $0x6AD0;
	v6 =	vnsel vm0, $0x0, v6;
	v28 =	vmul.f32 v27, v29;
	v29 =	vperm.xlane v12, v2  }
0x322: {  	v37 =	vld [tilespmem:s8+$0xFFFFFF20];
	v8 =	vsel vm1, v8, v11;
	v31 =	vperm.xlane v25, v3;
	v22 =	vadd.f32 v5, v22  }
0x323: {  	v11 =	vld [tilespmem:s12+$0xFFFFFE90];
	v5 =	vsel vm1, v6, v10;
	[tilespmem:s0+$0xFFFFFF50] =	vst v28;
	v10 =	vadd.f32 v29, v12;
	v12 =	vmul.f32 v24, v36  }
0x324: {  	v26 =	vperm.xlane v23, v4;
	v24 =	vadd.f32 v31, v25;
	v22 =	vmul.f32 $1.442695020e+00, v22;
	v25 =	vld [tilespmem:s14+$0xFFFFFEF0]  }
0x325: {  	v6 =	vsel vm2, v9, v15;
	v9 =	vld [tilespmem:s12+$0xFFFFFDB0];
	v15 =	vperm.xlane v10, v3;
	v28 =	vperm.xlane v12, v1  }
0x326: {  	s20 =	simm.s32 $0xB990;
	v23 =	vadd.f32 v26, v23;
	(erf) = vpow2.f32 v22;
	v22 =	vld [tilespmem:s8+$0xFFFFFFC0]  }
0x327: {  	v31 =	vpop (erf);
	v29 =	vperm.xlane v24, v4;
	v10 =	vadd.f32 v15, v10;
	v15 =	vld [tilespmem:s20+$0xFFFFFF70];
	v12 =	vadd.f32 v28, v12  }
0x328: {  	v39 =	vld [tilespmem:s20+$0xFFFFFD90];
	v23 =	vmul.f32 $1.442695020e+00, v23;
	v11 =	vmul.f32 v31, v11  }
0x329: {  	v30 =	vld [tilespmem:s12+$0xFFFFFF30];
	v24 =	vadd.f32 v29, v24;
	v29 =	vperm.xlane v10, v4;
	v38 =	vperm.xlane v12, v2  }
0x32a: {  	v18 =	vnsel vm0, $0x0, v18;
	(erf) = vpow2.f32 v23;
	v9 =	vmul.f32 v9, v25;
	v25 =	vld [tilespmem:s20+$0xFFFFFE30]  }
0x32b: {  	v26 =	vld [tilespmem:s29+$0xFFFFFE10];
	v24 =	vmul.f32 $1.442695020e+00, v24;
	v29 =	vadd.f32 v29, v10;
	v12 =	vadd.f32 v38, v12  }
0x32c: {  	v10 =	vsel vm2, v7, v20;
	v7 =	vld [tilespmem:s8+$0xFFFFFF70];
	v20 =	vperm.xlane v9, v1;
	v22 =	vmul.f32 v15, v22  }
0x32d: {  	v15 =	vsel vm2, v8, v21;
	v21 =	vld [tilespmem:s8+$0xFFFFFED0];
	v8 =	vmul.f32 $1.442695020e+00, v29;
	v29 =	vperm.xlane v12, v3  }
0x32e: {  	v28 =	vpop (erf);
	(erf) = vpow2.f32 v24;
	v24 =	vld [tilespmem:s20+$0xFFFFFED0];
	v9 =	vadd.f32 v20, v9;
	v20 =	vperm.xlane v22, v1  }
0x32f: {  	(erf) = vpow2.f32 v8;
	v8 =	vmul.f32 v25, v37;
	v25 =	vadd.f32 v29, v12  }
0x330: {  	v23 =	vld [tilespmem:s29+$0xFFFFFEB0];
	[tilespmem:s0+$0xFFFFFFB0] =	vst v11;
	v30 =	vmul.f32 v28, v30;
	v40 =	vpop (erf);
	v11 =	vperm.xlane v9, v2;
	v12 =	vsel vm1, v18, v27  }
0x331: {  	v18 =	vld [tilespmem:s12+$0xFFFFFE50];
	v20 =	vadd.f32 v20, v22;
	v22 =	vmul.f32 v40, v26;
	v41 =	vperm.xlane v25, v4  }
0x332: {  	[tilespmem:s0+$0x10] =	vst v30;
	v26 =	vld [tilespmem:s14+$0xFFFFFF40];
	v21 =	vmul.f32 v39, v21;
	v30 =	vperm.xlane v8, v1  }
0x333: {  	v7 =	vmul.f32 v24, v7;
	v9 =	vadd.f32 v11, v9;
	v27 =	vperm.xlane v20, v2  }
0x334: {  	v24 =	vld [tilespmem:s14+$0xFFFFFF90];
	v29 =	vpop (erf);
	v25 =	vadd.f32 v41, v25;
	v11 =	vperm.xlane v21, v1;
	v8 =	vadd.f32 v30, v8  }
0x335: {  	v23 =	vmul.f32 v29, v23;
	v42 =	vperm.xlane v7, v1;
	v20 =	vadd.f32 v27, v20;
	v27 =	vld [tilespmem:s12+$0xFFFFFEF0]  }
0x336: {  	v25 =	vmul.f32 $1.442695020e+00, v25;
	v11 =	vadd.f32 v11, v21;
	v43 =	vperm.xlane v8, v2  }
0x337: {  	v17 =	vnsel vm0, $0x0, v17;
	v18 =	vmul.f32 v18, v26;
	v21 =	vperm.xlane v20, v3  }
0x338: {  	v7 =	vadd.f32 v42, v7;
	(erf) = vpow2.f32 v25;
	v25 =	vperm.xlane v11, v2  }
0x339: {  	v8 =	vadd.f32 v43, v8;
	v26 =	vperm.xlane v18, v1;
	v20 =	vadd.f32 v21, v20  }
0x33a: {  	v21 =	vperm.xlane v7, v2;
	v24 =	vmul.f32 v27, v24;
	v11 =	vadd.f32 v25, v11  }
0x33b: {  	v19 =	vnsel vm0, $0x0, v19;
	v27 =	vperm.xlane v8, v3;
	v25 =	vperm.xlane v20, v4  }
0x33c: {  	v18 =	vadd.f32 v26, v18;
	v7 =	vadd.f32 v21, v7;
	v44 =	vperm.xlane v11, v3  }
0x33d: {  	v21 =	vperm.xlane v24, v1;
	v26 =	vadd.f32 v27, v8;
	v20 =	vadd.f32 v25, v20  }
0x33e: {  	v45 =	vperm.xlane v18, v2;
	v27 =	vperm.xlane v7, v3;
	v32 =	vadd.f32 v44, v11  }
0x33f: {  	v25 =	vld [tilespmem:s12+$0xFFFFFFE0];
	v11 =	vsel vm1, v17, v31;
	v17 =	vperm.xlane v26, v4;
	v20 =	vmul.f32 $1.442695020e+00, v20  }
0x340: {  	v30 =	vperm.xlane v9, v3;
	v21 =	vadd.f32 v21, v24;
	v18 =	vadd.f32 v45, v18  }
0x341: {  	v24 =	vpop (erf);
	v7 =	vadd.f32 v27, v7;
	v27 =	vperm.xlane v32, v4;
	v17 =	vadd.f32 v17, v26  }
0x342: {  	v46 =	vld [tilespmem:s29+$0xFFFFFF50];
	[tilespmem:s1+$0xFFFFFF70] =	vst v22;
	v9 =	vadd.f32 v30, v9;
	v8 =	vpop (erf);
	v31 =	vperm.xlane v21, v2;
	v49 =	vperm.xlane v18, v3  }
0x343: {  	[tilespmem:s1+$0xFFFFFFD0] =	vst v23;
	v23 =	vld [tilespmem:s29+$0xFFFFFDD0];
	(erf) = vpow2.f32 v20;
	v27 =	vadd.f32 v27, v32;
	v17 =	vmul.f32 $1.442695020e+00, v17;
	v20 =	vpop (erf)  }
0x344: {  	v26 =	vld [tilespmem:s29+$0x0];
	v30 =	vperm.xlane v7, v4;
	v21 =	vadd.f32 v31, v21;
	v25 =	vmul.f32 v20, v25  }
0x345: {  	v31 =	vld [tilespmem:s20+$0xFFFFFFC0];
	v18 =	vadd.f32 v49, v18;
	v27 =	vmul.f32 $1.442695020e+00, v27;
	(erf) = vpow2.f32 v17  }
0x346: {  	[tilespmem:s0+$0x80] =	vst v25;
	v25 =	vadd.f32 v30, v7;
	v30 =	vperm.xlane v9, v4;
	v7 =	vsel vm1, v19, v28;
	v19 =	vld [tilespmem:s13+$0xFFFFFF10]  }
0x347: {  	v5 =	vsel vm2, v5, v13;
	v22 =	vperm.xlane v21, v3;
	(erf) = vpow2.f32 v27;
	v50 =	vld [tilespmem:s14+$0xFFFFFFF0]  }
0x348: {  	v28 =	vperm.xlane v18, v4;
	v17 =	vld [tilespmem:s12+$0xFFFFFFA0];
	v25 =	vmul.f32 $1.442695020e+00, v25;
	v27 =	vadd.f32 v30, v9  }
0x349: {  	v13 =	vmul.f32 v24, v46;
	v21 =	vadd.f32 v22, v21;
	v22 =	vld [tilespmem:s13+$0xFFFFFF60];
	v9 =	vsel vm3, v6, v14  }
0x34a: {  	v6 =	vld [tilespmem:s29+$0xFFFFFE70];
	v18 =	vadd.f32 v28, v18;
	(erf) = vpow2.f32 v25;
	v14 =	vmul.f32 $1.442695020e+00, v27  }
0x34b: {  	v47 =	vld [tilespmem:s20+$0xFFFFFDE0];
	v16 =	vnsel vm0, $0x0, v16;
	[tilespmem:s1+$0x30] =	vst v13;
	v13 =	vmul.f32 v8, v26;
	v25 =	vperm.xlane v21, v4  }
0x34c: {  	v48 =	vld [tilespmem:s20+$0xFFFFFE80];
	v16 =	vsel vm1, v16, v63;
	v18 =	vmul.f32 $1.442695020e+00, v18;
	v27 =	vpop (erf);
	(erf) = vpow2.f32 v14  }
0x34d: {  	v5 =	vsel vm3, v5, v24;
	v26 =	vld [tilespmem:s29+$0xFFFFFF10];
	v28 =	vmul.f32 v27, v31;
	v31 =	vmul.f32 v17, v50  }
0x34e: {  	s6 =	simm.s32 $0xE7E0;
	v30 =	vld [tilespmem:s20+$0xFFFFFF20];
	v19 =	vmul.f32 v23, v19;
	v14 =	vadd.f32 v25, v21;
	(erf) = vpow2.f32 v18  }
0x34f: {  	v21 =	vld [tilespmem:s13+$0xFFFFFFB0];
	v17 =	vsel vm3, v10, v40;
	v22 =	vmul.f32 v6, v22;
	[tilespmem:s6+$0x60] =	vst v28;
	v25 =	vperm.xlane v31, v1  }
0x350: {  	v10 =	vsel vm2, v16, v20;
	v23 =	vpop (erf);
	v6 =	vsel vm3, v15, v29;
	v14 =	vmul.f32 $1.442695020e+00, v14;
	v20 =	vld [tilespmem:s8+$0xFFFFFFD0]  }
0x351: {  	v15 =	vperm.xlane v19, v1;
	v24 =	vperm.xlane v22, v1;
	v18 =	vld [tilespmem:s20+$0xFFFFFF80];
	v25 =	vadd.f32 v25, v31;
	v28 =	vpop (erf)  }
0x352: {  	v53 =	vld [tilespmem:s12+$0xFFFFFF40];
	v16 =	vnsel vm0, $0x0, v27;
	(erf) = vpow2.f32 v14;
	v14 =	vmul.f32 v28, v47  }
0x353: {  	v15 =	vadd.f32 v15, v19;
	v31 =	vld [tilespmem:s12+$0xFFFFFEA0];
	v22 =	vadd.f32 v24, v22;
	v27 =	vperm.xlane v25, v2;
	v52 =	vpop (erf)  }
0x354: {  	v29 =	vld [tilespmem:s12+$0xFFFFFE00];
	v51 =	vmul.f32 v23, v48;
	v19 =	vmul.f32 v52, v30;
	[tilespmem:s6+$0xFFFFFF40] =	vst v14;
	v14 =	vnsel vm0, $0x0, v23  }
0x355: {  	v23 =	vperm.xlane v15, v2;
	v30 =	vperm.xlane v22, v2;
	v25 =	vadd.f32 v27, v25;
	v24 =	vld [tilespmem:s8+$0xFFFFFEE0]  }
0x356: {  	[tilespmem:s6+$0xFFFFFFA0] =	vst v51;
	v21 =	vmul.f32 v26, v21;
	v20 =	vmul.f32 v18, v20;
	v26 =	vld [tilespmem:s20+$0xFFFFFDA0];
	v18 =	vnsel vm0, $0x0, v28;
	v55 =	vpop (erf)  }
0x357: {  	v28 =	vld [tilespmem:s8+$0xFFFFFF30];
	v15 =	vadd.f32 v23, v15;
	v22 =	vadd.f32 v30, v22;
	v59 =	vpop (erf);
	v27 =	vperm.xlane v25, v3  }
0x358: {  	[tilespmem:s6+$0x0] =	vst v19;
	v23 =	vld [tilespmem:s20+$0xFFFFFE40];
	v54 =	vperm.xlane v20, v1;
	v31 =	vmul.f32 v59, v31  }
0x359: {  	v56 =	vld [tilespmem:s8+$0xFFFFFF80];
	v30 =	vperm.xlane v15, v3;
	v60 =	vperm.xlane v22, v3  }
0x35a: {  	v57 =	vld [tilespmem:s20+$0xFFFFFEE0];
	v25 =	vadd.f32 v27, v25;
	v27 =	vmul.f32 v55, v29;
	v32 =	vadd.f32 v54, v20  }
0x35b: {  	v29 =	vperm.xlane v21, v1;
	v24 =	vmul.f32 v26, v24  }
0x35c: {  	v19 =	vnsel vm0, $0x0, v52;
	v20 =	vpop (erf);
	v58 =	vperm.xlane v25, v4;
	v26 =	vperm.xlane v32, v2  }
0x35d: {  	[tilespmem:s0+$0xFFFFFFC0] =	vst v31;
	v34 =	vmul.f32 v20, v53;
	v22 =	vadd.f32 v60, v22;
	v23 =	vmul.f32 v23, v28  }
0x35e: {  	v62 =	vld [tilespmem:s14+$0xFFFFFF50];
	v61 =	vperm.xlane v24, v1;
	v25 =	vadd.f32 v58, v25;
	v26 =	vadd.f32 v26, v32  }
0x35f: {  	v15 =	vadd.f32 v30, v15;
	v63 =	vld [tilespmem:s12+$0xFFFFFE60];
	[tilespmem:s0+$0xFFFFFF60] =	vst v27;
	v27 =	vmul.f32 v57, v56;
	v43 =	vperm.xlane v22, v4  }
0x360: {  	v24 =	vadd.f32 v61, v24;
	v25 =	vmul.f32 $1.442695020e+00, v25;
	v28 =	vperm.xlane v26, v3  }
0x361: {  	v21 =	vadd.f32 v29, v21;
	v29 =	vld [tilespmem:s14+$0xFFFFFF00];
	v30 =	vperm.xlane v23, v1;
	v33 =	vperm.xlane v27, v1  }
0x362: {  	v31 =	vperm.xlane v24, v2;
	(erf) = vpow2.f32 v25;
	v25 =	vld [tilespmem:s12+$0xFFFFFDC0];
	v26 =	vadd.f32 v28, v26  }
0x363: {  	[tilespmem:s0+$0x20] =	vst v34;
	v23 =	vadd.f32 v30, v23;
	v30 =	vperm.xlane v15, v4;
	v28 =	vperm.xlane v21, v2  }
0x364: {  	v45 =	vld [tilespmem:s12+$0xFFFFFF00];
	v32 =	vmul.f32 v63, v62;
	v24 =	vadd.f32 v31, v24;
	v31 =	vperm.xlane v26, v4  }
0x365: {  	v27 =	vadd.f32 v33, v27;
	v42 =	vperm.xlane v23, v2;
	v21 =	vadd.f32 v28, v21;
	v28 =	vld [tilespmem:s14+$0xFFFFFFA0]  }
0x366: {  	v30 =	vadd.f32 v30, v15;
	v44 =	vperm.xlane v24, v3;
	v26 =	vadd.f32 v31, v26  }
0x367: {  	v23 =	vadd.f32 v42, v23;
	v25 =	vmul.f32 v25, v29;
	v29 =	vperm.xlane v27, v2  }
0x368: {  	v31 =	vld [tilespmem:s12+$0xFFFFFFF0];
	v46 =	vperm.xlane v21, v3;
	v24 =	vadd.f32 v44, v24;
	v26 =	vmul.f32 $1.442695020e+00, v26  }
0x369: {  	v33 =	vperm.xlane v23, v3;
	v15 =	vperm.xlane v25, v1;
	v27 =	vadd.f32 v29, v27  }
0x36a: {  	v12 =	vsel vm2, v12, v55;
	v29 =	vperm.xlane v24, v4;
	v28 =	vmul.f32 v45, v28  }
0x36b: {  	v23 =	vadd.f32 v33, v23;
	(erf) = vpow2.f32 v26;
	v47 =	vperm.xlane v27, v3  }
0x36c: {  	v24 =	vadd.f32 v29, v24;
	v15 =	vadd.f32 v15, v25;
	v25 =	vperm.xlane v32, v1;
	v26 =	vpop (erf)  }
0x36d: {  	v22 =	vadd.f32 v43, v22;
	v29 =	vperm.xlane v23, v4;
	v31 =	vmul.f32 v26, v31  }
0x36e: {  	v27 =	vadd.f32 v47, v27;
	v24 =	vmul.f32 $1.442695020e+00, v24;
	v50 =	vperm.xlane v15, v2  }
0x36f: {  	v48 =	vld [tilespmem:s20+$0xFFFFFFD0];
	v25 =	vadd.f32 v25, v32;
	v23 =	vadd.f32 v29, v23;
	[tilespmem:s0+$0x90] =	vst v31;
	v31 =	vperm.xlane v28, v1  }
0x370: {  	v21 =	vadd.f32 v46, v21;
	v51 =	vperm.xlane v27, v4;
	(erf) = vpow2.f32 v24;
	v49 =	vld [tilespmem:s14+$0x0]  }
0x371: {  	v24 =	vadd.f32 v50, v15;
	v15 =	vperm.xlane v25, v2;
	v23 =	vmul.f32 $1.442695020e+00, v23;
	v29 =	vld [tilespmem:s12+$0xFFFFFFB0]  }
0x372: {  	v62 =	vmul.f32 $1.442695020e+00, v22;
	v28 =	vadd.f32 v31, v28;
	v27 =	vadd.f32 v51, v27  }
0x373: {  	v25 =	vadd.f32 v15, v25;
	(erf) = vpow2.f32 v23;
	v23 =	vperm.xlane v24, v3  }
0x374: {  	v15 =	vsel vm2, v11, v59;
	v31 =	vperm.xlane v28, v2;
	v52 =	vpop (erf);
	v27 =	vmul.f32 $1.442695020e+00, v27  }
0x375: {  	v54 =	vperm.xlane v25, v3;
	v11 =	vadd.f32 v23, v24;
	v34 =	vmul.f32 v52, v48  }
0x376: {  	v53 =	vld [tilespmem:s20+$0xFFFFFDF0];
	v29 =	vmul.f32 v29, v49;
	v28 =	vadd.f32 v31, v28;
	(erf) = vpow2.f32 v27  }
0x377: {  	v24 =	vadd.f32 v54, v25;
	v31 =	vperm.xlane v21, v4;
	v55 =	vperm.xlane v11, v4;
	[tilespmem:s6+$0x70] =	vst v34  }
0x378: {  	v23 =	vperm.xlane v29, v1;
	v25 =	vperm.xlane v28, v3;
	v27 =	vld [tilespmem:s8+$0xFFFFFFE0]  }
0x379: {  	v56 =	vld [tilespmem:s20+$0xFFFFFF90];
	v57 =	vperm.xlane v24, v4;
	v11 =	vadd.f32 v55, v11;
	v21 =	vadd.f32 v31, v21  }
0x37a: {  	v30 =	vmul.f32 $1.442695020e+00, v30;
	v23 =	vadd.f32 v23, v29;
	v25 =	vadd.f32 v25, v28;
	v28 =	vpop (erf)  }
0x37b: {  	v29 =	vld [tilespmem:s20+$0xFFFFFE90];
	v24 =	vadd.f32 v57, v24;
	v11 =	vmul.f32 $1.442695020e+00, v11;
	v33 =	vmul.f32 v28, v53  }
0x37c: {  	v21 =	vmul.f32 $1.442695020e+00, v21;
	v58 =	vperm.xlane v23, v2  }
0x37d: {  	v59 =	vld [tilespmem:s20+$0xFFFFFF30];
	v60 =	vperm.xlane v25, v4;
	v24 =	vmul.f32 $1.442695020e+00, v24;
	[tilespmem:s6+$0xFFFFFF50] =	vst v33  }
0x37e: {  	(erf) = vpow2.f32 v11;
	v27 =	vmul.f32 v56, v27;
	v31 =	vld [tilespmem:s8+$0xFFFFFEF0]  }
0x37f: {  	s10 =	simm.s32 $0x6C10;
	v22 =	vadd.f32 v58, v23;
	v23 =	vpop (erf);
	v25 =	vadd.f32 v60, v25;
	v63 =	vld [tilespmem:s20+$0xFFFFFDB0];
	(erf) = vpow2.f32 v24  }
0x380: {  	v41 =	vld [tilespmem:s10+$0xFFFFFFC0];
	v18 =	vsel vm1, v18, v28;
	v29 =	vmul.f32 v23, v29;
	v28 =	vperm.xlane v27, v1  }
0x381: {  	s13 =	simm.s32 $0xBC10;
	v61 =	vld [tilespmem:s12+$0xFFFFFE10];
	v11 =	vpop (erf);
	v39 =	vperm.xlane v22, v3;
	v25 =	vmul.f32 $1.442695020e+00, v25  }
0x382: {  	v42 =	vld [tilespmem:s13+$0xFFFFFF70];
	v24 =	vmul.f32 v11, v59;
	v27 =	vadd.f32 v28, v27;
	v28 =	vsel vm1, v19, v11  }
0x383: {  	v11 =	vld [tilespmem:s10+$0xFFFFFF20];
	v19 =	vsel vm2, v7, v20;
	v33 =	vadd.f32 v39, v22;
	(erf) = vpow2.f32 v25  }
0x384: {  	v7 =	vsel vm3, v10, v26;
	v10 =	vld [tilespmem:s13+$0xFFFFFED0];
	v25 =	vmul.f32 v63, v31;
	v31 =	vperm.xlane v27, v2  }
0x385: {  	v22 =	vsel vm1, v14, v23;
	(erf) = vpow2.f32 v30;
	v30 =	vld [tilespmem:s13+$0xFFFFFE30];
	v23 =	vperm.xlane v33, v4  }
0x386: {  	v14 =	vld [tilespmem:s13+$0xFFFFFD90];
	(erf) = vpow2.f32 v62;
	v32 =	vperm.xlane v25, v1;
	v27 =	vadd.f32 v31, v27  }
0x387: {  	v26 =	vmul.f32 v42, v41;
	(erf) = vpow2.f32 v21;
	v21 =	vld [tilespmem:s10+$0xFFFFFED0];
	v20 =	vadd.f32 v23, v33  }
0x388: {  	v16 =	vsel vm1, v16, v52;
	v23 =	vld [tilespmem:s10+$0xFFFFFF70];
	v25 =	vadd.f32 v32, v25;
	v43 =	vperm.xlane v27, v3  }
0x389: {  	v40 =	vld [tilespmem:s12+$0xFFFFFEB0];
	[tilespmem:s6+$0xFFFFFFB0] =	vst v29;
	v31 =	vmul.f32 $1.442695020e+00, v20;
	v20 =	vsel vm4, v9, v8;
	v8 =	vperm.xlane v26, v1  }
0x38a: {  	[tilespmem:s6+$0x10] =	vst v24;
	v24 =	vld [tilespmem:s20+$0xFFFFFE50];
	v9 =	vpop (erf);
	v29 =	vmul.f32 v30, v11;
	v11 =	vperm.xlane v25, v2;
	v27 =	vadd.f32 v43, v27  }
0x38b: {  	v30 =	vld [tilespmem:s8+$0xFFFFFF40];
	v44 =	vmul.f32 v9, v61;
	(erf) = vpow2.f32 v31;
	v26 =	vadd.f32 v8, v26  }
0x38c: {  	v14 =	vmul.f32 v14, v21;
	v8 =	vsel vm3, v12, v9;
	v9 =	vperm.xlane v29, v1  }
0x38d: {  	v49 =	vld [tilespmem:s20+$0xFFFFFEF0];
	v10 =	vmul.f32 v10, v23;
	v23 =	vadd.f32 v11, v25;
	v11 =	vperm.xlane v27, v4  }
0x38e: {  	v25 =	vld [tilespmem:s8+$0xFFFFFF90];
	v31 =	vpop (erf);
	v21 =	vperm.xlane v26, v2;
	v48 =	vperm.xlane v14, v1;
	v29 =	vadd.f32 v9, v29  }
0x38f: {  	v45 =	vmul.f32 v31, v40;
	v46 =	vperm.xlane v10, v1;
	v27 =	vadd.f32 v11, v27  }
0x390: {  	v24 =	vmul.f32 v24, v30;
	v21 =	vadd.f32 v21, v26;
	v26 =	vperm.xlane v23, v3  }
0x391: {  	v50 =	vperm.xlane v29, v2;
	v35 =	vadd.f32 v46, v10;
	v10 =	vmul.f32 $1.442695020e+00, v27  }
0x392: {  	v34 =	vpop (erf);
	v14 =	vadd.f32 v48, v14;
	v51 =	vperm.xlane v24, v1;
	v27 =	vperm.xlane v21, v3  }
0x393: {  	v47 =	vld [tilespmem:s12+$0x0];
	v12 =	vpop (erf);
	v23 =	vadd.f32 v26, v23;
	v25 =	vmul.f32 v49, v25;
	(erf) = vpow2.f32 v10  }
0x394: {  	v26 =	vperm.xlane v14, v2;
	v24 =	vadd.f32 v51, v24;
	v21 =	vadd.f32 v27, v21  }
0x395: {  	v11 =	vpop (erf);
	v27 =	vadd.f32 v50, v29;
	v29 =	vperm.xlane v35, v2;
	v52 =	vperm.xlane v25, v1  }
0x396: {  	v9 =	vpop (erf);
	v14 =	vadd.f32 v26, v14;
	v46 =	vperm.xlane v23, v4;
	v26 =	vperm.xlane v21, v4  }
0x397: {  	v10 =	vpop (erf);
	v55 =	vperm.xlane v24, v2;
	v37 =	vperm.xlane v27, v3  }
0x398: {  	v30 =	vmul.f32 v10, v47;
	v29 =	vadd.f32 v29, v35;
	v21 =	vadd.f32 v26, v21;
	v26 =	vld [tilespmem:s20+$0xFFFFFFE0]  }
0x399: {  	v53 =	vperm.xlane v14, v3;
	v25 =	vadd.f32 v52, v25;
	v27 =	vadd.f32 v37, v27  }
0x39a: {  	v23 =	vadd.f32 v46, v23;
	v54 =	vperm.xlane v29, v3;
	v21 =	vmul.f32 $1.442695020e+00, v21  }
0x39b: {  	v56 =	vld [tilespmem:s12+$0xFFFFFF50];
	[tilespmem:s0+$0xFFFFFF70] =	vst v44;
	v14 =	vadd.f32 v53, v14;
	v58 =	vperm.xlane v25, v2;
	v57 =	vperm.xlane v27, v4  }
0x39c: {  	v59 =	vld [tilespmem:s14+$0xFFFFFF10];
	v29 =	vadd.f32 v54, v29;
	(erf) = vpow2.f32 v21;
	v21 =	vadd.f32 v55, v24;
	v24 =	vpop (erf)  }
0x39d: {  	[tilespmem:s0+$0xFFFFFFD0] =	vst v45;
	v45 =	vld [tilespmem:s13+$0xFFFFFFC0];
	v60 =	vperm.xlane v14, v4;
	v27 =	vadd.f32 v57, v27;
	v26 =	vmul.f32 v24, v26  }
0x39e: {  	v63 =	vld [tilespmem:s14+$0xFFFFFF60];
	v25 =	vadd.f32 v58, v25;
	v62 =	vperm.xlane v29, v4;
	v44 =	vperm.xlane v21, v3  }
0x39f: {  	v48 =	vld [tilespmem:s12+$0xFFFFFE70];
	v23 =	vmul.f32 $1.442695020e+00, v23;
	v14 =	vadd.f32 v60, v14;
	v27 =	vmul.f32 $1.442695020e+00, v27;
	[tilespmem:s6+$0x80] =	vst v26  }
0x3a0: {  	v29 =	vadd.f32 v62, v29;
	v26 =	vperm.xlane v25, v3;
	v21 =	vadd.f32 v44, v21;
	v47 =	vld [tilespmem:s8+$0xFFFFFFF0]  }
0x3a1: {  	v14 =	vmul.f32 $1.442695020e+00, v14;
	(erf) = vpow2.f32 v27;
	v27 =	vld [tilespmem:s20+$0xFFFFFFA0]  }
0x3a2: {  	v61 =	vld [tilespmem:s12+$0xFFFFFDD0];
	v29 =	vmul.f32 $1.442695020e+00, v29;
	v25 =	vadd.f32 v26, v25;
	v49 =	vperm.xlane v21, v4  }
0x3a3: {  	(erf) = vpow2.f32 v14;
	v14 =	vsel vm2, v16, v24;
	v24 =	vmul.f32 v34, v56  }
0x3a4: {  	v50 =	vld [tilespmem:s13+$0xFFFFFF20];
	(erf) = vpow2.f32 v29;
	v16 =	vadd.f32 v49, v21;
	v21 =	vperm.xlane v25, v4  }
0x3a5: {  	v15 =	vsel vm3, v15, v31;
	v53 =	vmul.f32 v48, v63;
	v29 =	vld [tilespmem:s13+$0xFFFFFE80];
	(erf) = vpow2.f32 v23;
	[tilespmem:s0+$0x30] =	vst v24;
	v51 =	vpop (erf)  }
0x3a6: {  	v54 =	vld [tilespmem:s14+$0xFFFFFFB0];
	v31 =	vmul.f32 v51, v45;
	v21 =	vadd.f32 v21, v25;
	v25 =	vmul.f32 v27, v47  }
0x3a7: {  	s11 =	simm.s32 $0xE960;
	v23 =	vmul.f32 v61, v59;
	v27 =	vmul.f32 $1.442695020e+00, v16;
	v16 =	vsel vm3, v19, v34;
	v19 =	vld [tilespmem:s12+$0xFFFFFF10]  }
0x3a8: {  	v26 =	vld [tilespmem:s13+$0xFFFFFDE0];
	[tilespmem:s11+$0x60] =	vst v31;
	v21 =	vmul.f32 $1.442695020e+00, v21;
	v31 =	vperm.xlane v25, v1  }
0x3a9: {  	v33 =	vsel vm4, v17, v12;
	(erf) = vpow2.f32 v27;
	v27 =	vperm.xlane v23, v1;
	v55 =	vld [tilespmem:s10+$0xFFFFFFD0]  }
0x3aa: {  	v24 =	vnsel vm0, $0x0, v51;
	v17 =	vld [tilespmem:s13+$0xFFFFFF80];
	v56 =	vpop (erf);
	v25 =	vadd.f32 v31, v25;
	(erf) = vpow2.f32 v21  }
0x3ab: {  	v52 =	vld [tilespmem:s20+$0xFFFFFE00];
	v21 =	vperm.xlane v53, v1;
	v29 =	vmul.f32 v56, v29;
	v23 =	vadd.f32 v27, v23  }
0x3ac: {  	v59 =	vld [tilespmem:s20+$0xFFFFFF40];
	v34 =	vnsel vm0, $0x0, v56;
	v19 =	vmul.f32 v19, v54;
	v31 =	vpop (erf);
	v58 =	vperm.xlane v25, v2  }
0x3ad: {  	v27 =	vld [tilespmem:s20+$0xFFFFFEA0];
	v32 =	vadd.f32 v21, v53;
	[tilespmem:s11+$0xFFFFFFA0] =	vst v29;
	v60 =	vperm.xlane v23, v2;
	v26 =	vmul.f32 v31, v26;
	v57 =	vpop (erf)  }
0x3ae: {  	v49 =	vperm.xlane v19, v1;
	v21 =	vmul.f32 v57, v50;
	v25 =	vadd.f32 v58, v25;
	v50 =	vld [tilespmem:s13+$0xFFFFFE40]  }
0x3af: {  	v29 =	vpop (erf);
	v61 =	vperm.xlane v32, v2;
	v35 =	vnsel vm0, $0x0, v57;
	v17 =	vmul.f32 v17, v55;
	[tilespmem:s11+$0xFFFFFF40] =	vst v26;
	v26 =	vld [tilespmem:s10+$0xFFFFFF30]  }
0x3b0: {  	v23 =	vadd.f32 v60, v23;
	v38 =	vmul.f32 v29, v52;
	v19 =	vadd.f32 v49, v19;
	v62 =	vld [tilespmem:s10+$0xFFFFFEE0]  }
0x3b1: {  	v63 =	vld [tilespmem:s13+$0xFFFFFDA0];
	v48 =	vperm.xlane v25, v3;
	[tilespmem:s11+$0x0] =	vst v21;
	v51 =	vperm.xlane v17, v1;
	v21 =	vsel vm2, v18, v29  }
0x3b2: {  	v18 =	vadd.f32 v61, v32;
	v52 =	vperm.xlane v23, v3;
	v29 =	vld [tilespmem:s10+$0xFFFFFF80];
	v32 =	vpop (erf);
	v57 =	vperm.xlane v19, v2  }
0x3b3: {  	v53 =	vld [tilespmem:s13+$0xFFFFFEE0];
	v25 =	vadd.f32 v48, v25;
	v17 =	vadd.f32 v51, v17;
	v27 =	vmul.f32 v32, v27;
	v36 =	vpop (erf)  }
0x3b4: {  	v54 =	vperm.xlane v18, v3;
	v23 =	vadd.f32 v52, v23;
	v41 =	vmul.f32 v36, v59  }
0x3b5: {  	[tilespmem:s6+$0xFFFFFF60] =	vst v38;
	v19 =	vadd.f32 v57, v19;
	v55 =	vperm.xlane v25, v4;
	v56 =	vperm.xlane v17, v2  }
0x3b6: {  	v60 =	vld [tilespmem:s8+$0xFFFFFF00];
	v26 =	vmul.f32 v50, v26;
	v59 =	vperm.xlane v23, v4  }
0x3b7: {  	[tilespmem:s6+$0xFFFFFFC0] =	vst v27;
	v27 =	vld [tilespmem:s20+$0xFFFFFDC0];
	v39 =	vmul.f32 v63, v62;
	v51 =	vperm.xlane v19, v3  }
0x3b8: {  	v48 =	vld [tilespmem:s8+$0xFFFFFF50];
	v25 =	vadd.f32 v55, v25;
	v17 =	vadd.f32 v56, v17;
	v29 =	vmul.f32 v53, v29  }
0x3b9: {  	v62 =	vperm.xlane v26, v1;
	v40 =	vadd.f32 v59, v23;
	[tilespmem:s6+$0x20] =	vst v41;
	v23 =	vld [tilespmem:s20+$0xFFFFFE60];
	v58 =	vperm.xlane v39, v1  }
0x3ba: {  	v18 =	vadd.f32 v54, v18;
	v50 =	vld [tilespmem:s8+$0xFFFFFFA0];
	v25 =	vmul.f32 $1.442695020e+00, v25;
	v63 =	vperm.xlane v17, v3  }
0x3bb: {  	v52 =	vld [tilespmem:s20+$0xFFFFFF00];
	v49 =	vperm.xlane v29, v1;
	v26 =	vadd.f32 v62, v26;
	v61 =	vadd.f32 v58, v39  }
0x3bc: {  	v39 =	vperm.xlane v18, v4;
	(erf) = vpow2.f32 v25;
	v17 =	vadd.f32 v63, v17  }
0x3bd: {  	v27 =	vmul.f32 v27, v60;
	v29 =	vadd.f32 v49, v29;
	v25 =	vperm.xlane v61, v2  }
0x3be: {  	v41 =	vadd.f32 v51, v19;
	v53 =	vperm.xlane v26, v2;
	v54 =	vperm.xlane v17, v4  }
0x3bf: {  	v23 =	vmul.f32 v23, v48;
	v55 =	vperm.xlane v29, v2;
	v25 =	vadd.f32 v25, v61  }
0x3c0: {  	v26 =	vadd.f32 v53, v26;
	v38 =	vmul.f32 v52, v50;
	v17 =	vadd.f32 v54, v17  }
0x3c1: {  	v56 =	vld [tilespmem:s20+$0xFFFFFFF0];
	v57 =	vadd.f32 v55, v29;
	v29 =	vperm.xlane v27, v1;
	v19 =	vperm.xlane v25, v3  }
0x3c2: {  	v60 =	vperm.xlane v23, v1;
	v62 =	vperm.xlane v38, v1  }
0x3c3: {  	v17 =	vmul.f32 $1.442695020e+00, v17;
	v25 =	vadd.f32 v19, v25;
	v19 =	vperm.xlane v26, v3  }
0x3c4: {  	v23 =	vadd.f32 v60, v23;
	v58 =	vperm.xlane v57, v3;
	v27 =	vadd.f32 v29, v27  }
0x3c5: {  	(erf) = vpow2.f32 v17;
	v59 =	vperm.xlane v25, v4;
	v26 =	vadd.f32 v19, v26;
	v29 =	vpop (erf)  }
0x3c6: {  	v50 =	vadd.f32 v62, v38;
	v17 =	vadd.f32 v58, v57;
	v37 =	vmul.f32 v29, v56  }
0x3c7: {  	v44 =	vld [tilespmem:s13+$0xFFFFFE90];
	v62 =	vperm.xlane v41, v4;
	v25 =	vadd.f32 v59, v25;
	v61 =	vperm.xlane v26, v4  }
0x3c8: {  	v48 =	vld [tilespmem:s13+$0xFFFFFFD0];
	v45 =	vadd.f32 v39, v18;
	v53 =	vperm.xlane v23, v2;
	v63 =	vperm.xlane v17, v4;
	[tilespmem:s6+$0x90] =	vst v37  }
0x3c9: {  	v57 =	vperm.xlane v50, v2;
	v25 =	vmul.f32 $1.442695020e+00, v25;
	v26 =	vadd.f32 v61, v26;
	v51 =	vld [tilespmem:s8+$0x0]  }
0x3ca: {  	v49 =	vperm.xlane v27, v2;
	v56 =	vadd.f32 v53, v23;
	v52 =	vadd.f32 v63, v17;
	v54 =	vld [tilespmem:s20+$0xFFFFFFB0]  }
0x3cb: {  	[tilespmem:s0+$0xA0] =	vst v30;
	v30 =	vld [tilespmem:s20+$0xFFFFFF50];
	v37 =	vadd.f32 v57, v50;
	v26 =	vmul.f32 $1.442695020e+00, v26;
	(erf) = vpow2.f32 v25  }
0x3cc: {  	v18 =	vld [tilespmem:s29+$0xFFFFFF60];
	v27 =	vadd.f32 v49, v27;
	v59 =	vperm.xlane v56, v3;
	v55 =	vmul.f32 $1.442695020e+00, v52  }
0x3cd: {  	v60 =	vld [tilespmem:s13+$0xFFFFFDF0];
	v61 =	vperm.xlane v37, v3;
	(erf) = vpow2.f32 v26  }
0x3ce: {  	v19 =	vld [tilespmem:s29+$0xFFFFFE20];
	v26 =	vperm.xlane v27, v3;
	v58 =	vpop (erf);
	(erf) = vpow2.f32 v55  }
0x3cf: {  	v31 =	vnsel vm0, $0x0, v31;
	v23 =	vld [tilespmem:s12+$0xFFFFFE20];
	v46 =	vmul.f32 v58, v48;
	v38 =	vmul.f32 v54, v51  }
0x3d0: {  	v39 =	vmul.f32 $1.442695020e+00, v40;
	v17 =	vld [tilespmem:s29+$0xFFFFFEC0];
	v42 =	vadd.f32 v59, v56;
	v27 =	vadd.f32 v26, v27  }
0x3d1: {  	v47 =	vadd.f32 v62, v41;
	v63 =	vld [tilespmem:s13+$0xFFFFFF30];
	v37 =	vadd.f32 v61, v37;
	[tilespmem:s11+$0x70] =	vst v46;
	v53 =	vperm.xlane v38, v1  }
0x3d2: {  	v54 =	vperm.xlane v42, v4;
	v26 =	vsel vm1, v24, v58;
	v24 =	vperm.xlane v27, v4;
	v46 =	vld [tilespmem:s10+$0xFFFFFFE0]  }
0x3d3: {  	v40 =	vmul.f32 $1.442695020e+00, v47;
	v25 =	vsel vm2, v22, v32;
	v50 =	vld [tilespmem:s13+$0xFFFFFF90];
	v56 =	vadd.f32 v53, v38  }
0x3d4: {  	[tilespmem:s1+$0xA0] =	vst v13;
	v22 =	vld [tilespmem:s12+$0xFFFFFEC0];
	v58 =	vperm.xlane v37, v4;
	v57 =	vadd.f32 v54, v42;
	v55 =	vadd.f32 v24, v27;
	v13 =	vpop (erf)  }
0x3d5: {  	[tilespmem:s1+$0xB0] =	vst v20;
	v32 =	vld [tilespmem:s20+$0xFFFFFE10];
	v20 =	vmul.f32 v13, v60;
	v24 =	vsel vm1, v31, v13;
	v13 =	vperm.xlane v56, v2  }
0x3d6: {  	v37 =	vadd.f32 v58, v37;
	v38 =	vmul.f32 $1.442695020e+00, v45;
	v41 =	vmul.f32 $1.442695020e+00, v57;
	v27 =	vld [tilespmem:s12+$0xFFFFFF60];
	v59 =	vpop (erf)  }
0x3d7: {  	v31 =	vld [tilespmem:s20+$0xFFFFFEB0];
	v60 =	vmul.f32 $1.442695020e+00, v55;
	[tilespmem:s11+$0xFFFFFF50] =	vst v20;
	v61 =	vmul.f32 v59, v44;
	v62 =	vpop (erf);
	v43 =	vadd.f32 v13, v56  }
0x3d8: {  	v28 =	vsel vm2, v28, v36;
	[tilespmem:s1+$0xFFFFFF90] =	vst v33;
	v44 =	vmul.f32 v50, v46;
	v42 =	vld [tilespmem:s10+$0xFFFFFEF0];
	v63 =	vmul.f32 v62, v63  }
0x3d9: {  	v33 =	vmul.f32 $1.442695020e+00, v37;
	v20 =	vsel vm1, v34, v59;
	v34 =	vld [tilespmem:s13+$0xFFFFFDB0];
	[tilespmem:s11+$0xFFFFFFB0] =	vst v61;
	v45 =	vperm.xlane v43, v3  }
0x3da: {  	s9 =	simm.s32 $0xBC10;
	s14 =	simm.s32 $0x6D50;
	s12 =	simm.s32 $0xC;
	(erf) = vpow2.f32 v60;
	v13 =	vsel vm1, v35, v62;
	v46 =	vperm.xlane v44, v1;
	v37 =	vld [tilespmem:s10+$0xFFFFFF40];
	[tilespmem:s11+$0x10] =	vst v63  }
.LBB2_7:
0x3db: {  	v35 =	vld [tilespmem:s14+$0xFFFFFFC0];
	s13 =	sadd.s32 $0x280, s13;
	v36 =	vadd.f32 v45, v43;
	(erf) = vpow2.f32 v41;
	v12 =	vmul.f32 v12, v19;
	v19 =	vmovc v23  }
0x3dc: {  	v23 =	vld [tilespmem:s13+$0xFFFFFF70];
	v41 =	vadd.f32 v46, v44;
	(erf) = vpow2.f32 v33;
	v33 =	vmul.f32 v11, v17;
	v17 =	vmovc v22  }
0x3dd: {  	v14 =	vsel vm3, v14, v29;
	v22 =	vld [tilespmem:s13+$0xFFFFFD90];
	v29 =	vperm.xlane v36, v4;
	(erf) = vpow2.f32 v39;
	[tilespmem:s1+$0xFFFFFF80] =	vst v12  }
0x3de: {  	v12 =	vld [tilespmem:s14+$0xFFFFFF20];
	v34 =	vmul.f32 v34, v42;
	v39 =	vperm.xlane v41, v2;
	[tilespmem:s1+$0xFFFFFFE0] =	vst v33;
	v42 =	vsel vm4, v6, v11  }
0x3df: {  	v33 =	vmul.f32 v9, v18;
	v6 =	vmovc v15;
	v11 =	vld [tilespmem:s13+$0xFFFFFE30];
	v29 =	vadd.f32 v29, v36;
	(erf) = vpow2.f32 v38;
	[tilespmem:s1+$0xFFFFFFF0] =	vst v42  }
0x3e0: {  	s12 =	sadd.s32 $0x4, s12;
	v18 =	vmovc v27;
	v36 =	vld [tilespmem:s14+$0xFFFFFF70];
	v15 =	vperm.xlane v34, v1;
	v38 =	vadd.f32 v39, v41;
	(erf) = vpow2.f32 v40  }
0x3e1: {  	p0 =	slt.u32 s12, $0x4C;
	v9 =	vsel vm4, v5, v9;
	v5 =	vmovc v16;
	v39 =	vld [tilespmem:s13+$0xFFFFFED0];
	v23 =	vmul.f32 v23, v35;
	v27 =	vmul.f32 $1.442695020e+00, v29;
	[tilespmem:s1+$0x40] =	vst v33  }
0x3e2: {  	v16 =	vsel vm4, v7, v10;
	v35 =	vld [tilespmem:s14+$0xFFFFFED0];
	v34 =	vadd.f32 v15, v34;
	v33 =	vperm.xlane v38, v3;
	[tilespmem:s1+$0x50] =	vst v9;
	s1 =	smov.u32 s0;
	s0 =	smov.u32 s6;
	s6 =	smov.u32 s11  }
0x3e3: {  	v7 =	vmov v14;
	v29 =	vld [tilespmem:s13+$0xFFFFFDE0];
	v9 =	vperm.xlane v23, v1;
	v10 =	vpop (erf);
	(erf) = vpow2.f32 v27;
	[tilespmem:s1+$0xB0] =	vst v16  }
0x3e4: {  	v14 =	vmul.f32 v11, v12;
	v27 =	vld [tilespmem:s13+$0xFFFFFE80];
	v11 =	vperm.xlane v34, v2;
	v38 =	vadd.f32 v33, v38;
	v15 =	vpop (erf)  }
0x3e5: {  	v33 =	vld [tilespmem:s13+$0xFFFFFF20];
	v9 =	vadd.f32 v9, v23;
	v23 =	vmul.f32 v10, v32;
	v31 =	vmul.f32 v15, v31;
	v16 =	vpop (erf)  }
0x3e6: {  	v32 =	vmul.f32 v39, v36;
	v36 =	vadd.f32 v11, v34;
	v39 =	vld [tilespmem:s9+$0xFFFFFE50];
	v41 =	vperm.xlane v38, v4;
	v12 =	vpop (erf)  }
0x3e7: {  	v34 =	vsel vm3, v21, v10;
	v22 =	vmul.f32 v22, v35;
	v35 =	vperm.xlane v9, v2;
	v40 =	vld [tilespmem:s10+$0xFFFFFF90];
	[tilespmem:s0+$0xFFFFFF70] =	vst v23  }
0x3e8: {  	v10 =	vperm.xlane v14, v1;
	v21 =	vperm.xlane v32, v1;
	v23 =	vadd.f32 v41, v38;
	[tilespmem:s0+$0xFFFFFFD0] =	vst v31;
	v38 =	vld [tilespmem:s20+$0x0];
	v11 =	vpop (erf)  }
0x3e9: {  	v41 =	vperm.xlane v36, v3;
	v31 =	vperm.xlane v22, v1;
	v35 =	vadd.f32 v35, v9;
	v42 =	vld [tilespmem:s9+$0xFFFFFEF0];
	v9 =	vpop (erf)  }
0x3ea: {  	v14 =	vadd.f32 v10, v14;
	v43 =	vadd.f32 v21, v32;
	v21 =	vld [tilespmem:s9+$0xFFFFFE00];
	v44 =	vmul.f32 $1.442695020e+00, v23  }
0x3eb: {  	v22 =	vadd.f32 v31, v22;
	v23 =	vperm.xlane v35, v3;
	v37 =	vmul.f32 v39, v37;
	v32 =	vld [tilespmem:s9+$0xFFFFFEA0]  }
0x3ec: {  	v36 =	vadd.f32 v41, v36;
	v39 =	vperm.xlane v14, v2;
	v31 =	vld [tilespmem:s9+$0xFFFFFF40];
	(erf) = vpow2.f32 v44;
	v10 =	vpop (erf)  }
0x3ed: {  	v41 =	vperm.xlane v22, v2;
	v23 =	vadd.f32 v23, v35;
	v35 =	vld [tilespmem:s8+$0xFFFFFF10];
	v38 =	vmul.f32 v10, v38  }
0x3ee: {  	v14 =	vadd.f32 v39, v14;
	v39 =	vperm.xlane v43, v2;
	v40 =	vmul.f32 v42, v40;
	v42 =	vld [tilespmem:s20+$0xFFFFFDD0]  }
0x3ef: {  	v44 =	vperm.xlane v37, v1;
	v22 =	vadd.f32 v41, v22;
	v41 =	vperm.xlane v23, v4;
	v45 =	vld [tilespmem:s8+$0xFFFFFF60];
	[tilespmem:s0+$0xA0] =	vst v38  }
0x3f0: {  	v38 =	vperm.xlane v14, v3;
	v39 =	vadd.f32 v39, v43;
	v43 =	vperm.xlane v40, v1;
	v46 =	vld [tilespmem:s20+$0xFFFFFE70]  }
0x3f1: {  	v37 =	vadd.f32 v44, v37;
	v47 =	vperm.xlane v22, v3;
	v41 =	vadd.f32 v41, v23;
	v44 =	vld [tilespmem:s9+$0xFFFFFFE0]  }
0x3f2: {  	v14 =	vadd.f32 v38, v14;
	v38 =	vperm.xlane v39, v3;
	v40 =	vadd.f32 v43, v40;
	v23 =	vld [tilespmem:s20+$0xFFFFFE20]  }
0x3f3: {  	v43 =	vadd.f32 v47, v22;
	v50 =	vmul.f32 $1.442695020e+00, v41;
	v47 =	vperm.xlane v37, v2;
	v22 =	vld [tilespmem:s20+$0xFFFFFEC0]  }
0x3f4: {  	v48 =	vperm.xlane v14, v4;
	v38 =	vadd.f32 v38, v39;
	v39 =	vperm.xlane v40, v2  }
0x3f5: {  	v49 =	vperm.xlane v43, v4;
	(erf) = vpow2.f32 v50;
	v37 =	vadd.f32 v47, v37;
	v41 =	vpop (erf)  }
0x3f6: {  	v14 =	vadd.f32 v48, v14;
	v47 =	vperm.xlane v38, v4;
	v44 =	vmul.f32 v41, v44  }
0x3f7: {  	v39 =	vadd.f32 v39, v40;
	v43 =	vadd.f32 v49, v43;
	v48 =	vperm.xlane v37, v3  }
0x3f8: {  	v14 =	vmul.f32 $1.442695020e+00, v14;
	v38 =	vadd.f32 v47, v38;
	v47 =	vperm.xlane v36, v4;
	v40 =	vld [tilespmem:s13+$0xFFFFFFC0];
	[tilespmem:s11+$0x80] =	vst v44  }
0x3f9: {  	v44 =	vperm.xlane v39, v3;
	v43 =	vmul.f32 $1.442695020e+00, v43;
	v37 =	vadd.f32 v48, v37;
	v48 =	vld [tilespmem:s10+$0xFFFFFFF0]  }
0x3fa: {  	v38 =	vmul.f32 $1.442695020e+00, v38;
	(erf) = vpow2.f32 v14;
	v14 =	vadd.f32 v47, v36;
	v36 =	vld [tilespmem:s9+$0xFFFFFFA0]  }
0x3fb: {  	v39 =	vadd.f32 v44, v39;
	(erf) = vpow2.f32 v43;
	v43 =	vperm.xlane v37, v4  }
0x3fc: {  	(erf) = vpow2.f32 v38;
	v38 =	vmul.f32 $1.442695020e+00, v14;
	v14 =	vsel vm2, v26, v41  }
0x3fd: {  	v30 =	vmul.f32 v16, v30;
	v26 =	vperm.xlane v39, v4;
	v37 =	vadd.f32 v43, v37  }
0x3fe: {  	v15 =	vsel vm3, v25, v15;
	v35 =	vmul.f32 v42, v35;
	v41 =	vpop (erf);
	(erf) = vpow2.f32 v38  }
0x3ff: {  	v38 =	vadd.f32 v26, v39;
	v25 =	vmul.f32 v41, v40;
	v36 =	vmul.f32 v36, v48;
	[tilespmem:s0+$0x30] =	vst v30  }
0x400: {  	s11 =	sadd.s32 $0x180, s11;
	v26 =	vnsel vm0, $0x0, v41;
	v30 =	vmul.f32 $1.442695020e+00, v37;
	v37 =	vmul.f32 v46, v45;
	v39 =	vld [tilespmem:s8+$0xFFFFFFB0];
	s8 =	smov.u32 s10;
	s10 =	smov.u32 s14  }
0x401: {  	v16 =	vsel vm3, v28, v16;
	[tilespmem:s11+$0x60] =	vst v25;
	v25 =	vmul.f32 $1.442695020e+00, v38;
	v38 =	vperm.xlane v36, v1;
	v40 =	vld [tilespmem:s20+$0xFFFFFF10]  }
0x402: {  	v28 =	vsel vm4, v8, v12;
	v8 =	vmovc v34;
	v41 =	vld [tilespmem:s14+$0xFFFFFFD0];
	(erf) = vpow2.f32 v30;
	v30 =	vperm.xlane v35, v1  }
0x403: {  	v42 =	vld [tilespmem:s13+$0xFFFFFF80];
	v34 =	vpop (erf);
	v36 =	vadd.f32 v38, v36;
	(erf) = vpow2.f32 v25;
	v25 =	vperm.xlane v37, v1;
	[tilespmem:s1+$0xFFFFFF90] =	vst v28  }
0x404: {  	v44 =	vmul.f32 v34, v27;
	v28 =	vnsel vm0, $0x0, v34;
	v34 =	vpop (erf);
	v30 =	vadd.f32 v30, v35;
	v27 =	vld [tilespmem:s20+$0xFFFFFF60];
	s20 =	smov.u32 s9;
	s9 =	smov.u32 s13  }
0x405: {  	v29 =	vmul.f32 v34, v29;
	v35 =	vpop (erf);
	v43 =	vperm.xlane v36, v2;
	v25 =	vadd.f32 v25, v37  }
0x406: {  	v34 =	vnsel vm0, $0x0, v34;
	[tilespmem:s11+$0xFFFFFFA0] =	vst v44;
	v33 =	vmul.f32 v35, v33;
	v37 =	vmul.f32 v40, v39  }
0x407: {  	v39 =	vperm.xlane v30, v2;
	[tilespmem:s11+$0xFFFFFF40] =	vst v29;
	v29 =	vld [tilespmem:s14+$0xFFFFFF30];
	v36 =	vadd.f32 v43, v36;
	v38 =	vpop (erf);
	v40 =	vperm.xlane v25, v2  }
0x408: {  	v43 =	vld [tilespmem:s14+$0xFFFFFEE0];
	[tilespmem:s11+$0x0] =	vst v33;
	v33 =	vnsel vm0, $0x0, v35;
	v35 =	vmul.f32 v42, v41;
	v21 =	vmul.f32 v38, v21  }
0x409: {  	v30 =	vadd.f32 v39, v30;
	v39 =	vperm.xlane v37, v1;
	v41 =	vld [tilespmem:s13+$0xFFFFFDA0];
	v46 =	vperm.xlane v36, v3  }
0x40a: {  	v25 =	vadd.f32 v40, v25;
	v44 =	vld [tilespmem:s13+$0xFFFFFE40];
	v45 =	vperm.xlane v35, v1;
	[tilespmem:s6+$0xFFFFFF60] =	vst v21;
	v21 =	vsel vm2, v24, v38  }
0x40b: {  	v39 =	vadd.f32 v39, v37;
	v38 =	vld [tilespmem:s14+$0xFFFFFF80];
	v40 =	vadd.f32 v46, v36;
	v42 =	vpop (erf);
	v36 =	vperm.xlane v30, v3  }
0x40c: {  	v47 =	vperm.xlane v25, v3;
	v46 =	vld [tilespmem:s13+$0xFFFFFEE0];
	v45 =	vadd.f32 v45, v35;
	v32 =	vmul.f32 v42, v32;
	v35 =	vpop (erf)  }
0x40d: {  	v24 =	vld [tilespmem:s13+$0xFFFFFDF0];
	v31 =	vmul.f32 v35, v31;
	v48 =	vperm.xlane v40, v4;
	v30 =	vadd.f32 v36, v30  }
0x40e: {  	v25 =	vadd.f32 v47, v25;
	v41 =	vmul.f32 v41, v43;
	v37 =	vld [tilespmem:s13+$0xFFFFFE90];
	v43 =	vperm.xlane v45, v2;
	[tilespmem:s6+$0xFFFFFFC0] =	vst v32  }
0x40f: {  	v32 =	vperm.xlane v39, v2;
	v29 =	vmul.f32 v44, v29;
	v36 =	vld [tilespmem:s13+$0xFFFFFF30];
	[tilespmem:s6+$0x20] =	vst v31;
	v31 =	vadd.f32 v48, v40  }
0x410: {  	v40 =	vperm.xlane v41, v1;
	v43 =	vadd.f32 v43, v45;
	v44 =	vld [tilespmem:s8+$0xFFFFFF00];
	v45 =	vperm.xlane v30, v4  }
0x411: {  	v39 =	vadd.f32 v32, v39;
	v38 =	vmul.f32 v46, v38;
	v46 =	vld [tilespmem:s20+$0xFFFFFDC0];
	v31 =	vmul.f32 $1.442695020e+00, v31  }
0x412: {  	v32 =	vadd.f32 v40, v41;
	v40 =	vperm.xlane v29, v1;
	v41 =	vperm.xlane v43, v3;
	v47 =	vld [tilespmem:s8+$0xFFFFFF50]  }
0x413: {  	v45 =	vadd.f32 v45, v30;
	v48 =	vperm.xlane v38, v1;
	v49 =	vld [tilespmem:s20+$0xFFFFFE60];
	(erf) = vpow2.f32 v31  }
0x414: {  	v30 =	vperm.xlane v32, v2;
	v29 =	vadd.f32 v40, v29;
	v40 =	vadd.f32 v41, v43;
	v41 =	vld [tilespmem:s8+$0xFFFFFFA0]  }
0x415: {  	v50 =	vperm.xlane v39, v3;
	v38 =	vadd.f32 v48, v38;
	v43 =	vld [tilespmem:s20+$0xFFFFFF00];
	v48 =	vperm.xlane v25, v4  }
0x416: {  	v51 =	vadd.f32 v30, v32;
	v30 =	vperm.xlane v29, v2;
	v52 =	vperm.xlane v40, v4;
	v32 =	vld [tilespmem:s20+$0xFFFFFE10]  }
0x417: {  	v39 =	vadd.f32 v50, v39;
	v44 =	vmul.f32 v46, v44;
	v53 =	vperm.xlane v38, v2;
	v31 =	vld [tilespmem:s20+$0xFFFFFEB0]  }
0x418: {  	v46 =	vperm.xlane v51, v3;
	v29 =	vadd.f32 v30, v29;
	v40 =	vadd.f32 v52, v40;
	v50 =	vld [tilespmem:s20+$0xFFFFFFF0]  }
0x419: {  	v52 =	vperm.xlane v44, v1;
	v47 =	vmul.f32 v49, v47;
	v38 =	vadd.f32 v53, v38;
	v30 =	vld [tilespmem:s20+$0xFFFFFF50]  }
0x41a: {  	v46 =	vadd.f32 v46, v51;
	v49 =	vperm.xlane v29, v3;
	v40 =	vmul.f32 $1.442695020e+00, v40  }
0x41b: {  	v44 =	vadd.f32 v52, v44;
	v41 =	vmul.f32 v43, v41;
	v51 =	vperm.xlane v38, v3  }
0x41c: {  	v43 =	vperm.xlane v46, v4;
	v49 =	vadd.f32 v49, v29;
	(erf) = vpow2.f32 v40;
	v29 =	vpop (erf)  }
0x41d: {  	v40 =	vperm.xlane v47, v1;
	v38 =	vadd.f32 v51, v38;
	v50 =	vmul.f32 v29, v50  }
0x41e: {  	v51 =	vperm.xlane v41, v1;
	v43 =	vadd.f32 v43, v46;
	v46 =	vperm.xlane v49, v4  }
0x41f: {  	v54 =	vperm.xlane v44, v2;
	v40 =	vadd.f32 v40, v47;
	v52 =	vperm.xlane v38, v4;
	v53 =	vld [tilespmem:s13+$0xFFFFFFD0];
	[tilespmem:s6+$0x90] =	vst v50  }
0x420: {  	v41 =	vadd.f32 v51, v41;
	v43 =	vmul.f32 $1.442695020e+00, v43;
	v46 =	vadd.f32 v46, v49;
	v47 =	vld [tilespmem:s8+$0x0]  }
0x421: {  	v44 =	vadd.f32 v54, v44;
	v49 =	vperm.xlane v40, v2;
	v38 =	vadd.f32 v52, v38;
	v50 =	vld [tilespmem:s20+$0xFFFFFFB0]  }
0x422: {  	v46 =	vmul.f32 $1.442695020e+00, v46;
	(erf) = vpow2.f32 v43;
	v43 =	vadd.f32 v48, v25  }
0x423: {  	v40 =	vadd.f32 v49, v40;
	v48 =	vperm.xlane v41, v2;
	v38 =	vmul.f32 $1.442695020e+00, v38  }
0x424: {  	v25 =	vsel vm2, v20, v42;
	(erf) = vpow2.f32 v46;
	v46 =	vperm.xlane v44, v3  }
0x425: {  	v41 =	vadd.f32 v48, v41;
	(erf) = vpow2.f32 v38;
	v20 =	vpop (erf);
	v38 =	vperm.xlane v40, v3  }
0x426: {  	v42 =	vmul.f32 v20, v53;
	v44 =	vadd.f32 v46, v44;
	v46 =	vmul.f32 v50, v47  }
0x427: {  	v47 =	vperm.xlane v39, v4;
	v38 =	vadd.f32 v38, v40;
	v40 =	vperm.xlane v41, v3  }
0x428: {  	v26 =	vsel vm1, v26, v20;
	[tilespmem:s11+$0x70] =	vst v42;
	v20 =	vperm.xlane v44, v4;
	v42 =	vperm.xlane v46, v1  }
0x429: {  	v47 =	vadd.f32 v47, v39;
	v48 =	vld [tilespmem:s14+$0xFFFFFFE0];
	v49 =	vperm.xlane v38, v4;
	v40 =	vadd.f32 v40, v41  }
0x42a: {  	v39 =	vmul.f32 $1.442695020e+00, v45;
	v50 =	vld [tilespmem:s13+$0xFFFFFF90];
	v20 =	vadd.f32 v20, v44;
	v42 =	vadd.f32 v42, v46  }
0x42b: {  	v41 =	vpop (erf);
	v44 =	vadd.f32 v49, v38;
	v45 =	vperm.xlane v40, v4;
	v38 =	vmul.f32 $1.442695020e+00, v43  }
0x42c: {  	v43 =	vmul.f32 v41, v24;
	v24 =	vsel vm1, v34, v41;
	v34 =	vperm.xlane v42, v2  }
.Ltmp2:
0x42d: {  	v49 =	vmul.f32 $1.442695020e+00, v20;
	v46 =	vpop (erf);
	v41 =	vmul.f32 $1.442695020e+00, v44;
	v45 =	vadd.f32 v45, v40;
	(pc) =	sbr.rel @p0 .LBB2_7-.Ltmp2, $4  }
0x42e: {  	v40 =	vmul.f32 $1.442695020e+00, v47;
	[tilespmem:s11+$0xFFFFFF50] =	vst v43;
	v37 =	vmul.f32 v46, v37;
	v51 =	vpop (erf);
	v43 =	vadd.f32 v34, v42  }
0x42f: {  	v20 =	vsel vm1, v28, v46;
	v42 =	vld [tilespmem:s14+$0xFFFFFEF0];
	v28 =	vmul.f32 v51, v36;
	v44 =	vmul.f32 v50, v48  }
0x430: {  	v36 =	vsel vm1, v33, v51;
	v33 =	vmul.f32 $1.442695020e+00, v45;
	v34 =	vld [tilespmem:s13+$0xFFFFFDB0];
	[tilespmem:s11+$0xFFFFFFB0] =	vst v37;
	v45 =	vperm.xlane v43, v3  }
0x431: {  	s14 =	sadd.s32 $0x140, s14;
	v37 =	vld [tilespmem:s10+$0xFFFFFF40];
	[tilespmem:s11+$0x10] =	vst v28;
	v46 =	vperm.xlane v44, v1;
	v28 =	vsel vm2, v13, v35;
	(erf) = vpow2.f32 v49;
	v13 =	vmovc v36  }
0x432: {  	_ = 	snop  }
0x433: {  	v53 =	vld [tilespmem:s9+$0xFFFFFE50];
	v35 =	vadd.f32 v46, v44  }
0x434: {  	v54 =	vld [tilespmem:s10+$0xFFFFFF90]  }
0x435: {  	v55 =	vld [tilespmem:s9+$0xFFFFFEF0];
	v36 =	vperm.xlane v35, v2;
	v34 =	vmul.f32 v34, v42;
	_ =	sdelay $0x1  }
0x436: {  	v35 =	vadd.f32 v36, v35;
	v42 =	vperm.xlane v34, v1  }
0x437: {  	v37 =	vmul.f32 v53, v37  }
0x438: {  	(erf) = vpow2.f32 v41;
	v57 =	vperm.xlane v35, v3;
	v34 =	vadd.f32 v42, v34  }
0x439: {  	v56 =	vadd.f32 v45, v43;
	v58 =	vmul.f32 v55, v54;
	v59 =	vperm.xlane v37, v1  }
0x43a: {  	(erf) = vpow2.f32 v33;
	v33 =	vadd.f32 v57, v35;
	v62 =	vperm.xlane v34, v2  }
0x43b: {  	v43 =	vperm.xlane v56, v4;
	v63 =	vperm.xlane v58, v1;
	v36 =	vadd.f32 v59, v37  }
0x43c: {  	(erf) = vpow2.f32 v39;
	v61 =	vperm.xlane v33, v4;
	v34 =	vadd.f32 v62, v34  }
0x43d: {  	v60 =	vadd.f32 v43, v56;
	v35 =	vadd.f32 v63, v58;
	v44 =	vperm.xlane v36, v2  }
0x43e: {  	(erf) = vpow2.f32 v38;
	v33 =	vadd.f32 v61, v33;
	v45 =	vperm.xlane v34, v3  }
0x43f: {  	v43 =	vmul.f32 $1.442695020e+00, v60;
	v46 =	vperm.xlane v35, v2;
	v36 =	vadd.f32 v44, v36  }
0x440: {  	(erf) = vpow2.f32 v40;
	v33 =	vmul.f32 $1.442695020e+00, v33;
	v37 =	vadd.f32 v45, v34  }
0x441: {  	(erf) = vpow2.f32 v43;
	v48 =	vadd.f32 v46, v35;
	v47 =	vperm.xlane v36, v3  }
0x442: {  	(erf) = vpow2.f32 v33;
	v49 =	vperm.xlane v37, v4  }
0x443: {  	v50 =	vperm.xlane v48, v3;
	v36 =	vadd.f32 v47, v36  }
0x444: {  	v35 =	vpop (erf);
	v37 =	vadd.f32 v49, v37  }
0x445: {  	v34 =	vpop (erf);
	v38 =	vadd.f32 v50, v48;
	v52 =	vperm.xlane v36, v4  }
0x446: {  	v33 =	vpop (erf);
	v53 =	vmul.f32 $1.442695020e+00, v37  }
0x447: {  	v51 =	vld [tilespmem:s9+$0xFFFFFFE0];
	v54 =	vperm.xlane v38, v4;
	v43 =	vpop (erf);
	v36 =	vadd.f32 v52, v36  }
0x448: {  	v42 =	vpop (erf);
	(erf) = vpow2.f32 v53  }
0x449: {  	v38 =	vadd.f32 v54, v38;
	v40 =	vpop (erf);
	v36 =	vmul.f32 $1.442695020e+00, v36  }
0x44a: {  	v41 =	vpop (erf)  }
0x44b: {  	v38 =	vmul.f32 $1.442695020e+00, v38;
	(erf) = vpow2.f32 v36;
	v37 =	vpop (erf)  }
0x44c: {  	v55 =	vmul.f32 v37, v51  }
0x44d: {  	v56 =	vld [tilespmem:s9+$0xFFFFFE00];
	(erf) = vpow2.f32 v38  }
0x44e: {  	v59 =	vld [tilespmem:s9+$0xFFFFFEA0];
	[tilespmem:s11+$0x80] =	vst v55  }
0x44f: {  	v57 =	vld [tilespmem:s10+$0xFFFFFFF0]  }
0x450: {  	v58 =	vld [tilespmem:s9+$0xFFFFFFA0]  }
0x451: {  	v39 =	vpop (erf)  }
0x452: {  	v60 =	vld [tilespmem:s9+$0xFFFFFF40];
	v36 =	vmul.f32 v39, v56;
	_ =	sdelay $0x1  }
0x453: {  	v38 =	vpop (erf)  }
0x454: {  	v44 =	vmul.f32 v58, v57;
	[tilespmem:s11+$0xFFFFFF60] =	vst v36;
	v45 =	vmul.f32 v38, v59  }
0x455: {  	v48 =	vld [tilespmem:s10+$0xFFFFFF00];
	v36 =	vpop (erf)  }
0x456: {  	v61 =	vld [tilespmem:s9+$0xFFFFFDC0];
	v47 =	vperm.xlane v44, v1;
	[tilespmem:s11+$0xFFFFFFC0] =	vst v45;
	v46 =	vmul.f32 v36, v60  }
0x457: {  	v62 =	vld [tilespmem:s10+$0xFFFFFF50]  }
0x458: {  	v63 =	vld [tilespmem:s9+$0xFFFFFE60];
	v44 =	vadd.f32 v47, v44;
	[tilespmem:s11+$0x20] =	vst v46  }
0x459: {  	v50 =	vld [tilespmem:s10+$0xFFFFFFA0]  }
0x45a: {  	v49 =	vperm.xlane v44, v2;
	v54 =	vld [tilespmem:s9+$0xFFFFFF00]  }
0x45b: {  	v45 =	vmul.f32 v61, v48  }
0x45c: {  	v44 =	vadd.f32 v49, v44  }
0x45d: {  	v51 =	vperm.xlane v45, v1;
	v46 =	vmul.f32 v63, v62  }
0x45e: {  	v55 =	vperm.xlane v44, v3  }
0x45f: {  	v45 =	vadd.f32 v51, v45;
	v57 =	vperm.xlane v46, v1;
	v56 =	vmul.f32 v54, v50  }
0x460: {  	v44 =	vadd.f32 v55, v44  }
0x461: {  	v51 =	vperm.xlane v45, v2;
	v46 =	vadd.f32 v57, v46;
	v50 =	vperm.xlane v56, v1  }
0x462: {  	v58 =	vperm.xlane v44, v4  }
0x463: {  	v45 =	vadd.f32 v51, v45;
	v48 =	vperm.xlane v46, v2;
	v47 =	vadd.f32 v50, v56  }
0x464: {  	v44 =	vadd.f32 v58, v44  }
0x465: {  	v46 =	vadd.f32 v48, v46;
	v60 =	vperm.xlane v45, v3;
	v59 =	vperm.xlane v47, v2  }
0x466: {  	v32 =	vmul.f32 v35, v32;
	v44 =	vmul.f32 $1.442695020e+00, v44  }
0x467: {  	v61 =	vperm.xlane v46, v3;
	v45 =	vadd.f32 v60, v45;
	v47 =	vadd.f32 v59, v47  }
0x468: {  	(erf) = vpow2.f32 v44  }
0x469: {  	[tilespmem:s6+$0xFFFFFF70] =	vst v32;
	v44 =	vadd.f32 v61, v46;
	v63 =	vperm.xlane v45, v4;
	v62 =	vperm.xlane v47, v3  }
0x46a: {  	v31 =	vmul.f32 v34, v31;
	v32 =	vld [tilespmem:s8+$0xFFFFFF10]  }
0x46b: {  	v54 =	vld [tilespmem:s20+$0xFFFFFDD0];
	v56 =	vperm.xlane v44, v4;
	v45 =	vadd.f32 v63, v45;
	v46 =	vadd.f32 v62, v47  }
0x46c: {  	[tilespmem:s6+$0xFFFFFFD0] =	vst v31  }
0x46d: {  	v31 =	vld [tilespmem:s8+$0xFFFFFF60];
	v44 =	vadd.f32 v56, v44;
	v45 =	vmul.f32 $1.442695020e+00, v45;
	v47 =	vperm.xlane v46, v4  }
0x46e: {  	v30 =	vmul.f32 v33, v30;
	v55 =	vld [tilespmem:s9+$0xFFFFFFF0]  }
0x46f: {  	v57 =	vld [tilespmem:s20+$0xFFFFFE70];
	v44 =	vmul.f32 $1.442695020e+00, v44;
	(erf) = vpow2.f32 v45;
	v46 =	vadd.f32 v47, v46  }
0x470: {  	v32 =	vmul.f32 v54, v32  }
0x471: {  	[tilespmem:s6+$0x30] =	vst v30;
	(erf) = vpow2.f32 v44;
	v46 =	vmul.f32 $1.442695020e+00, v46  }
0x472: {  	v58 =	vld [tilespmem:s8+$0xFFFFFFB0];
	v61 =	vperm.xlane v32, v1;
	v30 =	vpop (erf)  }
0x473: {  	v60 =	vld [tilespmem:s20+$0xFFFFFF10];
	v59 =	vmul.f32 v30, v55;
	(erf) = vpow2.f32 v46  }
0x474: {  	v31 =	vmul.f32 v57, v31;
	v32 =	vadd.f32 v61, v32;
	v62 =	vld [tilespmem:s9+$0xFFFFFE10]  }
0x475: {  	v56 =	vld [tilespmem:s9+$0xFFFFFEB0];
	[tilespmem:s11+$0x90] =	vst v59  }
0x476: {  	v54 =	vperm.xlane v31, v1;
	v55 =	vperm.xlane v32, v2;
	v47 =	vld [tilespmem:s10+$0x0]  }
0x477: {  	v63 =	vld [tilespmem:s9+$0xFFFFFFB0]  }
0x478: {  	v57 =	vadd.f32 v54, v31;
	v32 =	vadd.f32 v55, v32;
	v59 =	vld [tilespmem:s9+$0xFFFFFF50];
	v44 =	vpop (erf)  }
0x479: {  	v45 =	vmul.f32 v60, v58;
	v60 =	vmul.f32 v44, v62  }
0x47a: {  	v61 =	vperm.xlane v57, v2;
	v52 =	vperm.xlane v32, v3;
	v31 =	vpop (erf)  }
0x47b: {  	v58 =	vperm.xlane v45, v1;
	v49 =	vmul.f32 v31, v56;
	[tilespmem:s11+$0xFFFFFF70] =	vst v60  }
0x47c: {  	v62 =	vadd.f32 v61, v57;
	v46 =	vmul.f32 v63, v47;
	v63 =	vadd.f32 v52, v32;
	v52 =	vld [tilespmem:s10+$0xFFFFFF10];
	v32 =	vpop (erf)  }
0x47d: {  	v45 =	vadd.f32 v58, v45;
	[tilespmem:s11+$0xFFFFFFD0] =	vst v49;
	v49 =	vld [tilespmem:s9+$0xFFFFFDD0];
	v48 =	vmul.f32 v32, v59  }
0x47e: {  	v58 =	vperm.xlane v62, v3;
	v53 =	vperm.xlane v46, v1;
	v59 =	vld [tilespmem:s10+$0xFFFFFF60]  }
0x47f: {  	v57 =	vperm.xlane v45, v2;
	v60 =	vld [tilespmem:s9+$0xFFFFFE70];
	[tilespmem:s11+$0x30] =	vst v48  }
0x480: {  	v47 =	vadd.f32 v58, v62;
	v46 =	vadd.f32 v53, v46;
	v62 =	vld [tilespmem:s10+$0xFFFFFFB0]  }
0x481: {  	v12 =	vmul.f32 v12, v19;
	v17 =	vmul.f32 v11, v17;
	v45 =	vadd.f32 v57, v45;
	v56 =	vld [tilespmem:s9+$0xFFFFFF10]  }
0x482: {  	v54 =	vperm.xlane v63, v4;
	v55 =	vperm.xlane v46, v2  }
0x483: {  	v6 =	vsel vm4, v6, v11;
	v61 =	vperm.xlane v45, v3;
	v49 =	vmul.f32 v49, v52  }
0x484: {  	v50 =	vadd.f32 v54, v63;
	v57 =	vperm.xlane v47, v4;
	v63 =	vadd.f32 v55, v46  }
0x485: {  	v5 =	vsel vm4, v5, v9;
	v48 =	vmul.f32 v60, v59;
	v60 =	vperm.xlane v49, v1  }
0x486: {  	v45 =	vadd.f32 v61, v45;
	v58 =	vperm.xlane v63, v3;
	v46 =	vmul.f32 v56, v62  }
0x487: {  	v50 =	vmul.f32 $1.442695020e+00, v50;
	v47 =	vadd.f32 v57, v47;
	v61 =	vperm.xlane v48, v1  }
0x488: {  	v49 =	vadd.f32 v60, v49;
	v19 =	vadd.f32 v58, v63;
	v63 =	vperm.xlane v46, v1  }
0x489: {  	v7 =	vsel vm4, v7, v10;
	(erf) = vpow2.f32 v50;
	v48 =	vadd.f32 v61, v48  }
0x48a: {  	v47 =	vmul.f32 $1.442695020e+00, v47;
	v50 =	vperm.xlane v49, v2;
	v52 =	vadd.f32 v63, v46  }
0x48b: {  	[tilespmem:s0+$0xB0] =	vst v7;
	v7 =	vsel vm4, v8, v43;
	v59 =	vperm.xlane v45, v4;
	v53 =	vperm.xlane v48, v2  }
0x48c: {  	(erf) = vpow2.f32 v47;
	v47 =	vadd.f32 v50, v49;
	v57 =	vperm.xlane v52, v2  }
0x48d: {  	[tilespmem:s0+$0xFFFFFF90] =	vst v7;
	v7 =	vmul.f32 v42, v22;
	v45 =	vadd.f32 v59, v45;
	v56 =	vadd.f32 v53, v48  }
0x48e: {  	[tilespmem:s1+$0xFFFFFFF0] =	vst v6;
	v54 =	vld [tilespmem:s20+$0x0];
	v62 =	vperm.xlane v19, v4;
	v58 =	vperm.xlane v47, v3;
	v6 =	vadd.f32 v57, v52  }
0x48f: {  	v14 =	vsel vm3, v14, v29;
	v45 =	vmul.f32 $1.442695020e+00, v45;
	v59 =	vperm.xlane v56, v3  }
0x490: {  	[tilespmem:s1+$0x50] =	vst v5;
	v19 =	vadd.f32 v62, v19;
	v60 =	vadd.f32 v58, v47;
	v62 =	vperm.xlane v6, v3  }
0x491: {  	[tilespmem:s0+$0xFFFFFFE0] =	vst v7;
	v7 =	vsel vm4, v15, v42;
	(erf) = vpow2.f32 v45;
	v61 =	vadd.f32 v59, v56  }
0x492: {  	[tilespmem:s1+$0xFFFFFF80] =	vst v12;
	v19 =	vmul.f32 $1.442695020e+00, v19;
	v63 =	vperm.xlane v60, v4;
	v6 =	vadd.f32 v62, v6  }
0x493: {  	[tilespmem:s1+$0xFFFFFFE0] =	vst v17;
	v14 =	vsel vm4, v14, v41;
	v5 =	vmul.f32 v41, v54;
	v17 =	vperm.xlane v61, v4  }
0x494: {  	[tilespmem:s0+$0xFFFFFFF0] =	vst v7;
	v48 =	vld [tilespmem:s20+$0xFFFFFE20];
	(erf) = vpow2.f32 v19;
	v8 =	vadd.f32 v63, v60;
	v47 =	vperm.xlane v6, v4  }
0x495: {  	v51 =	vld [tilespmem:s20+$0xFFFFFEC0];
	v55 =	vmul.f32 v9, v18;
	[tilespmem:s6+$0xA0] =	vst v5;
	v5 =	vmul.f32 v43, v23;
	v46 =	vadd.f32 v17, v61  }
0x496: {  	[tilespmem:s6+$0xB0] =	vst v14;
	v8 =	vmul.f32 $1.442695020e+00, v8;
	v6 =	vadd.f32 v47, v6  }
0x497: {  	[tilespmem:s1+$0x40] =	vst v55;
	v49 =	vmul.f32 v40, v27;
	v53 =	vld [tilespmem:s20+$0xFFFFFF60];
	v9 =	vmul.f32 $1.442695020e+00, v46  }
0x498: {  	[tilespmem:s0+$0xFFFFFF80] =	vst v5;
	v45 =	vpop (erf);
	(erf) = vpow2.f32 v8;
	v6 =	vmul.f32 $1.442695020e+00, v6  }
0x499: {  	v43 =	vld [tilespmem:s9+$0x0];
	[tilespmem:s0+$0x40] =	vst v49;
	v5 =	vpop (erf);
	v52 =	vsel vm4, v16, v40;
	v55 =	vmul.f32 v45, v48;
	(erf) = vpow2.f32 v9  }
0x49a: {  	[tilespmem:s0+$0x50] =	vst v52;
	v50 =	vpop (erf);
	(erf) = vpow2.f32 v6;
	v6 =	vmul.f32 v5, v51  }
0x49b: {  	v54 =	vsel vm3, v21, v35;
	[tilespmem:s6+$0xFFFFFF80] =	vst v55  }
0x49c: {  	v59 =	vsel vm2, v26, v37;
	v9 =	vsel vm4, v54, v45;
	[tilespmem:s6+$0xFFFFFFE0] =	vst v6;
	v6 =	vmul.f32 v50, v53  }
0x49d: {  	v57 =	vld [tilespmem:s9+$0xFFFFFE20];
	v56 =	vsel vm3, v25, v34;
	v60 =	vsel vm3, v28, v33;
	v8 =	vsel vm3, v59, v30;
	v7 =	vpop (erf);
	[tilespmem:s6+$0xFFFFFF90] =	vst v9  }
0x49e: {  	v58 =	vld [tilespmem:s9+$0xFFFFFEC0];
	v12 =	vmul.f32 v7, v43;
	v7 =	vsel vm4, v8, v7;
	[tilespmem:s6+$0x40] =	vst v6;
	v6 =	vsel vm4, v60, v50  }
0x49f: {  	v5 =	vsel vm4, v56, v5;
	[tilespmem:s11+$0xB0] =	vst v7  }
0x4a0: {  	v61 =	vld [tilespmem:s9+$0xFFFFFF60];
	[tilespmem:s6+$0xFFFFFFF0] =	vst v5;
	v5 =	vsel vm2, v24, v39  }
0x4a1: {  	v5 =	vsel vm3, v5, v44;
	[tilespmem:s6+$0x50] =	vst v6;
	v6 =	vpop (erf)  }
0x4a2: {  	[tilespmem:s11+$0xA0] =	vst v12;
	v7 =	vpop (erf);
	v5 =	vsel vm4, v5, v6;
	v6 =	vmul.f32 v6, v57  }
0x4a3: {  	v62 =	vsel vm2, v20, v38;
	[tilespmem:s11+$0xFFFFFF90] =	vst v5;
	v5 =	vmul.f32 v7, v58  }
0x4a4: {  	v8 =	vsel vm3, v62, v31;
	v63 =	vpop (erf);
	[tilespmem:s11+$0xFFFFFF80] =	vst v6  }
0x4a5: {  	v6 =	vsel vm2, v13, v36;
	[tilespmem:s11+$0xFFFFFFE0] =	vst v5;
	v5 =	vsel vm4, v8, v7;
	v7 =	vmul.f32 v63, v61  }
0x4a6: {  	s30 =	sadd.s32 $0x1, s30;
	v6 =	vsel vm3, v6, v32;
	[tilespmem:s11+$0xFFFFFFF0] =	vst v5  }
0x4a7: {  	p0 =	sne.s32 s30, $0x3E;
	v5 =	vsel vm4, v6, v63;
	[tilespmem:s11+$0x40] =	vst v7  }
.Ltmp3:
0x4a8: {  	[tilespmem:s11+$0x50] =	vst v5;
	(pc) =	sbr.rel @p0 .LBB2_4-.Ltmp3, $4  }
0x4a9: {  	[spmem:s2] =	stream.indirect.scatter.add.f32 [tilespmem:s18], [sflag:$0x3], $0x60, s31, s21, $0xb8;
	[tilespmem:$0x1EF20] =	vst v63  }
0x4aa: {  	_ =	swait.ge [sflag:s19], $0x1E00  }
0x4ab: {  	[sflag:s19] =	ssyncset.done $0x0  }
0x4ac: {  	[sflag:s19] =	ssyncadd.s32 $0xFFFFE200  }
0x4ad: {  	_ =	swait.ge [sflag:s26], $0x1900  }
0x4ae: {  	[sflag:s26] =	ssyncset.done $0x0  }
0x4af: {  	[sflag:s26] =	ssyncadd.s32 $0xFFFFE700  }
0x4b0: {  	_ =	swait.ge [sflag:s28], $0x3200  }
0x4b1: {  	[sflag:s28] =	ssyncset.done $0x0  }
0x4b2: {  	s10 =	simm.s32 $0x4EC0;
	[sflag:s28] =	ssyncadd.s32 $0xFFFFCE00  }
0x4b3: {  	s9 =	simm.s32 $0x8160;
	v5 =	vld [tilespmem:s10+$0x50]  }
0x4b4: {  	v6 =	vld [tilespmem:s9+$0xA0];
	_ =	sdelay $0x4  }
0x4b5: {  	v5 =	vmul.f32 v6, v5;
	_ =	sdelay $0x1  }
0x4b6: {  	v6 =	vperm.xlane v5, v1;
	_ =	sdelay $0x1  }
0x4b7: {  	v5 =	vadd.f32 v6, v5;
	_ =	sdelay $0x1  }
0x4b8: {  	v6 =	vperm.xlane v5, v2;
	_ =	sdelay $0x1  }
0x4b9: {  	v5 =	vadd.f32 v6, v5;
	_ =	sdelay $0x1  }
0x4ba: {  	v6 =	vperm.xlane v5, v3;
	_ =	sdelay $0x1  }
0x4bb: {  	v5 =	vadd.f32 v6, v5  }
0x4bc: {  	v8 =	vld [tilespmem:s10+$0xFFFFFFB0]  }
0x4bd: {  	v9 =	vld [tilespmem:s9+$0xFFFFFF60];
	v7 =	vperm.xlane v5, v4  }
0x4be: {  	v6 =	vld [tilespmem:s9+$0xFFFFFEC0]  }
0x4bf: {  	v5 =	vadd.f32 v7, v5;
	v7 =	vld [tilespmem:s10+$0xFFFFFF60]  }
0x4c0: {  	v10 =	vld [tilespmem:s10+$0x0]  }
0x4c1: {  	v11 =	vld [tilespmem:s9+$0x0];
	v5 =	vmul.f32 $1.442695020e+00, v5;
	_ =	sdelay $0x1  }
0x4c2: {  	(erf) = vpow2.f32 v5;
	v5 =	vmul.f32 v9, v8  }
0x4c3: {  	v6 =	vmul.f32 v6, v7  }
0x4c4: {  	v7 =	vperm.xlane v5, v1  }
0x4c5: {  	v8 =	vmul.f32 v11, v10;
	v9 =	vperm.xlane v6, v1  }
0x4c6: {  	v5 =	vadd.f32 v7, v5  }
0x4c7: {  	v10 =	vperm.xlane v8, v1;
	v7 =	vld [tilespmem:s9+$0xF0];
	v6 =	vadd.f32 v9, v6  }
0x4c8: {  	v9 =	vperm.xlane v5, v2  }
0x4c9: {  	v8 =	vadd.f32 v10, v8;
	v10 =	vperm.xlane v6, v2  }
0x4ca: {  	v9 =	vadd.f32 v9, v5  }
0x4cb: {  	v11 =	vperm.xlane v8, v2;
	v5 =	vpop (erf);
	v6 =	vadd.f32 v10, v6  }
0x4cc: {  	v7 =	vmul.f32 v5, v7;
	v10 =	vperm.xlane v9, v3  }
0x4cd: {  	s1 =	simm.s32 $0xE4E0;
	v8 =	vadd.f32 v11, v8;
	v11 =	vperm.xlane v6, v3  }
0x4ce: {  	[tilespmem:s1+$0x60] =	vst v7;
	v7 =	vadd.f32 v10, v9  }
0x4cf: {  	v10 =	vperm.xlane v8, v3;
	v9 =	vld [tilespmem:s10+$0x60];
	v6 =	vadd.f32 v11, v6  }
0x4d0: {  	v11 =	vld [tilespmem:s9+$0xB0];
	v12 =	vperm.xlane v7, v4  }
0x4d1: {  	v8 =	vadd.f32 v10, v8;
	v10 =	vperm.xlane v6, v4  }
0x4d2: {  	v7 =	vadd.f32 v12, v7  }
0x4d3: {  	v6 =	vadd.f32 v10, v6  }
0x4d4: {  	v12 =	vperm.xlane v8, v4;
	v7 =	vmul.f32 $1.442695020e+00, v7  }
0x4d5: {  	v9 =	vmul.f32 v11, v9;
	v6 =	vmul.f32 $1.442695020e+00, v6  }
0x4d6: {  	(erf) = vpow2.f32 v7  }
0x4d7: {  	v8 =	vadd.f32 v12, v8;
	v7 =	vperm.xlane v9, v1;
	(erf) = vpow2.f32 v6;
	_ =	sdelay $0x1  }
0x4d8: {  	v6 =	vmul.f32 $1.442695020e+00, v8;
	v7 =	vadd.f32 v7, v9;
	_ =	sdelay $0x1  }
0x4d9: {  	v9 =	vld [tilespmem:s9+$0xFFFFFFB0];
	(erf) = vpow2.f32 v6;
	v6 =	vperm.xlane v7, v2  }
0x4da: {  	v10 =	vld [tilespmem:s9+$0xFFFFFF10]  }
0x4db: {  	v6 =	vadd.f32 v6, v7;
	_ =	sdelay $0x1  }
0x4dc: {  	v11 =	vperm.xlane v6, v3;
	v8 =	vpop (erf)  }
0x4dd: {  	v12 =	vld [tilespmem:s9+$0x50];
	v9 =	vmul.f32 v8, v9;
	v7 =	vpop (erf)  }
0x4de: {  	v11 =	vadd.f32 v11, v6;
	v10 =	vmul.f32 v7, v10  }
0x4df: {  	[tilespmem:s1+$0xFFFFFFA0] =	vst v9  }
0x4e0: {  	v9 =	vperm.xlane v11, v4;
	[tilespmem:s1+$0xFFFFFF40] =	vst v10  }
0x4e1: {  	v6 =	vpop (erf);
	v13 =	vld [tilespmem:s10+$0xFFFFFF70]  }
0x4e2: {  	v12 =	vmul.f32 v6, v12;
	v9 =	vadd.f32 v9, v11;
	v11 =	vld [tilespmem:s9+$0xFFFFFED0]  }
0x4e3: {  	v10 =	vld [tilespmem:s10+$0xFFFFFFC0]  }
0x4e4: {  	[tilespmem:s1+$0x0] =	vst v12;
	v12 =	vld [tilespmem:s9+$0xFFFFFF70];
	v9 =	vmul.f32 $1.442695020e+00, v9;
	_ =	sdelay $0x1  }
0x4e5: {  	v14 =	vld [tilespmem:s10+$0x10];
	(erf) = vpow2.f32 v9  }
0x4e6: {  	v15 =	vld [tilespmem:s9+$0x10];
	v9 =	vmul.f32 v11, v13;
	_ =	sdelay $0x1  }
0x4e7: {  	v10 =	vmul.f32 v12, v10;
	v11 =	vperm.xlane v9, v1;
	_ =	sdelay $0x1  }
0x4e8: {  	v13 =	vld [tilespmem:s9+$0x100];
	v11 =	vadd.f32 v11, v9;
	v9 =	vperm.xlane v10, v1  }
0x4e9: {  	v12 =	vmul.f32 v15, v14;
	_ =	sdelay $0x1  }
0x4ea: {  	v14 =	vperm.xlane v12, v1  }
0x4eb: {  	v15 =	vperm.xlane v11, v2;
	v10 =	vadd.f32 v9, v10;
	v9 =	vpop (erf)  }
0x4ec: {  	v12 =	vadd.f32 v14, v12;
	v13 =	vmul.f32 v9, v13  }
0x4ed: {  	v11 =	vadd.f32 v15, v11;
	v14 =	vperm.xlane v10, v2  }
0x4ee: {  	v15 =	vperm.xlane v12, v2;
	[tilespmem:s1+$0x70] =	vst v13  }
0x4ef: {  	v16 =	vperm.xlane v11, v3;
	v10 =	vadd.f32 v14, v10;
	v13 =	vld [tilespmem:s10+$0x70]  }
0x4f0: {  	v12 =	vadd.f32 v15, v12;
	v15 =	vld [tilespmem:s9+$0xC0]  }
0x4f1: {  	v11 =	vadd.f32 v16, v11;
	v14 =	vperm.xlane v10, v3  }
0x4f2: {  	v16 =	vperm.xlane v12, v3  }
0x4f3: {  	v17 =	vperm.xlane v11, v4;
	v10 =	vadd.f32 v14, v10  }
0x4f4: {  	v12 =	vadd.f32 v16, v12  }
0x4f5: {  	v11 =	vadd.f32 v17, v11;
	v14 =	vperm.xlane v10, v4;
	v13 =	vmul.f32 v15, v13  }
0x4f6: {  	v15 =	vperm.xlane v12, v4  }
0x4f7: {  	s14 =	simm.s32 $0x5000;
	v11 =	vmul.f32 $1.442695020e+00, v11;
	v10 =	vadd.f32 v14, v10;
	v14 =	vperm.xlane v13, v1  }
0x4f8: {  	s12 =	simm.s32 $0x83E0;
	v16 =	vld [tilespmem:s14+$0x50];
	v12 =	vadd.f32 v15, v12  }
0x4f9: {  	v10 =	vmul.f32 $1.442695020e+00, v10;
	(erf) = vpow2.f32 v11;
	v11 =	vld [tilespmem:s12+$0xA0];
	v13 =	vadd.f32 v14, v13  }
0x4fa: {  	v18 =	vld [tilespmem:s12+$0xFFFFFF60];
	v12 =	vmul.f32 $1.442695020e+00, v12  }
0x4fb: {  	v17 =	vld [tilespmem:s14+$0xFFFFFFB0];
	(erf) = vpow2.f32 v10;
	v15 =	vperm.xlane v13, v2  }
0x4fc: {  	v14 =	vld [tilespmem:s9+$0xFFFFFF20]  }
0x4fd: {  	(erf) = vpow2.f32 v12;
	v13 =	vadd.f32 v15, v13;
	v15 =	vld [tilespmem:s12+$0xFFFFFEC0]  }
0x4fe: {  	v11 =	vmul.f32 v11, v16;
	v16 =	vld [tilespmem:s14+$0xFFFFFF60];
	_ =	sdelay $0x1  }
0x4ff: {  	v10 =	vld [tilespmem:s9+$0xFFFFFFC0];
	v19 =	vperm.xlane v13, v3;
	v20 =	vperm.xlane v11, v1;
	_ =	sdelay $0x1  }
0x500: {  	v21 =	vld [tilespmem:s9+$0x60];
	v17 =	vmul.f32 v18, v17;
	v12 =	vpop (erf);
	v13 =	vadd.f32 v19, v13;
	v19 =	vadd.f32 v20, v11  }
0x501: {  	v18 =	vld [tilespmem:s12+$0x0];
	v14 =	vmul.f32 v12, v14;
	v15 =	vmul.f32 v15, v16  }
0x502: {  	v20 =	vld [tilespmem:s14+$0x0];
	v11 =	vpop (erf);
	v22 =	vperm.xlane v13, v4;
	v23 =	vperm.xlane v19, v2  }
0x503: {  	v24 =	vmul.f32 v11, v10;
	[tilespmem:s1+$0xFFFFFF50] =	vst v14;
	v14 =	vperm.xlane v17, v1  }
0x504: {  	v10 =	vpop (erf);
	v13 =	vadd.f32 v22, v13;
	v16 =	vadd.f32 v23, v19;
	v19 =	vld [tilespmem:s10+$0xFFFFFF80];
	v22 =	vperm.xlane v15, v1  }
0x505: {  	v21 =	vmul.f32 v10, v21;
	v23 =	vld [tilespmem:s9+$0xFFFFFEE0];
	[tilespmem:s1+$0xFFFFFFB0] =	vst v24;
	v14 =	vadd.f32 v14, v17  }
0x506: {  	v13 =	vmul.f32 $1.442695020e+00, v13;
	v17 =	vperm.xlane v16, v3;
	v24 =	vld [tilespmem:s10+$0xFFFFFFD0];
	v15 =	vadd.f32 v22, v15  }
0x507: {  	v18 =	vmul.f32 v18, v20;
	[tilespmem:s1+$0x10] =	vst v21;
	v20 =	vld [tilespmem:s9+$0xFFFFFF80];
	v21 =	vperm.xlane v14, v2  }
0x508: {  	v25 =	vld [tilespmem:s9+$0x20];
	(erf) = vpow2.f32 v13;
	v13 =	vadd.f32 v17, v16;
	v17 =	vperm.xlane v15, v2  }
0x509: {  	v22 =	vperm.xlane v18, v1;
	v16 =	vld [tilespmem:s10+$0x20];
	v14 =	vadd.f32 v21, v14  }
0x50a: {  	v19 =	vmul.f32 v23, v19;
	v21 =	vperm.xlane v13, v4;
	v15 =	vadd.f32 v17, v15  }
0x50b: {  	v17 =	vadd.f32 v22, v18;
	v18 =	vperm.xlane v14, v3  }
0x50c: {  	v13 =	vadd.f32 v21, v13;
	v21 =	vperm.xlane v19, v1;
	v22 =	vperm.xlane v15, v3  }
0x50d: {  	v23 =	vld [tilespmem:s9+$0x110];
	v26 =	vperm.xlane v17, v2;
	v14 =	vadd.f32 v18, v14;
	v18 =	vmul.f32 v20, v24  }
0x50e: {  	v16 =	vmul.f32 v25, v16;
	v13 =	vmul.f32 $1.442695020e+00, v13  }
0x50f: {  	v20 =	vadd.f32 v22, v15;
	v17 =	vadd.f32 v26, v17;
	v22 =	vperm.xlane v14, v4  }
0x510: {  	(erf) = vpow2.f32 v13;
	v13 =	vadd.f32 v21, v19;
	v19 =	vperm.xlane v18, v1  }
0x511: {  	v21 =	vperm.xlane v20, v4;
	v24 =	vperm.xlane v17, v3;
	v15 =	vpop (erf);
	v14 =	vadd.f32 v22, v14  }
0x512: {  	v22 =	vmul.f32 v15, v23;
	v23 =	vperm.xlane v13, v2;
	v18 =	vadd.f32 v19, v18  }
0x513: {  	v19 =	vadd.f32 v21, v20;
	v20 =	vperm.xlane v16, v1;
	v17 =	vadd.f32 v24, v17  }
0x514: {  	v21 =	vld [tilespmem:s12+$0xF0];
	v14 =	vmul.f32 $1.442695020e+00, v14;
	[tilespmem:s1+$0x80] =	vst v22;
	v13 =	vadd.f32 v23, v13  }
0x515: {  	v19 =	vmul.f32 $1.442695020e+00, v19;
	v20 =	vadd.f32 v20, v16;
	v16 =	vperm.xlane v17, v4;
	v23 =	vld [tilespmem:s10+$0x80]  }
0x516: {  	v22 =	vperm.xlane v18, v2;
	(erf) = vpow2.f32 v14;
	v14 =	vld [tilespmem:s9+$0xD0]  }
0x517: {  	v24 =	vperm.xlane v13, v3;
	(erf) = vpow2.f32 v19  }
0x518: {  	v18 =	vadd.f32 v22, v18;
	v19 =	vperm.xlane v20, v2  }
0x519: {  	v17 =	vadd.f32 v16, v17;
	v13 =	vadd.f32 v24, v13;
	v16 =	vpop (erf)  }
0x51a: {  	v22 =	vperm.xlane v18, v3;
	v19 =	vadd.f32 v19, v20;
	v20 =	vmul.f32 v16, v21  }
0x51b: {  	s0 =	simm.s32 $0xE660;
	v17 =	vmul.f32 $1.442695020e+00, v17;
	v14 =	vmul.f32 v14, v23  }
0x51c: {  	v21 =	vperm.xlane v13, v4;
	v23 =	vld [tilespmem:s12+$0xFFFFFF10];
	v18 =	vadd.f32 v22, v18;
	v22 =	vperm.xlane v19, v3;
	[tilespmem:s0+$0x60] =	vst v20  }
0x51d: {  	(erf) = vpow2.f32 v17;
	v20 =	vperm.xlane v14, v1;
	v24 =	vld [tilespmem:s14+$0x60]  }
0x51e: {  	v13 =	vadd.f32 v21, v13;
	v21 =	vperm.xlane v18, v4;
	v19 =	vadd.f32 v22, v19;
	v22 =	vld [tilespmem:s12+$0xB0]  }
0x51f: {  	v25 =	vld [tilespmem:s12+$0xFFFFFFB0];
	v17 =	vpop (erf);
	v14 =	vadd.f32 v20, v14  }
0x520: {  	v13 =	vmul.f32 $1.442695020e+00, v13;
	v20 =	vadd.f32 v21, v18;
	v21 =	vperm.xlane v19, v4;
	v18 =	vpop (erf)  }
0x521: {  	v23 =	vmul.f32 v18, v23;
	v27 =	vperm.xlane v14, v2  }
0x522: {  	v26 =	vld [tilespmem:s12+$0x50];
	(erf) = vpow2.f32 v13;
	v13 =	vmul.f32 $1.442695020e+00, v20  }
0x523: {  	[tilespmem:s0+$0xFFFFFF40] =	vst v23;
	v14 =	vadd.f32 v27, v14;
	v20 =	vmul.f32 v22, v24  }
0x524: {  	v21 =	vadd.f32 v21, v19;
	(erf) = vpow2.f32 v13;
	v13 =	vmul.f32 v17, v25;
	v22 =	vld [tilespmem:s14+$0xFFFFFF70]  }
0x525: {  	v23 =	vld [tilespmem:s12+$0xFFFFFED0];
	v24 =	vperm.xlane v14, v3;
	v25 =	vperm.xlane v20, v1  }
0x526: {  	v28 =	vld [tilespmem:s9+$0xFFFFFF30];
	v21 =	vmul.f32 $1.442695020e+00, v21;
	v19 =	vpop (erf)  }
0x527: {  	v27 =	vld [tilespmem:s9+$0xFFFFFFD0];
	[tilespmem:s0+$0xFFFFFFA0] =	vst v13;
	v13 =	vmul.f32 v19, v26;
	v14 =	vadd.f32 v24, v14;
	v24 =	vadd.f32 v25, v20  }
0x528: {  	(erf) = vpow2.f32 v21;
	v26 =	vld [tilespmem:s14+$0xFFFFFFC0]  }
0x529: {  	[tilespmem:s0+$0x0] =	vst v13;
	v13 =	vld [tilespmem:s12+$0xFFFFFF70];
	v21 =	vperm.xlane v14, v4;
	v29 =	vperm.xlane v24, v2  }
0x52a: {  	v25 =	vld [tilespmem:s14+$0x10];
	v22 =	vmul.f32 v23, v22  }
0x52b: {  	v30 =	vld [tilespmem:s12+$0x10];
	v20 =	vpop (erf);
	v14 =	vadd.f32 v21, v14;
	v23 =	vadd.f32 v29, v24  }
0x52c: {  	v24 =	vmul.f32 v20, v28;
	v28 =	vperm.xlane v22, v1  }
0x52d: {  	v14 =	vmul.f32 $1.442695020e+00, v14;
	v29 =	vperm.xlane v23, v3  }
0x52e: {  	v26 =	vmul.f32 v13, v26;
	v21 =	vpop (erf);
	v22 =	vadd.f32 v28, v22  }
0x52f: {  	v31 =	vld [tilespmem:s9+$0x70];
	[tilespmem:s1+$0xFFFFFF60] =	vst v24;
	v24 =	vmul.f32 v21, v27;
	(erf) = vpow2.f32 v14;
	v14 =	vadd.f32 v29, v23  }
0x530: {  	v25 =	vmul.f32 v30, v25;
	v27 =	vld [tilespmem:s10+$0xFFFFFF90];
	v28 =	vperm.xlane v22, v2  }
0x531: {  	v23 =	vld [tilespmem:s9+$0xFFFFFEF0];
	[tilespmem:s1+$0xFFFFFFC0] =	vst v24;
	v24 =	vperm.xlane v26, v1;
	v32 =	vperm.xlane v14, v4  }
0x532: {  	v30 =	vperm.xlane v25, v1;
	v29 =	vld [tilespmem:s10+$0xFFFFFFE0];
	v22 =	vadd.f32 v28, v22  }
0x533: {  	v13 =	vpop (erf);
	v33 =	vld [tilespmem:s9+$0xFFFFFF90];
	v24 =	vadd.f32 v24, v26;
	v14 =	vadd.f32 v32, v14  }
0x534: {  	v25 =	vadd.f32 v30, v25;
	v26 =	vmul.f32 v13, v31;
	v30 =	vperm.xlane v22, v3  }
0x535: {  	v31 =	vld [tilespmem:s9+$0x120];
	v28 =	vperm.xlane v24, v2;
	v14 =	vmul.f32 $1.442695020e+00, v14  }
0x536: {  	[tilespmem:s1+$0x20] =	vst v26;
	v26 =	vperm.xlane v25, v2  }
0x537: {  	v23 =	vmul.f32 v23, v27;
	v63 =	vld [tilespmem:s10+$0x30];
	v22 =	vadd.f32 v30, v22;
	v24 =	vadd.f32 v28, v24  }
0x538: {  	v27 =	vld [tilespmem:s9+$0x30];
	v25 =	vadd.f32 v26, v25;
	v26 =	vmul.f32 v33, v29;
	(erf) = vpow2.f32 v14  }
0x539: {  	v36 =	vperm.xlane v23, v1;
	v29 =	vperm.xlane v22, v4;
	v14 =	vpop (erf)  }
0x53a: {  	v28 =	vperm.xlane v24, v3;
	v31 =	vmul.f32 v14, v31  }
0x53b: {  	v30 =	vperm.xlane v25, v3;
	v22 =	vadd.f32 v29, v22  }
0x53c: {  	v23 =	vadd.f32 v36, v23;
	v29 =	vld [tilespmem:s12+$0x100];
	v24 =	vadd.f32 v28, v24;
	v28 =	vperm.xlane v26, v1;
	[tilespmem:s1+$0x90] =	vst v31  }
0x53d: {  	v25 =	vadd.f32 v30, v25;
	v27 =	vmul.f32 v27, v63;
	v22 =	vmul.f32 $1.442695020e+00, v22;
	v30 =	vld [tilespmem:s10+$0x90]  }
0x53e: {  	v33 =	vperm.xlane v23, v2;
	v31 =	vperm.xlane v24, v4;
	v26 =	vadd.f32 v28, v26;
	v28 =	vld [tilespmem:s9+$0xE0]  }
0x53f: {  	v37 =	vperm.xlane v25, v4;
	(erf) = vpow2.f32 v22  }
0x540: {  	v5 =	vnsel vm0, $0x0, v5;
	v22 =	vadd.f32 v31, v24;
	v24 =	vperm.xlane v26, v2  }
0x541: {  	v23 =	vadd.f32 v33, v23;
	v31 =	vperm.xlane v27, v1;
	v25 =	vadd.f32 v37, v25;
	v38 =	vpop (erf)  }
0x542: {  	v22 =	vmul.f32 $1.442695020e+00, v22;
	v24 =	vadd.f32 v24, v26;
	v26 =	vmul.f32 v38, v29  }
0x543: {  	v27 =	vadd.f32 v31, v27;
	v25 =	vmul.f32 $1.442695020e+00, v25;
	v28 =	vmul.f32 v28, v30  }
0x544: {  	v7 =	vnsel vm0, $0x0, v7;
	v29 =	vld [tilespmem:s12+$0xFFFFFF20];
	v30 =	vperm.xlane v23, v3;
	v31 =	vperm.xlane v24, v3;
	[tilespmem:s0+$0x70] =	vst v26  }
0x545: {  	v9 =	vsel vm1, v5, v9;
	v5 =	vperm.xlane v27, v2;
	v26 =	vperm.xlane v28, v1;
	v39 =	vld [tilespmem:s14+$0x70]  }
0x546: {  	(erf) = vpow2.f32 v22;
	v22 =	vadd.f32 v30, v23;
	v23 =	vadd.f32 v31, v24;
	v24 =	vld [tilespmem:s12+$0xC0]  }
0x547: {  	v8 =	vnsel vm0, $0x0, v8;
	v7 =	vsel vm1, v7, v12;
	v12 =	vadd.f32 v26, v28  }
0x548: {  	(erf) = vpow2.f32 v25;
	v25 =	vadd.f32 v5, v27;
	v5 =	vperm.xlane v22, v4;
	v27 =	vpop (erf)  }
0x549: {  	s8 =	simm.s32 $0x5140;
	v6 =	vnsel vm0, $0x0, v6;
	v28 =	vmul.f32 v27, v29;
	v29 =	vperm.xlane v12, v2  }
0x54a: {  	v40 =	vld [tilespmem:s8+$0xFFFFFFB0];
	v8 =	vsel vm1, v8, v11;
	v31 =	vperm.xlane v25, v3;
	v22 =	vadd.f32 v5, v22  }
0x54b: {  	v11 =	vld [tilespmem:s12+$0xFFFFFFC0];
	v5 =	vsel vm1, v6, v10;
	[tilespmem:s0+$0xFFFFFF50] =	vst v28;
	v10 =	vadd.f32 v29, v12;
	v12 =	vmul.f32 v24, v39  }
0x54c: {  	v26 =	vperm.xlane v23, v4;
	v24 =	vadd.f32 v31, v25;
	v22 =	vmul.f32 $1.442695020e+00, v22;
	v25 =	vld [tilespmem:s14+$0xFFFFFF80]  }
0x54d: {  	v6 =	vsel vm2, v9, v15;
	v9 =	vld [tilespmem:s12+$0xFFFFFEE0];
	v15 =	vperm.xlane v10, v3;
	v28 =	vperm.xlane v12, v1  }
0x54e: {  	s20 =	simm.s32 $0x8660;
	v23 =	vadd.f32 v26, v23;
	(erf) = vpow2.f32 v22;
	v22 =	vld [tilespmem:s8+$0x50]  }
0x54f: {  	v31 =	vpop (erf);
	v29 =	vperm.xlane v24, v4;
	v10 =	vadd.f32 v15, v10;
	v15 =	vld [tilespmem:s20+$0xA0];
	v12 =	vadd.f32 v28, v12  }
0x550: {  	v35 =	vld [tilespmem:s20+$0xFFFFFEC0];
	v23 =	vmul.f32 $1.442695020e+00, v23;
	v11 =	vmul.f32 v31, v11  }
0x551: {  	v30 =	vld [tilespmem:s12+$0x60];
	v24 =	vadd.f32 v29, v24;
	v29 =	vperm.xlane v10, v4;
	v34 =	vperm.xlane v12, v2  }
0x552: {  	v18 =	vnsel vm0, $0x0, v18;
	(erf) = vpow2.f32 v23;
	v9 =	vmul.f32 v9, v25;
	v25 =	vld [tilespmem:s20+$0xFFFFFF60]  }
0x553: {  	v26 =	vld [tilespmem:s9+$0xFFFFFF40];
	v24 =	vmul.f32 $1.442695020e+00, v24;
	v29 =	vadd.f32 v29, v10;
	v12 =	vadd.f32 v34, v12  }
0x554: {  	v10 =	vsel vm2, v7, v20;
	v7 =	vld [tilespmem:s8+$0x0];
	v20 =	vperm.xlane v9, v1;
	v22 =	vmul.f32 v15, v22  }
0x555: {  	v15 =	vsel vm2, v8, v21;
	v21 =	vld [tilespmem:s8+$0xFFFFFF60];
	v8 =	vmul.f32 $1.442695020e+00, v29;
	v29 =	vperm.xlane v12, v3  }
0x556: {  	v28 =	vpop (erf);
	(erf) = vpow2.f32 v24;
	v24 =	vld [tilespmem:s20+$0x0];
	v9 =	vadd.f32 v20, v9;
	v20 =	vperm.xlane v22, v1  }
0x557: {  	(erf) = vpow2.f32 v8;
	v8 =	vmul.f32 v25, v40;
	v25 =	vadd.f32 v29, v12  }
0x558: {  	v23 =	vld [tilespmem:s9+$0xFFFFFFE0];
	[tilespmem:s0+$0xFFFFFFB0] =	vst v11;
	v30 =	vmul.f32 v28, v30;
	v41 =	vpop (erf);
	v11 =	vperm.xlane v9, v2;
	v12 =	vsel vm1, v18, v27  }
0x559: {  	v18 =	vld [tilespmem:s12+$0xFFFFFF80];
	v20 =	vadd.f32 v20, v22;
	v22 =	vmul.f32 v41, v26;
	v42 =	vperm.xlane v25, v4  }
0x55a: {  	[tilespmem:s0+$0x10] =	vst v30;
	v26 =	vld [tilespmem:s14+$0xFFFFFFD0];
	v21 =	vmul.f32 v35, v21;
	v30 =	vperm.xlane v8, v1  }
0x55b: {  	v7 =	vmul.f32 v24, v7;
	v9 =	vadd.f32 v11, v9;
	v27 =	vperm.xlane v20, v2  }
0x55c: {  	v24 =	vld [tilespmem:s14+$0x20];
	v29 =	vpop (erf);
	v25 =	vadd.f32 v42, v25;
	v11 =	vperm.xlane v21, v1;
	v8 =	vadd.f32 v30, v8  }
0x55d: {  	v23 =	vmul.f32 v29, v23;
	v43 =	vperm.xlane v7, v1;
	v20 =	vadd.f32 v27, v20;
	v27 =	vld [tilespmem:s12+$0x20]  }
0x55e: {  	v25 =	vmul.f32 $1.442695020e+00, v25;
	v11 =	vadd.f32 v11, v21;
	v44 =	vperm.xlane v8, v2  }
0x55f: {  	v17 =	vnsel vm0, $0x0, v17;
	v18 =	vmul.f32 v18, v26;
	v21 =	vperm.xlane v20, v3  }
0x560: {  	v7 =	vadd.f32 v43, v7;
	(erf) = vpow2.f32 v25;
	v25 =	vperm.xlane v11, v2  }
0x561: {  	v8 =	vadd.f32 v44, v8;
	v26 =	vperm.xlane v18, v1;
	v20 =	vadd.f32 v21, v20  }
0x562: {  	v21 =	vperm.xlane v7, v2;
	v24 =	vmul.f32 v27, v24;
	v11 =	vadd.f32 v25, v11  }
0x563: {  	v19 =	vnsel vm0, $0x0, v19;
	v27 =	vperm.xlane v8, v3;
	v25 =	vperm.xlane v20, v4  }
0x564: {  	v18 =	vadd.f32 v26, v18;
	v7 =	vadd.f32 v21, v7;
	v45 =	vperm.xlane v11, v3  }
0x565: {  	v21 =	vperm.xlane v24, v1;
	v26 =	vadd.f32 v27, v8;
	v20 =	vadd.f32 v25, v20  }
0x566: {  	v46 =	vperm.xlane v18, v2;
	v27 =	vperm.xlane v7, v3;
	v32 =	vadd.f32 v45, v11  }
0x567: {  	v25 =	vld [tilespmem:s12+$0x110];
	v11 =	vsel vm1, v17, v31;
	v17 =	vperm.xlane v26, v4;
	v20 =	vmul.f32 $1.442695020e+00, v20  }
0x568: {  	v30 =	vperm.xlane v9, v3;
	v21 =	vadd.f32 v21, v24;
	v18 =	vadd.f32 v46, v18  }
0x569: {  	v24 =	vpop (erf);
	v7 =	vadd.f32 v27, v7;
	v27 =	vperm.xlane v32, v4;
	v17 =	vadd.f32 v17, v26  }
0x56a: {  	v47 =	vld [tilespmem:s9+$0x80];
	[tilespmem:s1+$0xFFFFFF70] =	vst v22;
	v9 =	vadd.f32 v30, v9;
	v8 =	vpop (erf);
	v31 =	vperm.xlane v21, v2;
	v48 =	vperm.xlane v18, v3  }
0x56b: {  	[tilespmem:s1+$0xFFFFFFD0] =	vst v23;
	v23 =	vld [tilespmem:s9+$0xFFFFFF00];
	(erf) = vpow2.f32 v20;
	v27 =	vadd.f32 v27, v32;
	v17 =	vmul.f32 $1.442695020e+00, v17;
	v20 =	vpop (erf)  }
0x56c: {  	v26 =	vld [tilespmem:s9+$0x130];
	v30 =	vperm.xlane v7, v4;
	v21 =	vadd.f32 v31, v21;
	v25 =	vmul.f32 v20, v25  }
0x56d: {  	v31 =	vld [tilespmem:s20+$0xF0];
	v18 =	vadd.f32 v48, v18;
	v27 =	vmul.f32 $1.442695020e+00, v27;
	(erf) = vpow2.f32 v17  }
0x56e: {  	[tilespmem:s0+$0x80] =	vst v25;
	v25 =	vadd.f32 v30, v7;
	v30 =	vperm.xlane v9, v4;
	v7 =	vsel vm1, v19, v28;
	v19 =	vld [tilespmem:s10+$0xFFFFFFA0]  }
0x56f: {  	v5 =	vsel vm2, v5, v13;
	v22 =	vperm.xlane v21, v3;
	(erf) = vpow2.f32 v27;
	v49 =	vld [tilespmem:s14+$0x80]  }
0x570: {  	v28 =	vperm.xlane v18, v4;
	v17 =	vld [tilespmem:s12+$0xD0];
	v25 =	vmul.f32 $1.442695020e+00, v25;
	v27 =	vadd.f32 v30, v9  }
0x571: {  	v13 =	vmul.f32 v24, v47;
	v21 =	vadd.f32 v22, v21;
	v22 =	vld [tilespmem:s10+$0xFFFFFFF0];
	v9 =	vsel vm3, v6, v14  }
0x572: {  	v6 =	vld [tilespmem:s9+$0xFFFFFFA0];
	v18 =	vadd.f32 v28, v18;
	(erf) = vpow2.f32 v25;
	v14 =	vmul.f32 $1.442695020e+00, v27  }
0x573: {  	v16 =	vnsel vm0, $0x0, v16;
	v36 =	vld [tilespmem:s20+$0xFFFFFF10];
	[tilespmem:s1+$0x30] =	vst v13;
	v13 =	vmul.f32 v8, v26;
	v25 =	vperm.xlane v21, v4  }
0x574: {  	v37 =	vld [tilespmem:s20+$0xFFFFFFB0];
	v16 =	vsel vm1, v16, v38;
	v18 =	vmul.f32 $1.442695020e+00, v18;
	v27 =	vpop (erf);
	(erf) = vpow2.f32 v14  }
0x575: {  	v5 =	vsel vm3, v5, v24;
	v26 =	vld [tilespmem:s9+$0x40];
	v28 =	vmul.f32 v27, v31;
	v31 =	vmul.f32 v17, v49  }
0x576: {  	s6 =	simm.s32 $0xE7E0;
	v30 =	vld [tilespmem:s20+$0x50];
	v19 =	vmul.f32 v23, v19;
	v14 =	vadd.f32 v25, v21;
	(erf) = vpow2.f32 v18  }
0x577: {  	v21 =	vld [tilespmem:s10+$0x40];
	v17 =	vsel vm3, v10, v41;
	v22 =	vmul.f32 v6, v22;
	[tilespmem:s6+$0x60] =	vst v28;
	v25 =	vperm.xlane v31, v1  }
0x578: {  	v10 =	vsel vm2, v16, v20;
	v23 =	vpop (erf);
	v6 =	vsel vm3, v15, v29;
	v14 =	vmul.f32 $1.442695020e+00, v14;
	v20 =	vld [tilespmem:s8+$0x60]  }
0x579: {  	v15 =	vperm.xlane v19, v1;
	v24 =	vperm.xlane v22, v1;
	v18 =	vld [tilespmem:s20+$0xB0];
	v25 =	vadd.f32 v25, v31;
	v28 =	vpop (erf)  }
0x57a: {  	v52 =	vld [tilespmem:s12+$0x70];
	v16 =	vnsel vm0, $0x0, v27;
	(erf) = vpow2.f32 v14;
	v14 =	vmul.f32 v28, v36  }
0x57b: {  	v15 =	vadd.f32 v15, v19;
	v31 =	vld [tilespmem:s12+$0xFFFFFFD0];
	v22 =	vadd.f32 v24, v22;
	v27 =	vperm.xlane v25, v2;
	v51 =	vpop (erf)  }
0x57c: {  	v29 =	vld [tilespmem:s12+$0xFFFFFF30];
	v50 =	vmul.f32 v23, v37;
	v19 =	vmul.f32 v51, v30;
	[tilespmem:s6+$0xFFFFFF40] =	vst v14;
	v14 =	vnsel vm0, $0x0, v23  }
0x57d: {  	v23 =	vperm.xlane v15, v2;
	v30 =	vperm.xlane v22, v2;
	v25 =	vadd.f32 v27, v25;
	v24 =	vld [tilespmem:s8+$0xFFFFFF70]  }
0x57e: {  	[tilespmem:s6+$0xFFFFFFA0] =	vst v50;
	v21 =	vmul.f32 v26, v21;
	v20 =	vmul.f32 v18, v20;
	v26 =	vld [tilespmem:s20+$0xFFFFFED0];
	v18 =	vnsel vm0, $0x0, v28;
	v54 =	vpop (erf)  }
0x57f: {  	v28 =	vld [tilespmem:s8+$0xFFFFFFC0];
	v15 =	vadd.f32 v23, v15;
	v22 =	vadd.f32 v30, v22;
	v58 =	vpop (erf);
	v27 =	vperm.xlane v25, v3  }
0x580: {  	[tilespmem:s6+$0x0] =	vst v19;
	v23 =	vld [tilespmem:s20+$0xFFFFFF70];
	v53 =	vperm.xlane v20, v1;
	v31 =	vmul.f32 v58, v31  }
0x581: {  	v55 =	vld [tilespmem:s8+$0x10];
	v30 =	vperm.xlane v15, v3;
	v38 =	vperm.xlane v22, v3  }
0x582: {  	v56 =	vld [tilespmem:s20+$0x10];
	v25 =	vadd.f32 v27, v25;
	v27 =	vmul.f32 v54, v29;
	v32 =	vadd.f32 v53, v20  }
0x583: {  	v29 =	vperm.xlane v21, v1;
	v24 =	vmul.f32 v26, v24  }
0x584: {  	v20 =	vpop (erf);
	v57 =	vperm.xlane v25, v4;
	v26 =	vperm.xlane v32, v2  }
0x585: {  	[tilespmem:s0+$0xFFFFFFC0] =	vst v31;
	v34 =	vmul.f32 v20, v52;
	v22 =	vadd.f32 v38, v22;
	v23 =	vmul.f32 v23, v28  }
0x586: {  	v60 =	vld [tilespmem:s14+$0xFFFFFFE0];
	v59 =	vperm.xlane v24, v1;
	v25 =	vadd.f32 v57, v25;
	v26 =	vadd.f32 v26, v32  }
0x587: {  	v15 =	vadd.f32 v30, v15;
	v61 =	vld [tilespmem:s12+$0xFFFFFF90];
	[tilespmem:s0+$0xFFFFFF60] =	vst v27;
	v27 =	vmul.f32 v56, v55;
	v63 =	vperm.xlane v22, v4  }
0x588: {  	v24 =	vadd.f32 v59, v24;
	v25 =	vmul.f32 $1.442695020e+00, v25;
	v28 =	vperm.xlane v26, v3  }
0x589: {  	v21 =	vadd.f32 v29, v21;
	v29 =	vld [tilespmem:s14+$0xFFFFFF90];
	v30 =	vperm.xlane v23, v1;
	v33 =	vperm.xlane v27, v1  }
0x58a: {  	v31 =	vperm.xlane v24, v2;
	(erf) = vpow2.f32 v25;
	v25 =	vld [tilespmem:s12+$0xFFFFFEF0];
	v26 =	vadd.f32 v28, v26  }
0x58b: {  	[tilespmem:s0+$0x20] =	vst v34;
	v23 =	vadd.f32 v30, v23;
	v30 =	vperm.xlane v15, v4;
	v28 =	vperm.xlane v21, v2  }
0x58c: {  	v43 =	vld [tilespmem:s12+$0x30];
	v32 =	vmul.f32 v61, v60;
	v24 =	vadd.f32 v31, v24;
	v31 =	vperm.xlane v26, v4  }
0x58d: {  	v27 =	vadd.f32 v33, v27;
	v62 =	vperm.xlane v23, v2;
	v21 =	vadd.f32 v28, v21;
	v28 =	vld [tilespmem:s14+$0x30]  }
0x58e: {  	v30 =	vadd.f32 v30, v15;
	v42 =	vperm.xlane v24, v3;
	v26 =	vadd.f32 v31, v26  }
0x58f: {  	v23 =	vadd.f32 v62, v23;
	v25 =	vmul.f32 v25, v29;
	v29 =	vperm.xlane v27, v2  }
0x590: {  	v31 =	vld [tilespmem:s12+$0x120];
	v39 =	vperm.xlane v21, v3;
	v24 =	vadd.f32 v42, v24;
	v26 =	vmul.f32 $1.442695020e+00, v26  }
0x591: {  	v33 =	vperm.xlane v23, v3;
	v15 =	vperm.xlane v25, v1;
	v27 =	vadd.f32 v29, v27  }
0x592: {  	v19 =	vnsel vm0, $0x0, v51;
	v29 =	vperm.xlane v24, v4;
	v28 =	vmul.f32 v43, v28  }
0x593: {  	v23 =	vadd.f32 v33, v23;
	(erf) = vpow2.f32 v26;
	v44 =	vperm.xlane v27, v3  }
0x594: {  	v24 =	vadd.f32 v29, v24;
	v15 =	vadd.f32 v15, v25;
	v25 =	vperm.xlane v32, v1;
	v26 =	vpop (erf)  }
0x595: {  	v22 =	vadd.f32 v63, v22;
	v29 =	vperm.xlane v23, v4;
	v31 =	vmul.f32 v26, v31  }
0x596: {  	v27 =	vadd.f32 v44, v27;
	v24 =	vmul.f32 $1.442695020e+00, v24;
	v47 =	vperm.xlane v15, v2  }
0x597: {  	v45 =	vld [tilespmem:s20+$0x100];
	v25 =	vadd.f32 v25, v32;
	v23 =	vadd.f32 v29, v23;
	[tilespmem:s0+$0x90] =	vst v31;
	v31 =	vperm.xlane v28, v1  }
0x598: {  	v21 =	vadd.f32 v39, v21;
	v48 =	vperm.xlane v27, v4;
	(erf) = vpow2.f32 v24;
	v46 =	vld [tilespmem:s14+$0x90]  }
0x599: {  	v24 =	vadd.f32 v47, v15;
	v15 =	vperm.xlane v25, v2;
	v23 =	vmul.f32 $1.442695020e+00, v23;
	v29 =	vld [tilespmem:s12+$0xE0]  }
0x59a: {  	v59 =	vmul.f32 $1.442695020e+00, v22;
	v28 =	vadd.f32 v31, v28;
	v27 =	vadd.f32 v48, v27  }
0x59b: {  	v25 =	vadd.f32 v15, v25;
	(erf) = vpow2.f32 v23;
	v23 =	vperm.xlane v24, v3  }
0x59c: {  	v15 =	vsel vm2, v11, v58;
	v31 =	vperm.xlane v28, v2;
	v49 =	vpop (erf);
	v27 =	vmul.f32 $1.442695020e+00, v27  }
0x59d: {  	v51 =	vperm.xlane v25, v3;
	v11 =	vadd.f32 v23, v24;
	v34 =	vmul.f32 v49, v45  }
0x59e: {  	v50 =	vld [tilespmem:s20+$0xFFFFFF20];
	v29 =	vmul.f32 v29, v46;
	v28 =	vadd.f32 v31, v28;
	(erf) = vpow2.f32 v27  }
0x59f: {  	v24 =	vadd.f32 v51, v25;
	v31 =	vperm.xlane v21, v4;
	v52 =	vperm.xlane v11, v4;
	[tilespmem:s6+$0x70] =	vst v34  }
0x5a0: {  	v12 =	vsel vm2, v12, v54;
	v23 =	vperm.xlane v29, v1;
	v25 =	vperm.xlane v28, v3;
	v27 =	vld [tilespmem:s8+$0x70]  }
0x5a1: {  	v53 =	vld [tilespmem:s20+$0xC0];
	v54 =	vperm.xlane v24, v4;
	v11 =	vadd.f32 v52, v11;
	v21 =	vadd.f32 v31, v21  }
0x5a2: {  	v30 =	vmul.f32 $1.442695020e+00, v30;
	v23 =	vadd.f32 v23, v29;
	v25 =	vadd.f32 v25, v28;
	v28 =	vpop (erf)  }
0x5a3: {  	v29 =	vld [tilespmem:s20+$0xFFFFFFC0];
	v24 =	vadd.f32 v54, v24;
	v11 =	vmul.f32 $1.442695020e+00, v11;
	v33 =	vmul.f32 v28, v50  }
0x5a4: {  	v21 =	vmul.f32 $1.442695020e+00, v21;
	v55 =	vperm.xlane v23, v2  }
0x5a5: {  	v56 =	vld [tilespmem:s20+$0x60];
	v57 =	vperm.xlane v25, v4;
	v24 =	vmul.f32 $1.442695020e+00, v24;
	[tilespmem:s6+$0xFFFFFF50] =	vst v33  }
0x5a6: {  	(erf) = vpow2.f32 v11;
	v27 =	vmul.f32 v53, v27;
	v31 =	vld [tilespmem:s8+$0xFFFFFF80]  }
0x5a7: {  	s13 =	simm.s32 $0x88E0;
	v22 =	vadd.f32 v55, v23;
	v23 =	vpop (erf);
	v25 =	vadd.f32 v57, v25;
	v60 =	vld [tilespmem:s20+$0xFFFFFEE0];
	(erf) = vpow2.f32 v24  }
0x5a8: {  	v40 =	vld [tilespmem:s13+$0xA0];
	s10 =	simm.s32 $0x5280;
	v18 =	vsel vm1, v18, v28;
	v29 =	vmul.f32 v23, v29;
	v28 =	vperm.xlane v27, v1  }
0x5a9: {  	v63 =	vld [tilespmem:s10+$0x50];
	v11 =	vpop (erf);
	v61 =	vperm.xlane v22, v3;
	v25 =	vmul.f32 $1.442695020e+00, v25  }
0x5aa: {  	v58 =	vld [tilespmem:s12+$0xFFFFFF40];
	v24 =	vmul.f32 v11, v56;
	v27 =	vadd.f32 v28, v27;
	v28 =	vsel vm1, v19, v11  }
0x5ab: {  	v11 =	vld [tilespmem:s10+$0xFFFFFFB0];
	v19 =	vsel vm2, v7, v20;
	v33 =	vadd.f32 v61, v22;
	(erf) = vpow2.f32 v25  }
0x5ac: {  	v7 =	vsel vm3, v10, v26;
	v10 =	vld [tilespmem:s13+$0x0];
	v25 =	vmul.f32 v60, v31;
	v31 =	vperm.xlane v27, v2  }
0x5ad: {  	v22 =	vsel vm1, v14, v23;
	(erf) = vpow2.f32 v30;
	v30 =	vld [tilespmem:s13+$0xFFFFFF60];
	v23 =	vperm.xlane v33, v4  }
0x5ae: {  	v14 =	vld [tilespmem:s13+$0xFFFFFEC0];
	(erf) = vpow2.f32 v59;
	v32 =	vperm.xlane v25, v1;
	v27 =	vadd.f32 v31, v27  }
0x5af: {  	v26 =	vmul.f32 v40, v63;
	(erf) = vpow2.f32 v21;
	v21 =	vld [tilespmem:s10+$0xFFFFFF60];
	v20 =	vadd.f32 v23, v33  }
0x5b0: {  	v16 =	vsel vm1, v16, v49;
	v23 =	vld [tilespmem:s10+$0x0];
	v25 =	vadd.f32 v32, v25;
	v41 =	vperm.xlane v27, v3  }
0x5b1: {  	v62 =	vld [tilespmem:s12+$0xFFFFFFE0];
	[tilespmem:s6+$0xFFFFFFB0] =	vst v29;
	v31 =	vmul.f32 $1.442695020e+00, v20;
	v20 =	vsel vm4, v9, v8;
	v8 =	vperm.xlane v26, v1  }
0x5b2: {  	[tilespmem:s6+$0x10] =	vst v24;
	v24 =	vld [tilespmem:s20+$0xFFFFFF80];
	v9 =	vpop (erf);
	v29 =	vmul.f32 v30, v11;
	v11 =	vperm.xlane v25, v2;
	v27 =	vadd.f32 v41, v27  }
0x5b3: {  	v30 =	vld [tilespmem:s8+$0xFFFFFFD0];
	v42 =	vmul.f32 v9, v58;
	(erf) = vpow2.f32 v31;
	v26 =	vadd.f32 v8, v26  }
0x5b4: {  	v14 =	vmul.f32 v14, v21;
	v8 =	vsel vm3, v12, v9;
	v9 =	vperm.xlane v29, v1  }
0x5b5: {  	v47 =	vld [tilespmem:s20+$0x20];
	v10 =	vmul.f32 v10, v23;
	v23 =	vadd.f32 v11, v25;
	v11 =	vperm.xlane v27, v4  }
0x5b6: {  	v25 =	vld [tilespmem:s8+$0x20];
	v31 =	vpop (erf);
	v21 =	vperm.xlane v26, v2;
	v46 =	vperm.xlane v14, v1;
	v29 =	vadd.f32 v9, v29  }
0x5b7: {  	v43 =	vmul.f32 v31, v62;
	v44 =	vperm.xlane v10, v1;
	v27 =	vadd.f32 v11, v27  }
0x5b8: {  	v24 =	vmul.f32 v24, v30;
	v21 =	vadd.f32 v21, v26;
	v26 =	vperm.xlane v23, v3  }
0x5b9: {  	v48 =	vperm.xlane v29, v2;
	v35 =	vadd.f32 v44, v10;
	v10 =	vmul.f32 $1.442695020e+00, v27  }
0x5ba: {  	v34 =	vpop (erf);
	v14 =	vadd.f32 v46, v14;
	v49 =	vperm.xlane v24, v1;
	v27 =	vperm.xlane v21, v3  }
0x5bb: {  	v45 =	vld [tilespmem:s12+$0x130];
	v12 =	vpop (erf);
	v23 =	vadd.f32 v26, v23;
	v25 =	vmul.f32 v47, v25;
	(erf) = vpow2.f32 v10  }
0x5bc: {  	v26 =	vperm.xlane v14, v2;
	v24 =	vadd.f32 v49, v24;
	v21 =	vadd.f32 v27, v21  }
0x5bd: {  	v11 =	vpop (erf);
	v27 =	vadd.f32 v48, v29;
	v29 =	vperm.xlane v35, v2;
	v50 =	vperm.xlane v25, v1  }
0x5be: {  	[tilespmem:s0+$0xFFFFFFD0] =	vst v43;
	v9 =	vpop (erf);
	v14 =	vadd.f32 v26, v14;
	v43 =	vperm.xlane v23, v4;
	v26 =	vperm.xlane v21, v4  }
0x5bf: {  	v10 =	vpop (erf);
	v53 =	vperm.xlane v24, v2;
	v37 =	vperm.xlane v27, v3  }
0x5c0: {  	v30 =	vmul.f32 v10, v45;
	v29 =	vadd.f32 v29, v35;
	v21 =	vadd.f32 v26, v21;
	v26 =	vld [tilespmem:s20+$0x110]  }
0x5c1: {  	v51 =	vperm.xlane v14, v3;
	v25 =	vadd.f32 v50, v25;
	v27 =	vadd.f32 v37, v27  }
0x5c2: {  	v23 =	vadd.f32 v43, v23;
	v52 =	vperm.xlane v29, v3;
	v21 =	vmul.f32 $1.442695020e+00, v21  }
0x5c3: {  	v14 =	vadd.f32 v51, v14;
	v56 =	vperm.xlane v25, v2;
	v55 =	vperm.xlane v27, v4  }
0x5c4: {  	v54 =	vld [tilespmem:s12+$0x80];
	v29 =	vadd.f32 v52, v29;
	(erf) = vpow2.f32 v21;
	v21 =	vadd.f32 v53, v24;
	v24 =	vpop (erf)  }
0x5c5: {  	v63 =	vld [tilespmem:s13+$0xF0];
	[tilespmem:s0+$0xFFFFFF70] =	vst v42;
	v58 =	vperm.xlane v14, v4;
	v27 =	vadd.f32 v55, v27;
	v26 =	vmul.f32 v24, v26  }
0x5c6: {  	v57 =	vld [tilespmem:s14+$0xFFFFFFA0];
	v25 =	vadd.f32 v56, v25;
	v60 =	vperm.xlane v29, v4;
	v62 =	vperm.xlane v21, v3  }
0x5c7: {  	v59 =	vld [tilespmem:s12+$0xFFFFFF00];
	v23 =	vmul.f32 $1.442695020e+00, v23;
	v14 =	vadd.f32 v58, v14;
	v27 =	vmul.f32 $1.442695020e+00, v27;
	[tilespmem:s6+$0x80] =	vst v26  }
0x5c8: {  	v29 =	vadd.f32 v60, v29;
	v26 =	vperm.xlane v25, v3;
	v21 =	vadd.f32 v62, v21;
	v44 =	vld [tilespmem:s8+$0x80]  }
0x5c9: {  	v14 =	vmul.f32 $1.442695020e+00, v14;
	(erf) = vpow2.f32 v27;
	v27 =	vld [tilespmem:s20+$0xD0]  }
0x5ca: {  	v46 =	vld [tilespmem:s13+$0x50];
	v29 =	vmul.f32 $1.442695020e+00, v29;
	v25 =	vadd.f32 v26, v25;
	v40 =	vperm.xlane v21, v4  }
0x5cb: {  	v61 =	vld [tilespmem:s14+$0xFFFFFFF0];
	(erf) = vpow2.f32 v14;
	v14 =	vsel vm2, v16, v24;
	v24 =	vmul.f32 v34, v54  }
0x5cc: {  	v45 =	vld [tilespmem:s12+$0xFFFFFFA0];
	(erf) = vpow2.f32 v29;
	v16 =	vadd.f32 v40, v21;
	v21 =	vperm.xlane v25, v4  }
0x5cd: {  	v15 =	vsel vm3, v15, v31;
	v29 =	vld [tilespmem:s13+$0xFFFFFFB0];
	(erf) = vpow2.f32 v23;
	[tilespmem:s0+$0x30] =	vst v24;
	v47 =	vpop (erf)  }
0x5ce: {  	v50 =	vld [tilespmem:s14+$0x40];
	v31 =	vmul.f32 v47, v63;
	v21 =	vadd.f32 v21, v25;
	v25 =	vmul.f32 v27, v44  }
0x5cf: {  	s11 =	simm.s32 $0xE960;
	v23 =	vmul.f32 v59, v57;
	v27 =	vmul.f32 $1.442695020e+00, v16;
	v16 =	vsel vm3, v19, v34;
	v19 =	vld [tilespmem:s12+$0x40]  }
0x5d0: {  	v26 =	vld [tilespmem:s13+$0xFFFFFF10];
	[tilespmem:s11+$0x60] =	vst v31;
	v21 =	vmul.f32 $1.442695020e+00, v21;
	v31 =	vperm.xlane v25, v1  }
0x5d1: {  	v49 =	vmul.f32 v45, v61;
	(erf) = vpow2.f32 v27;
	v51 =	vld [tilespmem:s10+$0x60]  }
0x5d2: {  	v33 =	vsel vm4, v17, v12;
	v27 =	vperm.xlane v23, v1;
	v17 =	vld [tilespmem:s13+$0xB0];
	v52 =	vpop (erf);
	(erf) = vpow2.f32 v21  }
0x5d3: {  	v48 =	vld [tilespmem:s20+$0xFFFFFF30];
	v25 =	vadd.f32 v31, v25;
	v29 =	vmul.f32 v52, v29  }
0x5d4: {  	v41 =	vld [tilespmem:s20+$0x70];
	v21 =	vperm.xlane v49, v1;
	v23 =	vadd.f32 v27, v23;
	v19 =	vmul.f32 v19, v50;
	v31 =	vpop (erf)  }
0x5d5: {  	v27 =	vld [tilespmem:s20+$0xFFFFFFD0];
	v54 =	vperm.xlane v25, v2;
	[tilespmem:s11+$0xFFFFFFA0] =	vst v29;
	v26 =	vmul.f32 v31, v26  }
0x5d6: {  	v32 =	vadd.f32 v21, v49;
	v55 =	vperm.xlane v23, v2;
	v53 =	vpop (erf);
	v59 =	vperm.xlane v19, v1;
	v43 =	vld [tilespmem:s13+$0xFFFFFF70]  }
0x5d7: {  	v21 =	vmul.f32 v53, v46;
	v25 =	vadd.f32 v54, v25;
	v29 =	vpop (erf);
	v17 =	vmul.f32 v17, v51;
	[tilespmem:s11+$0xFFFFFF40] =	vst v26;
	v26 =	vld [tilespmem:s10+$0xFFFFFFC0]  }
0x5d8: {  	v56 =	vperm.xlane v32, v2;
	v23 =	vadd.f32 v55, v23;
	v38 =	vmul.f32 v29, v48;
	v42 =	vld [tilespmem:s10+$0xFFFFFF70]  }
0x5d9: {  	v19 =	vadd.f32 v59, v19;
	v57 =	vld [tilespmem:s13+$0xFFFFFED0];
	v58 =	vperm.xlane v25, v3;
	[tilespmem:s11+$0x0] =	vst v21;
	v44 =	vperm.xlane v17, v1  }
0x5da: {  	v21 =	vsel vm2, v18, v29;
	v18 =	vadd.f32 v56, v32;
	v60 =	vperm.xlane v23, v3;
	v29 =	vld [tilespmem:s10+$0x10];
	v32 =	vpop (erf)  }
0x5db: {  	v61 =	vld [tilespmem:s13+$0x10];
	v46 =	vperm.xlane v19, v2;
	v25 =	vadd.f32 v58, v25;
	v17 =	vadd.f32 v44, v17;
	v36 =	vpop (erf)  }
0x5dc: {  	v27 =	vmul.f32 v32, v27;
	v23 =	vadd.f32 v60, v23;
	v41 =	vmul.f32 v36, v41  }
0x5dd: {  	v19 =	vadd.f32 v46, v19;
	v45 =	vperm.xlane v25, v4;
	v63 =	vperm.xlane v17, v2  }
0x5de: {  	v26 =	vmul.f32 v43, v26;
	v48 =	vperm.xlane v23, v4  }
0x5df: {  	v24 =	vnsel vm0, $0x0, v47;
	[tilespmem:s6+$0xFFFFFF60] =	vst v38;
	v39 =	vmul.f32 v57, v42;
	v56 =	vperm.xlane v19, v3  }
0x5e0: {  	v49 =	vld [tilespmem:s8+$0xFFFFFF90];
	v25 =	vadd.f32 v45, v25;
	v17 =	vadd.f32 v63, v17;
	v29 =	vmul.f32 v61, v29  }
0x5e1: {  	v34 =	vnsel vm0, $0x0, v52;
	[tilespmem:s6+$0xFFFFFFC0] =	vst v27;
	v27 =	vld [tilespmem:s20+$0xFFFFFEF0];
	v51 =	vperm.xlane v26, v1;
	v47 =	vperm.xlane v39, v1  }
0x5e2: {  	v35 =	vnsel vm0, $0x0, v53;
	v53 =	vld [tilespmem:s8+$0xFFFFFFE0];
	v25 =	vmul.f32 $1.442695020e+00, v25;
	v52 =	vperm.xlane v17, v3  }
0x5e3: {  	v40 =	vadd.f32 v48, v23;
	[tilespmem:s6+$0x20] =	vst v41;
	v23 =	vld [tilespmem:s20+$0xFFFFFF90];
	v54 =	vperm.xlane v29, v1;
	v50 =	vadd.f32 v47, v39  }
0x5e4: {  	v55 =	vld [tilespmem:s8+$0x30];
	v26 =	vadd.f32 v51, v26;
	(erf) = vpow2.f32 v25;
	v17 =	vadd.f32 v52, v17  }
0x5e5: {  	v62 =	vperm.xlane v18, v3;
	v57 =	vld [tilespmem:s20+$0x30];
	v29 =	vadd.f32 v54, v29;
	v25 =	vperm.xlane v50, v2  }
0x5e6: {  	v41 =	vadd.f32 v56, v19;
	v58 =	vperm.xlane v26, v2;
	v59 =	vperm.xlane v17, v4  }
0x5e7: {  	v27 =	vmul.f32 v27, v49;
	v46 =	vperm.xlane v29, v2;
	v25 =	vadd.f32 v25, v50  }
0x5e8: {  	v23 =	vmul.f32 v23, v53;
	v26 =	vadd.f32 v58, v26;
	v17 =	vadd.f32 v59, v17  }
0x5e9: {  	v60 =	vld [tilespmem:s20+$0x120];
	v61 =	vadd.f32 v46, v29;
	v29 =	vperm.xlane v27, v1;
	v19 =	vperm.xlane v25, v3  }
0x5ea: {  	v18 =	vadd.f32 v62, v18;
	v38 =	vmul.f32 v57, v55;
	v48 =	vperm.xlane v23, v1  }
0x5eb: {  	v17 =	vmul.f32 $1.442695020e+00, v17;
	v25 =	vadd.f32 v19, v25;
	v19 =	vperm.xlane v26, v3  }
0x5ec: {  	v50 =	vperm.xlane v38, v1;
	v62 =	vperm.xlane v61, v3;
	v27 =	vadd.f32 v29, v27  }
0x5ed: {  	(erf) = vpow2.f32 v17;
	v63 =	vperm.xlane v25, v4;
	v26 =	vadd.f32 v19, v26;
	v29 =	vpop (erf)  }
0x5ee: {  	v23 =	vadd.f32 v48, v23;
	v17 =	vadd.f32 v62, v61;
	v37 =	vmul.f32 v29, v60  }
0x5ef: {  	[tilespmem:s0+$0xA0] =	vst v30;
	v30 =	vld [tilespmem:s20+$0x80];
	v39 =	vperm.xlane v18, v4;
	v25 =	vadd.f32 v63, v25;
	v49 =	vperm.xlane v26, v4  }
0x5f0: {  	v52 =	vld [tilespmem:s13+$0x100];
	v53 =	vadd.f32 v50, v38;
	v56 =	vperm.xlane v23, v2;
	v51 =	vperm.xlane v17, v4;
	[tilespmem:s6+$0x90] =	vst v37  }
0x5f1: {  	v47 =	vperm.xlane v27, v2;
	v25 =	vmul.f32 $1.442695020e+00, v25;
	v26 =	vadd.f32 v49, v26;
	v54 =	vld [tilespmem:s8+$0x90]  }
0x5f2: {  	v59 =	vadd.f32 v56, v23;
	v56 =	vperm.xlane v41, v4;
	v55 =	vadd.f32 v51, v17;
	v57 =	vld [tilespmem:s20+$0xE0]  }
0x5f3: {  	v45 =	vadd.f32 v39, v18;
	v18 =	vld [tilespmem:s9+$0x90];
	v26 =	vmul.f32 $1.442695020e+00, v26;
	(erf) = vpow2.f32 v25  }
0x5f4: {  	v48 =	vld [tilespmem:s13+$0x60];
	v27 =	vadd.f32 v47, v27;
	v60 =	vperm.xlane v53, v2;
	v58 =	vmul.f32 $1.442695020e+00, v55  }
0x5f5: {  	v31 =	vnsel vm0, $0x0, v31;
	v19 =	vld [tilespmem:s9+$0xFFFFFF50];
	v62 =	vperm.xlane v59, v3;
	(erf) = vpow2.f32 v26  }
0x5f6: {  	v23 =	vld [tilespmem:s12+$0xFFFFFF50];
	v37 =	vadd.f32 v60, v53;
	v26 =	vperm.xlane v27, v3;
	v61 =	vpop (erf);
	(erf) = vpow2.f32 v58  }
0x5f7: {  	v63 =	vld [tilespmem:s13+$0xFFFFFF20];
	v42 =	vadd.f32 v62, v59;
	v46 =	vmul.f32 v61, v52;
	v38 =	vmul.f32 v57, v54  }
0x5f8: {  	v39 =	vmul.f32 $1.442695020e+00, v40;
	v17 =	vld [tilespmem:s9+$0xFFFFFFF0];
	v55 =	vperm.xlane v37, v3;
	v27 =	vadd.f32 v26, v27  }
0x5f9: {  	v47 =	vadd.f32 v56, v41;
	v49 =	vperm.xlane v42, v4;
	v54 =	vld [tilespmem:s13+$0xFFFFFFC0];
	[tilespmem:s11+$0x70] =	vst v46;
	v57 =	vperm.xlane v38, v1  }
0x5fa: {  	v37 =	vadd.f32 v55, v37;
	v26 =	vsel vm1, v24, v61;
	v24 =	vperm.xlane v27, v4;
	v46 =	vld [tilespmem:s10+$0x70]  }
0x5fb: {  	v40 =	vmul.f32 $1.442695020e+00, v47;
	v25 =	vsel vm2, v22, v32;
	v50 =	vld [tilespmem:s13+$0xC0];
	v51 =	vadd.f32 v57, v38  }
0x5fc: {  	[tilespmem:s1+$0xA0] =	vst v13;
	v22 =	vld [tilespmem:s12+$0xFFFFFFF0];
	v59 =	vadd.f32 v49, v42;
	v60 =	vperm.xlane v37, v4;
	v58 =	vadd.f32 v24, v27;
	v13 =	vpop (erf)  }
0x5fd: {  	[tilespmem:s1+$0xB0] =	vst v20;
	v32 =	vld [tilespmem:s20+$0xFFFFFF40];
	v20 =	vmul.f32 v13, v63;
	v24 =	vsel vm1, v31, v13;
	v13 =	vperm.xlane v51, v2  }
0x5fe: {  	v41 =	vmul.f32 $1.442695020e+00, v59;
	v37 =	vadd.f32 v60, v37;
	v38 =	vmul.f32 $1.442695020e+00, v45;
	v27 =	vld [tilespmem:s12+$0x90];
	v61 =	vpop (erf)  }
0x5ff: {  	v31 =	vld [tilespmem:s20+$0xFFFFFFE0];
	v62 =	vmul.f32 $1.442695020e+00, v58;
	[tilespmem:s11+$0xFFFFFF50] =	vst v20;
	v52 =	vmul.f32 v61, v54;
	v53 =	vpop (erf);
	v43 =	vadd.f32 v13, v51  }
0x600: {  	v28 =	vsel vm2, v28, v36;
	[tilespmem:s1+$0xFFFFFF90] =	vst v33;
	v44 =	vmul.f32 v50, v46;
	v42 =	vld [tilespmem:s10+$0xFFFFFF80];
	v63 =	vmul.f32 v53, v48  }
0x601: {  	v33 =	vmul.f32 $1.442695020e+00, v37;
	v20 =	vsel vm1, v34, v61;
	v34 =	vld [tilespmem:s13+$0xFFFFFEE0];
	[tilespmem:s11+$0xFFFFFFB0] =	vst v52;
	v45 =	vperm.xlane v43, v3  }
0x602: {  	s14 =	simm.s32 $0x53C0;
	s9 =	simm.s32 $0x88E0;
	s12 =	simm.s32 $0xC;
	(erf) = vpow2.f32 v62;
	v13 =	vsel vm1, v35, v53;
	v46 =	vperm.xlane v44, v1;
	v37 =	vld [tilespmem:s10+$0xFFFFFFD0];
	[tilespmem:s11+$0x10] =	vst v63  }
.LBB2_10:
0x603: {  	v35 =	vld [tilespmem:s14+$0x50];
	s13 =	sadd.s32 $0x280, s13;
	v36 =	vadd.f32 v45, v43;
	(erf) = vpow2.f32 v41;
	v12 =	vmul.f32 v12, v19;
	v19 =	vmovc v23  }
0x604: {  	v23 =	vld [tilespmem:s13+$0xA0];
	v41 =	vadd.f32 v46, v44;
	(erf) = vpow2.f32 v33;
	v33 =	vmul.f32 v11, v17;
	v17 =	vmovc v22  }
0x605: {  	v14 =	vsel vm3, v14, v29;
	v22 =	vld [tilespmem:s13+$0xFFFFFEC0];
	v29 =	vperm.xlane v36, v4;
	(erf) = vpow2.f32 v39;
	[tilespmem:s1+$0xFFFFFF80] =	vst v12  }
0x606: {  	v12 =	vld [tilespmem:s14+$0xFFFFFFB0];
	v34 =	vmul.f32 v34, v42;
	v39 =	vperm.xlane v41, v2;
	[tilespmem:s1+$0xFFFFFFE0] =	vst v33;
	v42 =	vsel vm4, v6, v11  }
0x607: {  	v33 =	vmul.f32 v9, v18;
	v6 =	vmovc v15;
	v11 =	vld [tilespmem:s13+$0xFFFFFF60];
	v29 =	vadd.f32 v29, v36;
	(erf) = vpow2.f32 v38;
	[tilespmem:s1+$0xFFFFFFF0] =	vst v42  }
0x608: {  	s12 =	sadd.s32 $0x4, s12;
	v18 =	vmovc v27;
	v36 =	vld [tilespmem:s14+$0x0];
	v15 =	vperm.xlane v34, v1;
	v38 =	vadd.f32 v39, v41;
	(erf) = vpow2.f32 v40  }
0x609: {  	p0 =	slt.u32 s12, $0x4C;
	v9 =	vsel vm4, v5, v9;
	v5 =	vmovc v16;
	v39 =	vld [tilespmem:s13+$0x0];
	v23 =	vmul.f32 v23, v35;
	v27 =	vmul.f32 $1.442695020e+00, v29;
	[tilespmem:s1+$0x40] =	vst v33  }
0x60a: {  	v16 =	vsel vm4, v7, v10;
	v35 =	vld [tilespmem:s14+$0xFFFFFF60];
	v34 =	vadd.f32 v15, v34;
	v33 =	vperm.xlane v38, v3;
	[tilespmem:s1+$0x50] =	vst v9;
	s1 =	smov.u32 s0;
	s0 =	smov.u32 s6;
	s6 =	smov.u32 s11  }
0x60b: {  	v7 =	vmov v14;
	v29 =	vld [tilespmem:s13+$0xFFFFFF10];
	v9 =	vperm.xlane v23, v1;
	v10 =	vpop (erf);
	(erf) = vpow2.f32 v27;
	[tilespmem:s1+$0xB0] =	vst v16  }
0x60c: {  	v14 =	vmul.f32 v11, v12;
	v27 =	vld [tilespmem:s13+$0xFFFFFFB0];
	v11 =	vperm.xlane v34, v2;
	v38 =	vadd.f32 v33, v38;
	v15 =	vpop (erf)  }
0x60d: {  	v33 =	vld [tilespmem:s13+$0x50];
	v9 =	vadd.f32 v9, v23;
	v23 =	vmul.f32 v10, v32;
	v31 =	vmul.f32 v15, v31;
	v16 =	vpop (erf)  }
0x60e: {  	v32 =	vmul.f32 v39, v36;
	v36 =	vadd.f32 v11, v34;
	v39 =	vld [tilespmem:s9+$0xFFFFFF80];
	v41 =	vperm.xlane v38, v4;
	v12 =	vpop (erf)  }
0x60f: {  	v34 =	vsel vm3, v21, v10;
	v22 =	vmul.f32 v22, v35;
	v35 =	vperm.xlane v9, v2;
	v40 =	vld [tilespmem:s10+$0x20];
	[tilespmem:s0+$0xFFFFFF70] =	vst v23  }
0x610: {  	v10 =	vperm.xlane v14, v1;
	v21 =	vperm.xlane v32, v1;
	v23 =	vadd.f32 v41, v38;
	[tilespmem:s0+$0xFFFFFFD0] =	vst v31;
	v38 =	vld [tilespmem:s20+$0x130];
	v11 =	vpop (erf)  }
0x611: {  	v41 =	vperm.xlane v36, v3;
	v31 =	vperm.xlane v22, v1;
	v35 =	vadd.f32 v35, v9;
	v42 =	vld [tilespmem:s9+$0x20];
	v9 =	vpop (erf)  }
0x612: {  	v14 =	vadd.f32 v10, v14;
	v43 =	vadd.f32 v21, v32;
	v21 =	vld [tilespmem:s9+$0xFFFFFF30];
	v44 =	vmul.f32 $1.442695020e+00, v23  }
0x613: {  	v22 =	vadd.f32 v31, v22;
	v23 =	vperm.xlane v35, v3;
	v37 =	vmul.f32 v39, v37;
	v32 =	vld [tilespmem:s9+$0xFFFFFFD0]  }
0x614: {  	v36 =	vadd.f32 v41, v36;
	v39 =	vperm.xlane v14, v2;
	v31 =	vld [tilespmem:s9+$0x70];
	(erf) = vpow2.f32 v44;
	v10 =	vpop (erf)  }
0x615: {  	v41 =	vperm.xlane v22, v2;
	v23 =	vadd.f32 v23, v35;
	v35 =	vld [tilespmem:s8+$0xFFFFFFA0];
	v38 =	vmul.f32 v10, v38  }
0x616: {  	v14 =	vadd.f32 v39, v14;
	v39 =	vperm.xlane v43, v2;
	v40 =	vmul.f32 v42, v40;
	v42 =	vld [tilespmem:s20+$0xFFFFFF00]  }
0x617: {  	v44 =	vperm.xlane v37, v1;
	v22 =	vadd.f32 v41, v22;
	v41 =	vperm.xlane v23, v4;
	v45 =	vld [tilespmem:s8+$0xFFFFFFF0];
	[tilespmem:s0+$0xA0] =	vst v38  }
0x618: {  	v38 =	vperm.xlane v14, v3;
	v39 =	vadd.f32 v39, v43;
	v43 =	vperm.xlane v40, v1;
	v46 =	vld [tilespmem:s20+$0xFFFFFFA0]  }
0x619: {  	v37 =	vadd.f32 v44, v37;
	v47 =	vperm.xlane v22, v3;
	v41 =	vadd.f32 v41, v23;
	v44 =	vld [tilespmem:s9+$0x110]  }
0x61a: {  	v14 =	vadd.f32 v38, v14;
	v38 =	vperm.xlane v39, v3;
	v40 =	vadd.f32 v43, v40;
	v23 =	vld [tilespmem:s20+$0xFFFFFF50]  }
0x61b: {  	v43 =	vadd.f32 v47, v22;
	v50 =	vmul.f32 $1.442695020e+00, v41;
	v47 =	vperm.xlane v37, v2;
	v22 =	vld [tilespmem:s20+$0xFFFFFFF0]  }
0x61c: {  	v48 =	vperm.xlane v14, v4;
	v38 =	vadd.f32 v38, v39;
	v39 =	vperm.xlane v40, v2  }
0x61d: {  	v49 =	vperm.xlane v43, v4;
	(erf) = vpow2.f32 v50;
	v37 =	vadd.f32 v47, v37;
	v41 =	vpop (erf)  }
0x61e: {  	v14 =	vadd.f32 v48, v14;
	v47 =	vperm.xlane v38, v4;
	v44 =	vmul.f32 v41, v44  }
0x61f: {  	v39 =	vadd.f32 v39, v40;
	v43 =	vadd.f32 v49, v43;
	v48 =	vperm.xlane v37, v3  }
0x620: {  	v14 =	vmul.f32 $1.442695020e+00, v14;
	v38 =	vadd.f32 v47, v38;
	v47 =	vperm.xlane v36, v4;
	v40 =	vld [tilespmem:s13+$0xF0];
	[tilespmem:s11+$0x80] =	vst v44  }
0x621: {  	v44 =	vperm.xlane v39, v3;
	v43 =	vmul.f32 $1.442695020e+00, v43;
	v37 =	vadd.f32 v48, v37;
	v48 =	vld [tilespmem:s10+$0x80]  }
0x622: {  	v38 =	vmul.f32 $1.442695020e+00, v38;
	(erf) = vpow2.f32 v14;
	v14 =	vadd.f32 v47, v36;
	v36 =	vld [tilespmem:s9+$0xD0]  }
0x623: {  	v39 =	vadd.f32 v44, v39;
	(erf) = vpow2.f32 v43;
	v43 =	vperm.xlane v37, v4  }
0x624: {  	(erf) = vpow2.f32 v38;
	v38 =	vmul.f32 $1.442695020e+00, v14;
	v14 =	vsel vm2, v26, v41  }
0x625: {  	v30 =	vmul.f32 v16, v30;
	v26 =	vperm.xlane v39, v4;
	v37 =	vadd.f32 v43, v37  }
0x626: {  	v15 =	vsel vm3, v25, v15;
	v35 =	vmul.f32 v42, v35;
	v41 =	vpop (erf);
	(erf) = vpow2.f32 v38  }
0x627: {  	v38 =	vadd.f32 v26, v39;
	v25 =	vmul.f32 v41, v40;
	v36 =	vmul.f32 v36, v48;
	[tilespmem:s0+$0x30] =	vst v30  }
0x628: {  	s11 =	sadd.s32 $0x180, s11;
	v26 =	vnsel vm0, $0x0, v41;
	v30 =	vmul.f32 $1.442695020e+00, v37;
	v37 =	vmul.f32 v46, v45;
	v39 =	vld [tilespmem:s8+$0x40];
	s8 =	smov.u32 s10;
	s10 =	smov.u32 s14  }
0x629: {  	v16 =	vsel vm3, v28, v16;
	[tilespmem:s11+$0x60] =	vst v25;
	v25 =	vmul.f32 $1.442695020e+00, v38;
	v38 =	vperm.xlane v36, v1;
	v40 =	vld [tilespmem:s20+$0x40]  }
0x62a: {  	v28 =	vsel vm4, v8, v12;
	v8 =	vmovc v34;
	v41 =	vld [tilespmem:s14+$0x60];
	(erf) = vpow2.f32 v30;
	v30 =	vperm.xlane v35, v1  }
0x62b: {  	v42 =	vld [tilespmem:s13+$0xB0];
	v34 =	vpop (erf);
	v36 =	vadd.f32 v38, v36;
	(erf) = vpow2.f32 v25;
	v25 =	vperm.xlane v37, v1;
	[tilespmem:s1+$0xFFFFFF90] =	vst v28  }
0x62c: {  	v44 =	vmul.f32 v34, v27;
	v28 =	vnsel vm0, $0x0, v34;
	v34 =	vpop (erf);
	v30 =	vadd.f32 v30, v35;
	v27 =	vld [tilespmem:s20+$0x90];
	s20 =	smov.u32 s9;
	s9 =	smov.u32 s13  }
0x62d: {  	v29 =	vmul.f32 v34, v29;
	v35 =	vpop (erf);
	v43 =	vperm.xlane v36, v2;
	v25 =	vadd.f32 v25, v37  }
0x62e: {  	v34 =	vnsel vm0, $0x0, v34;
	[tilespmem:s11+$0xFFFFFFA0] =	vst v44;
	v33 =	vmul.f32 v35, v33;
	v37 =	vmul.f32 v40, v39  }
0x62f: {  	v39 =	vperm.xlane v30, v2;
	[tilespmem:s11+$0xFFFFFF40] =	vst v29;
	v29 =	vld [tilespmem:s14+$0xFFFFFFC0];
	v36 =	vadd.f32 v43, v36;
	v38 =	vpop (erf);
	v40 =	vperm.xlane v25, v2  }
0x630: {  	v43 =	vld [tilespmem:s14+$0xFFFFFF70];
	[tilespmem:s11+$0x0] =	vst v33;
	v33 =	vnsel vm0, $0x0, v35;
	v35 =	vmul.f32 v42, v41;
	v21 =	vmul.f32 v38, v21  }
0x631: {  	v30 =	vadd.f32 v39, v30;
	v39 =	vperm.xlane v37, v1;
	v41 =	vld [tilespmem:s13+$0xFFFFFED0];
	v46 =	vperm.xlane v36, v3  }
0x632: {  	v25 =	vadd.f32 v40, v25;
	v44 =	vld [tilespmem:s13+$0xFFFFFF70];
	v45 =	vperm.xlane v35, v1;
	[tilespmem:s6+$0xFFFFFF60] =	vst v21;
	v21 =	vsel vm2, v24, v38  }
0x633: {  	v39 =	vadd.f32 v39, v37;
	v38 =	vld [tilespmem:s14+$0x10];
	v40 =	vadd.f32 v46, v36;
	v42 =	vpop (erf);
	v36 =	vperm.xlane v30, v3  }
0x634: {  	v47 =	vperm.xlane v25, v3;
	v46 =	vld [tilespmem:s13+$0x10];
	v45 =	vadd.f32 v45, v35;
	v32 =	vmul.f32 v42, v32;
	v35 =	vpop (erf)  }
0x635: {  	v24 =	vld [tilespmem:s13+$0xFFFFFF20];
	v31 =	vmul.f32 v35, v31;
	v48 =	vperm.xlane v40, v4;
	v30 =	vadd.f32 v36, v30  }
0x636: {  	v25 =	vadd.f32 v47, v25;
	v41 =	vmul.f32 v41, v43;
	v37 =	vld [tilespmem:s13+$0xFFFFFFC0];
	v43 =	vperm.xlane v45, v2;
	[tilespmem:s6+$0xFFFFFFC0] =	vst v32  }
0x637: {  	v32 =	vperm.xlane v39, v2;
	v29 =	vmul.f32 v44, v29;
	v36 =	vld [tilespmem:s13+$0x60];
	[tilespmem:s6+$0x20] =	vst v31;
	v31 =	vadd.f32 v48, v40  }
0x638: {  	v40 =	vperm.xlane v41, v1;
	v43 =	vadd.f32 v43, v45;
	v44 =	vld [tilespmem:s8+$0xFFFFFF90];
	v45 =	vperm.xlane v30, v4  }
0x639: {  	v39 =	vadd.f32 v32, v39;
	v38 =	vmul.f32 v46, v38;
	v46 =	vld [tilespmem:s20+$0xFFFFFEF0];
	v31 =	vmul.f32 $1.442695020e+00, v31  }
0x63a: {  	v32 =	vadd.f32 v40, v41;
	v40 =	vperm.xlane v29, v1;
	v41 =	vperm.xlane v43, v3;
	v47 =	vld [tilespmem:s8+$0xFFFFFFE0]  }
0x63b: {  	v45 =	vadd.f32 v45, v30;
	v48 =	vperm.xlane v38, v1;
	v49 =	vld [tilespmem:s20+$0xFFFFFF90];
	(erf) = vpow2.f32 v31  }
0x63c: {  	v30 =	vperm.xlane v32, v2;
	v29 =	vadd.f32 v40, v29;
	v40 =	vadd.f32 v41, v43;
	v41 =	vld [tilespmem:s8+$0x30]  }
0x63d: {  	v50 =	vperm.xlane v39, v3;
	v38 =	vadd.f32 v48, v38;
	v43 =	vld [tilespmem:s20+$0x30];
	v48 =	vperm.xlane v25, v4  }
0x63e: {  	v51 =	vadd.f32 v30, v32;
	v30 =	vperm.xlane v29, v2;
	v52 =	vperm.xlane v40, v4;
	v32 =	vld [tilespmem:s20+$0xFFFFFF40]  }
0x63f: {  	v39 =	vadd.f32 v50, v39;
	v44 =	vmul.f32 v46, v44;
	v53 =	vperm.xlane v38, v2;
	v31 =	vld [tilespmem:s20+$0xFFFFFFE0]  }
0x640: {  	v46 =	vperm.xlane v51, v3;
	v29 =	vadd.f32 v30, v29;
	v40 =	vadd.f32 v52, v40;
	v50 =	vld [tilespmem:s20+$0x120]  }
0x641: {  	v52 =	vperm.xlane v44, v1;
	v47 =	vmul.f32 v49, v47;
	v38 =	vadd.f32 v53, v38;
	v30 =	vld [tilespmem:s20+$0x80]  }
0x642: {  	v46 =	vadd.f32 v46, v51;
	v49 =	vperm.xlane v29, v3;
	v40 =	vmul.f32 $1.442695020e+00, v40  }
0x643: {  	v44 =	vadd.f32 v52, v44;
	v41 =	vmul.f32 v43, v41;
	v51 =	vperm.xlane v38, v3  }
0x644: {  	v43 =	vperm.xlane v46, v4;
	v49 =	vadd.f32 v49, v29;
	(erf) = vpow2.f32 v40;
	v29 =	vpop (erf)  }
0x645: {  	v40 =	vperm.xlane v47, v1;
	v38 =	vadd.f32 v51, v38;
	v50 =	vmul.f32 v29, v50  }
0x646: {  	v51 =	vperm.xlane v41, v1;
	v43 =	vadd.f32 v43, v46;
	v46 =	vperm.xlane v49, v4  }
0x647: {  	v54 =	vperm.xlane v44, v2;
	v40 =	vadd.f32 v40, v47;
	v52 =	vperm.xlane v38, v4;
	v53 =	vld [tilespmem:s13+$0x100];
	[tilespmem:s6+$0x90] =	vst v50  }
0x648: {  	v41 =	vadd.f32 v51, v41;
	v43 =	vmul.f32 $1.442695020e+00, v43;
	v46 =	vadd.f32 v46, v49;
	v47 =	vld [tilespmem:s8+$0x90]  }
0x649: {  	v44 =	vadd.f32 v54, v44;
	v49 =	vperm.xlane v40, v2;
	v38 =	vadd.f32 v52, v38;
	v50 =	vld [tilespmem:s20+$0xE0]  }
0x64a: {  	v46 =	vmul.f32 $1.442695020e+00, v46;
	(erf) = vpow2.f32 v43;
	v43 =	vadd.f32 v48, v25  }
0x64b: {  	v40 =	vadd.f32 v49, v40;
	v48 =	vperm.xlane v41, v2;
	v38 =	vmul.f32 $1.442695020e+00, v38  }
0x64c: {  	v25 =	vsel vm2, v20, v42;
	(erf) = vpow2.f32 v46;
	v46 =	vperm.xlane v44, v3  }
0x64d: {  	v41 =	vadd.f32 v48, v41;
	(erf) = vpow2.f32 v38;
	v20 =	vpop (erf);
	v38 =	vperm.xlane v40, v3  }
0x64e: {  	v42 =	vmul.f32 v20, v53;
	v44 =	vadd.f32 v46, v44;
	v46 =	vmul.f32 v50, v47  }
0x64f: {  	v47 =	vperm.xlane v39, v4;
	v38 =	vadd.f32 v38, v40;
	v40 =	vperm.xlane v41, v3  }
0x650: {  	v26 =	vsel vm1, v26, v20;
	[tilespmem:s11+$0x70] =	vst v42;
	v20 =	vperm.xlane v44, v4;
	v42 =	vperm.xlane v46, v1  }
0x651: {  	v47 =	vadd.f32 v47, v39;
	v48 =	vld [tilespmem:s14+$0x70];
	v49 =	vperm.xlane v38, v4;
	v40 =	vadd.f32 v40, v41  }
0x652: {  	v39 =	vmul.f32 $1.442695020e+00, v45;
	v50 =	vld [tilespmem:s13+$0xC0];
	v20 =	vadd.f32 v20, v44;
	v42 =	vadd.f32 v42, v46  }
0x653: {  	v41 =	vpop (erf);
	v44 =	vadd.f32 v49, v38;
	v45 =	vperm.xlane v40, v4;
	v38 =	vmul.f32 $1.442695020e+00, v43  }
0x654: {  	v43 =	vmul.f32 v41, v24;
	v24 =	vsel vm1, v34, v41;
	v34 =	vperm.xlane v42, v2  }
.Ltmp4:
0x655: {  	v49 =	vmul.f32 $1.442695020e+00, v20;
	v46 =	vpop (erf);
	v41 =	vmul.f32 $1.442695020e+00, v44;
	v45 =	vadd.f32 v45, v40;
	(pc) =	sbr.rel @p0 .LBB2_10-.Ltmp4, $4  }
0x656: {  	v40 =	vmul.f32 $1.442695020e+00, v47;
	[tilespmem:s11+$0xFFFFFF50] =	vst v43;
	v37 =	vmul.f32 v46, v37;
	v51 =	vpop (erf);
	v43 =	vadd.f32 v34, v42  }
0x657: {  	v20 =	vsel vm1, v28, v46;
	v42 =	vld [tilespmem:s14+$0xFFFFFF80];
	v28 =	vmul.f32 v51, v36;
	v44 =	vmul.f32 v50, v48  }
0x658: {  	v36 =	vsel vm1, v33, v51;
	v33 =	vmul.f32 $1.442695020e+00, v45;
	v34 =	vld [tilespmem:s13+$0xFFFFFEE0];
	[tilespmem:s11+$0xFFFFFFB0] =	vst v37;
	v45 =	vperm.xlane v43, v3  }
0x659: {  	s14 =	sadd.s32 $0x140, s14;
	v37 =	vld [tilespmem:s10+$0xFFFFFFD0];
	[tilespmem:s11+$0x10] =	vst v28;
	v46 =	vperm.xlane v44, v1;
	v28 =	vsel vm2, v13, v35;
	(erf) = vpow2.f32 v49;
	v13 =	vmovc v36  }
0x65a: {  	_ = 	snop  }
0x65b: {  	v53 =	vld [tilespmem:s9+$0xFFFFFF80];
	v35 =	vadd.f32 v46, v44  }
0x65c: {  	v54 =	vld [tilespmem:s10+$0x20]  }
0x65d: {  	v55 =	vld [tilespmem:s9+$0x20];
	v36 =	vperm.xlane v35, v2;
	v34 =	vmul.f32 v34, v42;
	_ =	sdelay $0x1  }
0x65e: {  	v35 =	vadd.f32 v36, v35;
	v42 =	vperm.xlane v34, v1  }
0x65f: {  	v37 =	vmul.f32 v53, v37  }
0x660: {  	(erf) = vpow2.f32 v41;
	v57 =	vperm.xlane v35, v3;
	v34 =	vadd.f32 v42, v34  }
0x661: {  	v56 =	vadd.f32 v45, v43;
	v58 =	vmul.f32 v55, v54;
	v59 =	vperm.xlane v37, v1  }
0x662: {  	(erf) = vpow2.f32 v33;
	v33 =	vadd.f32 v57, v35;
	v62 =	vperm.xlane v34, v2  }
0x663: {  	v43 =	vperm.xlane v56, v4;
	v63 =	vperm.xlane v58, v1;
	v36 =	vadd.f32 v59, v37  }
0x664: {  	(erf) = vpow2.f32 v39;
	v61 =	vperm.xlane v33, v4;
	v34 =	vadd.f32 v62, v34  }
0x665: {  	v60 =	vadd.f32 v43, v56;
	v35 =	vadd.f32 v63, v58;
	v44 =	vperm.xlane v36, v2  }
0x666: {  	(erf) = vpow2.f32 v38;
	v33 =	vadd.f32 v61, v33;
	v45 =	vperm.xlane v34, v3  }
0x667: {  	v43 =	vmul.f32 $1.442695020e+00, v60;
	v46 =	vperm.xlane v35, v2;
	v36 =	vadd.f32 v44, v36  }
0x668: {  	(erf) = vpow2.f32 v40;
	v33 =	vmul.f32 $1.442695020e+00, v33;
	v37 =	vadd.f32 v45, v34  }
0x669: {  	(erf) = vpow2.f32 v43;
	v48 =	vadd.f32 v46, v35;
	v47 =	vperm.xlane v36, v3  }
0x66a: {  	(erf) = vpow2.f32 v33;
	v49 =	vperm.xlane v37, v4  }
0x66b: {  	v50 =	vperm.xlane v48, v3;
	v36 =	vadd.f32 v47, v36  }
0x66c: {  	v35 =	vpop (erf);
	v37 =	vadd.f32 v49, v37  }
0x66d: {  	v34 =	vpop (erf);
	v38 =	vadd.f32 v50, v48;
	v52 =	vperm.xlane v36, v4  }
0x66e: {  	v33 =	vpop (erf);
	v53 =	vmul.f32 $1.442695020e+00, v37  }
0x66f: {  	v51 =	vld [tilespmem:s9+$0x110];
	v54 =	vperm.xlane v38, v4;
	v43 =	vpop (erf);
	v36 =	vadd.f32 v52, v36  }
0x670: {  	v42 =	vpop (erf);
	(erf) = vpow2.f32 v53  }
0x671: {  	v38 =	vadd.f32 v54, v38;
	v40 =	vpop (erf);
	v36 =	vmul.f32 $1.442695020e+00, v36  }
0x672: {  	v41 =	vpop (erf)  }
0x673: {  	v38 =	vmul.f32 $1.442695020e+00, v38;
	(erf) = vpow2.f32 v36;
	v37 =	vpop (erf)  }
0x674: {  	v55 =	vmul.f32 v37, v51  }
0x675: {  	v56 =	vld [tilespmem:s9+$0xFFFFFF30];
	(erf) = vpow2.f32 v38  }
0x676: {  	v59 =	vld [tilespmem:s9+$0xFFFFFFD0];
	[tilespmem:s11+$0x80] =	vst v55  }
0x677: {  	v57 =	vld [tilespmem:s10+$0x80]  }
0x678: {  	v58 =	vld [tilespmem:s9+$0xD0]  }
0x679: {  	v39 =	vpop (erf)  }
0x67a: {  	v60 =	vld [tilespmem:s9+$0x70];
	v36 =	vmul.f32 v39, v56;
	_ =	sdelay $0x1  }
0x67b: {  	v38 =	vpop (erf)  }
0x67c: {  	v44 =	vmul.f32 v58, v57;
	[tilespmem:s11+$0xFFFFFF60] =	vst v36;
	v45 =	vmul.f32 v38, v59  }
0x67d: {  	v48 =	vld [tilespmem:s10+$0xFFFFFF90];
	v36 =	vpop (erf)  }
0x67e: {  	v61 =	vld [tilespmem:s9+$0xFFFFFEF0];
	v47 =	vperm.xlane v44, v1;
	[tilespmem:s11+$0xFFFFFFC0] =	vst v45;
	v46 =	vmul.f32 v36, v60  }
0x67f: {  	v62 =	vld [tilespmem:s10+$0xFFFFFFE0]  }
0x680: {  	v63 =	vld [tilespmem:s9+$0xFFFFFF90];
	v44 =	vadd.f32 v47, v44;
	[tilespmem:s11+$0x20] =	vst v46  }
0x681: {  	v50 =	vld [tilespmem:s10+$0x30]  }
0x682: {  	v49 =	vperm.xlane v44, v2;
	v54 =	vld [tilespmem:s9+$0x30]  }
0x683: {  	v45 =	vmul.f32 v61, v48  }
0x684: {  	v44 =	vadd.f32 v49, v44  }
0x685: {  	v51 =	vperm.xlane v45, v1;
	v46 =	vmul.f32 v63, v62  }
0x686: {  	v55 =	vperm.xlane v44, v3  }
0x687: {  	v45 =	vadd.f32 v51, v45;
	v57 =	vperm.xlane v46, v1;
	v56 =	vmul.f32 v54, v50  }
0x688: {  	v44 =	vadd.f32 v55, v44  }
0x689: {  	v51 =	vperm.xlane v45, v2;
	v46 =	vadd.f32 v57, v46;
	v50 =	vperm.xlane v56, v1  }
0x68a: {  	v58 =	vperm.xlane v44, v4  }
0x68b: {  	v45 =	vadd.f32 v51, v45;
	v48 =	vperm.xlane v46, v2;
	v47 =	vadd.f32 v50, v56  }
0x68c: {  	v44 =	vadd.f32 v58, v44  }
0x68d: {  	v46 =	vadd.f32 v48, v46;
	v60 =	vperm.xlane v45, v3;
	v59 =	vperm.xlane v47, v2  }
0x68e: {  	v32 =	vmul.f32 v35, v32;
	v44 =	vmul.f32 $1.442695020e+00, v44  }
0x68f: {  	v61 =	vperm.xlane v46, v3;
	v45 =	vadd.f32 v60, v45;
	v47 =	vadd.f32 v59, v47  }
0x690: {  	(erf) = vpow2.f32 v44  }
0x691: {  	[tilespmem:s6+$0xFFFFFF70] =	vst v32;
	v44 =	vadd.f32 v61, v46;
	v63 =	vperm.xlane v45, v4;
	v62 =	vperm.xlane v47, v3  }
0x692: {  	v31 =	vmul.f32 v34, v31;
	v32 =	vld [tilespmem:s8+$0xFFFFFFA0]  }
0x693: {  	v54 =	vld [tilespmem:s20+$0xFFFFFF00];
	v56 =	vperm.xlane v44, v4;
	v45 =	vadd.f32 v63, v45;
	v46 =	vadd.f32 v62, v47  }
0x694: {  	[tilespmem:s6+$0xFFFFFFD0] =	vst v31  }
0x695: {  	v31 =	vld [tilespmem:s8+$0xFFFFFFF0];
	v44 =	vadd.f32 v56, v44;
	v45 =	vmul.f32 $1.442695020e+00, v45;
	v47 =	vperm.xlane v46, v4  }
0x696: {  	v30 =	vmul.f32 v33, v30;
	v55 =	vld [tilespmem:s9+$0x120]  }
0x697: {  	v57 =	vld [tilespmem:s20+$0xFFFFFFA0];
	v44 =	vmul.f32 $1.442695020e+00, v44;
	(erf) = vpow2.f32 v45;
	v46 =	vadd.f32 v47, v46  }
0x698: {  	v32 =	vmul.f32 v54, v32  }
0x699: {  	[tilespmem:s6+$0x30] =	vst v30;
	(erf) = vpow2.f32 v44;
	v46 =	vmul.f32 $1.442695020e+00, v46  }
0x69a: {  	v58 =	vld [tilespmem:s8+$0x40];
	v61 =	vperm.xlane v32, v1;
	v30 =	vpop (erf)  }
0x69b: {  	v60 =	vld [tilespmem:s20+$0x40];
	v59 =	vmul.f32 v30, v55;
	(erf) = vpow2.f32 v46  }
0x69c: {  	v31 =	vmul.f32 v57, v31;
	v32 =	vadd.f32 v61, v32;
	v62 =	vld [tilespmem:s9+$0xFFFFFF40]  }
0x69d: {  	v56 =	vld [tilespmem:s9+$0xFFFFFFE0];
	[tilespmem:s11+$0x90] =	vst v59  }
0x69e: {  	v54 =	vperm.xlane v31, v1;
	v55 =	vperm.xlane v32, v2;
	v47 =	vld [tilespmem:s10+$0x90]  }
0x69f: {  	v63 =	vld [tilespmem:s9+$0xE0]  }
0x6a0: {  	v57 =	vadd.f32 v54, v31;
	v32 =	vadd.f32 v55, v32;
	v59 =	vld [tilespmem:s9+$0x80];
	v44 =	vpop (erf)  }
0x6a1: {  	v45 =	vmul.f32 v60, v58;
	v60 =	vmul.f32 v44, v62  }
0x6a2: {  	v61 =	vperm.xlane v57, v2;
	v52 =	vperm.xlane v32, v3;
	v31 =	vpop (erf)  }
0x6a3: {  	v58 =	vperm.xlane v45, v1;
	v49 =	vmul.f32 v31, v56;
	[tilespmem:s11+$0xFFFFFF70] =	vst v60  }
0x6a4: {  	v62 =	vadd.f32 v61, v57;
	v46 =	vmul.f32 v63, v47;
	v63 =	vadd.f32 v52, v32;
	v52 =	vld [tilespmem:s10+$0xFFFFFFA0];
	v32 =	vpop (erf)  }
0x6a5: {  	v45 =	vadd.f32 v58, v45;
	[tilespmem:s11+$0xFFFFFFD0] =	vst v49;
	v49 =	vld [tilespmem:s9+$0xFFFFFF00];
	v48 =	vmul.f32 v32, v59  }
0x6a6: {  	v58 =	vperm.xlane v62, v3;
	v53 =	vperm.xlane v46, v1;
	v59 =	vld [tilespmem:s10+$0xFFFFFFF0]  }
0x6a7: {  	v57 =	vperm.xlane v45, v2;
	v60 =	vld [tilespmem:s9+$0xFFFFFFA0];
	[tilespmem:s11+$0x30] =	vst v48  }
0x6a8: {  	v47 =	vadd.f32 v58, v62;
	v46 =	vadd.f32 v53, v46;
	v62 =	vld [tilespmem:s10+$0x40]  }
0x6a9: {  	v12 =	vmul.f32 v12, v19;
	v17 =	vmul.f32 v11, v17;
	v45 =	vadd.f32 v57, v45;
	v56 =	vld [tilespmem:s9+$0x40]  }
0x6aa: {  	v54 =	vperm.xlane v63, v4;
	v55 =	vperm.xlane v46, v2  }
0x6ab: {  	v6 =	vsel vm4, v6, v11;
	v61 =	vperm.xlane v45, v3;
	v49 =	vmul.f32 v49, v52  }
0x6ac: {  	v50 =	vadd.f32 v54, v63;
	v57 =	vperm.xlane v47, v4;
	v63 =	vadd.f32 v55, v46  }
0x6ad: {  	v5 =	vsel vm4, v5, v9;
	v48 =	vmul.f32 v60, v59;
	v60 =	vperm.xlane v49, v1  }
0x6ae: {  	v45 =	vadd.f32 v61, v45;
	v58 =	vperm.xlane v63, v3;
	v46 =	vmul.f32 v56, v62  }
0x6af: {  	v50 =	vmul.f32 $1.442695020e+00, v50;
	v47 =	vadd.f32 v57, v47;
	v61 =	vperm.xlane v48, v1  }
0x6b0: {  	v49 =	vadd.f32 v60, v49;
	v19 =	vadd.f32 v58, v63;
	v63 =	vperm.xlane v46, v1  }
0x6b1: {  	v7 =	vsel vm4, v7, v10;
	(erf) = vpow2.f32 v50;
	v48 =	vadd.f32 v61, v48  }
0x6b2: {  	v47 =	vmul.f32 $1.442695020e+00, v47;
	v50 =	vperm.xlane v49, v2;
	v52 =	vadd.f32 v63, v46  }
0x6b3: {  	[tilespmem:s0+$0xB0] =	vst v7;
	v7 =	vsel vm4, v8, v43;
	v59 =	vperm.xlane v45, v4;
	v53 =	vperm.xlane v48, v2  }
0x6b4: {  	(erf) = vpow2.f32 v47;
	v47 =	vadd.f32 v50, v49;
	v57 =	vperm.xlane v52, v2  }
0x6b5: {  	[tilespmem:s0+$0xFFFFFF90] =	vst v7;
	v7 =	vmul.f32 v42, v22;
	v45 =	vadd.f32 v59, v45;
	v56 =	vadd.f32 v53, v48  }
0x6b6: {  	[tilespmem:s1+$0xFFFFFFF0] =	vst v6;
	v54 =	vld [tilespmem:s20+$0x130];
	v62 =	vperm.xlane v19, v4;
	v58 =	vperm.xlane v47, v3;
	v6 =	vadd.f32 v57, v52  }
0x6b7: {  	v14 =	vsel vm3, v14, v29;
	v45 =	vmul.f32 $1.442695020e+00, v45;
	v59 =	vperm.xlane v56, v3  }
0x6b8: {  	[tilespmem:s1+$0x50] =	vst v5;
	v19 =	vadd.f32 v62, v19;
	v60 =	vadd.f32 v58, v47;
	v62 =	vperm.xlane v6, v3  }
0x6b9: {  	[tilespmem:s0+$0xFFFFFFE0] =	vst v7;
	v7 =	vsel vm4, v15, v42;
	(erf) = vpow2.f32 v45;
	v61 =	vadd.f32 v59, v56  }
0x6ba: {  	[tilespmem:s1+$0xFFFFFF80] =	vst v12;
	v19 =	vmul.f32 $1.442695020e+00, v19;
	v63 =	vperm.xlane v60, v4;
	v6 =	vadd.f32 v62, v6  }
0x6bb: {  	[tilespmem:s1+$0xFFFFFFE0] =	vst v17;
	v14 =	vsel vm4, v14, v41;
	v5 =	vmul.f32 v41, v54;
	v17 =	vperm.xlane v61, v4  }
0x6bc: {  	[tilespmem:s0+$0xFFFFFFF0] =	vst v7;
	v48 =	vld [tilespmem:s20+$0xFFFFFF50];
	(erf) = vpow2.f32 v19;
	v8 =	vadd.f32 v63, v60;
	v47 =	vperm.xlane v6, v4  }
0x6bd: {  	v51 =	vld [tilespmem:s20+$0xFFFFFFF0];
	v55 =	vmul.f32 v9, v18;
	[tilespmem:s6+$0xA0] =	vst v5;
	v5 =	vmul.f32 v43, v23;
	v46 =	vadd.f32 v17, v61  }
0x6be: {  	[tilespmem:s6+$0xB0] =	vst v14;
	v8 =	vmul.f32 $1.442695020e+00, v8;
	v6 =	vadd.f32 v47, v6  }
0x6bf: {  	[tilespmem:s1+$0x40] =	vst v55;
	v49 =	vmul.f32 v40, v27;
	v53 =	vld [tilespmem:s20+$0x90];
	v9 =	vmul.f32 $1.442695020e+00, v46  }
0x6c0: {  	[tilespmem:s0+$0xFFFFFF80] =	vst v5;
	v45 =	vpop (erf);
	(erf) = vpow2.f32 v8;
	v6 =	vmul.f32 $1.442695020e+00, v6  }
0x6c1: {  	v43 =	vld [tilespmem:s9+$0x130];
	[tilespmem:s0+$0x40] =	vst v49;
	v5 =	vpop (erf);
	v52 =	vsel vm4, v16, v40;
	v55 =	vmul.f32 v45, v48;
	(erf) = vpow2.f32 v9  }
0x6c2: {  	[tilespmem:s0+$0x50] =	vst v52;
	v50 =	vpop (erf);
	(erf) = vpow2.f32 v6;
	v6 =	vmul.f32 v5, v51  }
0x6c3: {  	v54 =	vsel vm3, v21, v35;
	[tilespmem:s6+$0xFFFFFF80] =	vst v55  }
0x6c4: {  	v59 =	vsel vm2, v26, v37;
	v9 =	vsel vm4, v54, v45;
	[tilespmem:s6+$0xFFFFFFE0] =	vst v6;
	v6 =	vmul.f32 v50, v53  }
0x6c5: {  	v57 =	vld [tilespmem:s9+$0xFFFFFF50];
	v56 =	vsel vm3, v25, v34;
	v60 =	vsel vm3, v28, v33;
	v8 =	vsel vm3, v59, v30;
	v7 =	vpop (erf);
	[tilespmem:s6+$0xFFFFFF90] =	vst v9  }
0x6c6: {  	v58 =	vld [tilespmem:s9+$0xFFFFFFF0];
	v12 =	vmul.f32 v7, v43;
	v7 =	vsel vm4, v8, v7;
	[tilespmem:s6+$0x40] =	vst v6;
	v6 =	vsel vm4, v60, v50  }
0x6c7: {  	v5 =	vsel vm4, v56, v5;
	[tilespmem:s11+$0xB0] =	vst v7  }
0x6c8: {  	v61 =	vld [tilespmem:s9+$0x90];
	[tilespmem:s6+$0xFFFFFFF0] =	vst v5;
	v5 =	vsel vm2, v24, v39  }
0x6c9: {  	v5 =	vsel vm3, v5, v44;
	[tilespmem:s6+$0x50] =	vst v6;
	v6 =	vpop (erf)  }
0x6ca: {  	[tilespmem:s11+$0xA0] =	vst v12;
	v7 =	vpop (erf);
	v5 =	vsel vm4, v5, v6;
	v6 =	vmul.f32 v6, v57  }
0x6cb: {  	v62 =	vsel vm2, v20, v38;
	[tilespmem:s11+$0xFFFFFF90] =	vst v5;
	v5 =	vmul.f32 v7, v58  }
0x6cc: {  	v8 =	vsel vm3, v62, v31;
	v63 =	vpop (erf);
	[tilespmem:s11+$0xFFFFFF80] =	vst v6  }
0x6cd: {  	v6 =	vsel vm2, v13, v36;
	[tilespmem:s11+$0xFFFFFFE0] =	vst v5;
	v5 =	vsel vm4, v8, v7;
	v7 =	vmul.f32 v63, v61  }
0x6ce: {  	v6 =	vsel vm3, v6, v32;
	[tilespmem:s11+$0xFFFFFFF0] =	vst v5  }
0x6cf: {  	v5 =	vsel vm4, v6, v63;
	[tilespmem:s11+$0x40] =	vst v7  }
0x6d0: {  	s29 =	simm.s32 $0x4DD0;
	[tilespmem:s11+$0x50] =	vst v5  }
0x6d1: {  	[spmem:s2] =	stream.indirect.scatter.add.f32 [tilespmem:s18], [sflag:$0x3], $0x60, s29, s21, $0xb8;
	[tilespmem:$0x1EF20] =	vst v63  }
0x6d2: {  	s30 =	stileid.u32;
	_ =	swait.ge [sflag:s19], $0x1E00  }
0x6d3: {  	s31 =	sshrl.u32 s7, $0x3;
	s3 =	sadd.s32 $0x1, s3;
	[sflag:s19] =	ssyncset.done $0x0  }
0x6d4: {  	p0 =	sne.s32 s3, s16;
	s0 =	sshll.u32 s30, $0x6;
	[sflag:s19] =	ssyncadd.s32 $0xFFFFE200  }
.Ltmp5:
0x6d5: {  	s0 =	sor.u32 $0x1C03, s0;
	[bflag:$0x0] =	sbarrier.arrive $0xFFFF;
	(pc) =	sbr.rel @p0 .LBB2_1-.Ltmp5, $4  }
0x6d6: {  	[hbm:s17], [sflag:s0] =	dma.local [spmem:s31], $0x1DA0  }
0x6d7: {  	_ =	swait.ge [sflag:s19], $0x1DA0  }
0x6d8: {  	[sflag:s19] =	ssyncset.done $0x0  }
0x6d9: {  	[sflag:s19] =	ssyncadd.s32 $0xFFFFE260  }
0x6da: {  	_ =	sfence.sel $0x180000  }
0x6db: {  	[bflag:$0x0] =	sbarrier.arrive $0xFFFF  }
0x6dc: {  	_ =	strace $0x90000047  }
0x6dd: {  	s0 =	stileid.u32;
	[bflag:$0x2] =	sbarrier.arrive $0xFFFF  }
0x6de: {  	p0 =	sne.s32 s0, $0x0;
	s0 =	rddreg [dreg:$0x2]  }
0x6df: {  	s0 =	sadd.s32 @!p0 $0x100000, s0  }
0x6e0: {  	[sflag:s0] =	ssyncadd.tile.s32 @!p0 $0x1;
	_ =	shalt  }
.Lfunc_end2:
_tile_overlayer_lowered:
.L_overlay_start_2:
0x6e1: {  	(tag) =	ssettag $0x2  }
0x6e2: {  	s0 =	rddreg [dreg:$0x0];
	s2 =	stileid.u32  }
0x6e3: {  	s1 =	rddreg [dreg:$0x1];
	p0 =	sne.s32 s2, $0x0  }
0x6e4: {  	s3 =	rddreg [dreg:$0x2];
	[bflag:$0x3] =	sbarrier.arrive $0xFFFF;
	s2 =	simm.s32 @!p0 $0x1C03  }
0x6e5: {  	[timem:s3], [sflag:s2] =	dma.local @!p0 [hbm:s0], s1  }
0x6e6: {  	s0 =	simm.s32 @!p0 $0x3  }
0x6e7: {  	_ =	swait.ge @!p0 [sflag:s0], s1  }
0x6e8: {  	s1 =	ssub.s32 @!p0 $0x0, s1;
	[sflag:s0] =	ssyncset.done @!p0 $0x0  }
0x6e9: {  	[sflag:s0] =	ssyncadd.s32 @!p0 s1  }
0x6ea: {  	[bflag:$0x3] =	sbarrier.arrive $0xFFFF  }
0x6eb: {  	_ =	shalt  }

</sc_bundles>
